<compile_context>
chip_gen: v7x
topology: tpu7x:2x2x1
jax: 0.10.2.dev20260603
libtpu: 0.0.44.dev20260713+nightly
codegen_flags: <defaults>
</compile_context>

<pallas_src>
import jax
import jax.numpy as jnp
from jax import lax
from jax.experimental import pallas as pl
from jax.experimental.pallas import tpu as pltpu
from jax.experimental.pallas import tpu_sc as plsc

N = 10000
E = 320000
IN_C = 128
HID = 256

NC = 2
NS = 16
L = 16

NP = 10240
PADN = 10200
EPAD = 327680
G = EPAD // 128
GPT = G // (NC * NS)
BLK = 1024
GRID = NP // BLK

HH = HID // 2
CH = 256
EPC = EPAD // NS
NCH = EPC // CH
RPT = NP // NS
ZR = 32

def _sc_mesh():
    return plsc.VectorSubcoreMesh(
        core_axis_name="c", subcore_axis_name="s", num_cores=NC,
        num_subcores=NS)


def _mm1_body(x_ref, w_ref, as_ref, ad_ref,
              h_ref, s_ref, d_ref, sm_ref, dm_ref, mx_ref):
    i = pl.program_id(0)
    h = jnp.dot(x_ref[...], w_ref[...], preferred_element_type=jnp.float32)
    h_ref[0] = h[:, :HH].astype(jnp.bfloat16)
    h_ref[1] = h[:, HH:].astype(jnp.bfloat16)
    s = jnp.dot(h, as_ref[...], preferred_element_type=jnp.float32)
    d = jnp.dot(h, ad_ref[...], preferred_element_type=jnp.float32)
    s_ref[...] = s
    d_ref[...] = d
    sblk = jnp.max(s)
    dblk = jnp.max(d)

    @pl.when(i == 0)
    def _():
        mx_ref[0, 0] = sblk
        mx_ref[0, 1] = dblk

    @pl.when(i > 0)
    def _():
        mx_ref[0, 0] = jnp.maximum(mx_ref[0, 0], sblk)
        mx_ref[0, 1] = jnp.maximum(mx_ref[0, 1], dblk)

    @pl.when(i == GRID - 1)
    def _():
        sm_ref[...] = jnp.full((1, 1), mx_ref[0, 0], jnp.float32)
        dm_ref[...] = jnp.full((1, 1), mx_ref[0, 1], jnp.float32)


def _mm1(x, w1, a_src, a_dst):
    return pl.pallas_call(
        _mm1_body,
        grid=(GRID,),
        in_specs=[
            pl.BlockSpec((BLK, IN_C), lambda i: (i, 0)),
            pl.BlockSpec((IN_C, HID), lambda i: (0, 0)),
            pl.BlockSpec((HID, 1), lambda i: (0, 0)),
            pl.BlockSpec((HID, 1), lambda i: (0, 0)),
        ],
        out_specs=[
            pl.BlockSpec((2, BLK, HH), lambda i: (0, i, 0)),
            pl.BlockSpec((BLK, 1), lambda i: (i, 0)),
            pl.BlockSpec((BLK, 1), lambda i: (i, 0)),
            pl.BlockSpec((1, 1), lambda i: (0, 0)),
            pl.BlockSpec((1, 1), lambda i: (0, 0)),
        ],
        out_shape=[
            jax.ShapeDtypeStruct((2, NP, HH), jnp.bfloat16),
            jax.ShapeDtypeStruct((NP, 1), jnp.float32),
            jax.ShapeDtypeStruct((NP, 1), jnp.float32),
            jax.ShapeDtypeStruct((1, 1), jnp.float32),
            jax.ShapeDtypeStruct((1, 1), jnp.float32),
        ],
        scratch_shapes=[pltpu.SMEM((1, 2), jnp.float32)],
        compiler_params=pltpu.CompilerParams(
            dimension_semantics=("arbitrary",)),
    )(x, w1, a_src, a_dst)


def _mm2_body(o1_ref, b1_ref, w2_ref, as_ref, ad_ref,
              h_ref, s_ref, d_ref, sm_ref, dm_ref, mx_ref):
    i = pl.program_id(0)
    hr0 = jnp.maximum(o1_ref[0] + b1_ref[:, :HH], 0.0)
    hr1 = jnp.maximum(o1_ref[1] + b1_ref[:, HH:], 0.0)
    h = (jnp.dot(hr0, w2_ref[:HH, :], preferred_element_type=jnp.float32)
         + jnp.dot(hr1, w2_ref[HH:, :], preferred_element_type=jnp.float32))
    h_ref[...] = h
    s = jnp.dot(h, as_ref[...], preferred_element_type=jnp.float32)
    d = jnp.dot(h, ad_ref[...], preferred_element_type=jnp.float32)
    s_ref[...] = s
    d_ref[...] = d
    sblk = jnp.max(s)
    dblk = jnp.max(d)

    @pl.when(i == 0)
    def _():
        mx_ref[0, 0] = sblk
        mx_ref[0, 1] = dblk

    @pl.when(i > 0)
    def _():
        mx_ref[0, 0] = jnp.maximum(mx_ref[0, 0], sblk)
        mx_ref[0, 1] = jnp.maximum(mx_ref[0, 1], dblk)

    @pl.when(i == GRID - 1)
    def _():
        sm_ref[...] = jnp.full((1, 1), mx_ref[0, 0], jnp.float32)
        dm_ref[...] = jnp.full((1, 1), mx_ref[0, 1], jnp.float32)


def _mm2(o1, b1, w2, a_src, a_dst):
    return pl.pallas_call(
        _mm2_body,
        grid=(GRID,),
        in_specs=[
            pl.BlockSpec((2, BLK, HH), lambda i: (0, i, 0)),
            pl.BlockSpec((1, HID), lambda i: (0, 0)),
            pl.BlockSpec((HID, HID), lambda i: (0, 0)),
            pl.BlockSpec((HID, 1), lambda i: (0, 0)),
            pl.BlockSpec((HID, 1), lambda i: (0, 0)),
        ],
        out_specs=[
            pl.BlockSpec((BLK, HID), lambda i: (i, 0)),
            pl.BlockSpec((BLK, 1), lambda i: (i, 0)),
            pl.BlockSpec((BLK, 1), lambda i: (i, 0)),
            pl.BlockSpec((1, 1), lambda i: (0, 0)),
            pl.BlockSpec((1, 1), lambda i: (0, 0)),
        ],
        out_shape=[
            jax.ShapeDtypeStruct((NP, HID), jnp.float32),
            jax.ShapeDtypeStruct((NP, 1), jnp.float32),
            jax.ShapeDtypeStruct((NP, 1), jnp.float32),
            jax.ShapeDtypeStruct((1, 1), jnp.float32),
            jax.ShapeDtypeStruct((1, 1), jnp.float32),
        ],
        scratch_shapes=[pltpu.SMEM((1, 2), jnp.float32)],
        compiler_params=pltpu.CompilerParams(
            dimension_semantics=("arbitrary",)),
    )(o1, b1, w2, a_src, a_dst)


def _pool_body(w_ref, h_ref, b2_ref, o_ref, acc_ref):
    i = pl.program_id(0)
    ws = w_ref[0:1, :] + w_ref[1:2, :]
    p = jnp.dot(ws, h_ref[...], preferred_element_type=jnp.float32)

    @pl.when(i == 0)
    def _():
        acc_ref[...] = p

    @pl.when(i > 0)
    def _():
        acc_ref[...] = acc_ref[...] + p

    @pl.when(i == GRID - 1)
    def _():
        o_ref[...] = acc_ref[...] + jnp.float32(N) * b2_ref[...]


def _pool(w, h2, b2):
    return pl.pallas_call(
        _pool_body,
        grid=(GRID,),
        in_specs=[
            pl.BlockSpec((2, BLK), lambda i: (0, i)),
            pl.BlockSpec((BLK, HID), lambda i: (i, 0)),
            pl.BlockSpec((1, HID), lambda i: (0, 0)),
        ],
        out_specs=pl.BlockSpec((1, HID), lambda i: (0, 0)),
        out_shape=jax.ShapeDtypeStruct((1, HID), jnp.float32),
        scratch_shapes=[pltpu.VMEM((1, HID), jnp.float32)],
        compiler_params=pltpu.CompilerParams(
            dimension_semantics=("arbitrary",)),
    )(w, h2, b2)


def _dsum_body(a_ref, o_ref):
    o_ref[...] = a_ref[0] + a_ref[1]


def _dsum(den):
    return pl.pallas_call(
        _dsum_body,
        in_specs=[pl.BlockSpec((2, 8, NP // 8), lambda: (0, 0, 0))],
        out_specs=pl.BlockSpec((8, NP // 8), lambda: (0, 0)),
        out_shape=jax.ShapeDtypeStruct((8, NP // 8), jnp.float32),
    )(den.reshape(2, 8, NP // 8)).reshape(NP)


def _att_body(s_hbm, d_hbm, src_hbm, dst_hbm, m_hbm,
              ep_hbm, den_hbm,
              s_v, d_v, src_v, dst_v, ep_v, m_v, zline_v, den_sh):
    c = lax.axis_index("c")
    t = lax.axis_index("s")
    gb = (c * NS + t) * GPT
    pltpu.sync_copy(s_hbm, s_v)
    pltpu.sync_copy(d_hbm, d_v)
    pltpu.sync_copy(m_hbm, m_v)
    pltpu.sync_copy(src_hbm.at[pl.ds(gb, GPT)], src_v)
    pltpu.sync_copy(dst_hbm.at[pl.ds(gb, GPT)], dst_v)

    zv = jnp.zeros((L,), jnp.float32)
    for q in range(640 // L):
        zline_v[pl.ds(q * L, L)] = zv
    pltpu.sync_copy(zline_v, den_sh.at[pl.ds(t * 640, 640)])
    plsc.subcore_barrier()

    mvec = m_v[...]

    def group(g, carry):
        for q in range(128 // L):
            sl = pl.ds(q * L, L)
            srcv = src_v[g, sl]
            dstv = dst_v[g, sl]
            z = plsc.load_gather(s_v, [srcv]) + plsc.load_gather(d_v, [dstv])
            e = jnp.where(z >= 0.0, z, 0.2 * z) - mvec
            ep_v[g, sl] = jnp.exp(e)
        pltpu.sync_copy(ep_v.at[g], den_sh.at[dst_v.at[g]], add=True)
        return carry

    lax.fori_loop(0, GPT, group, 0)
    pltpu.sync_copy(ep_v, ep_hbm.at[pl.ds(gb, GPT)])
    plsc.subcore_barrier()

    @pl.when(t == 0)
    def _():
        pltpu.sync_copy(den_sh, den_hbm.at[c])


def _att(s, d, src2d, dst2d, m16):
    return pl.kernel(
        _att_body,
        out_type=[
            jax.ShapeDtypeStruct((G, 128), jnp.float32),
            jax.ShapeDtypeStruct((NC, NP), jnp.float32),
        ],
        mesh=_sc_mesh(),
        compiler_params=pltpu.CompilerParams(needs_layout_passes=False),
        scratch_types=[
            pltpu.VMEM((NP,), jnp.float32),
            pltpu.VMEM((NP,), jnp.float32),
            pltpu.VMEM((GPT, 128), jnp.int32),
            pltpu.VMEM((GPT, 128), jnp.int32),
            pltpu.VMEM((GPT, 128), jnp.float32),
            pltpu.VMEM((L,), jnp.float32),
            pltpu.VMEM((640,), jnp.float32),
            pltpu.VMEM_SHARED((NP,), jnp.float32),
        ],
    )(s, d, src2d, dst2d, m16)


NG2 = EPAD // NS // 128
ZR2 = 16


def _rows_body(h1a_hbm, h1b_hbm, ep_hbm, den_hbm, sd_hbm,
               o1a_hbm, o1b_hbm,
               den_v, sd_v, epg_v, dsc_v, al_v, rows16_v, out_v, zb_v,
               isem0, isem1, gsem0, gsem1, ssem0,
               acc_sh):
    c = lax.axis_index("c")
    t = lax.axis_index("s")
    isems = (isem0, isem1)
    gsems = (gsem0, gsem1)
    gbase = t * NG2

    def start_idx(g, b):
        pltpu.async_copy(sd_hbm.at[pl.ds(gbase + g, 1)],
                         sd_v.at[pl.ds(b, 1)], isems[b])
        pltpu.async_copy(ep_hbm.at[pl.ds(gbase + g, 1)],
                         epg_v.at[pl.ds(b, 1)], isems[b])

    def wait_idx(g, b):
        pltpu.make_async_copy(sd_hbm.at[pl.ds(gbase + g, 1)],
                              sd_v.at[pl.ds(b, 1)], isems[b]).wait()
        pltpu.make_async_copy(ep_hbm.at[pl.ds(gbase + g, 1)],
                              epg_v.at[pl.ds(b, 1)], isems[b]).wait()

    def start_gather(b):
        for h in range(2):
            idxref = sd_v.at[b].at[0].at[pl.ds(h * 64, 64)]
            dst = rows16_v.at[pl.ds(b * 128 + h * 64, 64)]

            @pl.when(c == 0)
            def _():
                pltpu.async_copy(h1a_hbm.at[idxref], dst, gsems[b])

            @pl.when(c == 1)
            def _():
                pltpu.async_copy(h1b_hbm.at[idxref], dst, gsems[b])

    def wait_gather(b):
        for h in range(2):
            pltpu.make_async_copy(
                h1a_hbm.at[sd_v.at[b].at[0].at[pl.ds(h * 64, 64)]],
                rows16_v.at[pl.ds(b * 128 + h * 64, 64)],
                gsems[b]).wait()

    def start_scatter():
        pltpu.async_copy(out_v, acc_sh.at[dsc_v.at[0]], ssem0, add=True)

    def wait_scatter():
        pltpu.make_async_copy(out_v, acc_sh.at[dsc_v.at[0]],
                              ssem0).wait()

    pltpu.sync_copy(den_hbm, den_v)

    zv = jnp.zeros((L,), jnp.float32)
    for j in range(ZR2):
        for f in range(HH // L):
            zb_v[j, pl.ds(f * L, L)] = zv

    def zcp(j, carry):
        pltpu.sync_copy(zb_v, acc_sh.at[pl.ds(t * RPT + j * ZR2, ZR2)])
        return carry

    lax.fori_loop(0, RPT // ZR2, zcp, 0)
    plsc.subcore_barrier()

    start_idx(0, 0)
    start_idx(1, 1)
    wait_idx(0, 0)
    start_gather(0)

    zero16 = jnp.zeros((L,), jnp.int32)

    iota16 = lax.iota(jnp.int32, L)
    evc = iota16 * 2
    odc = evc + 1
    mhi = jnp.full((L,), -65536, jnp.int32)

    def pair(gp, carry):
        for b in range(2):
            g = gp * 2 + b
            nb = 1 - b
            wait_gather(b)

            @pl.when(g + 1 < NG2)
            def _():
                wait_idx(g + 1, nb)
                start_gather(nb)

            @pl.when(g >= 1)
            def _():
                wait_scatter()

            for q in range(128 // L):
                sl = pl.ds(q * L, L)
                dstv = sd_v[b, 1, sl]
                den = plsc.load_gather(den_v, [dstv]) + 1e-16
                al_v[sl] = epg_v[b, sl] / den
                dsc_v[0, sl] = dstv

            @pl.when(g + 2 < NG2)
            def _():
                start_idx(g + 2, b)

            def scale(j, carry2):
                av = plsc.load_gather(al_v, [zero16 + j])
                jv = zero16 + j
                for f in range(HH // 32):
                    xi = rows16_v[b * 128 + j, pl.ds(f * 16, 16)]
                    lo = plsc.bitcast(xi << 16, jnp.float32)
                    hi = plsc.bitcast(xi & mhi, jnp.float32)
                    plsc.store_scatter(out_v, [jv, evc + f * 32], lo * av)
                    plsc.store_scatter(out_v, [jv, odc + f * 32], hi * av)
                return carry2

            lax.fori_loop(0, 128, scale, 0)
            start_scatter()
        return carry

    lax.fori_loop(0, NG2 // 2, pair, 0)
    wait_scatter()
    plsc.subcore_barrier()

    rsl = pl.ds(t * RPT, RPT)

    @pl.when(c == 0)
    def _():
        pltpu.sync_copy(acc_sh.at[rsl], o1a_hbm.at[rsl])

    @pl.when(c == 1)
    def _():
        pltpu.sync_copy(acc_sh.at[rsl], o1b_hbm.at[rsl])


def _rows(h1a, h1b, ep2d, den, sd):
    return pl.kernel(
        _rows_body,
        out_type=[
            jax.ShapeDtypeStruct((NP, HH), jnp.float32),
            jax.ShapeDtypeStruct((NP, HH), jnp.float32),
        ],
        mesh=_sc_mesh(),
        compiler_params=pltpu.CompilerParams(
            needs_layout_passes=False, use_tc_tiling_on_sc=False),
        scratch_types=[
            pltpu.VMEM((NP,), jnp.float32),
            pltpu.VMEM((2, 2, 128), jnp.int32),
            pltpu.VMEM((2, 128), jnp.float32),
            pltpu.VMEM((1, 128), jnp.int32),
            pltpu.VMEM((128,), jnp.float32),
            pltpu.VMEM((256, HH // 2), jnp.int32),
            pltpu.VMEM((128, HH), jnp.float32),
            pltpu.VMEM((ZR2, HH), jnp.float32),
            pltpu.SemaphoreType.DMA,
            pltpu.SemaphoreType.DMA,
            pltpu.SemaphoreType.DMA,
            pltpu.SemaphoreType.DMA,
            pltpu.SemaphoreType.DMA,
            pltpu.VMEM_SHARED((NP, HH), jnp.float32),
        ],
    )(h1a, h1b, ep2d, den, sd)


def _watt_body(ep_hbm, den_hbm, src_hbm, dst_hbm, w_hbm,
               src_v, dst_v, ep_v, al_v, den_v, zline_v, w_sh):
    c = lax.axis_index("c")
    t = lax.axis_index("s")
    gb = (c * NS + t) * GPT
    pltpu.sync_copy(src_hbm.at[pl.ds(gb, GPT)], src_v)
    pltpu.sync_copy(dst_hbm.at[pl.ds(gb, GPT)], dst_v)
    pltpu.sync_copy(ep_hbm.at[pl.ds(gb, GPT)], ep_v)
    pltpu.sync_copy(den_hbm, den_v)

    zv = jnp.zeros((L,), jnp.float32)
    for q in range(640 // L):
        zline_v[pl.ds(q * L, L)] = zv
    pltpu.sync_copy(zline_v, w_sh.at[pl.ds(t * 640, 640)])
    plsc.subcore_barrier()

    def group(g, carry):
        for q in range(128 // L):
            sl = pl.ds(q * L, L)
            dstv = dst_v[g, sl]
            den = plsc.load_gather(den_v, [dstv]) + 1e-16
            al_v[g, sl] = ep_v[g, sl] / den
        pltpu.sync_copy(al_v.at[g], w_sh.at[src_v.at[g]], add=True)
        return carry

    lax.fori_loop(0, GPT, group, 0)
    plsc.subcore_barrier()

    @pl.when(t == 0)
    def _():
        pltpu.sync_copy(zline_v.at[pl.ds(0, NP - N)], w_sh.at[pl.ds(N, NP - N)])
        pltpu.sync_copy(w_sh, w_hbm.at[c])


def _watt(ep2d, den, src2d, dst2d):
    return pl.kernel(
        _watt_body,
        out_type=jax.ShapeDtypeStruct((NC, NP), jnp.float32),
        mesh=_sc_mesh(),
        compiler_params=pltpu.CompilerParams(needs_layout_passes=False),
        scratch_types=[
            pltpu.VMEM((GPT, 128), jnp.int32),
            pltpu.VMEM((GPT, 128), jnp.int32),
            pltpu.VMEM((GPT, 128), jnp.float32),
            pltpu.VMEM((GPT, 128), jnp.float32),
            pltpu.VMEM((NP,), jnp.float32),
            pltpu.VMEM((640,), jnp.float32),
            pltpu.VMEM_SHARED((NP,), jnp.float32),
        ],
    )(ep2d, den, src2d, dst2d)


@jax.jit
def kernel(x, edge_index, W1, a_src1, a_dst1, b1, W2, a_src2, a_dst2, b2):
    xp = jnp.zeros((NP, IN_C), jnp.float32).at[:N, :].set(x)
    src = jnp.concatenate(
        [edge_index[0], jnp.full((EPAD - E,), PADN, jnp.int32)])
    dst = jnp.concatenate(
        [edge_index[1], jnp.full((EPAD - E,), PADN, jnp.int32)])
    src2d = src.reshape(G, 128)
    dst2d = dst.reshape(G, 128)
    sd = jnp.stack([src2d, dst2d], axis=1)

    h1s, s1, d1, sm1, dm1 = _mm1(
        xp, W1, a_src1.reshape(HID, 1), a_dst1.reshape(HID, 1))
    m1 = jnp.maximum(sm1[0, 0] + dm1[0, 0], 0.0)
    m16_1 = jnp.full((L,), m1, jnp.float32)

    ep1, den1 = _att(s1.reshape(NP), d1.reshape(NP), src2d, dst2d, m16_1)
    denc1 = _dsum(den1)

    h1p = lax.bitcast_convert_type(
        h1s.reshape(2, NP, HH // 2, 2), jnp.int32)
    o1a, o1b = _rows(h1p[0], h1p[1], ep1, denc1, sd)
    o1 = jnp.stack([o1a, o1b])

    h2, s2, d2, sm2, dm2 = _mm2(
        o1, b1.reshape(1, HID), W2,
        a_src2.reshape(HID, 1), a_dst2.reshape(HID, 1))
    m2 = jnp.maximum(sm2[0, 0] + dm2[0, 0], 0.0)
    m16_2 = jnp.full((L,), m2, jnp.float32)

    ep2, den2 = _att(s2.reshape(NP), d2.reshape(NP), src2d, dst2d, m16_2)
    denc2 = _dsum(den2)

    w = _watt(ep2, denc2, src2d, dst2d)

    return _pool(w, h2, b2.reshape(1, HID))

# --- scband reference (transcript-rebuilt; emitter-appended) ---
"""Pipeline reference for scband-graph-encoder-76888504533549 (READ-ONLY COPY).

The authoritative reference and input builder live on the scoring server;
editing this copy changes nothing except your own understanding.
"""

import jax, jax.numpy as jnp
import numpy as np

N = 10000
E = 320000
IN_C = 128
HID = 256


def setup_inputs(seed: int = 0) -> dict:
    key = jax.random.key(seed)
    ks = jax.random.split(key, 12)
    x = jax.random.normal(ks[0], (N, IN_C), dtype=jnp.float32)
    edge_index = jax.random.randint(ks[1], (2, E), 0, N, dtype=jnp.int32)
    W1 = jax.random.normal(ks[2], (IN_C, HID), dtype=jnp.float32) * (1.0 / np.sqrt(IN_C))
    a_src1 = jax.random.normal(ks[3], (HID,), dtype=jnp.float32) * (1.0 / np.sqrt(HID))
    a_dst1 = jax.random.normal(ks[4], (HID,), dtype=jnp.float32) * (1.0 / np.sqrt(HID))
    b1 = jnp.zeros((HID,), dtype=jnp.float32)
    W2 = jax.random.normal(ks[5], (HID, HID), dtype=jnp.float32) * (1.0 / np.sqrt(HID))
    a_src2 = jax.random.normal(ks[6], (HID,), dtype=jnp.float32) * (1.0 / np.sqrt(HID))
    a_dst2 = jax.random.normal(ks[7], (HID,), dtype=jnp.float32) * (1.0 / np.sqrt(HID))
    b2 = jnp.zeros((HID,), dtype=jnp.float32)
    return {"x": x, "edge_index": edge_index, "W1": W1, "a_src1": a_src1, "a_dst1": a_dst1, "b1": b1, "W2": W2, "a_src2": a_src2, "a_dst2": a_dst2, "b2": b2}


def _gat_conv(x, edge_index, W, a_src, a_dst, b, n_nodes):
    # PyG-style GATConv, heads=1: h = x @ W; alpha_e = softmax_dst(leaky_relu(a_src.h_src + a_dst.h_dst))
    h = x @ W
    src = edge_index[0]
    dst = edge_index[1]
    s = h @ a_src
    d = h @ a_dst
    e = jax.nn.leaky_relu(s[src] + d[dst], negative_slope=0.2)
    m = jax.ops.segment_max(e, dst, num_segments=n_nodes)
    m = jnp.where(jnp.isfinite(m), m, 0.0)
    e = jnp.exp(e - m[dst])
    denom = jax.ops.segment_sum(e, dst, num_segments=n_nodes)
    alpha = e / (denom[dst] + 1e-16)
    out = jax.ops.segment_sum(h[src] * alpha[:, None], dst, num_segments=n_nodes)
    return out + b


def reference(x, edge_index, W1, a_src1, a_dst1, b1, W2, a_src2, a_dst2, b2):
    n_nodes = x.shape[0]
    h = _gat_conv(x, edge_index, W1, a_src1, a_dst1, b1, n_nodes)
    h = jax.nn.relu(h)
    h = _gat_conv(h, edge_index, W2, a_src2, a_dst2, b2, n_nodes)
    # global_add_pool with batch = zeros -> sum over all nodes, shape [1, HID]
    out = jnp.sum(h, axis=0, keepdims=True)
    return out

if __name__ == "__main__":
    import jax
    _d = setup_inputs()
    print(jax.jit(kernel)(*tuple(_d.values())))

</pallas_src>

<mosaic_0001>
#map = affine_map<(d0, d1) -> (0, 0)>
#map1 = affine_map<(d0, d1) -> (0)>
module attributes {stable_mosaic.version = 14 : i64} {
  func.func @_watt_body(%arg0: i32, %arg1: i32, %arg2: memref<2560x128xf32, #tpu.memory_space<hbm>>, %arg3: memref<10240xf32, #tpu.memory_space<hbm>>, %arg4: memref<2560x128xi32, #tpu.memory_space<hbm>>, %arg5: memref<2560x128xi32, #tpu.memory_space<hbm>>, %arg6: memref<2x10240xf32, #tpu.memory_space<hbm>>, %arg7: memref<80x128xi32, #tpu.memory_space<vmem>>, %arg8: memref<80x128xi32, #tpu.memory_space<vmem>>, %arg9: memref<80x128xf32, #tpu.memory_space<vmem>>, %arg10: memref<80x128xf32, #tpu.memory_space<vmem>>, %arg11: memref<10240xf32, #tpu.memory_space<vmem>>, %arg12: memref<640xf32, #tpu.memory_space<vmem>>, %arg13: memref<10240xf32, #tpu.memory_space<vmem_shared>>) attributes {dimension_semantics = [#tpu.dimension_semantics<core_parallel>, #tpu.dimension_semantics<subcore_parallel>], iteration_bounds = array<i64: 2, 16>, scalar_prefetch = 0 : i64, scratch_operands = 7 : i64, tpu.core_type = #tpu.core_type<sc_vector_subcore>, window_params = [{transform_indices = #map}, {transform_indices = #map1}, {transform_indices = #map}, {transform_indices = #map}, {transform_indices = #map}]} {
    %mul3A = arith.constant 16 : i32
    %mul3A_0 = arith.muli %arg0, %mul3A : i32
    %add3A = arith.addi %mul3A_0, %arg1 : i32
    %mul3A_1 = arith.constant 80 : i32
    %mul3A_2 = arith.muli %add3A, %mul3A_1 : i32
    "tpu.region"() ({
      %run_scoped3A = tpu.sem_alloc : memref<!tpu.dma_semaphore, #tpu.memory_space<semaphore_mem>>
      %dma_start3A = arith.constant 0 : i32
      %dma_start3A_93 = tpu.memref_slice %arg4[%mul3A_2, %dma_start3A] : memref<2560x128xi32, #tpu.memory_space<hbm>> -> memref<80x128xi32, #tpu.memory_space<hbm>>
      %dma_start3A_94 = arith.constant 0 : i32
      %dma_start3A_95 = tpu.memref_slice %arg4[%mul3A_2, %dma_start3A_94] : memref<2560x128xi32, #tpu.memory_space<hbm>> -> memref<80x128xi32, #tpu.memory_space<hbm>>
      tpu.enqueue_dma source(%dma_start3A_95 : memref<80x128xi32, #tpu.memory_space<hbm>>) target(%arg7 : memref<80x128xi32, #tpu.memory_space<vmem>>) target_semaphore(%run_scoped3A : memref<!tpu.dma_semaphore, #tpu.memory_space<semaphore_mem>>)
      %dma_wait3A = arith.constant 0 : i32
      %dma_wait3A_96 = tpu.memref_slice %arg4[%mul3A_2, %dma_wait3A] : memref<2560x128xi32, #tpu.memory_space<hbm>> -> memref<80x128xi32, #tpu.memory_space<hbm>>
      %dma_wait3A_97 = arith.constant 0 : i32
      %dma_wait3A_98 = tpu.memref_slice %arg4[%mul3A_2, %dma_wait3A_97] : memref<2560x128xi32, #tpu.memory_space<hbm>> -> memref<80x128xi32, #tpu.memory_space<hbm>>
      tpu.wait_dma2 semaphore(%run_scoped3A : memref<!tpu.dma_semaphore, #tpu.memory_space<semaphore_mem>>) src(%dma_wait3A_98 : memref<80x128xi32, #tpu.memory_space<hbm>>) dst(%arg7 : memref<80x128xi32, #tpu.memory_space<vmem>>)
      tpu.yield
    }) : () -> ()
    "tpu.region"() ({
      %run_scoped3A = tpu.sem_alloc : memref<!tpu.dma_semaphore, #tpu.memory_space<semaphore_mem>>
      %dma_start3A = arith.constant 0 : i32
      %dma_start3A_93 = tpu.memref_slice %arg5[%mul3A_2, %dma_start3A] : memref<2560x128xi32, #tpu.memory_space<hbm>> -> memref<80x128xi32, #tpu.memory_space<hbm>>
      %dma_start3A_94 = arith.constant 0 : i32
      %dma_start3A_95 = tpu.memref_slice %arg5[%mul3A_2, %dma_start3A_94] : memref<2560x128xi32, #tpu.memory_space<hbm>> -> memref<80x128xi32, #tpu.memory_space<hbm>>
      tpu.enqueue_dma source(%dma_start3A_95 : memref<80x128xi32, #tpu.memory_space<hbm>>) target(%arg8 : memref<80x128xi32, #tpu.memory_space<vmem>>) target_semaphore(%run_scoped3A : memref<!tpu.dma_semaphore, #tpu.memory_space<semaphore_mem>>)
      %dma_wait3A = arith.constant 0 : i32
      %dma_wait3A_96 = tpu.memref_slice %arg5[%mul3A_2, %dma_wait3A] : memref<2560x128xi32, #tpu.memory_space<hbm>> -> memref<80x128xi32, #tpu.memory_space<hbm>>
      %dma_wait3A_97 = arith.constant 0 : i32
      %dma_wait3A_98 = tpu.memref_slice %arg5[%mul3A_2, %dma_wait3A_97] : memref<2560x128xi32, #tpu.memory_space<hbm>> -> memref<80x128xi32, #tpu.memory_space<hbm>>
      tpu.wait_dma2 semaphore(%run_scoped3A : memref<!tpu.dma_semaphore, #tpu.memory_space<semaphore_mem>>) src(%dma_wait3A_98 : memref<80x128xi32, #tpu.memory_space<hbm>>) dst(%arg8 : memref<80x128xi32, #tpu.memory_space<vmem>>)
      tpu.yield
    }) : () -> ()
    "tpu.region"() ({
      %run_scoped3A = tpu.sem_alloc : memref<!tpu.dma_semaphore, #tpu.memory_space<semaphore_mem>>
      %dma_start3A = arith.constant 0 : i32
      %dma_start3A_93 = tpu.memref_slice %arg2[%mul3A_2, %dma_start3A] : memref<2560x128xf32, #tpu.memory_space<hbm>> -> memref<80x128xf32, #tpu.memory_space<hbm>>
      %dma_start3A_94 = arith.constant 0 : i32
      %dma_start3A_95 = tpu.memref_slice %arg2[%mul3A_2, %dma_start3A_94] : memref<2560x128xf32, #tpu.memory_space<hbm>> -> memref<80x128xf32, #tpu.memory_space<hbm>>
      tpu.enqueue_dma source(%dma_start3A_95 : memref<80x128xf32, #tpu.memory_space<hbm>>) target(%arg9 : memref<80x128xf32, #tpu.memory_space<vmem>>) target_semaphore(%run_scoped3A : memref<!tpu.dma_semaphore, #tpu.memory_space<semaphore_mem>>)
      %dma_wait3A = arith.constant 0 : i32
      %dma_wait3A_96 = tpu.memref_slice %arg2[%mul3A_2, %dma_wait3A] : memref<2560x128xf32, #tpu.memory_space<hbm>> -> memref<80x128xf32, #tpu.memory_space<hbm>>
      %dma_wait3A_97 = arith.constant 0 : i32
      %dma_wait3A_98 = tpu.memref_slice %arg2[%mul3A_2, %dma_wait3A_97] : memref<2560x128xf32, #tpu.memory_space<hbm>> -> memref<80x128xf32, #tpu.memory_space<hbm>>
      tpu.wait_dma2 semaphore(%run_scoped3A : memref<!tpu.dma_semaphore, #tpu.memory_space<semaphore_mem>>) src(%dma_wait3A_98 : memref<80x128xf32, #tpu.memory_space<hbm>>) dst(%arg9 : memref<80x128xf32, #tpu.memory_space<vmem>>)
      tpu.yield
    }) : () -> ()
    "tpu.region"() ({
      %run_scoped3A = tpu.sem_alloc : memref<!tpu.dma_semaphore, #tpu.memory_space<semaphore_mem>>
      tpu.enqueue_dma source(%arg3 : memref<10240xf32, #tpu.memory_space<hbm>>) target(%arg11 : memref<10240xf32, #tpu.memory_space<vmem>>) target_semaphore(%run_scoped3A : memref<!tpu.dma_semaphore, #tpu.memory_space<semaphore_mem>>)
      tpu.wait_dma2 semaphore(%run_scoped3A : memref<!tpu.dma_semaphore, #tpu.memory_space<semaphore_mem>>) src(%arg3 : memref<10240xf32, #tpu.memory_space<hbm>>) dst(%arg11 : memref<10240xf32, #tpu.memory_space<vmem>>)
      tpu.yield
    }) : () -> ()
    %broadcast_in_dim3A = arith.constant 0.000000e+00 : f32
    %broadcast_in_dim3A_3 = vector.broadcast %broadcast_in_dim3A : f32 to vector<16xf32>
    %swap3A = arith.constant 0 : index
    %swap3A_4 = tpu.vector_load %arg12[%swap3A] {strides = array<i32>} : memref<640xf32, #tpu.memory_space<vmem>>, vector<16xf32>,
    tpu.vector_store %arg12[%swap3A], %broadcast_in_dim3A_3 {strides = array<i32>} : memref<640xf32, #tpu.memory_space<vmem>>, vector<16xf32>,
    %swap3A_5 = arith.constant 16 : index
    %swap3A_6 = tpu.vector_load %arg12[%swap3A_5] {strides = array<i32>} : memref<640xf32, #tpu.memory_space<vmem>>, vector<16xf32>,
    tpu.vector_store %arg12[%swap3A_5], %broadcast_in_dim3A_3 {strides = array<i32>} : memref<640xf32, #tpu.memory_space<vmem>>, vector<16xf32>,
    %swap3A_7 = arith.constant 32 : index
    %swap3A_8 = tpu.vector_load %arg12[%swap3A_7] {strides = array<i32>} : memref<640xf32, #tpu.memory_space<vmem>>, vector<16xf32>,
    tpu.vector_store %arg12[%swap3A_7], %broadcast_in_dim3A_3 {strides = array<i32>} : memref<640xf32, #tpu.memory_space<vmem>>, vector<16xf32>,
    %swap3A_9 = arith.constant 48 : index
    %swap3A_10 = tpu.vector_load %arg12[%swap3A_9] {strides = array<i32>} : memref<640xf32, #tpu.memory_space<vmem>>, vector<16xf32>,
    tpu.vector_store %arg12[%swap3A_9], %broadcast_in_dim3A_3 {strides = array<i32>} : memref<640xf32, #tpu.memory_space<vmem>>, vector<16xf32>,
    %swap3A_11 = arith.constant 64 : index
    %swap3A_12 = tpu.vector_load %arg12[%swap3A_11] {strides = array<i32>} : memref<640xf32, #tpu.memory_space<vmem>>, vector<16xf32>,
    tpu.vector_store %arg12[%swap3A_11], %broadcast_in_dim3A_3 {strides = array<i32>} : memref<640xf32, #tpu.memory_space<vmem>>, vector<16xf32>,
    %swap3A_13 = arith.constant 80 : index
    %swap3A_14 = tpu.vector_load %arg12[%swap3A_13] {strides = array<i32>} : memref<640xf32, #tpu.memory_space<vmem>>, vector<16xf32>,
    tpu.vector_store %arg12[%swap3A_13], %broadcast_in_dim3A_3 {strides = array<i32>} : memref<640xf32, #tpu.memory_space<vmem>>, vector<16xf32>,
    %swap3A_15 = arith.constant 96 : index
    %swap3A_16 = tpu.vector_load %arg12[%swap3A_15] {strides = array<i32>} : memref<640xf32, #tpu.memory_space<vmem>>, vector<16xf32>,
    tpu.vector_store %arg12[%swap3A_15], %broadcast_in_dim3A_3 {strides = array<i32>} : memref<640xf32, #tpu.memory_space<vmem>>, vector<16xf32>,
    %swap3A_17 = arith.constant 112 : index
    %swap3A_18 = tpu.vector_load %arg12[%swap3A_17] {strides = array<i32>} : memref<640xf32, #tpu.memory_space<vmem>>, vector<16xf32>,
    tpu.vector_store %arg12[%swap3A_17], %broadcast_in_dim3A_3 {strides = array<i32>} : memref<640xf32, #tpu.memory_space<vmem>>, vector<16xf32>,
    %swap3A_19 = arith.constant 128 : index
    %swap3A_20 = tpu.vector_load %arg12[%swap3A_19] {strides = array<i32>} : memref<640xf32, #tpu.memory_space<vmem>>, vector<16xf32>,
    tpu.vector_store %arg12[%swap3A_19], %broadcast_in_dim3A_3 {strides = array<i32>} : memref<640xf32, #tpu.memory_space<vmem>>, vector<16xf32>,
    %swap3A_21 = arith.constant 144 : index
    %swap3A_22 = tpu.vector_load %arg12[%swap3A_21] {strides = array<i32>} : memref<640xf32, #tpu.memory_space<vmem>>, vector<16xf32>,
    tpu.vector_store %arg12[%swap3A_21], %broadcast_in_dim3A_3 {strides = array<i32>} : memref<640xf32, #tpu.memory_space<vmem>>, vector<16xf32>,
    %swap3A_23 = arith.constant 160 : index
    %swap3A_24 = tpu.vector_load %arg12[%swap3A_23] {strides = array<i32>} : memref<640xf32, #tpu.memory_space<vmem>>, vector<16xf32>,
    tpu.vector_store %arg12[%swap3A_23], %broadcast_in_dim3A_3 {strides = array<i32>} : memref<640xf32, #tpu.memory_space<vmem>>, vector<16xf32>,
    %swap3A_25 = arith.constant 176 : index
    %swap3A_26 = tpu.vector_load %arg12[%swap3A_25] {strides = array<i32>} : memref<640xf32, #tpu.memory_space<vmem>>, vector<16xf32>,
    tpu.vector_store %arg12[%swap3A_25], %broadcast_in_dim3A_3 {strides = array<i32>} : memref<640xf32, #tpu.memory_space<vmem>>, vector<16xf32>,
    %swap3A_27 = arith.constant 192 : index
    %swap3A_28 = tpu.vector_load %arg12[%swap3A_27] {strides = array<i32>} : memref<640xf32, #tpu.memory_space<vmem>>, vector<16xf32>,
    tpu.vector_store %arg12[%swap3A_27], %broadcast_in_dim3A_3 {strides = array<i32>} : memref<640xf32, #tpu.memory_space<vmem>>, vector<16xf32>,
    %swap3A_29 = arith.constant 208 : index
    %swap3A_30 = tpu.vector_load %arg12[%swap3A_29] {strides = array<i32>} : memref<640xf32, #tpu.memory_space<vmem>>, vector<16xf32>,
    tpu.vector_store %arg12[%swap3A_29], %broadcast_in_dim3A_3 {strides = array<i32>} : memref<640xf32, #tpu.memory_space<vmem>>, vector<16xf32>,
    %swap3A_31 = arith.constant 224 : index
    %swap3A_32 = tpu.vector_load %arg12[%swap3A_31] {strides = array<i32>} : memref<640xf32, #tpu.memory_space<vmem>>, vector<16xf32>,
    tpu.vector_store %arg12[%swap3A_31], %broadcast_in_dim3A_3 {strides = array<i32>} : memref<640xf32, #tpu.memory_space<vmem>>, vector<16xf32>,
    %swap3A_33 = arith.constant 240 : index
    %swap3A_34 = tpu.vector_load %arg12[%swap3A_33] {strides = array<i32>} : memref<640xf32, #tpu.memory_space<vmem>>, vector<16xf32>,
    tpu.vector_store %arg12[%swap3A_33], %broadcast_in_dim3A_3 {strides = array<i32>} : memref<640xf32, #tpu.memory_space<vmem>>, vector<16xf32>,
    %swap3A_35 = arith.constant 256 : index
    %swap3A_36 = tpu.vector_load %arg12[%swap3A_35] {strides = array<i32>} : memref<640xf32, #tpu.memory_space<vmem>>, vector<16xf32>,
    tpu.vector_store %arg12[%swap3A_35], %broadcast_in_dim3A_3 {strides = array<i32>} : memref<640xf32, #tpu.memory_space<vmem>>, vector<16xf32>,
    %swap3A_37 = arith.constant 272 : index
    %swap3A_38 = tpu.vector_load %arg12[%swap3A_37] {strides = array<i32>} : memref<640xf32, #tpu.memory_space<vmem>>, vector<16xf32>,
    tpu.vector_store %arg12[%swap3A_37], %broadcast_in_dim3A_3 {strides = array<i32>} : memref<640xf32, #tpu.memory_space<vmem>>, vector<16xf32>,
    %swap3A_39 = arith.constant 288 : index
    %swap3A_40 = tpu.vector_load %arg12[%swap3A_39] {strides = array<i32>} : memref<640xf32, #tpu.memory_space<vmem>>, vector<16xf32>,
    tpu.vector_store %arg12[%swap3A_39], %broadcast_in_dim3A_3 {strides = array<i32>} : memref<640xf32, #tpu.memory_space<vmem>>, vector<16xf32>,
    %swap3A_41 = arith.constant 304 : index
    %swap3A_42 = tpu.vector_load %arg12[%swap3A_41] {strides = array<i32>} : memref<640xf32, #tpu.memory_space<vmem>>, vector<16xf32>,
    tpu.vector_store %arg12[%swap3A_41], %broadcast_in_dim3A_3 {strides = array<i32>} : memref<640xf32, #tpu.memory_space<vmem>>, vector<16xf32>,
    %swap3A_43 = arith.constant 320 : index
    %swap3A_44 = tpu.vector_load %arg12[%swap3A_43] {strides = array<i32>} : memref<640xf32, #tpu.memory_space<vmem>>, vector<16xf32>,
    tpu.vector_store %arg12[%swap3A_43], %broadcast_in_dim3A_3 {strides = array<i32>} : memref<640xf32, #tpu.memory_space<vmem>>, vector<16xf32>,
    %swap3A_45 = arith.constant 336 : index
    %swap3A_46 = tpu.vector_load %arg12[%swap3A_45] {strides = array<i32>} : memref<640xf32, #tpu.memory_space<vmem>>, vector<16xf32>,
    tpu.vector_store %arg12[%swap3A_45], %broadcast_in_dim3A_3 {strides = array<i32>} : memref<640xf32, #tpu.memory_space<vmem>>, vector<16xf32>,
    %swap3A_47 = arith.constant 352 : index
    %swap3A_48 = tpu.vector_load %arg12[%swap3A_47] {strides = array<i32>} : memref<640xf32, #tpu.memory_space<vmem>>, vector<16xf32>,
    tpu.vector_store %arg12[%swap3A_47], %broadcast_in_dim3A_3 {strides = array<i32>} : memref<640xf32, #tpu.memory_space<vmem>>, vector<16xf32>,
    %swap3A_49 = arith.constant 368 : index
    %swap3A_50 = tpu.vector_load %arg12[%swap3A_49] {strides = array<i32>} : memref<640xf32, #tpu.memory_space<vmem>>, vector<16xf32>,
    tpu.vector_store %arg12[%swap3A_49], %broadcast_in_dim3A_3 {strides = array<i32>} : memref<640xf32, #tpu.memory_space<vmem>>, vector<16xf32>,
    %swap3A_51 = arith.constant 384 : index
    %swap3A_52 = tpu.vector_load %arg12[%swap3A_51] {strides = array<i32>} : memref<640xf32, #tpu.memory_space<vmem>>, vector<16xf32>,
    tpu.vector_store %arg12[%swap3A_51], %broadcast_in_dim3A_3 {strides = array<i32>} : memref<640xf32, #tpu.memory_space<vmem>>, vector<16xf32>,
    %swap3A_53 = arith.constant 400 : index
    %swap3A_54 = tpu.vector_load %arg12[%swap3A_53] {strides = array<i32>} : memref<640xf32, #tpu.memory_space<vmem>>, vector<16xf32>,
    tpu.vector_store %arg12[%swap3A_53], %broadcast_in_dim3A_3 {strides = array<i32>} : memref<640xf32, #tpu.memory_space<vmem>>, vector<16xf32>,
    %swap3A_55 = arith.constant 416 : index
    %swap3A_56 = tpu.vector_load %arg12[%swap3A_55] {strides = array<i32>} : memref<640xf32, #tpu.memory_space<vmem>>, vector<16xf32>,
    tpu.vector_store %arg12[%swap3A_55], %broadcast_in_dim3A_3 {strides = array<i32>} : memref<640xf32, #tpu.memory_space<vmem>>, vector<16xf32>,
    %swap3A_57 = arith.constant 432 : index
    %swap3A_58 = tpu.vector_load %arg12[%swap3A_57] {strides = array<i32>} : memref<640xf32, #tpu.memory_space<vmem>>, vector<16xf32>,
    tpu.vector_store %arg12[%swap3A_57], %broadcast_in_dim3A_3 {strides = array<i32>} : memref<640xf32, #tpu.memory_space<vmem>>, vector<16xf32>,
    %swap3A_59 = arith.constant 448 : index
    %swap3A_60 = tpu.vector_load %arg12[%swap3A_59] {strides = array<i32>} : memref<640xf32, #tpu.memory_space<vmem>>, vector<16xf32>,
    tpu.vector_store %arg12[%swap3A_59], %broadcast_in_dim3A_3 {strides = array<i32>} : memref<640xf32, #tpu.memory_space<vmem>>, vector<16xf32>,
    %swap3A_61 = arith.constant 464 : index
    %swap3A_62 = tpu.vector_load %arg12[%swap3A_61] {strides = array<i32>} : memref<640xf32, #tpu.memory_space<vmem>>, vector<16xf32>,
    tpu.vector_store %arg12[%swap3A_61], %broadcast_in_dim3A_3 {strides = array<i32>} : memref<640xf32, #tpu.memory_space<vmem>>, vector<16xf32>,
    %swap3A_63 = arith.constant 480 : index
    %swap3A_64 = tpu.vector_load %arg12[%swap3A_63] {strides = array<i32>} : memref<640xf32, #tpu.memory_space<vmem>>, vector<16xf32>,
    tpu.vector_store %arg12[%swap3A_63], %broadcast_in_dim3A_3 {strides = array<i32>} : memref<640xf32, #tpu.memory_space<vmem>>, vector<16xf32>,
    %swap3A_65 = arith.constant 496 : index
    %swap3A_66 = tpu.vector_load %arg12[%swap3A_65] {strides = array<i32>} : memref<640xf32, #tpu.memory_space<vmem>>, vector<16xf32>,
    tpu.vector_store %arg12[%swap3A_65], %broadcast_in_dim3A_3 {strides = array<i32>} : memref<640xf32, #tpu.memory_space<vmem>>, vector<16xf32>,
    %swap3A_67 = arith.constant 512 : index
    %swap3A_68 = tpu.vector_load %arg12[%swap3A_67] {strides = array<i32>} : memref<640xf32, #tpu.memory_space<vmem>>, vector<16xf32>,
    tpu.vector_store %arg12[%swap3A_67], %broadcast_in_dim3A_3 {strides = array<i32>} : memref<640xf32, #tpu.memory_space<vmem>>, vector<16xf32>,
    %swap3A_69 = arith.constant 528 : index
    %swap3A_70 = tpu.vector_load %arg12[%swap3A_69] {strides = array<i32>} : memref<640xf32, #tpu.memory_space<vmem>>, vector<16xf32>,
    tpu.vector_store %arg12[%swap3A_69], %broadcast_in_dim3A_3 {strides = array<i32>} : memref<640xf32, #tpu.memory_space<vmem>>, vector<16xf32>,
    %swap3A_71 = arith.constant 544 : index
    %swap3A_72 = tpu.vector_load %arg12[%swap3A_71] {strides = array<i32>} : memref<640xf32, #tpu.memory_space<vmem>>, vector<16xf32>,
    tpu.vector_store %arg12[%swap3A_71], %broadcast_in_dim3A_3 {strides = array<i32>} : memref<640xf32, #tpu.memory_space<vmem>>, vector<16xf32>,
    %swap3A_73 = arith.constant 560 : index
    %swap3A_74 = tpu.vector_load %arg12[%swap3A_73] {strides = array<i32>} : memref<640xf32, #tpu.memory_space<vmem>>, vector<16xf32>,
    tpu.vector_store %arg12[%swap3A_73], %broadcast_in_dim3A_3 {strides = array<i32>} : memref<640xf32, #tpu.memory_space<vmem>>, vector<16xf32>,
    %swap3A_75 = arith.constant 576 : index
    %swap3A_76 = tpu.vector_load %arg12[%swap3A_75] {strides = array<i32>} : memref<640xf32, #tpu.memory_space<vmem>>, vector<16xf32>,
    tpu.vector_store %arg12[%swap3A_75], %broadcast_in_dim3A_3 {strides = array<i32>} : memref<640xf32, #tpu.memory_space<vmem>>, vector<16xf32>,
    %swap3A_77 = arith.constant 592 : index
    %swap3A_78 = tpu.vector_load %arg12[%swap3A_77] {strides = array<i32>} : memref<640xf32, #tpu.memory_space<vmem>>, vector<16xf32>,
    tpu.vector_store %arg12[%swap3A_77], %broadcast_in_dim3A_3 {strides = array<i32>} : memref<640xf32, #tpu.memory_space<vmem>>, vector<16xf32>,
    %swap3A_79 = arith.constant 608 : index
    %swap3A_80 = tpu.vector_load %arg12[%swap3A_79] {strides = array<i32>} : memref<640xf32, #tpu.memory_space<vmem>>, vector<16xf32>,
    tpu.vector_store %arg12[%swap3A_79], %broadcast_in_dim3A_3 {strides = array<i32>} : memref<640xf32, #tpu.memory_space<vmem>>, vector<16xf32>,
    %swap3A_81 = arith.constant 624 : index
    %swap3A_82 = tpu.vector_load %arg12[%swap3A_81] {strides = array<i32>} : memref<640xf32, #tpu.memory_space<vmem>>, vector<16xf32>,
    tpu.vector_store %arg12[%swap3A_81], %broadcast_in_dim3A_3 {strides = array<i32>} : memref<640xf32, #tpu.memory_space<vmem>>, vector<16xf32>,
    %mul3A_83 = arith.constant 640 : i32
    %mul3A_84 = arith.muli %arg1, %mul3A_83 : i32
    "tpu.region"() ({
      %run_scoped3A = tpu.sem_alloc : memref<!tpu.dma_semaphore, #tpu.memory_space<semaphore_mem>>
      %dma_start3A = tpu.memref_slice %arg13[%mul3A_84] : memref<10240xf32, #tpu.memory_space<vmem_shared>> -> memref<640xf32, #tpu.memory_space<vmem_shared>>
      %dma_start3A_93 = tpu.memref_slice %arg13[%mul3A_84] : memref<10240xf32, #tpu.memory_space<vmem_shared>> -> memref<640xf32, #tpu.memory_space<vmem_shared>>
      tpu.enqueue_dma source(%arg12 : memref<640xf32, #tpu.memory_space<vmem>>) target(%dma_start3A_93 : memref<640xf32, #tpu.memory_space<vmem_shared>>) target_semaphore(%run_scoped3A : memref<!tpu.dma_semaphore, #tpu.memory_space<semaphore_mem>>)
      %dma_wait3A = tpu.memref_slice %arg13[%mul3A_84] : memref<10240xf32, #tpu.memory_space<vmem_shared>> -> memref<640xf32, #tpu.memory_space<vmem_shared>>
      %dma_wait3A_94 = tpu.memref_slice %arg13[%mul3A_84] : memref<10240xf32, #tpu.memory_space<vmem_shared>> -> memref<640xf32, #tpu.memory_space<vmem_shared>>
      tpu.wait_dma2 semaphore(%run_scoped3A : memref<!tpu.dma_semaphore, #tpu.memory_space<semaphore_mem>>) src(%arg12 : memref<640xf32, #tpu.memory_space<vmem>>) dst(%dma_wait3A_94 : memref<640xf32, #tpu.memory_space<vmem_shared>>)
      tpu.yield
    }) : () -> ()
    %barrier3A = arith.constant 0 : index
    tpu.barrier barrier_id(%barrier3A)
    %scan3A = arith.constant 0 : i32
    %scan3A_85 = arith.constant 0 : i32
    %scan3A_86 = arith.constant 80 : i32
    %scan3A_87 = arith.addi %scan3A_85, %scan3A_86 : i32
    %scan3A_88 = arith.constant 1 : i32
    scf.for %scan3A_93 = %scan3A_85 to %scan3A_87 step %scan3A_88  : i32 {
      %get3A = arith.index_cast %scan3A_93 : i32 to index
      %get3A_94 = arith.constant 0 : index
      %get3A_95 = tpu.vector_load %arg8[%get3A, %get3A_94] {strides = array<i32>} : memref<80x128xi32, #tpu.memory_space<vmem>>, vector<16xi32>,
      %gather3A = tpu.vector_load_idx %arg11[%get3A_95] : memref<10240xf32, #tpu.memory_space<vmem>>[vector<16xi32>], vector<16xf32>,
      %add3A_96 = arith.constant 1.000000e-16 : f32
      %add3A_97 = vector.broadcast %add3A_96 : f32 to vector<16xf32>
      %add3A_98 = arith.addf %gather3A, %add3A_97 : vector<16xf32>
      %get3A_99 = arith.index_cast %scan3A_93 : i32 to index
      %get3A_100 = arith.constant 0 : index
      %get3A_101 = tpu.vector_load %arg9[%get3A_99, %get3A_100] {strides = array<i32>} : memref<80x128xf32, #tpu.memory_space<vmem>>, vector<16xf32>,
      %div3A = arith.divf %get3A_101, %add3A_98 : vector<16xf32>
      %swap3A_102 = arith.index_cast %scan3A_93 : i32 to index
      %swap3A_103 = arith.constant 0 : index
      %swap3A_104 = tpu.vector_load %arg10[%swap3A_102, %swap3A_103] {strides = array<i32>} : memref<80x128xf32, #tpu.memory_space<vmem>>, vector<16xf32>,
      tpu.vector_store %arg10[%swap3A_102, %swap3A_103], %div3A {strides = array<i32>} : memref<80x128xf32, #tpu.memory_space<vmem>>, vector<16xf32>,
      %get3A_105 = arith.index_cast %scan3A_93 : i32 to index
      %get3A_106 = arith.constant 16 : index
      %get3A_107 = tpu.vector_load %arg8[%get3A_105, %get3A_106] {strides = array<i32>} : memref<80x128xi32, #tpu.memory_space<vmem>>, vector<16xi32>,
      %gather3A_108 = tpu.vector_load_idx %arg11[%get3A_107] : memref<10240xf32, #tpu.memory_space<vmem>>[vector<16xi32>], vector<16xf32>,
      %add3A_109 = arith.constant 1.000000e-16 : f32
      %add3A_110 = vector.broadcast %add3A_109 : f32 to vector<16xf32>
      %add3A_111 = arith.addf %gather3A_108, %add3A_110 : vector<16xf32>
      %get3A_112 = arith.index_cast %scan3A_93 : i32 to index
      %get3A_113 = arith.constant 16 : index
      %get3A_114 = tpu.vector_load %arg9[%get3A_112, %get3A_113] {strides = array<i32>} : memref<80x128xf32, #tpu.memory_space<vmem>>, vector<16xf32>,
      %div3A_115 = arith.divf %get3A_114, %add3A_111 : vector<16xf32>
      %swap3A_116 = arith.index_cast %scan3A_93 : i32 to index
      %swap3A_117 = arith.constant 16 : index
      %swap3A_118 = tpu.vector_load %arg10[%swap3A_116, %swap3A_117] {strides = array<i32>} : memref<80x128xf32, #tpu.memory_space<vmem>>, vector<16xf32>,
      tpu.vector_store %arg10[%swap3A_116, %swap3A_117], %div3A_115 {strides = array<i32>} : memref<80x128xf32, #tpu.memory_space<vmem>>, vector<16xf32>,
      %get3A_119 = arith.index_cast %scan3A_93 : i32 to index
      %get3A_120 = arith.constant 32 : index
      %get3A_121 = tpu.vector_load %arg8[%get3A_119, %get3A_120] {strides = array<i32>} : memref<80x128xi32, #tpu.memory_space<vmem>>, vector<16xi32>,
      %gather3A_122 = tpu.vector_load_idx %arg11[%get3A_121] : memref<10240xf32, #tpu.memory_space<vmem>>[vector<16xi32>], vector<16xf32>,
      %add3A_123 = arith.constant 1.000000e-16 : f32
      %add3A_124 = vector.broadcast %add3A_123 : f32 to vector<16xf32>
      %add3A_125 = arith.addf %gather3A_122, %add3A_124 : vector<16xf32>
      %get3A_126 = arith.index_cast %scan3A_93 : i32 to index
      %get3A_127 = arith.constant 32 : index
      %get3A_128 = tpu.vector_load %arg9[%get3A_126, %get3A_127] {strides = array<i32>} : memref<80x128xf32, #tpu.memory_space<vmem>>, vector<16xf32>,
      %div3A_129 = arith.divf %get3A_128, %add3A_125 : vector<16xf32>
      %swap3A_130 = arith.index_cast %scan3A_93 : i32 to index
      %swap3A_131 = arith.constant 32 : index
      %swap3A_132 = tpu.vector_load %arg10[%swap3A_130, %swap3A_131] {strides = array<i32>} : memref<80x128xf32, #tpu.memory_space<vmem>>, vector<16xf32>,
      tpu.vector_store %arg10[%swap3A_130, %swap3A_131], %div3A_129 {strides = array<i32>} : memref<80x128xf32, #tpu.memory_space<vmem>>, vector<16xf32>,
      %get3A_133 = arith.index_cast %scan3A_93 : i32 to index
      %get3A_134 = arith.constant 48 : index
      %get3A_135 = tpu.vector_load %arg8[%get3A_133, %get3A_134] {strides = array<i32>} : memref<80x128xi32, #tpu.memory_space<vmem>>, vector<16xi32>,
      %gather3A_136 = tpu.vector_load_idx %arg11[%get3A_135] : memref<10240xf32, #tpu.memory_space<vmem>>[vector<16xi32>], vector<16xf32>,
      %add3A_137 = arith.constant 1.000000e-16 : f32
      %add3A_138 = vector.broadcast %add3A_137 : f32 to vector<16xf32>
      %add3A_139 = arith.addf %gather3A_136, %add3A_138 : vector<16xf32>
      %get3A_140 = arith.index_cast %scan3A_93 : i32 to index
      %get3A_141 = arith.constant 48 : index
      %get3A_142 = tpu.vector_load %arg9[%get3A_140, %get3A_141] {strides = array<i32>} : memref<80x128xf32, #tpu.memory_space<vmem>>, vector<16xf32>,
      %div3A_143 = arith.divf %get3A_142, %add3A_139 : vector<16xf32>
      %swap3A_144 = arith.index_cast %scan3A_93 : i32 to index
      %swap3A_145 = arith.constant 48 : index
      %swap3A_146 = tpu.vector_load %arg10[%swap3A_144, %swap3A_145] {strides = array<i32>} : memref<80x128xf32, #tpu.memory_space<vmem>>, vector<16xf32>,
      tpu.vector_store %arg10[%swap3A_144, %swap3A_145], %div3A_143 {strides = array<i32>} : memref<80x128xf32, #tpu.memory_space<vmem>>, vector<16xf32>,
      %get3A_147 = arith.index_cast %scan3A_93 : i32 to index
      %get3A_148 = arith.constant 64 : index
      %get3A_149 = tpu.vector_load %arg8[%get3A_147, %get3A_148] {strides = array<i32>} : memref<80x128xi32, #tpu.memory_space<vmem>>, vector<16xi32>,
      %gather3A_150 = tpu.vector_load_idx %arg11[%get3A_149] : memref<10240xf32, #tpu.memory_space<vmem>>[vector<16xi32>], vector<16xf32>,
      %add3A_151 = arith.constant 1.000000e-16 : f32
      %add3A_152 = vector.broadcast %add3A_151 : f32 to vector<16xf32>
      %add3A_153 = arith.addf %gather3A_150, %add3A_152 : vector<16xf32>
      %get3A_154 = arith.index_cast %scan3A_93 : i32 to index
      %get3A_155 = arith.constant 64 : index
      %get3A_156 = tpu.vector_load %arg9[%get3A_154, %get3A_155] {strides = array<i32>} : memref<80x128xf32, #tpu.memory_space<vmem>>, vector<16xf32>,
      %div3A_157 = arith.divf %get3A_156, %add3A_153 : vector<16xf32>
      %swap3A_158 = arith.index_cast %scan3A_93 : i32 to index
      %swap3A_159 = arith.constant 64 : index
      %swap3A_160 = tpu.vector_load %arg10[%swap3A_158, %swap3A_159] {strides = array<i32>} : memref<80x128xf32, #tpu.memory_space<vmem>>, vector<16xf32>,
      tpu.vector_store %arg10[%swap3A_158, %swap3A_159], %div3A_157 {strides = array<i32>} : memref<80x128xf32, #tpu.memory_space<vmem>>, vector<16xf32>,
      %get3A_161 = arith.index_cast %scan3A_93 : i32 to index
      %get3A_162 = arith.constant 80 : index
      %get3A_163 = tpu.vector_load %arg8[%get3A_161, %get3A_162] {strides = array<i32>} : memref<80x128xi32, #tpu.memory_space<vmem>>, vector<16xi32>,
      %gather3A_164 = tpu.vector_load_idx %arg11[%get3A_163] : memref<10240xf32, #tpu.memory_space<vmem>>[vector<16xi32>], vector<16xf32>,
      %add3A_165 = arith.constant 1.000000e-16 : f32
      %add3A_166 = vector.broadcast %add3A_165 : f32 to vector<16xf32>
      %add3A_167 = arith.addf %gather3A_164, %add3A_166 : vector<16xf32>
      %get3A_168 = arith.index_cast %scan3A_93 : i32 to index
      %get3A_169 = arith.constant 80 : index
      %get3A_170 = tpu.vector_load %arg9[%get3A_168, %get3A_169] {strides = array<i32>} : memref<80x128xf32, #tpu.memory_space<vmem>>, vector<16xf32>,
      %div3A_171 = arith.divf %get3A_170, %add3A_167 : vector<16xf32>
      %swap3A_172 = arith.index_cast %scan3A_93 : i32 to index
      %swap3A_173 = arith.constant 80 : index
      %swap3A_174 = tpu.vector_load %arg10[%swap3A_172, %swap3A_173] {strides = array<i32>} : memref<80x128xf32, #tpu.memory_space<vmem>>, vector<16xf32>,
      tpu.vector_store %arg10[%swap3A_172, %swap3A_173], %div3A_171 {strides = array<i32>} : memref<80x128xf32, #tpu.memory_space<vmem>>, vector<16xf32>,
      %get3A_175 = arith.index_cast %scan3A_93 : i32 to index
      %get3A_176 = arith.constant 96 : index
      %get3A_177 = tpu.vector_load %arg8[%get3A_175, %get3A_176] {strides = array<i32>} : memref<80x128xi32, #tpu.memory_space<vmem>>, vector<16xi32>,
      %gather3A_178 = tpu.vector_load_idx %arg11[%get3A_177] : memref<10240xf32, #tpu.memory_space<vmem>>[vector<16xi32>], vector<16xf32>,
      %add3A_179 = arith.constant 1.000000e-16 : f32
      %add3A_180 = vector.broadcast %add3A_179 : f32 to vector<16xf32>
      %add3A_181 = arith.addf %gather3A_178, %add3A_180 : vector<16xf32>
      %get3A_182 = arith.index_cast %scan3A_93 : i32 to index
      %get3A_183 = arith.constant 96 : index
      %get3A_184 = tpu.vector_load %arg9[%get3A_182, %get3A_183] {strides = array<i32>} : memref<80x128xf32, #tpu.memory_space<vmem>>, vector<16xf32>,
      %div3A_185 = arith.divf %get3A_184, %add3A_181 : vector<16xf32>
      %swap3A_186 = arith.index_cast %scan3A_93 : i32 to index
      %swap3A_187 = arith.constant 96 : index
      %swap3A_188 = tpu.vector_load %arg10[%swap3A_186, %swap3A_187] {strides = array<i32>} : memref<80x128xf32, #tpu.memory_space<vmem>>, vector<16xf32>,
      tpu.vector_store %arg10[%swap3A_186, %swap3A_187], %div3A_185 {strides = array<i32>} : memref<80x128xf32, #tpu.memory_space<vmem>>, vector<16xf32>,
      %get3A_189 = arith.index_cast %scan3A_93 : i32 to index
      %get3A_190 = arith.constant 112 : index
      %get3A_191 = tpu.vector_load %arg8[%get3A_189, %get3A_190] {strides = array<i32>} : memref<80x128xi32, #tpu.memory_space<vmem>>, vector<16xi32>,
      %gather3A_192 = tpu.vector_load_idx %arg11[%get3A_191] : memref<10240xf32, #tpu.memory_space<vmem>>[vector<16xi32>], vector<16xf32>,
      %add3A_193 = arith.constant 1.000000e-16 : f32
      %add3A_194 = vector.broadcast %add3A_193 : f32 to vector<16xf32>
      %add3A_195 = arith.addf %gather3A_192, %add3A_194 : vector<16xf32>
      %get3A_196 = arith.index_cast %scan3A_93 : i32 to index
      %get3A_197 = arith.constant 112 : index
      %get3A_198 = tpu.vector_load %arg9[%get3A_196, %get3A_197] {strides = array<i32>} : memref<80x128xf32, #tpu.memory_space<vmem>>, vector<16xf32>,
      %div3A_199 = arith.divf %get3A_198, %add3A_195 : vector<16xf32>
      %swap3A_200 = arith.index_cast %scan3A_93 : i32 to index
      %swap3A_201 = arith.constant 112 : index
      %swap3A_202 = tpu.vector_load %arg10[%swap3A_200, %swap3A_201] {strides = array<i32>} : memref<80x128xf32, #tpu.memory_space<vmem>>, vector<16xf32>,
      tpu.vector_store %arg10[%swap3A_200, %swap3A_201], %div3A_199 {strides = array<i32>} : memref<80x128xf32, #tpu.memory_space<vmem>>, vector<16xf32>,
      "tpu.region"() ({
        %run_scoped3A = tpu.sem_alloc : memref<!tpu.dma_semaphore, #tpu.memory_space<semaphore_mem>>
        %dma_start3A = arith.constant 0 : i32
        %dma_start3A_203 = tpu.memref_slice %arg10[%scan3A_93, %dma_start3A] : memref<80x128xf32, #tpu.memory_space<vmem>> -> memref<1x128xf32, #tpu.memory_space<vmem>>
        %dma_start3A_204 = tpu.memref_squeeze %dma_start3A_203 : memref<1x128xf32, #tpu.memory_space<vmem>> -> memref<128xf32, #tpu.memory_space<vmem>>
        %dma_start3A_205 = arith.constant 0 : i32
        %dma_start3A_206 = tpu.memref_slice %arg7[%scan3A_93, %dma_start3A_205] : memref<80x128xi32, #tpu.memory_space<vmem>> -> memref<1x128xi32, #tpu.memory_space<vmem>>
        %dma_start3A_207 = tpu.memref_squeeze %dma_start3A_206 : memref<1x128xi32, #tpu.memory_space<vmem>> -> memref<128xi32, #tpu.memory_space<vmem>>
        %dma_start3A_208 = arith.constant 0 : i32
        %dma_start3A_209 = tpu.memref_slice %arg13[%dma_start3A_208] : memref<10240xf32, #tpu.memory_space<vmem_shared>> -> memref<10240xf32, #tpu.memory_space<vmem_shared>>
        tpu.enqueue_indirect_dma source(%dma_start3A_204 : memref<128xf32, #tpu.memory_space<vmem>>) target(%dma_start3A_209 : memref<10240xf32, #tpu.memory_space<vmem_shared>>) offsets(%dma_start3A_207 : memref<128xi32, #tpu.memory_space<vmem>>) semaphore(%run_scoped3A : memref<!tpu.dma_semaphore, #tpu.memory_space<semaphore_mem>>) {add = true}
        %dma_wait3A = arith.constant 0 : i32
        %dma_wait3A_210 = tpu.memref_slice %arg10[%scan3A_93, %dma_wait3A] : memref<80x128xf32, #tpu.memory_space<vmem>> -> memref<1x128xf32, #tpu.memory_space<vmem>>
        %dma_wait3A_211 = tpu.memref_squeeze %dma_wait3A_210 : memref<1x128xf32, #tpu.memory_space<vmem>> -> memref<128xf32, #tpu.memory_space<vmem>>
        %dma_wait3A_212 = arith.constant 0 : i32
        %dma_wait3A_213 = tpu.memref_slice %arg7[%scan3A_93, %dma_wait3A_212] : memref<80x128xi32, #tpu.memory_space<vmem>> -> memref<1x128xi32, #tpu.memory_space<vmem>>
        %dma_wait3A_214 = tpu.memref_squeeze %dma_wait3A_213 : memref<1x128xi32, #tpu.memory_space<vmem>> -> memref<128xi32, #tpu.memory_space<vmem>>
        %dma_wait3A_215 = arith.constant 0 : i32
        %dma_wait3A_216 = tpu.memref_slice %arg13[%dma_wait3A_215] : memref<10240xf32, #tpu.memory_space<vmem_shared>> -> memref<10240xf32, #tpu.memory_space<vmem_shared>>
        tpu.wait_indirect_dma semaphore(%run_scoped3A : memref<!tpu.dma_semaphore, #tpu.memory_space<semaphore_mem>>) src(%dma_wait3A_211 : memref<128xf32, #tpu.memory_space<vmem>>) dst(%dma_wait3A_216 : memref<10240xf32, #tpu.memory_space<vmem_shared>>)
        tpu.yield
      }) : () -> ()
    }
    %scan3A_89 = arith.constant 80 : i32
    %barrier3A_90 = arith.constant 0 : index
    tpu.barrier barrier_id(%barrier3A_90)
    %eq3A = arith.constant 0 : i32
    %eq3A_91 = arith.cmpi eq, %arg1, %eq3A : i32
    %convert_element_type3A = arith.extui %eq3A_91 : i1 to i32
    %cond3A = arith.constant 0 : i32
    %cond3A_92 = arith.cmpi ne, %convert_element_type3A, %cond3A : i32
    scf.if %cond3A_92 {
      "tpu.region"() ({
        %run_scoped3A = tpu.sem_alloc : memref<!tpu.dma_semaphore, #tpu.memory_space<semaphore_mem>>
        %dma_start3A = arith.constant 0 : i32
        %dma_start3A_93 = tpu.memref_slice %arg12[%dma_start3A] : memref<640xf32, #tpu.memory_space<vmem>> -> memref<240xf32, #tpu.memory_space<vmem>>
        %dma_start3A_94 = arith.constant 10000 : i32
        %dma_start3A_95 = tpu.memref_slice %arg13[%dma_start3A_94] : memref<10240xf32, #tpu.memory_space<vmem_shared>> -> memref<240xf32, #tpu.memory_space<vmem_shared>>
        %dma_start3A_96 = arith.constant 10000 : i32
        %dma_start3A_97 = tpu.memref_slice %arg13[%dma_start3A_96] : memref<10240xf32, #tpu.memory_space<vmem_shared>> -> memref<240xf32, #tpu.memory_space<vmem_shared>>
        %dma_start3A_98 = arith.constant 0 : i32
        %dma_start3A_99 = tpu.memref_slice %arg12[%dma_start3A_98] : memref<640xf32, #tpu.memory_space<vmem>> -> memref<240xf32, #tpu.memory_space<vmem>>
        tpu.enqueue_dma source(%dma_start3A_99 : memref<240xf32, #tpu.memory_space<vmem>>) target(%dma_start3A_97 : memref<240xf32, #tpu.memory_space<vmem_shared>>) target_semaphore(%run_scoped3A : memref<!tpu.dma_semaphore, #tpu.memory_space<semaphore_mem>>)
        %dma_wait3A = arith.constant 0 : i32
        %dma_wait3A_100 = tpu.memref_slice %arg12[%dma_wait3A] : memref<640xf32, #tpu.memory_space<vmem>> -> memref<240xf32, #tpu.memory_space<vmem>>
        %dma_wait3A_101 = arith.constant 10000 : i32
        %dma_wait3A_102 = tpu.memref_slice %arg13[%dma_wait3A_101] : memref<10240xf32, #tpu.memory_space<vmem_shared>> -> memref<240xf32, #tpu.memory_space<vmem_shared>>
        %dma_wait3A_103 = arith.constant 10000 : i32
        %dma_wait3A_104 = tpu.memref_slice %arg13[%dma_wait3A_103] : memref<10240xf32, #tpu.memory_space<vmem_shared>> -> memref<240xf32, #tpu.memory_space<vmem_shared>>
        %dma_wait3A_105 = arith.constant 0 : i32
        %dma_wait3A_106 = tpu.memref_slice %arg12[%dma_wait3A_105] : memref<640xf32, #tpu.memory_space<vmem>> -> memref<240xf32, #tpu.memory_space<vmem>>
        tpu.wait_dma2 semaphore(%run_scoped3A : memref<!tpu.dma_semaphore, #tpu.memory_space<semaphore_mem>>) src(%dma_wait3A_106 : memref<240xf32, #tpu.memory_space<vmem>>) dst(%dma_wait3A_104 : memref<240xf32, #tpu.memory_space<vmem_shared>>)
        tpu.yield
      }) : () -> ()
      "tpu.region"() ({
        %run_scoped3A = tpu.sem_alloc : memref<!tpu.dma_semaphore, #tpu.memory_space<semaphore_mem>>
        %dma_start3A = arith.constant 0 : i32
        %dma_start3A_93 = tpu.memref_slice %arg6[%arg0, %dma_start3A] : memref<2x10240xf32, #tpu.memory_space<hbm>> -> memref<1x10240xf32, #tpu.memory_space<hbm>>
        %dma_start3A_94 = tpu.memref_squeeze %dma_start3A_93 : memref<1x10240xf32, #tpu.memory_space<hbm>> -> memref<10240xf32, #tpu.memory_space<hbm>>
        tpu.enqueue_dma source(%arg13 : memref<10240xf32, #tpu.memory_space<vmem_shared>>) target(%dma_start3A_94 : memref<10240xf32, #tpu.memory_space<hbm>>) target_semaphore(%run_scoped3A : memref<!tpu.dma_semaphore, #tpu.memory_space<semaphore_mem>>)
        %dma_wait3A = arith.constant 0 : i32
        %dma_wait3A_95 = tpu.memref_slice %arg6[%arg0, %dma_wait3A] : memref<2x10240xf32, #tpu.memory_space<hbm>> -> memref<1x10240xf32, #tpu.memory_space<hbm>>
        %dma_wait3A_96 = tpu.memref_squeeze %dma_wait3A_95 : memref<1x10240xf32, #tpu.memory_space<hbm>> -> memref<10240xf32, #tpu.memory_space<hbm>>
        tpu.wait_dma2 semaphore(%run_scoped3A : memref<!tpu.dma_semaphore, #tpu.memory_space<semaphore_mem>>) src(%arg13 : memref<10240xf32, #tpu.memory_space<vmem_shared>>) dst(%dma_wait3A_96 : memref<10240xf32, #tpu.memory_space<hbm>>)
        tpu.yield
      }) : () -> ()
    } else {
    }
    return
  }
}

#map = affine_map<(d0, d1) -> (0)>
#map1 = affine_map<(d0, d1) -> (0, 0)>
module attributes {stable_mosaic.version = 14 : i64} {
  func.func @_att_body(%arg0: i32, %arg1: i32, %arg2: memref<10240xf32, #tpu.memory_space<hbm>>, %arg3: memref<10240xf32, #tpu.memory_space<hbm>>, %arg4: memref<2560x128xi32, #tpu.memory_space<hbm>>, %arg5: memref<2560x128xi32, #tpu.memory_space<hbm>>, %arg6: memref<16xf32, #tpu.memory_space<hbm>>, %arg7: memref<2560x128xf32, #tpu.memory_space<hbm>>, %arg8: memref<2x10240xf32, #tpu.memory_space<hbm>>, %arg9: memref<10240xf32, #tpu.memory_space<vmem>>, %arg10: memref<10240xf32, #tpu.memory_space<vmem>>, %arg11: memref<80x128xi32, #tpu.memory_space<vmem>>, %arg12: memref<80x128xi32, #tpu.memory_space<vmem>>, %arg13: memref<80x128xf32, #tpu.memory_space<vmem>>, %arg14: memref<16xf32, #tpu.memory_space<vmem>>, %arg15: memref<640xf32, #tpu.memory_space<vmem>>, %arg16: memref<10240xf32, #tpu.memory_space<vmem_shared>>) attributes {dimension_semantics = [#tpu.dimension_semantics<core_parallel>, #tpu.dimension_semantics<subcore_parallel>], iteration_bounds = array<i64: 2, 16>, scalar_prefetch = 0 : i64, scratch_operands = 8 : i64, tpu.core_type = #tpu.core_type<sc_vector_subcore>, window_params = [{transform_indices = #map}, {transform_indices = #map}, {transform_indices = #map1}, {transform_indices = #map1}, {transform_indices = #map}, {transform_indices = #map1}, {transform_indices = #map1}]} {
    %mul3A = arith.constant 16 : i32
    %mul3A_0 = arith.muli %arg0, %mul3A : i32
    %add3A = arith.addi %mul3A_0, %arg1 : i32
    %mul3A_1 = arith.constant 80 : i32
    %mul3A_2 = arith.muli %add3A, %mul3A_1 : i32
    "tpu.region"() ({
      %run_scoped3A = tpu.sem_alloc : memref<!tpu.dma_semaphore, #tpu.memory_space<semaphore_mem>>
      tpu.enqueue_dma source(%arg2 : memref<10240xf32, #tpu.memory_space<hbm>>) target(%arg9 : memref<10240xf32, #tpu.memory_space<vmem>>) target_semaphore(%run_scoped3A : memref<!tpu.dma_semaphore, #tpu.memory_space<semaphore_mem>>)
      tpu.wait_dma2 semaphore(%run_scoped3A : memref<!tpu.dma_semaphore, #tpu.memory_space<semaphore_mem>>) src(%arg2 : memref<10240xf32, #tpu.memory_space<hbm>>) dst(%arg9 : memref<10240xf32, #tpu.memory_space<vmem>>)
      tpu.yield
    }) : () -> ()
    "tpu.region"() ({
      %run_scoped3A = tpu.sem_alloc : memref<!tpu.dma_semaphore, #tpu.memory_space<semaphore_mem>>
      tpu.enqueue_dma source(%arg3 : memref<10240xf32, #tpu.memory_space<hbm>>) target(%arg10 : memref<10240xf32, #tpu.memory_space<vmem>>) target_semaphore(%run_scoped3A : memref<!tpu.dma_semaphore, #tpu.memory_space<semaphore_mem>>)
      tpu.wait_dma2 semaphore(%run_scoped3A : memref<!tpu.dma_semaphore, #tpu.memory_space<semaphore_mem>>) src(%arg3 : memref<10240xf32, #tpu.memory_space<hbm>>) dst(%arg10 : memref<10240xf32, #tpu.memory_space<vmem>>)
      tpu.yield
    }) : () -> ()
    "tpu.region"() ({
      %run_scoped3A = tpu.sem_alloc : memref<!tpu.dma_semaphore, #tpu.memory_space<semaphore_mem>>
      tpu.enqueue_dma source(%arg6 : memref<16xf32, #tpu.memory_space<hbm>>) target(%arg14 : memref<16xf32, #tpu.memory_space<vmem>>) target_semaphore(%run_scoped3A : memref<!tpu.dma_semaphore, #tpu.memory_space<semaphore_mem>>)
      tpu.wait_dma2 semaphore(%run_scoped3A : memref<!tpu.dma_semaphore, #tpu.memory_space<semaphore_mem>>) src(%arg6 : memref<16xf32, #tpu.memory_space<hbm>>) dst(%arg14 : memref<16xf32, #tpu.memory_space<vmem>>)
      tpu.yield
    }) : () -> ()
    "tpu.region"() ({
      %run_scoped3A = tpu.sem_alloc : memref<!tpu.dma_semaphore, #tpu.memory_space<semaphore_mem>>
      %dma_start3A = arith.constant 0 : i32
      %dma_start3A_94 = tpu.memref_slice %arg4[%mul3A_2, %dma_start3A] : memref<2560x128xi32, #tpu.memory_space<hbm>> -> memref<80x128xi32, #tpu.memory_space<hbm>>
      %dma_start3A_95 = arith.constant 0 : i32
      %dma_start3A_96 = tpu.memref_slice %arg4[%mul3A_2, %dma_start3A_95] : memref<2560x128xi32, #tpu.memory_space<hbm>> -> memref<80x128xi32, #tpu.memory_space<hbm>>
      tpu.enqueue_dma source(%dma_start3A_96 : memref<80x128xi32, #tpu.memory_space<hbm>>) target(%arg11 : memref<80x128xi32, #tpu.memory_space<vmem>>) target_semaphore(%run_scoped3A : memref<!tpu.dma_semaphore, #tpu.memory_space<semaphore_mem>>)
      %dma_wait3A = arith.constant 0 : i32
      %dma_wait3A_97 = tpu.memref_slice %arg4[%mul3A_2, %dma_wait3A] : memref<2560x128xi32, #tpu.memory_space<hbm>> -> memref<80x128xi32, #tpu.memory_space<hbm>>
      %dma_wait3A_98 = arith.constant 0 : i32
      %dma_wait3A_99 = tpu.memref_slice %arg4[%mul3A_2, %dma_wait3A_98] : memref<2560x128xi32, #tpu.memory_space<hbm>> -> memref<80x128xi32, #tpu.memory_space<hbm>>
      tpu.wait_dma2 semaphore(%run_scoped3A : memref<!tpu.dma_semaphore, #tpu.memory_space<semaphore_mem>>) src(%dma_wait3A_99 : memref<80x128xi32, #tpu.memory_space<hbm>>) dst(%arg11 : memref<80x128xi32, #tpu.memory_space<vmem>>)
      tpu.yield
    }) : () -> ()
    "tpu.region"() ({
      %run_scoped3A = tpu.sem_alloc : memref<!tpu.dma_semaphore, #tpu.memory_space<semaphore_mem>>
      %dma_start3A = arith.constant 0 : i32
      %dma_start3A_94 = tpu.memref_slice %arg5[%mul3A_2, %dma_start3A] : memref<2560x128xi32, #tpu.memory_space<hbm>> -> memref<80x128xi32, #tpu.memory_space<hbm>>
      %dma_start3A_95 = arith.constant 0 : i32
      %dma_start3A_96 = tpu.memref_slice %arg5[%mul3A_2, %dma_start3A_95] : memref<2560x128xi32, #tpu.memory_space<hbm>> -> memref<80x128xi32, #tpu.memory_space<hbm>>
      tpu.enqueue_dma source(%dma_start3A_96 : memref<80x128xi32, #tpu.memory_space<hbm>>) target(%arg12 : memref<80x128xi32, #tpu.memory_space<vmem>>) target_semaphore(%run_scoped3A : memref<!tpu.dma_semaphore, #tpu.memory_space<semaphore_mem>>)
      %dma_wait3A = arith.constant 0 : i32
      %dma_wait3A_97 = tpu.memref_slice %arg5[%mul3A_2, %dma_wait3A] : memref<2560x128xi32, #tpu.memory_space<hbm>> -> memref<80x128xi32, #tpu.memory_space<hbm>>
      %dma_wait3A_98 = arith.constant 0 : i32
      %dma_wait3A_99 = tpu.memref_slice %arg5[%mul3A_2, %dma_wait3A_98] : memref<2560x128xi32, #tpu.memory_space<hbm>> -> memref<80x128xi32, #tpu.memory_space<hbm>>
      tpu.wait_dma2 semaphore(%run_scoped3A : memref<!tpu.dma_semaphore, #tpu.memory_space<semaphore_mem>>) src(%dma_wait3A_99 : memref<80x128xi32, #tpu.memory_space<hbm>>) dst(%arg12 : memref<80x128xi32, #tpu.memory_space<vmem>>)
      tpu.yield
    }) : () -> ()
    %broadcast_in_dim3A = arith.constant 0.000000e+00 : f32
    %broadcast_in_dim3A_3 = vector.broadcast %broadcast_in_dim3A : f32 to vector<16xf32>
    %swap3A = arith.constant 0 : index
    %swap3A_4 = tpu.vector_load %arg15[%swap3A] {strides = array<i32>} : memref<640xf32, #tpu.memory_space<vmem>>, vector<16xf32>,
    tpu.vector_store %arg15[%swap3A], %broadcast_in_dim3A_3 {strides = array<i32>} : memref<640xf32, #tpu.memory_space<vmem>>, vector<16xf32>,
    %swap3A_5 = arith.constant 16 : index
    %swap3A_6 = tpu.vector_load %arg15[%swap3A_5] {strides = array<i32>} : memref<640xf32, #tpu.memory_space<vmem>>, vector<16xf32>,
    tpu.vector_store %arg15[%swap3A_5], %broadcast_in_dim3A_3 {strides = array<i32>} : memref<640xf32, #tpu.memory_space<vmem>>, vector<16xf32>,
    %swap3A_7 = arith.constant 32 : index
    %swap3A_8 = tpu.vector_load %arg15[%swap3A_7] {strides = array<i32>} : memref<640xf32, #tpu.memory_space<vmem>>, vector<16xf32>,
    tpu.vector_store %arg15[%swap3A_7], %broadcast_in_dim3A_3 {strides = array<i32>} : memref<640xf32, #tpu.memory_space<vmem>>, vector<16xf32>,
    %swap3A_9 = arith.constant 48 : index
    %swap3A_10 = tpu.vector_load %arg15[%swap3A_9] {strides = array<i32>} : memref<640xf32, #tpu.memory_space<vmem>>, vector<16xf32>,
    tpu.vector_store %arg15[%swap3A_9], %broadcast_in_dim3A_3 {strides = array<i32>} : memref<640xf32, #tpu.memory_space<vmem>>, vector<16xf32>,
    %swap3A_11 = arith.constant 64 : index
    %swap3A_12 = tpu.vector_load %arg15[%swap3A_11] {strides = array<i32>} : memref<640xf32, #tpu.memory_space<vmem>>, vector<16xf32>,
    tpu.vector_store %arg15[%swap3A_11], %broadcast_in_dim3A_3 {strides = array<i32>} : memref<640xf32, #tpu.memory_space<vmem>>, vector<16xf32>,
    %swap3A_13 = arith.constant 80 : index
    %swap3A_14 = tpu.vector_load %arg15[%swap3A_13] {strides = array<i32>} : memref<640xf32, #tpu.memory_space<vmem>>, vector<16xf32>,
    tpu.vector_store %arg15[%swap3A_13], %broadcast_in_dim3A_3 {strides = array<i32>} : memref<640xf32, #tpu.memory_space<vmem>>, vector<16xf32>,
    %swap3A_15 = arith.constant 96 : index
    %swap3A_16 = tpu.vector_load %arg15[%swap3A_15] {strides = array<i32>} : memref<640xf32, #tpu.memory_space<vmem>>, vector<16xf32>,
    tpu.vector_store %arg15[%swap3A_15], %broadcast_in_dim3A_3 {strides = array<i32>} : memref<640xf32, #tpu.memory_space<vmem>>, vector<16xf32>,
    %swap3A_17 = arith.constant 112 : index
    %swap3A_18 = tpu.vector_load %arg15[%swap3A_17] {strides = array<i32>} : memref<640xf32, #tpu.memory_space<vmem>>, vector<16xf32>,
    tpu.vector_store %arg15[%swap3A_17], %broadcast_in_dim3A_3 {strides = array<i32>} : memref<640xf32, #tpu.memory_space<vmem>>, vector<16xf32>,
    %swap3A_19 = arith.constant 128 : index
    %swap3A_20 = tpu.vector_load %arg15[%swap3A_19] {strides = array<i32>} : memref<640xf32, #tpu.memory_space<vmem>>, vector<16xf32>,
    tpu.vector_store %arg15[%swap3A_19], %broadcast_in_dim3A_3 {strides = array<i32>} : memref<640xf32, #tpu.memory_space<vmem>>, vector<16xf32>,
    %swap3A_21 = arith.constant 144 : index
    %swap3A_22 = tpu.vector_load %arg15[%swap3A_21] {strides = array<i32>} : memref<640xf32, #tpu.memory_space<vmem>>, vector<16xf32>,
    tpu.vector_store %arg15[%swap3A_21], %broadcast_in_dim3A_3 {strides = array<i32>} : memref<640xf32, #tpu.memory_space<vmem>>, vector<16xf32>,
    %swap3A_23 = arith.constant 160 : index
    %swap3A_24 = tpu.vector_load %arg15[%swap3A_23] {strides = array<i32>} : memref<640xf32, #tpu.memory_space<vmem>>, vector<16xf32>,
    tpu.vector_store %arg15[%swap3A_23], %broadcast_in_dim3A_3 {strides = array<i32>} : memref<640xf32, #tpu.memory_space<vmem>>, vector<16xf32>,
    %swap3A_25 = arith.constant 176 : index
    %swap3A_26 = tpu.vector_load %arg15[%swap3A_25] {strides = array<i32>} : memref<640xf32, #tpu.memory_space<vmem>>, vector<16xf32>,
    tpu.vector_store %arg15[%swap3A_25], %broadcast_in_dim3A_3 {strides = array<i32>} : memref<640xf32, #tpu.memory_space<vmem>>, vector<16xf32>,
    %swap3A_27 = arith.constant 192 : index
    %swap3A_28 = tpu.vector_load %arg15[%swap3A_27] {strides = array<i32>} : memref<640xf32, #tpu.memory_space<vmem>>, vector<16xf32>,
    tpu.vector_store %arg15[%swap3A_27], %broadcast_in_dim3A_3 {strides = array<i32>} : memref<640xf32, #tpu.memory_space<vmem>>, vector<16xf32>,
    %swap3A_29 = arith.constant 208 : index
    %swap3A_30 = tpu.vector_load %arg15[%swap3A_29] {strides = array<i32>} : memref<640xf32, #tpu.memory_space<vmem>>, vector<16xf32>,
    tpu.vector_store %arg15[%swap3A_29], %broadcast_in_dim3A_3 {strides = array<i32>} : memref<640xf32, #tpu.memory_space<vmem>>, vector<16xf32>,
    %swap3A_31 = arith.constant 224 : index
    %swap3A_32 = tpu.vector_load %arg15[%swap3A_31] {strides = array<i32>} : memref<640xf32, #tpu.memory_space<vmem>>, vector<16xf32>,
    tpu.vector_store %arg15[%swap3A_31], %broadcast_in_dim3A_3 {strides = array<i32>} : memref<640xf32, #tpu.memory_space<vmem>>, vector<16xf32>,
    %swap3A_33 = arith.constant 240 : index
    %swap3A_34 = tpu.vector_load %arg15[%swap3A_33] {strides = array<i32>} : memref<640xf32, #tpu.memory_space<vmem>>, vector<16xf32>,
    tpu.vector_store %arg15[%swap3A_33], %broadcast_in_dim3A_3 {strides = array<i32>} : memref<640xf32, #tpu.memory_space<vmem>>, vector<16xf32>,
    %swap3A_35 = arith.constant 256 : index
    %swap3A_36 = tpu.vector_load %arg15[%swap3A_35] {strides = array<i32>} : memref<640xf32, #tpu.memory_space<vmem>>, vector<16xf32>,
    tpu.vector_store %arg15[%swap3A_35], %broadcast_in_dim3A_3 {strides = array<i32>} : memref<640xf32, #tpu.memory_space<vmem>>, vector<16xf32>,
    %swap3A_37 = arith.constant 272 : index
    %swap3A_38 = tpu.vector_load %arg15[%swap3A_37] {strides = array<i32>} : memref<640xf32, #tpu.memory_space<vmem>>, vector<16xf32>,
    tpu.vector_store %arg15[%swap3A_37], %broadcast_in_dim3A_3 {strides = array<i32>} : memref<640xf32, #tpu.memory_space<vmem>>, vector<16xf32>,
    %swap3A_39 = arith.constant 288 : index
    %swap3A_40 = tpu.vector_load %arg15[%swap3A_39] {strides = array<i32>} : memref<640xf32, #tpu.memory_space<vmem>>, vector<16xf32>,
    tpu.vector_store %arg15[%swap3A_39], %broadcast_in_dim3A_3 {strides = array<i32>} : memref<640xf32, #tpu.memory_space<vmem>>, vector<16xf32>,
    %swap3A_41 = arith.constant 304 : index
    %swap3A_42 = tpu.vector_load %arg15[%swap3A_41] {strides = array<i32>} : memref<640xf32, #tpu.memory_space<vmem>>, vector<16xf32>,
    tpu.vector_store %arg15[%swap3A_41], %broadcast_in_dim3A_3 {strides = array<i32>} : memref<640xf32, #tpu.memory_space<vmem>>, vector<16xf32>,
    %swap3A_43 = arith.constant 320 : index
    %swap3A_44 = tpu.vector_load %arg15[%swap3A_43] {strides = array<i32>} : memref<640xf32, #tpu.memory_space<vmem>>, vector<16xf32>,
    tpu.vector_store %arg15[%swap3A_43], %broadcast_in_dim3A_3 {strides = array<i32>} : memref<640xf32, #tpu.memory_space<vmem>>, vector<16xf32>,
    %swap3A_45 = arith.constant 336 : index
    %swap3A_46 = tpu.vector_load %arg15[%swap3A_45] {strides = array<i32>} : memref<640xf32, #tpu.memory_space<vmem>>, vector<16xf32>,
    tpu.vector_store %arg15[%swap3A_45], %broadcast_in_dim3A_3 {strides = array<i32>} : memref<640xf32, #tpu.memory_space<vmem>>, vector<16xf32>,
    %swap3A_47 = arith.constant 352 : index
    %swap3A_48 = tpu.vector_load %arg15[%swap3A_47] {strides = array<i32>} : memref<640xf32, #tpu.memory_space<vmem>>, vector<16xf32>,
    tpu.vector_store %arg15[%swap3A_47], %broadcast_in_dim3A_3 {strides = array<i32>} : memref<640xf32, #tpu.memory_space<vmem>>, vector<16xf32>,
    %swap3A_49 = arith.constant 368 : index
    %swap3A_50 = tpu.vector_load %arg15[%swap3A_49] {strides = array<i32>} : memref<640xf32, #tpu.memory_space<vmem>>, vector<16xf32>,
    tpu.vector_store %arg15[%swap3A_49], %broadcast_in_dim3A_3 {strides = array<i32>} : memref<640xf32, #tpu.memory_space<vmem>>, vector<16xf32>,
    %swap3A_51 = arith.constant 384 : index
    %swap3A_52 = tpu.vector_load %arg15[%swap3A_51] {strides = array<i32>} : memref<640xf32, #tpu.memory_space<vmem>>, vector<16xf32>,
    tpu.vector_store %arg15[%swap3A_51], %broadcast_in_dim3A_3 {strides = array<i32>} : memref<640xf32, #tpu.memory_space<vmem>>, vector<16xf32>,
    %swap3A_53 = arith.constant 400 : index
    %swap3A_54 = tpu.vector_load %arg15[%swap3A_53] {strides = array<i32>} : memref<640xf32, #tpu.memory_space<vmem>>, vector<16xf32>,
    tpu.vector_store %arg15[%swap3A_53], %broadcast_in_dim3A_3 {strides = array<i32>} : memref<640xf32, #tpu.memory_space<vmem>>, vector<16xf32>,
    %swap3A_55 = arith.constant 416 : index
    %swap3A_56 = tpu.vector_load %arg15[%swap3A_55] {strides = array<i32>} : memref<640xf32, #tpu.memory_space<vmem>>, vector<16xf32>,
    tpu.vector_store %arg15[%swap3A_55], %broadcast_in_dim3A_3 {strides = array<i32>} : memref<640xf32, #tpu.memory_space<vmem>>, vector<16xf32>,
    %swap3A_57 = arith.constant 432 : index
    %swap3A_58 = tpu.vector_load %arg15[%swap3A_57] {strides = array<i32>} : memref<640xf32, #tpu.memory_space<vmem>>, vector<16xf32>,
    tpu.vector_store %arg15[%swap3A_57], %broadcast_in_dim3A_3 {strides = array<i32>} : memref<640xf32, #tpu.memory_space<vmem>>, vector<16xf32>,
    %swap3A_59 = arith.constant 448 : index
    %swap3A_60 = tpu.vector_load %arg15[%swap3A_59] {strides = array<i32>} : memref<640xf32, #tpu.memory_space<vmem>>, vector<16xf32>,
    tpu.vector_store %arg15[%swap3A_59], %broadcast_in_dim3A_3 {strides = array<i32>} : memref<640xf32, #tpu.memory_space<vmem>>, vector<16xf32>,
    %swap3A_61 = arith.constant 464 : index
    %swap3A_62 = tpu.vector_load %arg15[%swap3A_61] {strides = array<i32>} : memref<640xf32, #tpu.memory_space<vmem>>, vector<16xf32>,
    tpu.vector_store %arg15[%swap3A_61], %broadcast_in_dim3A_3 {strides = array<i32>} : memref<640xf32, #tpu.memory_space<vmem>>, vector<16xf32>,
    %swap3A_63 = arith.constant 480 : index
    %swap3A_64 = tpu.vector_load %arg15[%swap3A_63] {strides = array<i32>} : memref<640xf32, #tpu.memory_space<vmem>>, vector<16xf32>,
    tpu.vector_store %arg15[%swap3A_63], %broadcast_in_dim3A_3 {strides = array<i32>} : memref<640xf32, #tpu.memory_space<vmem>>, vector<16xf32>,
    %swap3A_65 = arith.constant 496 : index
    %swap3A_66 = tpu.vector_load %arg15[%swap3A_65] {strides = array<i32>} : memref<640xf32, #tpu.memory_space<vmem>>, vector<16xf32>,
    tpu.vector_store %arg15[%swap3A_65], %broadcast_in_dim3A_3 {strides = array<i32>} : memref<640xf32, #tpu.memory_space<vmem>>, vector<16xf32>,
    %swap3A_67 = arith.constant 512 : index
    %swap3A_68 = tpu.vector_load %arg15[%swap3A_67] {strides = array<i32>} : memref<640xf32, #tpu.memory_space<vmem>>, vector<16xf32>,
    tpu.vector_store %arg15[%swap3A_67], %broadcast_in_dim3A_3 {strides = array<i32>} : memref<640xf32, #tpu.memory_space<vmem>>, vector<16xf32>,
    %swap3A_69 = arith.constant 528 : index
    %swap3A_70 = tpu.vector_load %arg15[%swap3A_69] {strides = array<i32>} : memref<640xf32, #tpu.memory_space<vmem>>, vector<16xf32>,
    tpu.vector_store %arg15[%swap3A_69], %broadcast_in_dim3A_3 {strides = array<i32>} : memref<640xf32, #tpu.memory_space<vmem>>, vector<16xf32>,
    %swap3A_71 = arith.constant 544 : index
    %swap3A_72 = tpu.vector_load %arg15[%swap3A_71] {strides = array<i32>} : memref<640xf32, #tpu.memory_space<vmem>>, vector<16xf32>,
    tpu.vector_store %arg15[%swap3A_71], %broadcast_in_dim3A_3 {strides = array<i32>} : memref<640xf32, #tpu.memory_space<vmem>>, vector<16xf32>,
    %swap3A_73 = arith.constant 560 : index
    %swap3A_74 = tpu.vector_load %arg15[%swap3A_73] {strides = array<i32>} : memref<640xf32, #tpu.memory_space<vmem>>, vector<16xf32>,
    tpu.vector_store %arg15[%swap3A_73], %broadcast_in_dim3A_3 {strides = array<i32>} : memref<640xf32, #tpu.memory_space<vmem>>, vector<16xf32>,
    %swap3A_75 = arith.constant 576 : index
    %swap3A_76 = tpu.vector_load %arg15[%swap3A_75] {strides = array<i32>} : memref<640xf32, #tpu.memory_space<vmem>>, vector<16xf32>,
    tpu.vector_store %arg15[%swap3A_75], %broadcast_in_dim3A_3 {strides = array<i32>} : memref<640xf32, #tpu.memory_space<vmem>>, vector<16xf32>,
    %swap3A_77 = arith.constant 592 : index
    %swap3A_78 = tpu.vector_load %arg15[%swap3A_77] {strides = array<i32>} : memref<640xf32, #tpu.memory_space<vmem>>, vector<16xf32>,
    tpu.vector_store %arg15[%swap3A_77], %broadcast_in_dim3A_3 {strides = array<i32>} : memref<640xf32, #tpu.memory_space<vmem>>, vector<16xf32>,
    %swap3A_79 = arith.constant 608 : index
    %swap3A_80 = tpu.vector_load %arg15[%swap3A_79] {strides = array<i32>} : memref<640xf32, #tpu.memory_space<vmem>>, vector<16xf32>,
    tpu.vector_store %arg15[%swap3A_79], %broadcast_in_dim3A_3 {strides = array<i32>} : memref<640xf32, #tpu.memory_space<vmem>>, vector<16xf32>,
    %swap3A_81 = arith.constant 624 : index
    %swap3A_82 = tpu.vector_load %arg15[%swap3A_81] {strides = array<i32>} : memref<640xf32, #tpu.memory_space<vmem>>, vector<16xf32>,
    tpu.vector_store %arg15[%swap3A_81], %broadcast_in_dim3A_3 {strides = array<i32>} : memref<640xf32, #tpu.memory_space<vmem>>, vector<16xf32>,
    %mul3A_83 = arith.constant 640 : i32
    %mul3A_84 = arith.muli %arg1, %mul3A_83 : i32
    "tpu.region"() ({
      %run_scoped3A = tpu.sem_alloc : memref<!tpu.dma_semaphore, #tpu.memory_space<semaphore_mem>>
      %dma_start3A = tpu.memref_slice %arg16[%mul3A_84] : memref<10240xf32, #tpu.memory_space<vmem_shared>> -> memref<640xf32, #tpu.memory_space<vmem_shared>>
      %dma_start3A_94 = tpu.memref_slice %arg16[%mul3A_84] : memref<10240xf32, #tpu.memory_space<vmem_shared>> -> memref<640xf32, #tpu.memory_space<vmem_shared>>
      tpu.enqueue_dma source(%arg15 : memref<640xf32, #tpu.memory_space<vmem>>) target(%dma_start3A_94 : memref<640xf32, #tpu.memory_space<vmem_shared>>) target_semaphore(%run_scoped3A : memref<!tpu.dma_semaphore, #tpu.memory_space<semaphore_mem>>)
      %dma_wait3A = tpu.memref_slice %arg16[%mul3A_84] : memref<10240xf32, #tpu.memory_space<vmem_shared>> -> memref<640xf32, #tpu.memory_space<vmem_shared>>
      %dma_wait3A_95 = tpu.memref_slice %arg16[%mul3A_84] : memref<10240xf32, #tpu.memory_space<vmem_shared>> -> memref<640xf32, #tpu.memory_space<vmem_shared>>
      tpu.wait_dma2 semaphore(%run_scoped3A : memref<!tpu.dma_semaphore, #tpu.memory_space<semaphore_mem>>) src(%arg15 : memref<640xf32, #tpu.memory_space<vmem>>) dst(%dma_wait3A_95 : memref<640xf32, #tpu.memory_space<vmem_shared>>)
      tpu.yield
    }) : () -> ()
    %barrier3A = arith.constant 0 : index
    tpu.barrier barrier_id(%barrier3A)
    %get3A = arith.constant 0 : index
    %get3A_85 = tpu.vector_load %arg14[%get3A] {strides = array<i32>} : memref<16xf32, #tpu.memory_space<vmem>>, vector<16xf32>,
    %scan3A = arith.constant 0 : i32
    %scan3A_86 = arith.constant 0 : i32
    %scan3A_87 = arith.constant 80 : i32
    %scan3A_88 = arith.addi %scan3A_86, %scan3A_87 : i32
    %scan3A_89 = arith.constant 1 : i32
    scf.for %scan3A_94 = %scan3A_86 to %scan3A_88 step %scan3A_89  : i32 {
      %get3A_95 = arith.index_cast %scan3A_94 : i32 to index
      %get3A_96 = arith.constant 0 : index
      %get3A_97 = tpu.vector_load %arg11[%get3A_95, %get3A_96] {strides = array<i32>} : memref<80x128xi32, #tpu.memory_space<vmem>>, vector<16xi32>,
      %get3A_98 = arith.index_cast %scan3A_94 : i32 to index
      %get3A_99 = arith.constant 0 : index
      %get3A_100 = tpu.vector_load %arg12[%get3A_98, %get3A_99] {strides = array<i32>} : memref<80x128xi32, #tpu.memory_space<vmem>>, vector<16xi32>,
      %gather3A = tpu.vector_load_idx %arg9[%get3A_97] : memref<10240xf32, #tpu.memory_space<vmem>>[vector<16xi32>], vector<16xf32>,
      %gather3A_101 = tpu.vector_load_idx %arg10[%get3A_100] : memref<10240xf32, #tpu.memory_space<vmem>>[vector<16xi32>], vector<16xf32>,
      %add3A_102 = arith.addf %gather3A, %gather3A_101 : vector<16xf32>
      %ge3A = arith.constant 0.000000e+00 : f32
      %ge3A_103 = vector.broadcast %ge3A : f32 to vector<16xf32>
      %ge3A_104 = arith.cmpf oge, %add3A_102, %ge3A_103 : vector<16xf32>
      %mul3A_105 = arith.constant 2.000000e-01 : f32
      %mul3A_106 = vector.broadcast %mul3A_105 : f32 to vector<16xf32>
      %mul3A_107 = arith.mulf %mul3A_106, %add3A_102 : vector<16xf32>
      %select_n3A = arith.select %ge3A_104, %add3A_102, %mul3A_107 : vector<16xi1>, vector<16xf32>
      %sub3A = arith.subf %select_n3A, %get3A_85 : vector<16xf32>
      %exp3A = math.exp %sub3A : vector<16xf32>
      %swap3A_108 = arith.index_cast %scan3A_94 : i32 to index
      %swap3A_109 = arith.constant 0 : index
      %swap3A_110 = tpu.vector_load %arg13[%swap3A_108, %swap3A_109] {strides = array<i32>} : memref<80x128xf32, #tpu.memory_space<vmem>>, vector<16xf32>,
      tpu.vector_store %arg13[%swap3A_108, %swap3A_109], %exp3A {strides = array<i32>} : memref<80x128xf32, #tpu.memory_space<vmem>>, vector<16xf32>,
      %get3A_111 = arith.index_cast %scan3A_94 : i32 to index
      %get3A_112 = arith.constant 16 : index
      %get3A_113 = tpu.vector_load %arg11[%get3A_111, %get3A_112] {strides = array<i32>} : memref<80x128xi32, #tpu.memory_space<vmem>>, vector<16xi32>,
      %get3A_114 = arith.index_cast %scan3A_94 : i32 to index
      %get3A_115 = arith.constant 16 : index
      %get3A_116 = tpu.vector_load %arg12[%get3A_114, %get3A_115] {strides = array<i32>} : memref<80x128xi32, #tpu.memory_space<vmem>>, vector<16xi32>,
      %gather3A_117 = tpu.vector_load_idx %arg9[%get3A_113] : memref<10240xf32, #tpu.memory_space<vmem>>[vector<16xi32>], vector<16xf32>,
      %gather3A_118 = tpu.vector_load_idx %arg10[%get3A_116] : memref<10240xf32, #tpu.memory_space<vmem>>[vector<16xi32>], vector<16xf32>,
      %add3A_119 = arith.addf %gather3A_117, %gather3A_118 : vector<16xf32>
      %ge3A_120 = arith.constant 0.000000e+00 : f32
      %ge3A_121 = vector.broadcast %ge3A_120 : f32 to vector<16xf32>
      %ge3A_122 = arith.cmpf oge, %add3A_119, %ge3A_121 : vector<16xf32>
      %mul3A_123 = arith.constant 2.000000e-01 : f32
      %mul3A_124 = vector.broadcast %mul3A_123 : f32 to vector<16xf32>
      %mul3A_125 = arith.mulf %mul3A_124, %add3A_119 : vector<16xf32>
      %select_n3A_126 = arith.select %ge3A_122, %add3A_119, %mul3A_125 : vector<16xi1>, vector<16xf32>
      %sub3A_127 = arith.subf %select_n3A_126, %get3A_85 : vector<16xf32>
      %exp3A_128 = math.exp %sub3A_127 : vector<16xf32>
      %swap3A_129 = arith.index_cast %scan3A_94 : i32 to index
      %swap3A_130 = arith.constant 16 : index
      %swap3A_131 = tpu.vector_load %arg13[%swap3A_129, %swap3A_130] {strides = array<i32>} : memref<80x128xf32, #tpu.memory_space<vmem>>, vector<16xf32>,
      tpu.vector_store %arg13[%swap3A_129, %swap3A_130], %exp3A_128 {strides = array<i32>} : memref<80x128xf32, #tpu.memory_space<vmem>>, vector<16xf32>,
      %get3A_132 = arith.index_cast %scan3A_94 : i32 to index
      %get3A_133 = arith.constant 32 : index
      %get3A_134 = tpu.vector_load %arg11[%get3A_132, %get3A_133] {strides = array<i32>} : memref<80x128xi32, #tpu.memory_space<vmem>>, vector<16xi32>,
      %get3A_135 = arith.index_cast %scan3A_94 : i32 to index
      %get3A_136 = arith.constant 32 : index
      %get3A_137 = tpu.vector_load %arg12[%get3A_135, %get3A_136] {strides = array<i32>} : memref<80x128xi32, #tpu.memory_space<vmem>>, vector<16xi32>,
      %gather3A_138 = tpu.vector_load_idx %arg9[%get3A_134] : memref<10240xf32, #tpu.memory_space<vmem>>[vector<16xi32>], vector<16xf32>,
      %gather3A_139 = tpu.vector_load_idx %arg10[%get3A_137] : memref<10240xf32, #tpu.memory_space<vmem>>[vector<16xi32>], vector<16xf32>,
      %add3A_140 = arith.addf %gather3A_138, %gather3A_139 : vector<16xf32>
      %ge3A_141 = arith.constant 0.000000e+00 : f32
      %ge3A_142 = vector.broadcast %ge3A_141 : f32 to vector<16xf32>
      %ge3A_143 = arith.cmpf oge, %add3A_140, %ge3A_142 : vector<16xf32>
      %mul3A_144 = arith.constant 2.000000e-01 : f32
      %mul3A_145 = vector.broadcast %mul3A_144 : f32 to vector<16xf32>
      %mul3A_146 = arith.mulf %mul3A_145, %add3A_140 : vector<16xf32>
      %select_n3A_147 = arith.select %ge3A_143, %add3A_140, %mul3A_146 : vector<16xi1>, vector<16xf32>
      %sub3A_148 = arith.subf %select_n3A_147, %get3A_85 : vector<16xf32>
      %exp3A_149 = math.exp %sub3A_148 : vector<16xf32>
      %swap3A_150 = arith.index_cast %scan3A_94 : i32 to index
      %swap3A_151 = arith.constant 32 : index
      %swap3A_152 = tpu.vector_load %arg13[%swap3A_150, %swap3A_151] {strides = array<i32>} : memref<80x128xf32, #tpu.memory_space<vmem>>, vector<16xf32>,
      tpu.vector_store %arg13[%swap3A_150, %swap3A_151], %exp3A_149 {strides = array<i32>} : memref<80x128xf32, #tpu.memory_space<vmem>>, vector<16xf32>,
      %get3A_153 = arith.index_cast %scan3A_94 : i32 to index
      %get3A_154 = arith.constant 48 : index
      %get3A_155 = tpu.vector_load %arg11[%get3A_153, %get3A_154] {strides = array<i32>} : memref<80x128xi32, #tpu.memory_space<vmem>>, vector<16xi32>,
      %get3A_156 = arith.index_cast %scan3A_94 : i32 to index
      %get3A_157 = arith.constant 48 : index
      %get3A_158 = tpu.vector_load %arg12[%get3A_156, %get3A_157] {strides = array<i32>} : memref<80x128xi32, #tpu.memory_space<vmem>>, vector<16xi32>,
      %gather3A_159 = tpu.vector_load_idx %arg9[%get3A_155] : memref<10240xf32, #tpu.memory_space<vmem>>[vector<16xi32>], vector<16xf32>,
      %gather3A_160 = tpu.vector_load_idx %arg10[%get3A_158] : memref<10240xf32, #tpu.memory_space<vmem>>[vector<16xi32>], vector<16xf32>,
      %add3A_161 = arith.addf %gather3A_159, %gather3A_160 : vector<16xf32>
      %ge3A_162 = arith.constant 0.000000e+00 : f32
      %ge3A_163 = vector.broadcast %ge3A_162 : f32 to vector<16xf32>
      %ge3A_164 = arith.cmpf oge, %add3A_161, %ge3A_163 : vector<16xf32>
      %mul3A_165 = arith.constant 2.000000e-01 : f32
      %mul3A_166 = vector.broadcast %mul3A_165 : f32 to vector<16xf32>
      %mul3A_167 = arith.mulf %mul3A_166, %add3A_161 : vector<16xf32>
      %select_n3A_168 = arith.select %ge3A_164, %add3A_161, %mul3A_167 : vector<16xi1>, vector<16xf32>
      %sub3A_169 = arith.subf %select_n3A_168, %get3A_85 : vector<16xf32>
      %exp3A_170 = math.exp %sub3A_169 : vector<16xf32>
      %swap3A_171 = arith.index_cast %scan3A_94 : i32 to index
      %swap3A_172 = arith.constant 48 : index
      %swap3A_173 = tpu.vector_load %arg13[%swap3A_171, %swap3A_172] {strides = array<i32>} : memref<80x128xf32, #tpu.memory_space<vmem>>, vector<16xf32>,
      tpu.vector_store %arg13[%swap3A_171, %swap3A_172], %exp3A_170 {strides = array<i32>} : memref<80x128xf32, #tpu.memory_space<vmem>>, vector<16xf32>,
      %get3A_174 = arith.index_cast %scan3A_94 : i32 to index
      %get3A_175 = arith.constant 64 : index
      %get3A_176 = tpu.vector_load %arg11[%get3A_174, %get3A_175] {strides = array<i32>} : memref<80x128xi32, #tpu.memory_space<vmem>>, vector<16xi32>,
      %get3A_177 = arith.index_cast %scan3A_94 : i32 to index
      %get3A_178 = arith.constant 64 : index
      %get3A_179 = tpu.vector_load %arg12[%get3A_177, %get3A_178] {strides = array<i32>} : memref<80x128xi32, #tpu.memory_space<vmem>>, vector<16xi32>,
      %gather3A_180 = tpu.vector_load_idx %arg9[%get3A_176] : memref<10240xf32, #tpu.memory_space<vmem>>[vector<16xi32>], vector<16xf32>,
      %gather3A_181 = tpu.vector_load_idx %arg10[%get3A_179] : memref<10240xf32, #tpu.memory_space<vmem>>[vector<16xi32>], vector<16xf32>,
      %add3A_182 = arith.addf %gather3A_180, %gather3A_181 : vector<16xf32>
      %ge3A_183 = arith.constant 0.000000e+00 : f32
      %ge3A_184 = vector.broadcast %ge3A_183 : f32 to vector<16xf32>
      %ge3A_185 = arith.cmpf oge, %add3A_182, %ge3A_184 : vector<16xf32>
      %mul3A_186 = arith.constant 2.000000e-01 : f32
      %mul3A_187 = vector.broadcast %mul3A_186 : f32 to vector<16xf32>
      %mul3A_188 = arith.mulf %mul3A_187, %add3A_182 : vector<16xf32>
      %select_n3A_189 = arith.select %ge3A_185, %add3A_182, %mul3A_188 : vector<16xi1>, vector<16xf32>
      %sub3A_190 = arith.subf %select_n3A_189, %get3A_85 : vector<16xf32>
      %exp3A_191 = math.exp %sub3A_190 : vector<16xf32>
      %swap3A_192 = arith.index_cast %scan3A_94 : i32 to index
      %swap3A_193 = arith.constant 64 : index
      %swap3A_194 = tpu.vector_load %arg13[%swap3A_192, %swap3A_193] {strides = array<i32>} : memref<80x128xf32, #tpu.memory_space<vmem>>, vector<16xf32>,
      tpu.vector_store %arg13[%swap3A_192, %swap3A_193], %exp3A_191 {strides = array<i32>} : memref<80x128xf32, #tpu.memory_space<vmem>>, vector<16xf32>,
      %get3A_195 = arith.index_cast %scan3A_94 : i32 to index
      %get3A_196 = arith.constant 80 : index
      %get3A_197 = tpu.vector_load %arg11[%get3A_195, %get3A_196] {strides = array<i32>} : memref<80x128xi32, #tpu.memory_space<vmem>>, vector<16xi32>,
      %get3A_198 = arith.index_cast %scan3A_94 : i32 to index
      %get3A_199 = arith.constant 80 : index
      %get3A_200 = tpu.vector_load %arg12[%get3A_198, %get3A_199] {strides = array<i32>} : memref<80x128xi32, #tpu.memory_space<vmem>>, vector<16xi32>,
      %gather3A_201 = tpu.vector_load_idx %arg9[%get3A_197] : memref<10240xf32, #tpu.memory_space<vmem>>[vector<16xi32>], vector<16xf32>,
      %gather3A_202 = tpu.vector_load_idx %arg10[%get3A_200] : memref<10240xf32, #tpu.memory_space<vmem>>[vector<16xi32>], vector<16xf32>,
      %add3A_203 = arith.addf %gather3A_201, %gather3A_202 : vector<16xf32>
      %ge3A_204 = arith.constant 0.000000e+00 : f32
      %ge3A_205 = vector.broadcast %ge3A_204 : f32 to vector<16xf32>
      %ge3A_206 = arith.cmpf oge, %add3A_203, %ge3A_205 : vector<16xf32>
      %mul3A_207 = arith.constant 2.000000e-01 : f32
      %mul3A_208 = vector.broadcast %mul3A_207 : f32 to vector<16xf32>
      %mul3A_209 = arith.mulf %mul3A_208, %add3A_203 : vector<16xf32>
      %select_n3A_210 = arith.select %ge3A_206, %add3A_203, %mul3A_209 : vector<16xi1>, vector<16xf32>
      %sub3A_211 = arith.subf %select_n3A_210, %get3A_85 : vector<16xf32>
      %exp3A_212 = math.exp %sub3A_211 : vector<16xf32>
      %swap3A_213 = arith.index_cast %scan3A_94 : i32 to index
      %swap3A_214 = arith.constant 80 : index
      %swap3A_215 = tpu.vector_load %arg13[%swap3A_213, %swap3A_214] {strides = array<i32>} : memref<80x128xf32, #tpu.memory_space<vmem>>, vector<16xf32>,
      tpu.vector_store %arg13[%swap3A_213, %swap3A_214], %exp3A_212 {strides = array<i32>} : memref<80x128xf32, #tpu.memory_space<vmem>>, vector<16xf32>,
      %get3A_216 = arith.index_cast %scan3A_94 : i32 to index
      %get3A_217 = arith.constant 96 : index
      %get3A_218 = tpu.vector_load %arg11[%get3A_216, %get3A_217] {strides = array<i32>} : memref<80x128xi32, #tpu.memory_space<vmem>>, vector<16xi32>,
      %get3A_219 = arith.index_cast %scan3A_94 : i32 to index
      %get3A_220 = arith.constant 96 : index
      %get3A_221 = tpu.vector_load %arg12[%get3A_219, %get3A_220] {strides = array<i32>} : memref<80x128xi32, #tpu.memory_space<vmem>>, vector<16xi32>,
      %gather3A_222 = tpu.vector_load_idx %arg9[%get3A_218] : memref<10240xf32, #tpu.memory_space<vmem>>[vector<16xi32>], vector<16xf32>,
      %gather3A_223 = tpu.vector_load_idx %arg10[%get3A_221] : memref<10240xf32, #tpu.memory_space<vmem>>[vector<16xi32>], vector<16xf32>,
      %add3A_224 = arith.addf %gather3A_222, %gather3A_223 : vector<16xf32>
      %ge3A_225 = arith.constant 0.000000e+00 : f32
      %ge3A_226 = vector.broadcast %ge3A_225 : f32 to vector<16xf32>
      %ge3A_227 = arith.cmpf oge, %add3A_224, %ge3A_226 : vector<16xf32>
      %mul3A_228 = arith.constant 2.000000e-01 : f32
      %mul3A_229 = vector.broadcast %mul3A_228 : f32 to vector<16xf32>
      %mul3A_230 = arith.mulf %mul3A_229, %add3A_224 : vector<16xf32>
      %select_n3A_231 = arith.select %ge3A_227, %add3A_224, %mul3A_230 : vector<16xi1>, vector<16xf32>
      %sub3A_232 = arith.subf %select_n3A_231, %get3A_85 : vector<16xf32>
      %exp3A_233 = math.exp %sub3A_232 : vector<16xf32>
      %swap3A_234 = arith.index_cast %scan3A_94 : i32 to index
      %swap3A_235 = arith.constant 96 : index
      %swap3A_236 = tpu.vector_load %arg13[%swap3A_234, %swap3A_235] {strides = array<i32>} : memref<80x128xf32, #tpu.memory_space<vmem>>, vector<16xf32>,
      tpu.vector_store %arg13[%swap3A_234, %swap3A_235], %exp3A_233 {strides = array<i32>} : memref<80x128xf32, #tpu.memory_space<vmem>>, vector<16xf32>,
      %get3A_237 = arith.index_cast %scan3A_94 : i32 to index
      %get3A_238 = arith.constant 112 : index
      %get3A_239 = tpu.vector_load %arg11[%get3A_237, %get3A_238] {strides = array<i32>} : memref<80x128xi32, #tpu.memory_space<vmem>>, vector<16xi32>,
      %get3A_240 = arith.index_cast %scan3A_94 : i32 to index
      %get3A_241 = arith.constant 112 : index
      %get3A_242 = tpu.vector_load %arg12[%get3A_240, %get3A_241] {strides = array<i32>} : memref<80x128xi32, #tpu.memory_space<vmem>>, vector<16xi32>,
      %gather3A_243 = tpu.vector_load_idx %arg9[%get3A_239] : memref<10240xf32, #tpu.memory_space<vmem>>[vector<16xi32>], vector<16xf32>,
      %gather3A_244 = tpu.vector_load_idx %arg10[%get3A_242] : memref<10240xf32, #tpu.memory_space<vmem>>[vector<16xi32>], vector<16xf32>,
      %add3A_245 = arith.addf %gather3A_243, %gather3A_244 : vector<16xf32>
      %ge3A_246 = arith.constant 0.000000e+00 : f32
      %ge3A_247 = vector.broadcast %ge3A_246 : f32 to vector<16xf32>
      %ge3A_248 = arith.cmpf oge, %add3A_245, %ge3A_247 : vector<16xf32>
      %mul3A_249 = arith.constant 2.000000e-01 : f32
      %mul3A_250 = vector.broadcast %mul3A_249 : f32 to vector<16xf32>
      %mul3A_251 = arith.mulf %mul3A_250, %add3A_245 : vector<16xf32>
      %select_n3A_252 = arith.select %ge3A_248, %add3A_245, %mul3A_251 : vector<16xi1>, vector<16xf32>
      %sub3A_253 = arith.subf %select_n3A_252, %get3A_85 : vector<16xf32>
      %exp3A_254 = math.exp %sub3A_253 : vector<16xf32>
      %swap3A_255 = arith.index_cast %scan3A_94 : i32 to index
      %swap3A_256 = arith.constant 112 : index
      %swap3A_257 = tpu.vector_load %arg13[%swap3A_255, %swap3A_256] {strides = array<i32>} : memref<80x128xf32, #tpu.memory_space<vmem>>, vector<16xf32>,
      tpu.vector_store %arg13[%swap3A_255, %swap3A_256], %exp3A_254 {strides = array<i32>} : memref<80x128xf32, #tpu.memory_space<vmem>>, vector<16xf32>,
      "tpu.region"() ({
        %run_scoped3A = tpu.sem_alloc : memref<!tpu.dma_semaphore, #tpu.memory_space<semaphore_mem>>
        %dma_start3A = arith.constant 0 : i32
        %dma_start3A_258 = tpu.memref_slice %arg13[%scan3A_94, %dma_start3A] : memref<80x128xf32, #tpu.memory_space<vmem>> -> memref<1x128xf32, #tpu.memory_space<vmem>>
        %dma_start3A_259 = tpu.memref_squeeze %dma_start3A_258 : memref<1x128xf32, #tpu.memory_space<vmem>> -> memref<128xf32, #tpu.memory_space<vmem>>
        %dma_start3A_260 = arith.constant 0 : i32
        %dma_start3A_261 = tpu.memref_slice %arg12[%scan3A_94, %dma_start3A_260] : memref<80x128xi32, #tpu.memory_space<vmem>> -> memref<1x128xi32, #tpu.memory_space<vmem>>
        %dma_start3A_262 = tpu.memref_squeeze %dma_start3A_261 : memref<1x128xi32, #tpu.memory_space<vmem>> -> memref<128xi32, #tpu.memory_space<vmem>>
        %dma_start3A_263 = arith.constant 0 : i32
        %dma_start3A_264 = tpu.memref_slice %arg16[%dma_start3A_263] : memref<10240xf32, #tpu.memory_space<vmem_shared>> -> memref<10240xf32, #tpu.memory_space<vmem_shared>>
        tpu.enqueue_indirect_dma source(%dma_start3A_259 : memref<128xf32, #tpu.memory_space<vmem>>) target(%dma_start3A_264 : memref<10240xf32, #tpu.memory_space<vmem_shared>>) offsets(%dma_start3A_262 : memref<128xi32, #tpu.memory_space<vmem>>) semaphore(%run_scoped3A : memref<!tpu.dma_semaphore, #tpu.memory_space<semaphore_mem>>) {add = true}
        %dma_wait3A = arith.constant 0 : i32
        %dma_wait3A_265 = tpu.memref_slice %arg13[%scan3A_94, %dma_wait3A] : memref<80x128xf32, #tpu.memory_space<vmem>> -> memref<1x128xf32, #tpu.memory_space<vmem>>
        %dma_wait3A_266 = tpu.memref_squeeze %dma_wait3A_265 : memref<1x128xf32, #tpu.memory_space<vmem>> -> memref<128xf32, #tpu.memory_space<vmem>>
        %dma_wait3A_267 = arith.constant 0 : i32
        %dma_wait3A_268 = tpu.memref_slice %arg12[%scan3A_94, %dma_wait3A_267] : memref<80x128xi32, #tpu.memory_space<vmem>> -> memref<1x128xi32, #tpu.memory_space<vmem>>
        %dma_wait3A_269 = tpu.memref_squeeze %dma_wait3A_268 : memref<1x128xi32, #tpu.memory_space<vmem>> -> memref<128xi32, #tpu.memory_space<vmem>>
        %dma_wait3A_270 = arith.constant 0 : i32
        %dma_wait3A_271 = tpu.memref_slice %arg16[%dma_wait3A_270] : memref<10240xf32, #tpu.memory_space<vmem_shared>> -> memref<10240xf32, #tpu.memory_space<vmem_shared>>
        tpu.wait_indirect_dma semaphore(%run_scoped3A : memref<!tpu.dma_semaphore, #tpu.memory_space<semaphore_mem>>) src(%dma_wait3A_266 : memref<128xf32, #tpu.memory_space<vmem>>) dst(%dma_wait3A_271 : memref<10240xf32, #tpu.memory_space<vmem_shared>>)
        tpu.yield
      }) : () -> ()
    }
    %scan3A_90 = arith.constant 80 : i32
    "tpu.region"() ({
      %run_scoped3A = tpu.sem_alloc : memref<!tpu.dma_semaphore, #tpu.memory_space<semaphore_mem>>
      %dma_start3A = arith.constant 0 : i32
      %dma_start3A_94 = tpu.memref_slice %arg7[%mul3A_2, %dma_start3A] : memref<2560x128xf32, #tpu.memory_space<hbm>> -> memref<80x128xf32, #tpu.memory_space<hbm>>
      %dma_start3A_95 = arith.constant 0 : i32
      %dma_start3A_96 = tpu.memref_slice %arg7[%mul3A_2, %dma_start3A_95] : memref<2560x128xf32, #tpu.memory_space<hbm>> -> memref<80x128xf32, #tpu.memory_space<hbm>>
      tpu.enqueue_dma source(%arg13 : memref<80x128xf32, #tpu.memory_space<vmem>>) target(%dma_start3A_96 : memref<80x128xf32, #tpu.memory_space<hbm>>) target_semaphore(%run_scoped3A : memref<!tpu.dma_semaphore, #tpu.memory_space<semaphore_mem>>)
      %dma_wait3A = arith.constant 0 : i32
      %dma_wait3A_97 = tpu.memref_slice %arg7[%mul3A_2, %dma_wait3A] : memref<2560x128xf32, #tpu.memory_space<hbm>> -> memref<80x128xf32, #tpu.memory_space<hbm>>
      %dma_wait3A_98 = arith.constant 0 : i32
      %dma_wait3A_99 = tpu.memref_slice %arg7[%mul3A_2, %dma_wait3A_98] : memref<2560x128xf32, #tpu.memory_space<hbm>> -> memref<80x128xf32, #tpu.memory_space<hbm>>
      tpu.wait_dma2 semaphore(%run_scoped3A : memref<!tpu.dma_semaphore, #tpu.memory_space<semaphore_mem>>) src(%arg13 : memref<80x128xf32, #tpu.memory_space<vmem>>) dst(%dma_wait3A_99 : memref<80x128xf32, #tpu.memory_space<hbm>>)
      tpu.yield
    }) : () -> ()
    %barrier3A_91 = arith.constant 0 : index
    tpu.barrier barrier_id(%barrier3A_91)
    %eq3A = arith.constant 0 : i32
    %eq3A_92 = arith.cmpi eq, %arg1, %eq3A : i32
    %convert_element_type3A = arith.extui %eq3A_92 : i1 to i32
    %cond3A = arith.constant 0 : i32
    %cond3A_93 = arith.cmpi ne, %convert_element_type3A, %cond3A : i32
    scf.if %cond3A_93 {
      "tpu.region"() ({
        %run_scoped3A = tpu.sem_alloc : memref<!tpu.dma_semaphore, #tpu.memory_space<semaphore_mem>>
        %dma_start3A = arith.constant 0 : i32
        %dma_start3A_94 = tpu.memref_slice %arg8[%arg0, %dma_start3A] : memref<2x10240xf32, #tpu.memory_space<hbm>> -> memref<1x10240xf32, #tpu.memory_space<hbm>>
        %dma_start3A_95 = tpu.memref_squeeze %dma_start3A_94 : memref<1x10240xf32, #tpu.memory_space<hbm>> -> memref<10240xf32, #tpu.memory_space<hbm>>
        tpu.enqueue_dma source(%arg16 : memref<10240xf32, #tpu.memory_space<vmem_shared>>) target(%dma_start3A_95 : memref<10240xf32, #tpu.memory_space<hbm>>) target_semaphore(%run_scoped3A : memref<!tpu.dma_semaphore, #tpu.memory_space<semaphore_mem>>)
        %dma_wait3A = arith.constant 0 : i32
        %dma_wait3A_96 = tpu.memref_slice %arg8[%arg0, %dma_wait3A] : memref<2x10240xf32, #tpu.memory_space<hbm>> -> memref<1x10240xf32, #tpu.memory_space<hbm>>
        %dma_wait3A_97 = tpu.memref_squeeze %dma_wait3A_96 : memref<1x10240xf32, #tpu.memory_space<hbm>> -> memref<10240xf32, #tpu.memory_space<hbm>>
        tpu.wait_dma2 semaphore(%run_scoped3A : memref<!tpu.dma_semaphore, #tpu.memory_space<semaphore_mem>>) src(%arg16 : memref<10240xf32, #tpu.memory_space<vmem_shared>>) dst(%dma_wait3A_97 : memref<10240xf32, #tpu.memory_space<hbm>>)
        tpu.yield
      }) : () -> ()
    } else {
    }
    return
  }
}

#map = affine_map<(d0, d1) -> (0)>
#map1 = affine_map<(d0, d1) -> (0, 0)>
module attributes {stable_mosaic.version = 14 : i64} {
  func.func @_att_body(%arg0: i32, %arg1: i32, %arg2: memref<10240xf32, #tpu.memory_space<hbm>>, %arg3: memref<10240xf32, #tpu.memory_space<hbm>>, %arg4: memref<2560x128xi32, #tpu.memory_space<hbm>>, %arg5: memref<2560x128xi32, #tpu.memory_space<hbm>>, %arg6: memref<16xf32, #tpu.memory_space<hbm>>, %arg7: memref<2560x128xf32, #tpu.memory_space<hbm>>, %arg8: memref<2x10240xf32, #tpu.memory_space<hbm>>, %arg9: memref<10240xf32, #tpu.memory_space<vmem>>, %arg10: memref<10240xf32, #tpu.memory_space<vmem>>, %arg11: memref<80x128xi32, #tpu.memory_space<vmem>>, %arg12: memref<80x128xi32, #tpu.memory_space<vmem>>, %arg13: memref<80x128xf32, #tpu.memory_space<vmem>>, %arg14: memref<16xf32, #tpu.memory_space<vmem>>, %arg15: memref<640xf32, #tpu.memory_space<vmem>>, %arg16: memref<10240xf32, #tpu.memory_space<vmem_shared>>) attributes {dimension_semantics = [#tpu.dimension_semantics<core_parallel>, #tpu.dimension_semantics<subcore_parallel>], iteration_bounds = array<i64: 2, 16>, scalar_prefetch = 0 : i64, scratch_operands = 8 : i64, tpu.core_type = #tpu.core_type<sc_vector_subcore>, window_params = [{transform_indices = #map}, {transform_indices = #map}, {transform_indices = #map1}, {transform_indices = #map1}, {transform_indices = #map}, {transform_indices = #map1}, {transform_indices = #map1}]} {
    %mul3A = arith.constant 16 : i32
    %mul3A_0 = arith.muli %arg0, %mul3A : i32
    %add3A = arith.addi %mul3A_0, %arg1 : i32
    %mul3A_1 = arith.constant 80 : i32
    %mul3A_2 = arith.muli %add3A, %mul3A_1 : i32
    "tpu.region"() ({
      %run_scoped3A = tpu.sem_alloc : memref<!tpu.dma_semaphore, #tpu.memory_space<semaphore_mem>>
      tpu.enqueue_dma source(%arg2 : memref<10240xf32, #tpu.memory_space<hbm>>) target(%arg9 : memref<10240xf32, #tpu.memory_space<vmem>>) target_semaphore(%run_scoped3A : memref<!tpu.dma_semaphore, #tpu.memory_space<semaphore_mem>>)
      tpu.wait_dma2 semaphore(%run_scoped3A : memref<!tpu.dma_semaphore, #tpu.memory_space<semaphore_mem>>) src(%arg2 : memref<10240xf32, #tpu.memory_space<hbm>>) dst(%arg9 : memref<10240xf32, #tpu.memory_space<vmem>>)
      tpu.yield
    }) : () -> ()
    "tpu.region"() ({
      %run_scoped3A = tpu.sem_alloc : memref<!tpu.dma_semaphore, #tpu.memory_space<semaphore_mem>>
      tpu.enqueue_dma source(%arg3 : memref<10240xf32, #tpu.memory_space<hbm>>) target(%arg10 : memref<10240xf32, #tpu.memory_space<vmem>>) target_semaphore(%run_scoped3A : memref<!tpu.dma_semaphore, #tpu.memory_space<semaphore_mem>>)
      tpu.wait_dma2 semaphore(%run_scoped3A : memref<!tpu.dma_semaphore, #tpu.memory_space<semaphore_mem>>) src(%arg3 : memref<10240xf32, #tpu.memory_space<hbm>>) dst(%arg10 : memref<10240xf32, #tpu.memory_space<vmem>>)
      tpu.yield
    }) : () -> ()
    "tpu.region"() ({
      %run_scoped3A = tpu.sem_alloc : memref<!tpu.dma_semaphore, #tpu.memory_space<semaphore_mem>>
      tpu.enqueue_dma source(%arg6 : memref<16xf32, #tpu.memory_space<hbm>>) target(%arg14 : memref<16xf32, #tpu.memory_space<vmem>>) target_semaphore(%run_scoped3A : memref<!tpu.dma_semaphore, #tpu.memory_space<semaphore_mem>>)
      tpu.wait_dma2 semaphore(%run_scoped3A : memref<!tpu.dma_semaphore, #tpu.memory_space<semaphore_mem>>) src(%arg6 : memref<16xf32, #tpu.memory_space<hbm>>) dst(%arg14 : memref<16xf32, #tpu.memory_space<vmem>>)
      tpu.yield
    }) : () -> ()
    "tpu.region"() ({
      %run_scoped3A = tpu.sem_alloc : memref<!tpu.dma_semaphore, #tpu.memory_space<semaphore_mem>>
      %dma_start3A = arith.constant 0 : i32
      %dma_start3A_94 = tpu.memref_slice %arg4[%mul3A_2, %dma_start3A] : memref<2560x128xi32, #tpu.memory_space<hbm>> -> memref<80x128xi32, #tpu.memory_space<hbm>>
      %dma_start3A_95 = arith.constant 0 : i32
      %dma_start3A_96 = tpu.memref_slice %arg4[%mul3A_2, %dma_start3A_95] : memref<2560x128xi32, #tpu.memory_space<hbm>> -> memref<80x128xi32, #tpu.memory_space<hbm>>
      tpu.enqueue_dma source(%dma_start3A_96 : memref<80x128xi32, #tpu.memory_space<hbm>>) target(%arg11 : memref<80x128xi32, #tpu.memory_space<vmem>>) target_semaphore(%run_scoped3A : memref<!tpu.dma_semaphore, #tpu.memory_space<semaphore_mem>>)
      %dma_wait3A = arith.constant 0 : i32
      %dma_wait3A_97 = tpu.memref_slice %arg4[%mul3A_2, %dma_wait3A] : memref<2560x128xi32, #tpu.memory_space<hbm>> -> memref<80x128xi32, #tpu.memory_space<hbm>>
      %dma_wait3A_98 = arith.constant 0 : i32
      %dma_wait3A_99 = tpu.memref_slice %arg4[%mul3A_2, %dma_wait3A_98] : memref<2560x128xi32, #tpu.memory_space<hbm>> -> memref<80x128xi32, #tpu.memory_space<hbm>>
      tpu.wait_dma2 semaphore(%run_scoped3A : memref<!tpu.dma_semaphore, #tpu.memory_space<semaphore_mem>>) src(%dma_wait3A_99 : memref<80x128xi32, #tpu.memory_space<hbm>>) dst(%arg11 : memref<80x128xi32, #tpu.memory_space<vmem>>)
      tpu.yield
    }) : () -> ()
    "tpu.region"() ({
      %run_scoped3A = tpu.sem_alloc : memref<!tpu.dma_semaphore, #tpu.memory_space<semaphore_mem>>
      %dma_start3A = arith.constant 0 : i32
      %dma_start3A_94 = tpu.memref_slice %arg5[%mul3A_2, %dma_start3A] : memref<2560x128xi32, #tpu.memory_space<hbm>> -> memref<80x128xi32, #tpu.memory_space<hbm>>
      %dma_start3A_95 = arith.constant 0 : i32
      %dma_start3A_96 = tpu.memref_slice %arg5[%mul3A_2, %dma_start3A_95] : memref<2560x128xi32, #tpu.memory_space<hbm>> -> memref<80x128xi32, #tpu.memory_space<hbm>>
      tpu.enqueue_dma source(%dma_start3A_96 : memref<80x128xi32, #tpu.memory_space<hbm>>) target(%arg12 : memref<80x128xi32, #tpu.memory_space<vmem>>) target_semaphore(%run_scoped3A : memref<!tpu.dma_semaphore, #tpu.memory_space<semaphore_mem>>)
      %dma_wait3A = arith.constant 0 : i32
      %dma_wait3A_97 = tpu.memref_slice %arg5[%mul3A_2, %dma_wait3A] : memref<2560x128xi32, #tpu.memory_space<hbm>> -> memref<80x128xi32, #tpu.memory_space<hbm>>
      %dma_wait3A_98 = arith.constant 0 : i32
      %dma_wait3A_99 = tpu.memref_slice %arg5[%mul3A_2, %dma_wait3A_98] : memref<2560x128xi32, #tpu.memory_space<hbm>> -> memref<80x128xi32, #tpu.memory_space<hbm>>
      tpu.wait_dma2 semaphore(%run_scoped3A : memref<!tpu.dma_semaphore, #tpu.memory_space<semaphore_mem>>) src(%dma_wait3A_99 : memref<80x128xi32, #tpu.memory_space<hbm>>) dst(%arg12 : memref<80x128xi32, #tpu.memory_space<vmem>>)
      tpu.yield
    }) : () -> ()
    %broadcast_in_dim3A = arith.constant 0.000000e+00 : f32
    %broadcast_in_dim3A_3 = vector.broadcast %broadcast_in_dim3A : f32 to vector<16xf32>
    %swap3A = arith.constant 0 : index
    %swap3A_4 = tpu.vector_load %arg15[%swap3A] {strides = array<i32>} : memref<640xf32, #tpu.memory_space<vmem>>, vector<16xf32>,
    tpu.vector_store %arg15[%swap3A], %broadcast_in_dim3A_3 {strides = array<i32>} : memref<640xf32, #tpu.memory_space<vmem>>, vector<16xf32>,
    %swap3A_5 = arith.constant 16 : index
    %swap3A_6 = tpu.vector_load %arg15[%swap3A_5] {strides = array<i32>} : memref<640xf32, #tpu.memory_space<vmem>>, vector<16xf32>,
    tpu.vector_store %arg15[%swap3A_5], %broadcast_in_dim3A_3 {strides = array<i32>} : memref<640xf32, #tpu.memory_space<vmem>>, vector<16xf32>,
    %swap3A_7 = arith.constant 32 : index
    %swap3A_8 = tpu.vector_load %arg15[%swap3A_7] {strides = array<i32>} : memref<640xf32, #tpu.memory_space<vmem>>, vector<16xf32>,
    tpu.vector_store %arg15[%swap3A_7], %broadcast_in_dim3A_3 {strides = array<i32>} : memref<640xf32, #tpu.memory_space<vmem>>, vector<16xf32>,
    %swap3A_9 = arith.constant 48 : index
    %swap3A_10 = tpu.vector_load %arg15[%swap3A_9] {strides = array<i32>} : memref<640xf32, #tpu.memory_space<vmem>>, vector<16xf32>,
    tpu.vector_store %arg15[%swap3A_9], %broadcast_in_dim3A_3 {strides = array<i32>} : memref<640xf32, #tpu.memory_space<vmem>>, vector<16xf32>,
    %swap3A_11 = arith.constant 64 : index
    %swap3A_12 = tpu.vector_load %arg15[%swap3A_11] {strides = array<i32>} : memref<640xf32, #tpu.memory_space<vmem>>, vector<16xf32>,
    tpu.vector_store %arg15[%swap3A_11], %broadcast_in_dim3A_3 {strides = array<i32>} : memref<640xf32, #tpu.memory_space<vmem>>, vector<16xf32>,
    %swap3A_13 = arith.constant 80 : index
    %swap3A_14 = tpu.vector_load %arg15[%swap3A_13] {strides = array<i32>} : memref<640xf32, #tpu.memory_space<vmem>>, vector<16xf32>,
    tpu.vector_store %arg15[%swap3A_13], %broadcast_in_dim3A_3 {strides = array<i32>} : memref<640xf32, #tpu.memory_space<vmem>>, vector<16xf32>,
    %swap3A_15 = arith.constant 96 : index
    %swap3A_16 = tpu.vector_load %arg15[%swap3A_15] {strides = array<i32>} : memref<640xf32, #tpu.memory_space<vmem>>, vector<16xf32>,
    tpu.vector_store %arg15[%swap3A_15], %broadcast_in_dim3A_3 {strides = array<i32>} : memref<640xf32, #tpu.memory_space<vmem>>, vector<16xf32>,
    %swap3A_17 = arith.constant 112 : index
    %swap3A_18 = tpu.vector_load %arg15[%swap3A_17] {strides = array<i32>} : memref<640xf32, #tpu.memory_space<vmem>>, vector<16xf32>,
    tpu.vector_store %arg15[%swap3A_17], %broadcast_in_dim3A_3 {strides = array<i32>} : memref<640xf32, #tpu.memory_space<vmem>>, vector<16xf32>,
    %swap3A_19 = arith.constant 128 : index
    %swap3A_20 = tpu.vector_load %arg15[%swap3A_19] {strides = array<i32>} : memref<640xf32, #tpu.memory_space<vmem>>, vector<16xf32>,
    tpu.vector_store %arg15[%swap3A_19], %broadcast_in_dim3A_3 {strides = array<i32>} : memref<640xf32, #tpu.memory_space<vmem>>, vector<16xf32>,
    %swap3A_21 = arith.constant 144 : index
    %swap3A_22 = tpu.vector_load %arg15[%swap3A_21] {strides = array<i32>} : memref<640xf32, #tpu.memory_space<vmem>>, vector<16xf32>,
    tpu.vector_store %arg15[%swap3A_21], %broadcast_in_dim3A_3 {strides = array<i32>} : memref<640xf32, #tpu.memory_space<vmem>>, vector<16xf32>,
    %swap3A_23 = arith.constant 160 : index
    %swap3A_24 = tpu.vector_load %arg15[%swap3A_23] {strides = array<i32>} : memref<640xf32, #tpu.memory_space<vmem>>, vector<16xf32>,
    tpu.vector_store %arg15[%swap3A_23], %broadcast_in_dim3A_3 {strides = array<i32>} : memref<640xf32, #tpu.memory_space<vmem>>, vector<16xf32>,
    %swap3A_25 = arith.constant 176 : index
    %swap3A_26 = tpu.vector_load %arg15[%swap3A_25] {strides = array<i32>} : memref<640xf32, #tpu.memory_space<vmem>>, vector<16xf32>,
    tpu.vector_store %arg15[%swap3A_25], %broadcast_in_dim3A_3 {strides = array<i32>} : memref<640xf32, #tpu.memory_space<vmem>>, vector<16xf32>,
    %swap3A_27 = arith.constant 192 : index
    %swap3A_28 = tpu.vector_load %arg15[%swap3A_27] {strides = array<i32>} : memref<640xf32, #tpu.memory_space<vmem>>, vector<16xf32>,
    tpu.vector_store %arg15[%swap3A_27], %broadcast_in_dim3A_3 {strides = array<i32>} : memref<640xf32, #tpu.memory_space<vmem>>, vector<16xf32>,
    %swap3A_29 = arith.constant 208 : index
    %swap3A_30 = tpu.vector_load %arg15[%swap3A_29] {strides = array<i32>} : memref<640xf32, #tpu.memory_space<vmem>>, vector<16xf32>,
    tpu.vector_store %arg15[%swap3A_29], %broadcast_in_dim3A_3 {strides = array<i32>} : memref<640xf32, #tpu.memory_space<vmem>>, vector<16xf32>,
    %swap3A_31 = arith.constant 224 : index
    %swap3A_32 = tpu.vector_load %arg15[%swap3A_31] {strides = array<i32>} : memref<640xf32, #tpu.memory_space<vmem>>, vector<16xf32>,
    tpu.vector_store %arg15[%swap3A_31], %broadcast_in_dim3A_3 {strides = array<i32>} : memref<640xf32, #tpu.memory_space<vmem>>, vector<16xf32>,
    %swap3A_33 = arith.constant 240 : index
    %swap3A_34 = tpu.vector_load %arg15[%swap3A_33] {strides = array<i32>} : memref<640xf32, #tpu.memory_space<vmem>>, vector<16xf32>,
    tpu.vector_store %arg15[%swap3A_33], %broadcast_in_dim3A_3 {strides = array<i32>} : memref<640xf32, #tpu.memory_space<vmem>>, vector<16xf32>,
    %swap3A_35 = arith.constant 256 : index
    %swap3A_36 = tpu.vector_load %arg15[%swap3A_35] {strides = array<i32>} : memref<640xf32, #tpu.memory_space<vmem>>, vector<16xf32>,
    tpu.vector_store %arg15[%swap3A_35], %broadcast_in_dim3A_3 {strides = array<i32>} : memref<640xf32, #tpu.memory_space<vmem>>, vector<16xf32>,
    %swap3A_37 = arith.constant 272 : index
    %swap3A_38 = tpu.vector_load %arg15[%swap3A_37] {strides = array<i32>} : memref<640xf32, #tpu.memory_space<vmem>>, vector<16xf32>,
    tpu.vector_store %arg15[%swap3A_37], %broadcast_in_dim3A_3 {strides = array<i32>} : memref<640xf32, #tpu.memory_space<vmem>>, vector<16xf32>,
    %swap3A_39 = arith.constant 288 : index
    %swap3A_40 = tpu.vector_load %arg15[%swap3A_39] {strides = array<i32>} : memref<640xf32, #tpu.memory_space<vmem>>, vector<16xf32>,
    tpu.vector_store %arg15[%swap3A_39], %broadcast_in_dim3A_3 {strides = array<i32>} : memref<640xf32, #tpu.memory_space<vmem>>, vector<16xf32>,
    %swap3A_41 = arith.constant 304 : index
    %swap3A_42 = tpu.vector_load %arg15[%swap3A_41] {strides = array<i32>} : memref<640xf32, #tpu.memory_space<vmem>>, vector<16xf32>,
    tpu.vector_store %arg15[%swap3A_41], %broadcast_in_dim3A_3 {strides = array<i32>} : memref<640xf32, #tpu.memory_space<vmem>>, vector<16xf32>,
    %swap3A_43 = arith.constant 320 : index
    %swap3A_44 = tpu.vector_load %arg15[%swap3A_43] {strides = array<i32>} : memref<640xf32, #tpu.memory_space<vmem>>, vector<16xf32>,
    tpu.vector_store %arg15[%swap3A_43], %broadcast_in_dim3A_3 {strides = array<i32>} : memref<640xf32, #tpu.memory_space<vmem>>, vector<16xf32>,
    %swap3A_45 = arith.constant 336 : index
    %swap3A_46 = tpu.vector_load %arg15[%swap3A_45] {strides = array<i32>} : memref<640xf32, #tpu.memory_space<vmem>>, vector<16xf32>,
    tpu.vector_store %arg15[%swap3A_45], %broadcast_in_dim3A_3 {strides = array<i32>} : memref<640xf32, #tpu.memory_space<vmem>>, vector<16xf32>,
    %swap3A_47 = arith.constant 352 : index
    %swap3A_48 = tpu.vector_load %arg15[%swap3A_47] {strides = array<i32>} : memref<640xf32, #tpu.memory_space<vmem>>, vector<16xf32>,
    tpu.vector_store %arg15[%swap3A_47], %broadcast_in_dim3A_3 {strides = array<i32>} : memref<640xf32, #tpu.memory_space<vmem>>, vector<16xf32>,
    %swap3A_49 = arith.constant 368 : index
    %swap3A_50 = tpu.vector_load %arg15[%swap3A_49] {strides = array<i32>} : memref<640xf32, #tpu.memory_space<vmem>>, vector<16xf32>,
    tpu.vector_store %arg15[%swap3A_49], %broadcast_in_dim3A_3 {strides = array<i32>} : memref<640xf32, #tpu.memory_space<vmem>>, vector<16xf32>,
    %swap3A_51 = arith.constant 384 : index
    %swap3A_52 = tpu.vector_load %arg15[%swap3A_51] {strides = array<i32>} : memref<640xf32, #tpu.memory_space<vmem>>, vector<16xf32>,
    tpu.vector_store %arg15[%swap3A_51], %broadcast_in_dim3A_3 {strides = array<i32>} : memref<640xf32, #tpu.memory_space<vmem>>, vector<16xf32>,
    %swap3A_53 = arith.constant 400 : index
    %swap3A_54 = tpu.vector_load %arg15[%swap3A_53] {strides = array<i32>} : memref<640xf32, #tpu.memory_space<vmem>>, vector<16xf32>,
    tpu.vector_store %arg15[%swap3A_53], %broadcast_in_dim3A_3 {strides = array<i32>} : memref<640xf32, #tpu.memory_space<vmem>>, vector<16xf32>,
    %swap3A_55 = arith.constant 416 : index
    %swap3A_56 = tpu.vector_load %arg15[%swap3A_55] {strides = array<i32>} : memref<640xf32, #tpu.memory_space<vmem>>, vector<16xf32>,
    tpu.vector_store %arg15[%swap3A_55], %broadcast_in_dim3A_3 {strides = array<i32>} : memref<640xf32, #tpu.memory_space<vmem>>, vector<16xf32>,
    %swap3A_57 = arith.constant 432 : index
    %swap3A_58 = tpu.vector_load %arg15[%swap3A_57] {strides = array<i32>} : memref<640xf32, #tpu.memory_space<vmem>>, vector<16xf32>,
    tpu.vector_store %arg15[%swap3A_57], %broadcast_in_dim3A_3 {strides = array<i32>} : memref<640xf32, #tpu.memory_space<vmem>>, vector<16xf32>,
    %swap3A_59 = arith.constant 448 : index
    %swap3A_60 = tpu.vector_load %arg15[%swap3A_59] {strides = array<i32>} : memref<640xf32, #tpu.memory_space<vmem>>, vector<16xf32>,
    tpu.vector_store %arg15[%swap3A_59], %broadcast_in_dim3A_3 {strides = array<i32>} : memref<640xf32, #tpu.memory_space<vmem>>, vector<16xf32>,
    %swap3A_61 = arith.constant 464 : index
    %swap3A_62 = tpu.vector_load %arg15[%swap3A_61] {strides = array<i32>} : memref<640xf32, #tpu.memory_space<vmem>>, vector<16xf32>,
    tpu.vector_store %arg15[%swap3A_61], %broadcast_in_dim3A_3 {strides = array<i32>} : memref<640xf32, #tpu.memory_space<vmem>>, vector<16xf32>,
    %swap3A_63 = arith.constant 480 : index
    %swap3A_64 = tpu.vector_load %arg15[%swap3A_63] {strides = array<i32>} : memref<640xf32, #tpu.memory_space<vmem>>, vector<16xf32>,
    tpu.vector_store %arg15[%swap3A_63], %broadcast_in_dim3A_3 {strides = array<i32>} : memref<640xf32, #tpu.memory_space<vmem>>, vector<16xf32>,
    %swap3A_65 = arith.constant 496 : index
    %swap3A_66 = tpu.vector_load %arg15[%swap3A_65] {strides = array<i32>} : memref<640xf32, #tpu.memory_space<vmem>>, vector<16xf32>,
    tpu.vector_store %arg15[%swap3A_65], %broadcast_in_dim3A_3 {strides = array<i32>} : memref<640xf32, #tpu.memory_space<vmem>>, vector<16xf32>,
    %swap3A_67 = arith.constant 512 : index
    %swap3A_68 = tpu.vector_load %arg15[%swap3A_67] {strides = array<i32>} : memref<640xf32, #tpu.memory_space<vmem>>, vector<16xf32>,
    tpu.vector_store %arg15[%swap3A_67], %broadcast_in_dim3A_3 {strides = array<i32>} : memref<640xf32, #tpu.memory_space<vmem>>, vector<16xf32>,
    %swap3A_69 = arith.constant 528 : index
    %swap3A_70 = tpu.vector_load %arg15[%swap3A_69] {strides = array<i32>} : memref<640xf32, #tpu.memory_space<vmem>>, vector<16xf32>,
    tpu.vector_store %arg15[%swap3A_69], %broadcast_in_dim3A_3 {strides = array<i32>} : memref<640xf32, #tpu.memory_space<vmem>>, vector<16xf32>,
    %swap3A_71 = arith.constant 544 : index
    %swap3A_72 = tpu.vector_load %arg15[%swap3A_71] {strides = array<i32>} : memref<640xf32, #tpu.memory_space<vmem>>, vector<16xf32>,
    tpu.vector_store %arg15[%swap3A_71], %broadcast_in_dim3A_3 {strides = array<i32>} : memref<640xf32, #tpu.memory_space<vmem>>, vector<16xf32>,
    %swap3A_73 = arith.constant 560 : index
    %swap3A_74 = tpu.vector_load %arg15[%swap3A_73] {strides = array<i32>} : memref<640xf32, #tpu.memory_space<vmem>>, vector<16xf32>,
    tpu.vector_store %arg15[%swap3A_73], %broadcast_in_dim3A_3 {strides = array<i32>} : memref<640xf32, #tpu.memory_space<vmem>>, vector<16xf32>,
    %swap3A_75 = arith.constant 576 : index
    %swap3A_76 = tpu.vector_load %arg15[%swap3A_75] {strides = array<i32>} : memref<640xf32, #tpu.memory_space<vmem>>, vector<16xf32>,
    tpu.vector_store %arg15[%swap3A_75], %broadcast_in_dim3A_3 {strides = array<i32>} : memref<640xf32, #tpu.memory_space<vmem>>, vector<16xf32>,
    %swap3A_77 = arith.constant 592 : index
    %swap3A_78 = tpu.vector_load %arg15[%swap3A_77] {strides = array<i32>} : memref<640xf32, #tpu.memory_space<vmem>>, vector<16xf32>,
    tpu.vector_store %arg15[%swap3A_77], %broadcast_in_dim3A_3 {strides = array<i32>} : memref<640xf32, #tpu.memory_space<vmem>>, vector<16xf32>,
    %swap3A_79 = arith.constant 608 : index
    %swap3A_80 = tpu.vector_load %arg15[%swap3A_79] {strides = array<i32>} : memref<640xf32, #tpu.memory_space<vmem>>, vector<16xf32>,
    tpu.vector_store %arg15[%swap3A_79], %broadcast_in_dim3A_3 {strides = array<i32>} : memref<640xf32, #tpu.memory_space<vmem>>, vector<16xf32>,
    %swap3A_81 = arith.constant 624 : index
    %swap3A_82 = tpu.vector_load %arg15[%swap3A_81] {strides = array<i32>} : memref<640xf32, #tpu.memory_space<vmem>>, vector<16xf32>,
    tpu.vector_store %arg15[%swap3A_81], %broadcast_in_dim3A_3 {strides = array<i32>} : memref<640xf32, #tpu.memory_space<vmem>>, vector<16xf32>,
    %mul3A_83 = arith.constant 640 : i32
    %mul3A_84 = arith.muli %arg1, %mul3A_83 : i32
    "tpu.region"() ({
      %run_scoped3A = tpu.sem_alloc : memref<!tpu.dma_semaphore, #tpu.memory_space<semaphore_mem>>
      %dma_start3A = tpu.memref_slice %arg16[%mul3A_84] : memref<10240xf32, #tpu.memory_space<vmem_shared>> -> memref<640xf32, #tpu.memory_space<vmem_shared>>
      %dma_start3A_94 = tpu.memref_slice %arg16[%mul3A_84] : memref<10240xf32, #tpu.memory_space<vmem_shared>> -> memref<640xf32, #tpu.memory_space<vmem_shared>>
      tpu.enqueue_dma source(%arg15 : memref<640xf32, #tpu.memory_space<vmem>>) target(%dma_start3A_94 : memref<640xf32, #tpu.memory_space<vmem_shared>>) target_semaphore(%run_scoped3A : memref<!tpu.dma_semaphore, #tpu.memory_space<semaphore_mem>>)
      %dma_wait3A = tpu.memref_slice %arg16[%mul3A_84] : memref<10240xf32, #tpu.memory_space<vmem_shared>> -> memref<640xf32, #tpu.memory_space<vmem_shared>>
      %dma_wait3A_95 = tpu.memref_slice %arg16[%mul3A_84] : memref<10240xf32, #tpu.memory_space<vmem_shared>> -> memref<640xf32, #tpu.memory_space<vmem_shared>>
      tpu.wait_dma2 semaphore(%run_scoped3A : memref<!tpu.dma_semaphore, #tpu.memory_space<semaphore_mem>>) src(%arg15 : memref<640xf32, #tpu.memory_space<vmem>>) dst(%dma_wait3A_95 : memref<640xf32, #tpu.memory_space<vmem_shared>>)
      tpu.yield
    }) : () -> ()
    %barrier3A = arith.constant 0 : index
    tpu.barrier barrier_id(%barrier3A)
    %get3A = arith.constant 0 : index
    %get3A_85 = tpu.vector_load %arg14[%get3A] {strides = array<i32>} : memref<16xf32, #tpu.memory_space<vmem>>, vector<16xf32>,
    %scan3A = arith.constant 0 : i32
    %scan3A_86 = arith.constant 0 : i32
    %scan3A_87 = arith.constant 80 : i32
    %scan3A_88 = arith.addi %scan3A_86, %scan3A_87 : i32
    %scan3A_89 = arith.constant 1 : i32
    scf.for %scan3A_94 = %scan3A_86 to %scan3A_88 step %scan3A_89  : i32 {
      %get3A_95 = arith.index_cast %scan3A_94 : i32 to index
      %get3A_96 = arith.constant 0 : index
      %get3A_97 = tpu.vector_load %arg11[%get3A_95, %get3A_96] {strides = array<i32>} : memref<80x128xi32, #tpu.memory_space<vmem>>, vector<16xi32>,
      %get3A_98 = arith.index_cast %scan3A_94 : i32 to index
      %get3A_99 = arith.constant 0 : index
      %get3A_100 = tpu.vector_load %arg12[%get3A_98, %get3A_99] {strides = array<i32>} : memref<80x128xi32, #tpu.memory_space<vmem>>, vector<16xi32>,
      %gather3A = tpu.vector_load_idx %arg9[%get3A_97] : memref<10240xf32, #tpu.memory_space<vmem>>[vector<16xi32>], vector<16xf32>,
      %gather3A_101 = tpu.vector_load_idx %arg10[%get3A_100] : memref<10240xf32, #tpu.memory_space<vmem>>[vector<16xi32>], vector<16xf32>,
      %add3A_102 = arith.addf %gather3A, %gather3A_101 : vector<16xf32>
      %ge3A = arith.constant 0.000000e+00 : f32
      %ge3A_103 = vector.broadcast %ge3A : f32 to vector<16xf32>
      %ge3A_104 = arith.cmpf oge, %add3A_102, %ge3A_103 : vector<16xf32>
      %mul3A_105 = arith.constant 2.000000e-01 : f32
      %mul3A_106 = vector.broadcast %mul3A_105 : f32 to vector<16xf32>
      %mul3A_107 = arith.mulf %mul3A_106, %add3A_102 : vector<16xf32>
      %select_n3A = arith.select %ge3A_104, %add3A_102, %mul3A_107 : vector<16xi1>, vector<16xf32>
      %sub3A = arith.subf %select_n3A, %get3A_85 : vector<16xf32>
      %exp3A = math.exp %sub3A : vector<16xf32>
      %swap3A_108 = arith.index_cast %scan3A_94 : i32 to index
      %swap3A_109 = arith.constant 0 : index
      %swap3A_110 = tpu.vector_load %arg13[%swap3A_108, %swap3A_109] {strides = array<i32>} : memref<80x128xf32, #tpu.memory_space<vmem>>, vector<16xf32>,
      tpu.vector_store %arg13[%swap3A_108, %swap3A_109], %exp3A {strides = array<i32>} : memref<80x128xf32, #tpu.memory_space<vmem>>, vector<16xf32>,
      %get3A_111 = arith.index_cast %scan3A_94 : i32 to index
      %get3A_112 = arith.constant 16 : index
      %get3A_113 = tpu.vector_load %arg11[%get3A_111, %get3A_112] {strides = array<i32>} : memref<80x128xi32, #tpu.memory_space<vmem>>, vector<16xi32>,
      %get3A_114 = arith.index_cast %scan3A_94 : i32 to index
      %get3A_115 = arith.constant 16 : index
      %get3A_116 = tpu.vector_load %arg12[%get3A_114, %get3A_115] {strides = array<i32>} : memref<80x128xi32, #tpu.memory_space<vmem>>, vector<16xi32>,
      %gather3A_117 = tpu.vector_load_idx %arg9[%get3A_113] : memref<10240xf32, #tpu.memory_space<vmem>>[vector<16xi32>], vector<16xf32>,
      %gather3A_118 = tpu.vector_load_idx %arg10[%get3A_116] : memref<10240xf32, #tpu.memory_space<vmem>>[vector<16xi32>], vector<16xf32>,
      %add3A_119 = arith.addf %gather3A_117, %gather3A_118 : vector<16xf32>
      %ge3A_120 = arith.constant 0.000000e+00 : f32
      %ge3A_121 = vector.broadcast %ge3A_120 : f32 to vector<16xf32>
      %ge3A_122 = arith.cmpf oge, %add3A_119, %ge3A_121 : vector<16xf32>
      %mul3A_123 = arith.constant 2.000000e-01 : f32
      %mul3A_124 = vector.broadcast %mul3A_123 : f32 to vector<16xf32>
      %mul3A_125 = arith.mulf %mul3A_124, %add3A_119 : vector<16xf32>
      %select_n3A_126 = arith.select %ge3A_122, %add3A_119, %mul3A_125 : vector<16xi1>, vector<16xf32>
      %sub3A_127 = arith.subf %select_n3A_126, %get3A_85 : vector<16xf32>
      %exp3A_128 = math.exp %sub3A_127 : vector<16xf32>
      %swap3A_129 = arith.index_cast %scan3A_94 : i32 to index
      %swap3A_130 = arith.constant 16 : index
      %swap3A_131 = tpu.vector_load %arg13[%swap3A_129, %swap3A_130] {strides = array<i32>} : memref<80x128xf32, #tpu.memory_space<vmem>>, vector<16xf32>,
      tpu.vector_store %arg13[%swap3A_129, %swap3A_130], %exp3A_128 {strides = array<i32>} : memref<80x128xf32, #tpu.memory_space<vmem>>, vector<16xf32>,
      %get3A_132 = arith.index_cast %scan3A_94 : i32 to index
      %get3A_133 = arith.constant 32 : index
      %get3A_134 = tpu.vector_load %arg11[%get3A_132, %get3A_133] {strides = array<i32>} : memref<80x128xi32, #tpu.memory_space<vmem>>, vector<16xi32>,
      %get3A_135 = arith.index_cast %scan3A_94 : i32 to index
      %get3A_136 = arith.constant 32 : index
      %get3A_137 = tpu.vector_load %arg12[%get3A_135, %get3A_136] {strides = array<i32>} : memref<80x128xi32, #tpu.memory_space<vmem>>, vector<16xi32>,
      %gather3A_138 = tpu.vector_load_idx %arg9[%get3A_134] : memref<10240xf32, #tpu.memory_space<vmem>>[vector<16xi32>], vector<16xf32>,
      %gather3A_139 = tpu.vector_load_idx %arg10[%get3A_137] : memref<10240xf32, #tpu.memory_space<vmem>>[vector<16xi32>], vector<16xf32>,
      %add3A_140 = arith.addf %gather3A_138, %gather3A_139 : vector<16xf32>
      %ge3A_141 = arith.constant 0.000000e+00 : f32
      %ge3A_142 = vector.broadcast %ge3A_141 : f32 to vector<16xf32>
      %ge3A_143 = arith.cmpf oge, %add3A_140, %ge3A_142 : vector<16xf32>
      %mul3A_144 = arith.constant 2.000000e-01 : f32
      %mul3A_145 = vector.broadcast %mul3A_144 : f32 to vector<16xf32>
      %mul3A_146 = arith.mulf %mul3A_145, %add3A_140 : vector<16xf32>
      %select_n3A_147 = arith.select %ge3A_143, %add3A_140, %mul3A_146 : vector<16xi1>, vector<16xf32>
      %sub3A_148 = arith.subf %select_n3A_147, %get3A_85 : vector<16xf32>
      %exp3A_149 = math.exp %sub3A_148 : vector<16xf32>
      %swap3A_150 = arith.index_cast %scan3A_94 : i32 to index
      %swap3A_151 = arith.constant 32 : index
      %swap3A_152 = tpu.vector_load %arg13[%swap3A_150, %swap3A_151] {strides = array<i32>} : memref<80x128xf32, #tpu.memory_space<vmem>>, vector<16xf32>,
      tpu.vector_store %arg13[%swap3A_150, %swap3A_151], %exp3A_149 {strides = array<i32>} : memref<80x128xf32, #tpu.memory_space<vmem>>, vector<16xf32>,
      %get3A_153 = arith.index_cast %scan3A_94 : i32 to index
      %get3A_154 = arith.constant 48 : index
      %get3A_155 = tpu.vector_load %arg11[%get3A_153, %get3A_154] {strides = array<i32>} : memref<80x128xi32, #tpu.memory_space<vmem>>, vector<16xi32>,
      %get3A_156 = arith.index_cast %scan3A_94 : i32 to index
      %get3A_157 = arith.constant 48 : index
      %get3A_158 = tpu.vector_load %arg12[%get3A_156, %get3A_157] {strides = array<i32>} : memref<80x128xi32, #tpu.memory_space<vmem>>, vector<16xi32>,
      %gather3A_159 = tpu.vector_load_idx %arg9[%get3A_155] : memref<10240xf32, #tpu.memory_space<vmem>>[vector<16xi32>], vector<16xf32>,
      %gather3A_160 = tpu.vector_load_idx %arg10[%get3A_158] : memref<10240xf32, #tpu.memory_space<vmem>>[vector<16xi32>], vector<16xf32>,
      %add3A_161 = arith.addf %gather3A_159, %gather3A_160 : vector<16xf32>
      %ge3A_162 = arith.constant 0.000000e+00 : f32
      %ge3A_163 = vector.broadcast %ge3A_162 : f32 to vector<16xf32>
      %ge3A_164 = arith.cmpf oge, %add3A_161, %ge3A_163 : vector<16xf32>
      %mul3A_165 = arith.constant 2.000000e-01 : f32
      %mul3A_166 = vector.broadcast %mul3A_165 : f32 to vector<16xf32>
      %mul3A_167 = arith.mulf %mul3A_166, %add3A_161 : vector<16xf32>
      %select_n3A_168 = arith.select %ge3A_164, %add3A_161, %mul3A_167 : vector<16xi1>, vector<16xf32>
      %sub3A_169 = arith.subf %select_n3A_168, %get3A_85 : vector<16xf32>
      %exp3A_170 = math.exp %sub3A_169 : vector<16xf32>
      %swap3A_171 = arith.index_cast %scan3A_94 : i32 to index
      %swap3A_172 = arith.constant 48 : index
      %swap3A_173 = tpu.vector_load %arg13[%swap3A_171, %swap3A_172] {strides = array<i32>} : memref<80x128xf32, #tpu.memory_space<vmem>>, vector<16xf32>,
      tpu.vector_store %arg13[%swap3A_171, %swap3A_172], %exp3A_170 {strides = array<i32>} : memref<80x128xf32, #tpu.memory_space<vmem>>, vector<16xf32>,
      %get3A_174 = arith.index_cast %scan3A_94 : i32 to index
      %get3A_175 = arith.constant 64 : index
      %get3A_176 = tpu.vector_load %arg11[%get3A_174, %get3A_175] {strides = array<i32>} : memref<80x128xi32, #tpu.memory_space<vmem>>, vector<16xi32>,
      %get3A_177 = arith.index_cast %scan3A_94 : i32 to index
      %get3A_178 = arith.constant 64 : index
      %get3A_179 = tpu.vector_load %arg12[%get3A_177, %get3A_178] {strides = array<i32>} : memref<80x128xi32, #tpu.memory_space<vmem>>, vector<16xi32>,
      %gather3A_180 = tpu.vector_load_idx %arg9[%get3A_176] : memref<10240xf32, #tpu.memory_space<vmem>>[vector<16xi32>], vector<16xf32>,
      %gather3A_181 = tpu.vector_load_idx %arg10[%get3A_179] : memref<10240xf32, #tpu.memory_space<vmem>>[vector<16xi32>], vector<16xf32>,
      %add3A_182 = arith.addf %gather3A_180, %gather3A_181 : vector<16xf32>
      %ge3A_183 = arith.constant 0.000000e+00 : f32
      %ge3A_184 = vector.broadcast %ge3A_183 : f32 to vector<16xf32>
      %ge3A_185 = arith.cmpf oge, %add3A_182, %ge3A_184 : vector<16xf32>
      %mul3A_186 = arith.constant 2.000000e-01 : f32
      %mul3A_187 = vector.broadcast %mul3A_186 : f32 to vector<16xf32>
      %mul3A_188 = arith.mulf %mul3A_187, %add3A_182 : vector<16xf32>
      %select_n3A_189 = arith.select %ge3A_185, %add3A_182, %mul3A_188 : vector<16xi1>, vector<16xf32>
      %sub3A_190 = arith.subf %select_n3A_189, %get3A_85 : vector<16xf32>
      %exp3A_191 = math.exp %sub3A_190 : vector<16xf32>
      %swap3A_192 = arith.index_cast %scan3A_94 : i32 to index
      %swap3A_193 = arith.constant 64 : index
      %swap3A_194 = tpu.vector_load %arg13[%swap3A_192, %swap3A_193] {strides = array<i32>} : memref<80x128xf32, #tpu.memory_space<vmem>>, vector<16xf32>,
      tpu.vector_store %arg13[%swap3A_192, %swap3A_193], %exp3A_191 {strides = array<i32>} : memref<80x128xf32, #tpu.memory_space<vmem>>, vector<16xf32>,
      %get3A_195 = arith.index_cast %scan3A_94 : i32 to index
      %get3A_196 = arith.constant 80 : index
      %get3A_197 = tpu.vector_load %arg11[%get3A_195, %get3A_196] {strides = array<i32>} : memref<80x128xi32, #tpu.memory_space<vmem>>, vector<16xi32>,
      %get3A_198 = arith.index_cast %scan3A_94 : i32 to index
      %get3A_199 = arith.constant 80 : index
      %get3A_200 = tpu.vector_load %arg12[%get3A_198, %get3A_199] {strides = array<i32>} : memref<80x128xi32, #tpu.memory_space<vmem>>, vector<16xi32>,
      %gather3A_201 = tpu.vector_load_idx %arg9[%get3A_197] : memref<10240xf32, #tpu.memory_space<vmem>>[vector<16xi32>], vector<16xf32>,
      %gather3A_202 = tpu.vector_load_idx %arg10[%get3A_200] : memref<10240xf32, #tpu.memory_space<vmem>>[vector<16xi32>], vector<16xf32>,
      %add3A_203 = arith.addf %gather3A_201, %gather3A_202 : vector<16xf32>
      %ge3A_204 = arith.constant 0.000000e+00 : f32
      %ge3A_205 = vector.broadcast %ge3A_204 : f32 to vector<16xf32>
      %ge3A_206 = arith.cmpf oge, %add3A_203, %ge3A_205 : vector<16xf32>
      %mul3A_207 = arith.constant 2.000000e-01 : f32
      %mul3A_208 = vector.broadcast %mul3A_207 : f32 to vector<16xf32>
      %mul3A_209 = arith.mulf %mul3A_208, %add3A_203 : vector<16xf32>
      %select_n3A_210 = arith.select %ge3A_206, %add3A_203, %mul3A_209 : vector<16xi1>, vector<16xf32>
      %sub3A_211 = arith.subf %select_n3A_210, %get3A_85 : vector<16xf32>
      %exp3A_212 = math.exp %sub3A_211 : vector<16xf32>
      %swap3A_213 = arith.index_cast %scan3A_94 : i32 to index
      %swap3A_214 = arith.constant 80 : index
      %swap3A_215 = tpu.vector_load %arg13[%swap3A_213, %swap3A_214] {strides = array<i32>} : memref<80x128xf32, #tpu.memory_space<vmem>>, vector<16xf32>,
      tpu.vector_store %arg13[%swap3A_213, %swap3A_214], %exp3A_212 {strides = array<i32>} : memref<80x128xf32, #tpu.memory_space<vmem>>, vector<16xf32>,
      %get3A_216 = arith.index_cast %scan3A_94 : i32 to index
      %get3A_217 = arith.constant 96 : index
      %get3A_218 = tpu.vector_load %arg11[%get3A_216, %get3A_217] {strides = array<i32>} : memref<80x128xi32, #tpu.memory_space<vmem>>, vector<16xi32>,
      %get3A_219 = arith.index_cast %scan3A_94 : i32 to index
      %get3A_220 = arith.constant 96 : index
      %get3A_221 = tpu.vector_load %arg12[%get3A_219, %get3A_220] {strides = array<i32>} : memref<80x128xi32, #tpu.memory_space<vmem>>, vector<16xi32>,
      %gather3A_222 = tpu.vector_load_idx %arg9[%get3A_218] : memref<10240xf32, #tpu.memory_space<vmem>>[vector<16xi32>], vector<16xf32>,
      %gather3A_223 = tpu.vector_load_idx %arg10[%get3A_221] : memref<10240xf32, #tpu.memory_space<vmem>>[vector<16xi32>], vector<16xf32>,
      %add3A_224 = arith.addf %gather3A_222, %gather3A_223 : vector<16xf32>
      %ge3A_225 = arith.constant 0.000000e+00 : f32
      %ge3A_226 = vector.broadcast %ge3A_225 : f32 to vector<16xf32>
      %ge3A_227 = arith.cmpf oge, %add3A_224, %ge3A_226 : vector<16xf32>
      %mul3A_228 = arith.constant 2.000000e-01 : f32
      %mul3A_229 = vector.broadcast %mul3A_228 : f32 to vector<16xf32>
      %mul3A_230 = arith.mulf %mul3A_229, %add3A_224 : vector<16xf32>
      %select_n3A_231 = arith.select %ge3A_227, %add3A_224, %mul3A_230 : vector<16xi1>, vector<16xf32>
      %sub3A_232 = arith.subf %select_n3A_231, %get3A_85 : vector<16xf32>
      %exp3A_233 = math.exp %sub3A_232 : vector<16xf32>
      %swap3A_234 = arith.index_cast %scan3A_94 : i32 to index
      %swap3A_235 = arith.constant 96 : index
      %swap3A_236 = tpu.vector_load %arg13[%swap3A_234, %swap3A_235] {strides = array<i32>} : memref<80x128xf32, #tpu.memory_space<vmem>>, vector<16xf32>,
      tpu.vector_store %arg13[%swap3A_234, %swap3A_235], %exp3A_233 {strides = array<i32>} : memref<80x128xf32, #tpu.memory_space<vmem>>, vector<16xf32>,
      %get3A_237 = arith.index_cast %scan3A_94 : i32 to index
      %get3A_238 = arith.constant 112 : index
      %get3A_239 = tpu.vector_load %arg11[%get3A_237, %get3A_238] {strides = array<i32>} : memref<80x128xi32, #tpu.memory_space<vmem>>, vector<16xi32>,
      %get3A_240 = arith.index_cast %scan3A_94 : i32 to index
      %get3A_241 = arith.constant 112 : index
      %get3A_242 = tpu.vector_load %arg12[%get3A_240, %get3A_241] {strides = array<i32>} : memref<80x128xi32, #tpu.memory_space<vmem>>, vector<16xi32>,
      %gather3A_243 = tpu.vector_load_idx %arg9[%get3A_239] : memref<10240xf32, #tpu.memory_space<vmem>>[vector<16xi32>], vector<16xf32>,
      %gather3A_244 = tpu.vector_load_idx %arg10[%get3A_242] : memref<10240xf32, #tpu.memory_space<vmem>>[vector<16xi32>], vector<16xf32>,
      %add3A_245 = arith.addf %gather3A_243, %gather3A_244 : vector<16xf32>
      %ge3A_246 = arith.constant 0.000000e+00 : f32
      %ge3A_247 = vector.broadcast %ge3A_246 : f32 to vector<16xf32>
      %ge3A_248 = arith.cmpf oge, %add3A_245, %ge3A_247 : vector<16xf32>
      %mul3A_249 = arith.constant 2.000000e-01 : f32
      %mul3A_250 = vector.broadcast %mul3A_249 : f32 to vector<16xf32>
      %mul3A_251 = arith.mulf %mul3A_250, %add3A_245 : vector<16xf32>
      %select_n3A_252 = arith.select %ge3A_248, %add3A_245, %mul3A_251 : vector<16xi1>, vector<16xf32>
      %sub3A_253 = arith.subf %select_n3A_252, %get3A_85 : vector<16xf32>
      %exp3A_254 = math.exp %sub3A_253 : vector<16xf32>
      %swap3A_255 = arith.index_cast %scan3A_94 : i32 to index
      %swap3A_256 = arith.constant 112 : index
      %swap3A_257 = tpu.vector_load %arg13[%swap3A_255, %swap3A_256] {strides = array<i32>} : memref<80x128xf32, #tpu.memory_space<vmem>>, vector<16xf32>,
      tpu.vector_store %arg13[%swap3A_255, %swap3A_256], %exp3A_254 {strides = array<i32>} : memref<80x128xf32, #tpu.memory_space<vmem>>, vector<16xf32>,
      "tpu.region"() ({
        %run_scoped3A = tpu.sem_alloc : memref<!tpu.dma_semaphore, #tpu.memory_space<semaphore_mem>>
        %dma_start3A = arith.constant 0 : i32
        %dma_start3A_258 = tpu.memref_slice %arg13[%scan3A_94, %dma_start3A] : memref<80x128xf32, #tpu.memory_space<vmem>> -> memref<1x128xf32, #tpu.memory_space<vmem>>
        %dma_start3A_259 = tpu.memref_squeeze %dma_start3A_258 : memref<1x128xf32, #tpu.memory_space<vmem>> -> memref<128xf32, #tpu.memory_space<vmem>>
        %dma_start3A_260 = arith.constant 0 : i32
        %dma_start3A_261 = tpu.memref_slice %arg12[%scan3A_94, %dma_start3A_260] : memref<80x128xi32, #tpu.memory_space<vmem>> -> memref<1x128xi32, #tpu.memory_space<vmem>>
        %dma_start3A_262 = tpu.memref_squeeze %dma_start3A_261 : memref<1x128xi32, #tpu.memory_space<vmem>> -> memref<128xi32, #tpu.memory_space<vmem>>
        %dma_start3A_263 = arith.constant 0 : i32
        %dma_start3A_264 = tpu.memref_slice %arg16[%dma_start3A_263] : memref<10240xf32, #tpu.memory_space<vmem_shared>> -> memref<10240xf32, #tpu.memory_space<vmem_shared>>
        tpu.enqueue_indirect_dma source(%dma_start3A_259 : memref<128xf32, #tpu.memory_space<vmem>>) target(%dma_start3A_264 : memref<10240xf32, #tpu.memory_space<vmem_shared>>) offsets(%dma_start3A_262 : memref<128xi32, #tpu.memory_space<vmem>>) semaphore(%run_scoped3A : memref<!tpu.dma_semaphore, #tpu.memory_space<semaphore_mem>>) {add = true}
        %dma_wait3A = arith.constant 0 : i32
        %dma_wait3A_265 = tpu.memref_slice %arg13[%scan3A_94, %dma_wait3A] : memref<80x128xf32, #tpu.memory_space<vmem>> -> memref<1x128xf32, #tpu.memory_space<vmem>>
        %dma_wait3A_266 = tpu.memref_squeeze %dma_wait3A_265 : memref<1x128xf32, #tpu.memory_space<vmem>> -> memref<128xf32, #tpu.memory_space<vmem>>
        %dma_wait3A_267 = arith.constant 0 : i32
        %dma_wait3A_268 = tpu.memref_slice %arg12[%scan3A_94, %dma_wait3A_267] : memref<80x128xi32, #tpu.memory_space<vmem>> -> memref<1x128xi32, #tpu.memory_space<vmem>>
        %dma_wait3A_269 = tpu.memref_squeeze %dma_wait3A_268 : memref<1x128xi32, #tpu.memory_space<vmem>> -> memref<128xi32, #tpu.memory_space<vmem>>
        %dma_wait3A_270 = arith.constant 0 : i32
        %dma_wait3A_271 = tpu.memref_slice %arg16[%dma_wait3A_270] : memref<10240xf32, #tpu.memory_space<vmem_shared>> -> memref<10240xf32, #tpu.memory_space<vmem_shared>>
        tpu.wait_indirect_dma semaphore(%run_scoped3A : memref<!tpu.dma_semaphore, #tpu.memory_space<semaphore_mem>>) src(%dma_wait3A_266 : memref<128xf32, #tpu.memory_space<vmem>>) dst(%dma_wait3A_271 : memref<10240xf32, #tpu.memory_space<vmem_shared>>)
        tpu.yield
      }) : () -> ()
    }
    %scan3A_90 = arith.constant 80 : i32
    "tpu.region"() ({
      %run_scoped3A = tpu.sem_alloc : memref<!tpu.dma_semaphore, #tpu.memory_space<semaphore_mem>>
      %dma_start3A = arith.constant 0 : i32
      %dma_start3A_94 = tpu.memref_slice %arg7[%mul3A_2, %dma_start3A] : memref<2560x128xf32, #tpu.memory_space<hbm>> -> memref<80x128xf32, #tpu.memory_space<hbm>>
      %dma_start3A_95 = arith.constant 0 : i32
      %dma_start3A_96 = tpu.memref_slice %arg7[%mul3A_2, %dma_start3A_95] : memref<2560x128xf32, #tpu.memory_space<hbm>> -> memref<80x128xf32, #tpu.memory_space<hbm>>
      tpu.enqueue_dma source(%arg13 : memref<80x128xf32, #tpu.memory_space<vmem>>) target(%dma_start3A_96 : memref<80x128xf32, #tpu.memory_space<hbm>>) target_semaphore(%run_scoped3A : memref<!tpu.dma_semaphore, #tpu.memory_space<semaphore_mem>>)
      %dma_wait3A = arith.constant 0 : i32
      %dma_wait3A_97 = tpu.memref_slice %arg7[%mul3A_2, %dma_wait3A] : memref<2560x128xf32, #tpu.memory_space<hbm>> -> memref<80x128xf32, #tpu.memory_space<hbm>>
      %dma_wait3A_98 = arith.constant 0 : i32
      %dma_wait3A_99 = tpu.memref_slice %arg7[%mul3A_2, %dma_wait3A_98] : memref<2560x128xf32, #tpu.memory_space<hbm>> -> memref<80x128xf32, #tpu.memory_space<hbm>>
      tpu.wait_dma2 semaphore(%run_scoped3A : memref<!tpu.dma_semaphore, #tpu.memory_space<semaphore_mem>>) src(%arg13 : memref<80x128xf32, #tpu.memory_space<vmem>>) dst(%dma_wait3A_99 : memref<80x128xf32, #tpu.memory_space<hbm>>)
      tpu.yield
    }) : () -> ()
    %barrier3A_91 = arith.constant 0 : index
    tpu.barrier barrier_id(%barrier3A_91)
    %eq3A = arith.constant 0 : i32
    %eq3A_92 = arith.cmpi eq, %arg1, %eq3A : i32
    %convert_element_type3A = arith.extui %eq3A_92 : i1 to i32
    %cond3A = arith.constant 0 : i32
    %cond3A_93 = arith.cmpi ne, %convert_element_type3A, %cond3A : i32
    scf.if %cond3A_93 {
      "tpu.region"() ({
        %run_scoped3A = tpu.sem_alloc : memref<!tpu.dma_semaphore, #tpu.memory_space<semaphore_mem>>
        %dma_start3A = arith.constant 0 : i32
        %dma_start3A_94 = tpu.memref_slice %arg8[%arg0, %dma_start3A] : memref<2x10240xf32, #tpu.memory_space<hbm>> -> memref<1x10240xf32, #tpu.memory_space<hbm>>
        %dma_start3A_95 = tpu.memref_squeeze %dma_start3A_94 : memref<1x10240xf32, #tpu.memory_space<hbm>> -> memref<10240xf32, #tpu.memory_space<hbm>>
        tpu.enqueue_dma source(%arg16 : memref<10240xf32, #tpu.memory_space<vmem_shared>>) target(%dma_start3A_95 : memref<10240xf32, #tpu.memory_space<hbm>>) target_semaphore(%run_scoped3A : memref<!tpu.dma_semaphore, #tpu.memory_space<semaphore_mem>>)
        %dma_wait3A = arith.constant 0 : i32
        %dma_wait3A_96 = tpu.memref_slice %arg8[%arg0, %dma_wait3A] : memref<2x10240xf32, #tpu.memory_space<hbm>> -> memref<1x10240xf32, #tpu.memory_space<hbm>>
        %dma_wait3A_97 = tpu.memref_squeeze %dma_wait3A_96 : memref<1x10240xf32, #tpu.memory_space<hbm>> -> memref<10240xf32, #tpu.memory_space<hbm>>
        tpu.wait_dma2 semaphore(%run_scoped3A : memref<!tpu.dma_semaphore, #tpu.memory_space<semaphore_mem>>) src(%arg16 : memref<10240xf32, #tpu.memory_space<vmem_shared>>) dst(%dma_wait3A_97 : memref<10240xf32, #tpu.memory_space<hbm>>)
        tpu.yield
      }) : () -> ()
    } else {
    }
    return
  }
}

#map = affine_map<(d0, d1) -> (0, 0)>
#map1 = affine_map<(d0, d1) -> (0)>
#map2 = affine_map<(d0, d1) -> (0, 0, 0)>
module attributes {stable_mosaic.version = 14 : i64} {
  func.func @_rows_body(%arg0: i32, %arg1: i32, %arg2: memref<10240x64xi32, #tpu.memory_space<hbm>>, %arg3: memref<10240x64xi32, #tpu.memory_space<hbm>>, %arg4: memref<2560x128xf32, #tpu.memory_space<hbm>>, %arg5: memref<10240xf32, #tpu.memory_space<hbm>>, %arg6: memref<2560x2x128xi32, #tpu.memory_space<hbm>>, %arg7: memref<10240x128xf32, #tpu.memory_space<hbm>>, %arg8: memref<10240x128xf32, #tpu.memory_space<hbm>>, %arg9: memref<10240xf32, #tpu.memory_space<vmem>>, %arg10: memref<2x2x128xi32, #tpu.memory_space<vmem>>, %arg11: memref<2x128xf32, #tpu.memory_space<vmem>>, %arg12: memref<1x128xi32, #tpu.memory_space<vmem>>, %arg13: memref<128xf32, #tpu.memory_space<vmem>>, %arg14: memref<256x64xi32, #tpu.memory_space<vmem>>, %arg15: memref<128x128xf32, #tpu.memory_space<vmem>>, %arg16: memref<16x128xf32, #tpu.memory_space<vmem>>, %arg17: memref<!tpu.dma_semaphore, #tpu.memory_space<semaphore_mem>>, %arg18: memref<!tpu.dma_semaphore, #tpu.memory_space<semaphore_mem>>, %arg19: memref<!tpu.dma_semaphore, #tpu.memory_space<semaphore_mem>>, %arg20: memref<!tpu.dma_semaphore, #tpu.memory_space<semaphore_mem>>, %arg21: memref<!tpu.dma_semaphore, #tpu.memory_space<semaphore_mem>>, %arg22: memref<10240x128xf32, #tpu.memory_space<vmem_shared>>) attributes {dimension_semantics = [#tpu.dimension_semantics<core_parallel>, #tpu.dimension_semantics<subcore_parallel>], iteration_bounds = array<i64: 2, 16>, scalar_prefetch = 0 : i64, scratch_operands = 14 : i64, tpu.core_type = #tpu.core_type<sc_vector_subcore>, window_params = [{transform_indices = #map}, {transform_indices = #map}, {transform_indices = #map}, {transform_indices = #map1}, {transform_indices = #map2}, {transform_indices = #map}, {transform_indices = #map}]} {
    %mul3A = arith.constant 160 : i32
    %mul3A_0 = arith.muli %arg1, %mul3A : i32
    "tpu.region"() ({
      %run_scoped3A = tpu.sem_alloc : memref<!tpu.dma_semaphore, #tpu.memory_space<semaphore_mem>>
      tpu.enqueue_dma source(%arg5 : memref<10240xf32, #tpu.memory_space<hbm>>) target(%arg9 : memref<10240xf32, #tpu.memory_space<vmem>>) target_semaphore(%run_scoped3A : memref<!tpu.dma_semaphore, #tpu.memory_space<semaphore_mem>>)
      tpu.wait_dma2 semaphore(%run_scoped3A : memref<!tpu.dma_semaphore, #tpu.memory_space<semaphore_mem>>) src(%arg5 : memref<10240xf32, #tpu.memory_space<hbm>>) dst(%arg9 : memref<10240xf32, #tpu.memory_space<vmem>>)
      tpu.yield
    }) : () -> ()
    %broadcast_in_dim3A = arith.constant 0.000000e+00 : f32
    %broadcast_in_dim3A_1 = vector.broadcast %broadcast_in_dim3A : f32 to vector<16xf32>
    %swap3A = arith.constant 0 : i32
    %swap3A_2 = arith.index_cast %swap3A : i32 to index
    %swap3A_3 = arith.constant 0 : index
    %swap3A_4 = tpu.vector_load %arg16[%swap3A_2, %swap3A_3] {strides = array<i32>} : memref<16x128xf32, #tpu.memory_space<vmem>>, vector<16xf32>,
    tpu.vector_store %arg16[%swap3A_2, %swap3A_3], %broadcast_in_dim3A_1 {strides = array<i32>} : memref<16x128xf32, #tpu.memory_space<vmem>>, vector<16xf32>,
    %swap3A_5 = arith.constant 0 : i32
    %swap3A_6 = arith.index_cast %swap3A_5 : i32 to index
    %swap3A_7 = arith.constant 16 : index
    %swap3A_8 = tpu.vector_load %arg16[%swap3A_6, %swap3A_7] {strides = array<i32>} : memref<16x128xf32, #tpu.memory_space<vmem>>, vector<16xf32>,
    tpu.vector_store %arg16[%swap3A_6, %swap3A_7], %broadcast_in_dim3A_1 {strides = array<i32>} : memref<16x128xf32, #tpu.memory_space<vmem>>, vector<16xf32>,
    %swap3A_9 = arith.constant 0 : i32
    %swap3A_10 = arith.index_cast %swap3A_9 : i32 to index
    %swap3A_11 = arith.constant 32 : index
    %swap3A_12 = tpu.vector_load %arg16[%swap3A_10, %swap3A_11] {strides = array<i32>} : memref<16x128xf32, #tpu.memory_space<vmem>>, vector<16xf32>,
    tpu.vector_store %arg16[%swap3A_10, %swap3A_11], %broadcast_in_dim3A_1 {strides = array<i32>} : memref<16x128xf32, #tpu.memory_space<vmem>>, vector<16xf32>,
    %swap3A_13 = arith.constant 0 : i32
    %swap3A_14 = arith.index_cast %swap3A_13 : i32 to index
    %swap3A_15 = arith.constant 48 : index
    %swap3A_16 = tpu.vector_load %arg16[%swap3A_14, %swap3A_15] {strides = array<i32>} : memref<16x128xf32, #tpu.memory_space<vmem>>, vector<16xf32>,
    tpu.vector_store %arg16[%swap3A_14, %swap3A_15], %broadcast_in_dim3A_1 {strides = array<i32>} : memref<16x128xf32, #tpu.memory_space<vmem>>, vector<16xf32>,
    %swap3A_17 = arith.constant 0 : i32
    %swap3A_18 = arith.index_cast %swap3A_17 : i32 to index
    %swap3A_19 = arith.constant 64 : index
    %swap3A_20 = tpu.vector_load %arg16[%swap3A_18, %swap3A_19] {strides = array<i32>} : memref<16x128xf32, #tpu.memory_space<vmem>>, vector<16xf32>,
    tpu.vector_store %arg16[%swap3A_18, %swap3A_19], %broadcast_in_dim3A_1 {strides = array<i32>} : memref<16x128xf32, #tpu.memory_space<vmem>>, vector<16xf32>,
    %swap3A_21 = arith.constant 0 : i32
    %swap3A_22 = arith.index_cast %swap3A_21 : i32 to index
    %swap3A_23 = arith.constant 80 : index
    %swap3A_24 = tpu.vector_load %arg16[%swap3A_22, %swap3A_23] {strides = array<i32>} : memref<16x128xf32, #tpu.memory_space<vmem>>, vector<16xf32>,
    tpu.vector_store %arg16[%swap3A_22, %swap3A_23], %broadcast_in_dim3A_1 {strides = array<i32>} : memref<16x128xf32, #tpu.memory_space<vmem>>, vector<16xf32>,
    %swap3A_25 = arith.constant 0 : i32
    %swap3A_26 = arith.index_cast %swap3A_25 : i32 to index
    %swap3A_27 = arith.constant 96 : index
    %swap3A_28 = tpu.vector_load %arg16[%swap3A_26, %swap3A_27] {strides = array<i32>} : memref<16x128xf32, #tpu.memory_space<vmem>>, vector<16xf32>,
    tpu.vector_store %arg16[%swap3A_26, %swap3A_27], %broadcast_in_dim3A_1 {strides = array<i32>} : memref<16x128xf32, #tpu.memory_space<vmem>>, vector<16xf32>,
    %swap3A_29 = arith.constant 0 : i32
    %swap3A_30 = arith.index_cast %swap3A_29 : i32 to index
    %swap3A_31 = arith.constant 112 : index
    %swap3A_32 = tpu.vector_load %arg16[%swap3A_30, %swap3A_31] {strides = array<i32>} : memref<16x128xf32, #tpu.memory_space<vmem>>, vector<16xf32>,
    tpu.vector_store %arg16[%swap3A_30, %swap3A_31], %broadcast_in_dim3A_1 {strides = array<i32>} : memref<16x128xf32, #tpu.memory_space<vmem>>, vector<16xf32>,
    %swap3A_33 = arith.constant 1 : i32
    %swap3A_34 = arith.index_cast %swap3A_33 : i32 to index
    %swap3A_35 = arith.constant 0 : index
    %swap3A_36 = tpu.vector_load %arg16[%swap3A_34, %swap3A_35] {strides = array<i32>} : memref<16x128xf32, #tpu.memory_space<vmem>>, vector<16xf32>,
    tpu.vector_store %arg16[%swap3A_34, %swap3A_35], %broadcast_in_dim3A_1 {strides = array<i32>} : memref<16x128xf32, #tpu.memory_space<vmem>>, vector<16xf32>,
    %swap3A_37 = arith.constant 1 : i32
    %swap3A_38 = arith.index_cast %swap3A_37 : i32 to index
    %swap3A_39 = arith.constant 16 : index
    %swap3A_40 = tpu.vector_load %arg16[%swap3A_38, %swap3A_39] {strides = array<i32>} : memref<16x128xf32, #tpu.memory_space<vmem>>, vector<16xf32>,
    tpu.vector_store %arg16[%swap3A_38, %swap3A_39], %broadcast_in_dim3A_1 {strides = array<i32>} : memref<16x128xf32, #tpu.memory_space<vmem>>, vector<16xf32>,
    %swap3A_41 = arith.constant 1 : i32
    %swap3A_42 = arith.index_cast %swap3A_41 : i32 to index
    %swap3A_43 = arith.constant 32 : index
    %swap3A_44 = tpu.vector_load %arg16[%swap3A_42, %swap3A_43] {strides = array<i32>} : memref<16x128xf32, #tpu.memory_space<vmem>>, vector<16xf32>,
    tpu.vector_store %arg16[%swap3A_42, %swap3A_43], %broadcast_in_dim3A_1 {strides = array<i32>} : memref<16x128xf32, #tpu.memory_space<vmem>>, vector<16xf32>,
    %swap3A_45 = arith.constant 1 : i32
    %swap3A_46 = arith.index_cast %swap3A_45 : i32 to index
    %swap3A_47 = arith.constant 48 : index
    %swap3A_48 = tpu.vector_load %arg16[%swap3A_46, %swap3A_47] {strides = array<i32>} : memref<16x128xf32, #tpu.memory_space<vmem>>, vector<16xf32>,
    tpu.vector_store %arg16[%swap3A_46, %swap3A_47], %broadcast_in_dim3A_1 {strides = array<i32>} : memref<16x128xf32, #tpu.memory_space<vmem>>, vector<16xf32>,
    %swap3A_49 = arith.constant 1 : i32
    %swap3A_50 = arith.index_cast %swap3A_49 : i32 to index
    %swap3A_51 = arith.constant 64 : index
    %swap3A_52 = tpu.vector_load %arg16[%swap3A_50, %swap3A_51] {strides = array<i32>} : memref<16x128xf32, #tpu.memory_space<vmem>>, vector<16xf32>,
    tpu.vector_store %arg16[%swap3A_50, %swap3A_51], %broadcast_in_dim3A_1 {strides = array<i32>} : memref<16x128xf32, #tpu.memory_space<vmem>>, vector<16xf32>,
    %swap3A_53 = arith.constant 1 : i32
    %swap3A_54 = arith.index_cast %swap3A_53 : i32 to index
    %swap3A_55 = arith.constant 80 : index
    %swap3A_56 = tpu.vector_load %arg16[%swap3A_54, %swap3A_55] {strides = array<i32>} : memref<16x128xf32, #tpu.memory_space<vmem>>, vector<16xf32>,
    tpu.vector_store %arg16[%swap3A_54, %swap3A_55], %broadcast_in_dim3A_1 {strides = array<i32>} : memref<16x128xf32, #tpu.memory_space<vmem>>, vector<16xf32>,
    %swap3A_57 = arith.constant 1 : i32
    %swap3A_58 = arith.index_cast %swap3A_57 : i32 to index
    %swap3A_59 = arith.constant 96 : index
    %swap3A_60 = tpu.vector_load %arg16[%swap3A_58, %swap3A_59] {strides = array<i32>} : memref<16x128xf32, #tpu.memory_space<vmem>>, vector<16xf32>,
    tpu.vector_store %arg16[%swap3A_58, %swap3A_59], %broadcast_in_dim3A_1 {strides = array<i32>} : memref<16x128xf32, #tpu.memory_space<vmem>>, vector<16xf32>,
    %swap3A_61 = arith.constant 1 : i32
    %swap3A_62 = arith.index_cast %swap3A_61 : i32 to index
    %swap3A_63 = arith.constant 112 : index
    %swap3A_64 = tpu.vector_load %arg16[%swap3A_62, %swap3A_63] {strides = array<i32>} : memref<16x128xf32, #tpu.memory_space<vmem>>, vector<16xf32>,
    tpu.vector_store %arg16[%swap3A_62, %swap3A_63], %broadcast_in_dim3A_1 {strides = array<i32>} : memref<16x128xf32, #tpu.memory_space<vmem>>, vector<16xf32>,
    %swap3A_65 = arith.constant 2 : i32
    %swap3A_66 = arith.index_cast %swap3A_65 : i32 to index
    %swap3A_67 = arith.constant 0 : index
    %swap3A_68 = tpu.vector_load %arg16[%swap3A_66, %swap3A_67] {strides = array<i32>} : memref<16x128xf32, #tpu.memory_space<vmem>>, vector<16xf32>,
    tpu.vector_store %arg16[%swap3A_66, %swap3A_67], %broadcast_in_dim3A_1 {strides = array<i32>} : memref<16x128xf32, #tpu.memory_space<vmem>>, vector<16xf32>,
    %swap3A_69 = arith.constant 2 : i32
    %swap3A_70 = arith.index_cast %swap3A_69 : i32 to index
    %swap3A_71 = arith.constant 16 : index
    %swap3A_72 = tpu.vector_load %arg16[%swap3A_70, %swap3A_71] {strides = array<i32>} : memref<16x128xf32, #tpu.memory_space<vmem>>, vector<16xf32>,
    tpu.vector_store %arg16[%swap3A_70, %swap3A_71], %broadcast_in_dim3A_1 {strides = array<i32>} : memref<16x128xf32, #tpu.memory_space<vmem>>, vector<16xf32>,
    %swap3A_73 = arith.constant 2 : i32
    %swap3A_74 = arith.index_cast %swap3A_73 : i32 to index
    %swap3A_75 = arith.constant 32 : index
    %swap3A_76 = tpu.vector_load %arg16[%swap3A_74, %swap3A_75] {strides = array<i32>} : memref<16x128xf32, #tpu.memory_space<vmem>>, vector<16xf32>,
    tpu.vector_store %arg16[%swap3A_74, %swap3A_75], %broadcast_in_dim3A_1 {strides = array<i32>} : memref<16x128xf32, #tpu.memory_space<vmem>>, vector<16xf32>,
    %swap3A_77 = arith.constant 2 : i32
    %swap3A_78 = arith.index_cast %swap3A_77 : i32 to index
    %swap3A_79 = arith.constant 48 : index
    %swap3A_80 = tpu.vector_load %arg16[%swap3A_78, %swap3A_79] {strides = array<i32>} : memref<16x128xf32, #tpu.memory_space<vmem>>, vector<16xf32>,
    tpu.vector_store %arg16[%swap3A_78, %swap3A_79], %broadcast_in_dim3A_1 {strides = array<i32>} : memref<16x128xf32, #tpu.memory_space<vmem>>, vector<16xf32>,
    %swap3A_81 = arith.constant 2 : i32
    %swap3A_82 = arith.index_cast %swap3A_81 : i32 to index
    %swap3A_83 = arith.constant 64 : index
    %swap3A_84 = tpu.vector_load %arg16[%swap3A_82, %swap3A_83] {strides = array<i32>} : memref<16x128xf32, #tpu.memory_space<vmem>>, vector<16xf32>,
    tpu.vector_store %arg16[%swap3A_82, %swap3A_83], %broadcast_in_dim3A_1 {strides = array<i32>} : memref<16x128xf32, #tpu.memory_space<vmem>>, vector<16xf32>,
    %swap3A_85 = arith.constant 2 : i32
    %swap3A_86 = arith.index_cast %swap3A_85 : i32 to index
    %swap3A_87 = arith.constant 80 : index
    %swap3A_88 = tpu.vector_load %arg16[%swap3A_86, %swap3A_87] {strides = array<i32>} : memref<16x128xf32, #tpu.memory_space<vmem>>, vector<16xf32>,
    tpu.vector_store %arg16[%swap3A_86, %swap3A_87], %broadcast_in_dim3A_1 {strides = array<i32>} : memref<16x128xf32, #tpu.memory_space<vmem>>, vector<16xf32>,
    %swap3A_89 = arith.constant 2 : i32
    %swap3A_90 = arith.index_cast %swap3A_89 : i32 to index
    %swap3A_91 = arith.constant 96 : index
    %swap3A_92 = tpu.vector_load %arg16[%swap3A_90, %swap3A_91] {strides = array<i32>} : memref<16x128xf32, #tpu.memory_space<vmem>>, vector<16xf32>,
    tpu.vector_store %arg16[%swap3A_90, %swap3A_91], %broadcast_in_dim3A_1 {strides = array<i32>} : memref<16x128xf32, #tpu.memory_space<vmem>>, vector<16xf32>,
    %swap3A_93 = arith.constant 2 : i32
    %swap3A_94 = arith.index_cast %swap3A_93 : i32 to index
    %swap3A_95 = arith.constant 112 : index
    %swap3A_96 = tpu.vector_load %arg16[%swap3A_94, %swap3A_95] {strides = array<i32>} : memref<16x128xf32, #tpu.memory_space<vmem>>, vector<16xf32>,
    tpu.vector_store %arg16[%swap3A_94, %swap3A_95], %broadcast_in_dim3A_1 {strides = array<i32>} : memref<16x128xf32, #tpu.memory_space<vmem>>, vector<16xf32>,
    %swap3A_97 = arith.constant 3 : i32
    %swap3A_98 = arith.index_cast %swap3A_97 : i32 to index
    %swap3A_99 = arith.constant 0 : index
    %swap3A_100 = tpu.vector_load %arg16[%swap3A_98, %swap3A_99] {strides = array<i32>} : memref<16x128xf32, #tpu.memory_space<vmem>>, vector<16xf32>,
    tpu.vector_store %arg16[%swap3A_98, %swap3A_99], %broadcast_in_dim3A_1 {strides = array<i32>} : memref<16x128xf32, #tpu.memory_space<vmem>>, vector<16xf32>,
    %swap3A_101 = arith.constant 3 : i32
    %swap3A_102 = arith.index_cast %swap3A_101 : i32 to index
    %swap3A_103 = arith.constant 16 : index
    %swap3A_104 = tpu.vector_load %arg16[%swap3A_102, %swap3A_103] {strides = array<i32>} : memref<16x128xf32, #tpu.memory_space<vmem>>, vector<16xf32>,
    tpu.vector_store %arg16[%swap3A_102, %swap3A_103], %broadcast_in_dim3A_1 {strides = array<i32>} : memref<16x128xf32, #tpu.memory_space<vmem>>, vector<16xf32>,
    %swap3A_105 = arith.constant 3 : i32
    %swap3A_106 = arith.index_cast %swap3A_105 : i32 to index
    %swap3A_107 = arith.constant 32 : index
    %swap3A_108 = tpu.vector_load %arg16[%swap3A_106, %swap3A_107] {strides = array<i32>} : memref<16x128xf32, #tpu.memory_space<vmem>>, vector<16xf32>,
    tpu.vector_store %arg16[%swap3A_106, %swap3A_107], %broadcast_in_dim3A_1 {strides = array<i32>} : memref<16x128xf32, #tpu.memory_space<vmem>>, vector<16xf32>,
    %swap3A_109 = arith.constant 3 : i32
    %swap3A_110 = arith.index_cast %swap3A_109 : i32 to index
    %swap3A_111 = arith.constant 48 : index
    %swap3A_112 = tpu.vector_load %arg16[%swap3A_110, %swap3A_111] {strides = array<i32>} : memref<16x128xf32, #tpu.memory_space<vmem>>, vector<16xf32>,
    tpu.vector_store %arg16[%swap3A_110, %swap3A_111], %broadcast_in_dim3A_1 {strides = array<i32>} : memref<16x128xf32, #tpu.memory_space<vmem>>, vector<16xf32>,
    %swap3A_113 = arith.constant 3 : i32
    %swap3A_114 = arith.index_cast %swap3A_113 : i32 to index
    %swap3A_115 = arith.constant 64 : index
    %swap3A_116 = tpu.vector_load %arg16[%swap3A_114, %swap3A_115] {strides = array<i32>} : memref<16x128xf32, #tpu.memory_space<vmem>>, vector<16xf32>,
    tpu.vector_store %arg16[%swap3A_114, %swap3A_115], %broadcast_in_dim3A_1 {strides = array<i32>} : memref<16x128xf32, #tpu.memory_space<vmem>>, vector<16xf32>,
    %swap3A_117 = arith.constant 3 : i32
    %swap3A_118 = arith.index_cast %swap3A_117 : i32 to index
    %swap3A_119 = arith.constant 80 : index
    %swap3A_120 = tpu.vector_load %arg16[%swap3A_118, %swap3A_119] {strides = array<i32>} : memref<16x128xf32, #tpu.memory_space<vmem>>, vector<16xf32>,
    tpu.vector_store %arg16[%swap3A_118, %swap3A_119], %broadcast_in_dim3A_1 {strides = array<i32>} : memref<16x128xf32, #tpu.memory_space<vmem>>, vector<16xf32>,
    %swap3A_121 = arith.constant 3 : i32
    %swap3A_122 = arith.index_cast %swap3A_121 : i32 to index
    %swap3A_123 = arith.constant 96 : index
    %swap3A_124 = tpu.vector_load %arg16[%swap3A_122, %swap3A_123] {strides = array<i32>} : memref<16x128xf32, #tpu.memory_space<vmem>>, vector<16xf32>,
    tpu.vector_store %arg16[%swap3A_122, %swap3A_123], %broadcast_in_dim3A_1 {strides = array<i32>} : memref<16x128xf32, #tpu.memory_space<vmem>>, vector<16xf32>,
    %swap3A_125 = arith.constant 3 : i32
    %swap3A_126 = arith.index_cast %swap3A_125 : i32 to index
    %swap3A_127 = arith.constant 112 : index
    %swap3A_128 = tpu.vector_load %arg16[%swap3A_126, %swap3A_127] {strides = array<i32>} : memref<16x128xf32, #tpu.memory_space<vmem>>, vector<16xf32>,
    tpu.vector_store %arg16[%swap3A_126, %swap3A_127], %broadcast_in_dim3A_1 {strides = array<i32>} : memref<16x128xf32, #tpu.memory_space<vmem>>, vector<16xf32>,
    %swap3A_129 = arith.constant 4 : i32
    %swap3A_130 = arith.index_cast %swap3A_129 : i32 to index
    %swap3A_131 = arith.constant 0 : index
    %swap3A_132 = tpu.vector_load %arg16[%swap3A_130, %swap3A_131] {strides = array<i32>} : memref<16x128xf32, #tpu.memory_space<vmem>>, vector<16xf32>,
    tpu.vector_store %arg16[%swap3A_130, %swap3A_131], %broadcast_in_dim3A_1 {strides = array<i32>} : memref<16x128xf32, #tpu.memory_space<vmem>>, vector<16xf32>,
    %swap3A_133 = arith.constant 4 : i32
    %swap3A_134 = arith.index_cast %swap3A_133 : i32 to index
    %swap3A_135 = arith.constant 16 : index
    %swap3A_136 = tpu.vector_load %arg16[%swap3A_134, %swap3A_135] {strides = array<i32>} : memref<16x128xf32, #tpu.memory_space<vmem>>, vector<16xf32>,
    tpu.vector_store %arg16[%swap3A_134, %swap3A_135], %broadcast_in_dim3A_1 {strides = array<i32>} : memref<16x128xf32, #tpu.memory_space<vmem>>, vector<16xf32>,
    %swap3A_137 = arith.constant 4 : i32
    %swap3A_138 = arith.index_cast %swap3A_137 : i32 to index
    %swap3A_139 = arith.constant 32 : index
    %swap3A_140 = tpu.vector_load %arg16[%swap3A_138, %swap3A_139] {strides = array<i32>} : memref<16x128xf32, #tpu.memory_space<vmem>>, vector<16xf32>,
    tpu.vector_store %arg16[%swap3A_138, %swap3A_139], %broadcast_in_dim3A_1 {strides = array<i32>} : memref<16x128xf32, #tpu.memory_space<vmem>>, vector<16xf32>,
    %swap3A_141 = arith.constant 4 : i32
    %swap3A_142 = arith.index_cast %swap3A_141 : i32 to index
    %swap3A_143 = arith.constant 48 : index
    %swap3A_144 = tpu.vector_load %arg16[%swap3A_142, %swap3A_143] {strides = array<i32>} : memref<16x128xf32, #tpu.memory_space<vmem>>, vector<16xf32>,
    tpu.vector_store %arg16[%swap3A_142, %swap3A_143], %broadcast_in_dim3A_1 {strides = array<i32>} : memref<16x128xf32, #tpu.memory_space<vmem>>, vector<16xf32>,
    %swap3A_145 = arith.constant 4 : i32
    %swap3A_146 = arith.index_cast %swap3A_145 : i32 to index
    %swap3A_147 = arith.constant 64 : index
    %swap3A_148 = tpu.vector_load %arg16[%swap3A_146, %swap3A_147] {strides = array<i32>} : memref<16x128xf32, #tpu.memory_space<vmem>>, vector<16xf32>,
    tpu.vector_store %arg16[%swap3A_146, %swap3A_147], %broadcast_in_dim3A_1 {strides = array<i32>} : memref<16x128xf32, #tpu.memory_space<vmem>>, vector<16xf32>,
    %swap3A_149 = arith.constant 4 : i32
    %swap3A_150 = arith.index_cast %swap3A_149 : i32 to index
    %swap3A_151 = arith.constant 80 : index
    %swap3A_152 = tpu.vector_load %arg16[%swap3A_150, %swap3A_151] {strides = array<i32>} : memref<16x128xf32, #tpu.memory_space<vmem>>, vector<16xf32>,
    tpu.vector_store %arg16[%swap3A_150, %swap3A_151], %broadcast_in_dim3A_1 {strides = array<i32>} : memref<16x128xf32, #tpu.memory_space<vmem>>, vector<16xf32>,
    %swap3A_153 = arith.constant 4 : i32
    %swap3A_154 = arith.index_cast %swap3A_153 : i32 to index
    %swap3A_155 = arith.constant 96 : index
    %swap3A_156 = tpu.vector_load %arg16[%swap3A_154, %swap3A_155] {strides = array<i32>} : memref<16x128xf32, #tpu.memory_space<vmem>>, vector<16xf32>,
    tpu.vector_store %arg16[%swap3A_154, %swap3A_155], %broadcast_in_dim3A_1 {strides = array<i32>} : memref<16x128xf32, #tpu.memory_space<vmem>>, vector<16xf32>,
    %swap3A_157 = arith.constant 4 : i32
    %swap3A_158 = arith.index_cast %swap3A_157 : i32 to index
    %swap3A_159 = arith.constant 112 : index
    %swap3A_160 = tpu.vector_load %arg16[%swap3A_158, %swap3A_159] {strides = array<i32>} : memref<16x128xf32, #tpu.memory_space<vmem>>, vector<16xf32>,
    tpu.vector_store %arg16[%swap3A_158, %swap3A_159], %broadcast_in_dim3A_1 {strides = array<i32>} : memref<16x128xf32, #tpu.memory_space<vmem>>, vector<16xf32>,
    %swap3A_161 = arith.constant 5 : i32
    %swap3A_162 = arith.index_cast %swap3A_161 : i32 to index
    %swap3A_163 = arith.constant 0 : index
    %swap3A_164 = tpu.vector_load %arg16[%swap3A_162, %swap3A_163] {strides = array<i32>} : memref<16x128xf32, #tpu.memory_space<vmem>>, vector<16xf32>,
    tpu.vector_store %arg16[%swap3A_162, %swap3A_163], %broadcast_in_dim3A_1 {strides = array<i32>} : memref<16x128xf32, #tpu.memory_space<vmem>>, vector<16xf32>,
    %swap3A_165 = arith.constant 5 : i32
    %swap3A_166 = arith.index_cast %swap3A_165 : i32 to index
    %swap3A_167 = arith.constant 16 : index
    %swap3A_168 = tpu.vector_load %arg16[%swap3A_166, %swap3A_167] {strides = array<i32>} : memref<16x128xf32, #tpu.memory_space<vmem>>, vector<16xf32>,
    tpu.vector_store %arg16[%swap3A_166, %swap3A_167], %broadcast_in_dim3A_1 {strides = array<i32>} : memref<16x128xf32, #tpu.memory_space<vmem>>, vector<16xf32>,
    %swap3A_169 = arith.constant 5 : i32
    %swap3A_170 = arith.index_cast %swap3A_169 : i32 to index
    %swap3A_171 = arith.constant 32 : index
    %swap3A_172 = tpu.vector_load %arg16[%swap3A_170, %swap3A_171] {strides = array<i32>} : memref<16x128xf32, #tpu.memory_space<vmem>>, vector<16xf32>,
    tpu.vector_store %arg16[%swap3A_170, %swap3A_171], %broadcast_in_dim3A_1 {strides = array<i32>} : memref<16x128xf32, #tpu.memory_space<vmem>>, vector<16xf32>,
    %swap3A_173 = arith.constant 5 : i32
    %swap3A_174 = arith.index_cast %swap3A_173 : i32 to index
    %swap3A_175 = arith.constant 48 : index
    %swap3A_176 = tpu.vector_load %arg16[%swap3A_174, %swap3A_175] {strides = array<i32>} : memref<16x128xf32, #tpu.memory_space<vmem>>, vector<16xf32>,
    tpu.vector_store %arg16[%swap3A_174, %swap3A_175], %broadcast_in_dim3A_1 {strides = array<i32>} : memref<16x128xf32, #tpu.memory_space<vmem>>, vector<16xf32>,
    %swap3A_177 = arith.constant 5 : i32
    %swap3A_178 = arith.index_cast %swap3A_177 : i32 to index
    %swap3A_179 = arith.constant 64 : index
    %swap3A_180 = tpu.vector_load %arg16[%swap3A_178, %swap3A_179] {strides = array<i32>} : memref<16x128xf32, #tpu.memory_space<vmem>>, vector<16xf32>,
    tpu.vector_store %arg16[%swap3A_178, %swap3A_179], %broadcast_in_dim3A_1 {strides = array<i32>} : memref<16x128xf32, #tpu.memory_space<vmem>>, vector<16xf32>,
    %swap3A_181 = arith.constant 5 : i32
    %swap3A_182 = arith.index_cast %swap3A_181 : i32 to index
    %swap3A_183 = arith.constant 80 : index
    %swap3A_184 = tpu.vector_load %arg16[%swap3A_182, %swap3A_183] {strides = array<i32>} : memref<16x128xf32, #tpu.memory_space<vmem>>, vector<16xf32>,
    tpu.vector_store %arg16[%swap3A_182, %swap3A_183], %broadcast_in_dim3A_1 {strides = array<i32>} : memref<16x128xf32, #tpu.memory_space<vmem>>, vector<16xf32>,
    %swap3A_185 = arith.constant 5 : i32
    %swap3A_186 = arith.index_cast %swap3A_185 : i32 to index
    %swap3A_187 = arith.constant 96 : index
    %swap3A_188 = tpu.vector_load %arg16[%swap3A_186, %swap3A_187] {strides = array<i32>} : memref<16x128xf32, #tpu.memory_space<vmem>>, vector<16xf32>,
    tpu.vector_store %arg16[%swap3A_186, %swap3A_187], %broadcast_in_dim3A_1 {strides = array<i32>} : memref<16x128xf32, #tpu.memory_space<vmem>>, vector<16xf32>,
    %swap3A_189 = arith.constant 5 : i32
    %swap3A_190 = arith.index_cast %swap3A_189 : i32 to index
    %swap3A_191 = arith.constant 112 : index
    %swap3A_192 = tpu.vector_load %arg16[%swap3A_190, %swap3A_191] {strides = array<i32>} : memref<16x128xf32, #tpu.memory_space<vmem>>, vector<16xf32>,
    tpu.vector_store %arg16[%swap3A_190, %swap3A_191], %broadcast_in_dim3A_1 {strides = array<i32>} : memref<16x128xf32, #tpu.memory_space<vmem>>, vector<16xf32>,
    %swap3A_193 = arith.constant 6 : i32
    %swap3A_194 = arith.index_cast %swap3A_193 : i32 to index
    %swap3A_195 = arith.constant 0 : index
    %swap3A_196 = tpu.vector_load %arg16[%swap3A_194, %swap3A_195] {strides = array<i32>} : memref<16x128xf32, #tpu.memory_space<vmem>>, vector<16xf32>,
    tpu.vector_store %arg16[%swap3A_194, %swap3A_195], %broadcast_in_dim3A_1 {strides = array<i32>} : memref<16x128xf32, #tpu.memory_space<vmem>>, vector<16xf32>,
    %swap3A_197 = arith.constant 6 : i32
    %swap3A_198 = arith.index_cast %swap3A_197 : i32 to index
    %swap3A_199 = arith.constant 16 : index
    %swap3A_200 = tpu.vector_load %arg16[%swap3A_198, %swap3A_199] {strides = array<i32>} : memref<16x128xf32, #tpu.memory_space<vmem>>, vector<16xf32>,
    tpu.vector_store %arg16[%swap3A_198, %swap3A_199], %broadcast_in_dim3A_1 {strides = array<i32>} : memref<16x128xf32, #tpu.memory_space<vmem>>, vector<16xf32>,
    %swap3A_201 = arith.constant 6 : i32
    %swap3A_202 = arith.index_cast %swap3A_201 : i32 to index
    %swap3A_203 = arith.constant 32 : index
    %swap3A_204 = tpu.vector_load %arg16[%swap3A_202, %swap3A_203] {strides = array<i32>} : memref<16x128xf32, #tpu.memory_space<vmem>>, vector<16xf32>,
    tpu.vector_store %arg16[%swap3A_202, %swap3A_203], %broadcast_in_dim3A_1 {strides = array<i32>} : memref<16x128xf32, #tpu.memory_space<vmem>>, vector<16xf32>,
    %swap3A_205 = arith.constant 6 : i32
    %swap3A_206 = arith.index_cast %swap3A_205 : i32 to index
    %swap3A_207 = arith.constant 48 : index
    %swap3A_208 = tpu.vector_load %arg16[%swap3A_206, %swap3A_207] {strides = array<i32>} : memref<16x128xf32, #tpu.memory_space<vmem>>, vector<16xf32>,
    tpu.vector_store %arg16[%swap3A_206, %swap3A_207], %broadcast_in_dim3A_1 {strides = array<i32>} : memref<16x128xf32, #tpu.memory_space<vmem>>, vector<16xf32>,
    %swap3A_209 = arith.constant 6 : i32
    %swap3A_210 = arith.index_cast %swap3A_209 : i32 to index
    %swap3A_211 = arith.constant 64 : index
    %swap3A_212 = tpu.vector_load %arg16[%swap3A_210, %swap3A_211] {strides = array<i32>} : memref<16x128xf32, #tpu.memory_space<vmem>>, vector<16xf32>,
    tpu.vector_store %arg16[%swap3A_210, %swap3A_211], %broadcast_in_dim3A_1 {strides = array<i32>} : memref<16x128xf32, #tpu.memory_space<vmem>>, vector<16xf32>,
    %swap3A_213 = arith.constant 6 : i32
    %swap3A_214 = arith.index_cast %swap3A_213 : i32 to index
    %swap3A_215 = arith.constant 80 : index
    %swap3A_216 = tpu.vector_load %arg16[%swap3A_214, %swap3A_215] {strides = array<i32>} : memref<16x128xf32, #tpu.memory_space<vmem>>, vector<16xf32>,
    tpu.vector_store %arg16[%swap3A_214, %swap3A_215], %broadcast_in_dim3A_1 {strides = array<i32>} : memref<16x128xf32, #tpu.memory_space<vmem>>, vector<16xf32>,
    %swap3A_217 = arith.constant 6 : i32
    %swap3A_218 = arith.index_cast %swap3A_217 : i32 to index
    %swap3A_219 = arith.constant 96 : index
    %swap3A_220 = tpu.vector_load %arg16[%swap3A_218, %swap3A_219] {strides = array<i32>} : memref<16x128xf32, #tpu.memory_space<vmem>>, vector<16xf32>,
    tpu.vector_store %arg16[%swap3A_218, %swap3A_219], %broadcast_in_dim3A_1 {strides = array<i32>} : memref<16x128xf32, #tpu.memory_space<vmem>>, vector<16xf32>,
    %swap3A_221 = arith.constant 6 : i32
    %swap3A_222 = arith.index_cast %swap3A_221 : i32 to index
    %swap3A_223 = arith.constant 112 : index
    %swap3A_224 = tpu.vector_load %arg16[%swap3A_222, %swap3A_223] {strides = array<i32>} : memref<16x128xf32, #tpu.memory_space<vmem>>, vector<16xf32>,
    tpu.vector_store %arg16[%swap3A_222, %swap3A_223], %broadcast_in_dim3A_1 {strides = array<i32>} : memref<16x128xf32, #tpu.memory_space<vmem>>, vector<16xf32>,
    %swap3A_225 = arith.constant 7 : i32
    %swap3A_226 = arith.index_cast %swap3A_225 : i32 to index
    %swap3A_227 = arith.constant 0 : index
    %swap3A_228 = tpu.vector_load %arg16[%swap3A_226, %swap3A_227] {strides = array<i32>} : memref<16x128xf32, #tpu.memory_space<vmem>>, vector<16xf32>,
    tpu.vector_store %arg16[%swap3A_226, %swap3A_227], %broadcast_in_dim3A_1 {strides = array<i32>} : memref<16x128xf32, #tpu.memory_space<vmem>>, vector<16xf32>,
    %swap3A_229 = arith.constant 7 : i32
    %swap3A_230 = arith.index_cast %swap3A_229 : i32 to index
    %swap3A_231 = arith.constant 16 : index
    %swap3A_232 = tpu.vector_load %arg16[%swap3A_230, %swap3A_231] {strides = array<i32>} : memref<16x128xf32, #tpu.memory_space<vmem>>, vector<16xf32>,
    tpu.vector_store %arg16[%swap3A_230, %swap3A_231], %broadcast_in_dim3A_1 {strides = array<i32>} : memref<16x128xf32, #tpu.memory_space<vmem>>, vector<16xf32>,
    %swap3A_233 = arith.constant 7 : i32
    %swap3A_234 = arith.index_cast %swap3A_233 : i32 to index
    %swap3A_235 = arith.constant 32 : index
    %swap3A_236 = tpu.vector_load %arg16[%swap3A_234, %swap3A_235] {strides = array<i32>} : memref<16x128xf32, #tpu.memory_space<vmem>>, vector<16xf32>,
    tpu.vector_store %arg16[%swap3A_234, %swap3A_235], %broadcast_in_dim3A_1 {strides = array<i32>} : memref<16x128xf32, #tpu.memory_space<vmem>>, vector<16xf32>,
    %swap3A_237 = arith.constant 7 : i32
    %swap3A_238 = arith.index_cast %swap3A_237 : i32 to index
    %swap3A_239 = arith.constant 48 : index
    %swap3A_240 = tpu.vector_load %arg16[%swap3A_238, %swap3A_239] {strides = array<i32>} : memref<16x128xf32, #tpu.memory_space<vmem>>, vector<16xf32>,
    tpu.vector_store %arg16[%swap3A_238, %swap3A_239], %broadcast_in_dim3A_1 {strides = array<i32>} : memref<16x128xf32, #tpu.memory_space<vmem>>, vector<16xf32>,
    %swap3A_241 = arith.constant 7 : i32
    %swap3A_242 = arith.index_cast %swap3A_241 : i32 to index
    %swap3A_243 = arith.constant 64 : index
    %swap3A_244 = tpu.vector_load %arg16[%swap3A_242, %swap3A_243] {strides = array<i32>} : memref<16x128xf32, #tpu.memory_space<vmem>>, vector<16xf32>,
    tpu.vector_store %arg16[%swap3A_242, %swap3A_243], %broadcast_in_dim3A_1 {strides = array<i32>} : memref<16x128xf32, #tpu.memory_space<vmem>>, vector<16xf32>,
    %swap3A_245 = arith.constant 7 : i32
    %swap3A_246 = arith.index_cast %swap3A_245 : i32 to index
    %swap3A_247 = arith.constant 80 : index
    %swap3A_248 = tpu.vector_load %arg16[%swap3A_246, %swap3A_247] {strides = array<i32>} : memref<16x128xf32, #tpu.memory_space<vmem>>, vector<16xf32>,
    tpu.vector_store %arg16[%swap3A_246, %swap3A_247], %broadcast_in_dim3A_1 {strides = array<i32>} : memref<16x128xf32, #tpu.memory_space<vmem>>, vector<16xf32>,
    %swap3A_249 = arith.constant 7 : i32
    %swap3A_250 = arith.index_cast %swap3A_249 : i32 to index
    %swap3A_251 = arith.constant 96 : index
    %swap3A_252 = tpu.vector_load %arg16[%swap3A_250, %swap3A_251] {strides = array<i32>} : memref<16x128xf32, #tpu.memory_space<vmem>>, vector<16xf32>,
    tpu.vector_store %arg16[%swap3A_250, %swap3A_251], %broadcast_in_dim3A_1 {strides = array<i32>} : memref<16x128xf32, #tpu.memory_space<vmem>>, vector<16xf32>,
    %swap3A_253 = arith.constant 7 : i32
    %swap3A_254 = arith.index_cast %swap3A_253 : i32 to index
    %swap3A_255 = arith.constant 112 : index
    %swap3A_256 = tpu.vector_load %arg16[%swap3A_254, %swap3A_255] {strides = array<i32>} : memref<16x128xf32, #tpu.memory_space<vmem>>, vector<16xf32>,
    tpu.vector_store %arg16[%swap3A_254, %swap3A_255], %broadcast_in_dim3A_1 {strides = array<i32>} : memref<16x128xf32, #tpu.memory_space<vmem>>, vector<16xf32>,
    %swap3A_257 = arith.constant 8 : i32
    %swap3A_258 = arith.index_cast %swap3A_257 : i32 to index
    %swap3A_259 = arith.constant 0 : index
    %swap3A_260 = tpu.vector_load %arg16[%swap3A_258, %swap3A_259] {strides = array<i32>} : memref<16x128xf32, #tpu.memory_space<vmem>>, vector<16xf32>,
    tpu.vector_store %arg16[%swap3A_258, %swap3A_259], %broadcast_in_dim3A_1 {strides = array<i32>} : memref<16x128xf32, #tpu.memory_space<vmem>>, vector<16xf32>,
    %swap3A_261 = arith.constant 8 : i32
    %swap3A_262 = arith.index_cast %swap3A_261 : i32 to index
    %swap3A_263 = arith.constant 16 : index
    %swap3A_264 = tpu.vector_load %arg16[%swap3A_262, %swap3A_263] {strides = array<i32>} : memref<16x128xf32, #tpu.memory_space<vmem>>, vector<16xf32>,
    tpu.vector_store %arg16[%swap3A_262, %swap3A_263], %broadcast_in_dim3A_1 {strides = array<i32>} : memref<16x128xf32, #tpu.memory_space<vmem>>, vector<16xf32>,
    %swap3A_265 = arith.constant 8 : i32
    %swap3A_266 = arith.index_cast %swap3A_265 : i32 to index
    %swap3A_267 = arith.constant 32 : index
    %swap3A_268 = tpu.vector_load %arg16[%swap3A_266, %swap3A_267] {strides = array<i32>} : memref<16x128xf32, #tpu.memory_space<vmem>>, vector<16xf32>,
    tpu.vector_store %arg16[%swap3A_266, %swap3A_267], %broadcast_in_dim3A_1 {strides = array<i32>} : memref<16x128xf32, #tpu.memory_space<vmem>>, vector<16xf32>,
    %swap3A_269 = arith.constant 8 : i32
    %swap3A_270 = arith.index_cast %swap3A_269 : i32 to index
    %swap3A_271 = arith.constant 48 : index
    %swap3A_272 = tpu.vector_load %arg16[%swap3A_270, %swap3A_271] {strides = array<i32>} : memref<16x128xf32, #tpu.memory_space<vmem>>, vector<16xf32>,
    tpu.vector_store %arg16[%swap3A_270, %swap3A_271], %broadcast_in_dim3A_1 {strides = array<i32>} : memref<16x128xf32, #tpu.memory_space<vmem>>, vector<16xf32>,
    %swap3A_273 = arith.constant 8 : i32
    %swap3A_274 = arith.index_cast %swap3A_273 : i32 to index
    %swap3A_275 = arith.constant 64 : index
    %swap3A_276 = tpu.vector_load %arg16[%swap3A_274, %swap3A_275] {strides = array<i32>} : memref<16x128xf32, #tpu.memory_space<vmem>>, vector<16xf32>,
    tpu.vector_store %arg16[%swap3A_274, %swap3A_275], %broadcast_in_dim3A_1 {strides = array<i32>} : memref<16x128xf32, #tpu.memory_space<vmem>>, vector<16xf32>,
    %swap3A_277 = arith.constant 8 : i32
    %swap3A_278 = arith.index_cast %swap3A_277 : i32 to index
    %swap3A_279 = arith.constant 80 : index
    %swap3A_280 = tpu.vector_load %arg16[%swap3A_278, %swap3A_279] {strides = array<i32>} : memref<16x128xf32, #tpu.memory_space<vmem>>, vector<16xf32>,
    tpu.vector_store %arg16[%swap3A_278, %swap3A_279], %broadcast_in_dim3A_1 {strides = array<i32>} : memref<16x128xf32, #tpu.memory_space<vmem>>, vector<16xf32>,
    %swap3A_281 = arith.constant 8 : i32
    %swap3A_282 = arith.index_cast %swap3A_281 : i32 to index
    %swap3A_283 = arith.constant 96 : index
    %swap3A_284 = tpu.vector_load %arg16[%swap3A_282, %swap3A_283] {strides = array<i32>} : memref<16x128xf32, #tpu.memory_space<vmem>>, vector<16xf32>,
    tpu.vector_store %arg16[%swap3A_282, %swap3A_283], %broadcast_in_dim3A_1 {strides = array<i32>} : memref<16x128xf32, #tpu.memory_space<vmem>>, vector<16xf32>,
    %swap3A_285 = arith.constant 8 : i32
    %swap3A_286 = arith.index_cast %swap3A_285 : i32 to index
    %swap3A_287 = arith.constant 112 : index
    %swap3A_288 = tpu.vector_load %arg16[%swap3A_286, %swap3A_287] {strides = array<i32>} : memref<16x128xf32, #tpu.memory_space<vmem>>, vector<16xf32>,
    tpu.vector_store %arg16[%swap3A_286, %swap3A_287], %broadcast_in_dim3A_1 {strides = array<i32>} : memref<16x128xf32, #tpu.memory_space<vmem>>, vector<16xf32>,
    %swap3A_289 = arith.constant 9 : i32
    %swap3A_290 = arith.index_cast %swap3A_289 : i32 to index
    %swap3A_291 = arith.constant 0 : index
    %swap3A_292 = tpu.vector_load %arg16[%swap3A_290, %swap3A_291] {strides = array<i32>} : memref<16x128xf32, #tpu.memory_space<vmem>>, vector<16xf32>,
    tpu.vector_store %arg16[%swap3A_290, %swap3A_291], %broadcast_in_dim3A_1 {strides = array<i32>} : memref<16x128xf32, #tpu.memory_space<vmem>>, vector<16xf32>,
    %swap3A_293 = arith.constant 9 : i32
    %swap3A_294 = arith.index_cast %swap3A_293 : i32 to index
    %swap3A_295 = arith.constant 16 : index
    %swap3A_296 = tpu.vector_load %arg16[%swap3A_294, %swap3A_295] {strides = array<i32>} : memref<16x128xf32, #tpu.memory_space<vmem>>, vector<16xf32>,
    tpu.vector_store %arg16[%swap3A_294, %swap3A_295], %broadcast_in_dim3A_1 {strides = array<i32>} : memref<16x128xf32, #tpu.memory_space<vmem>>, vector<16xf32>,
    %swap3A_297 = arith.constant 9 : i32
    %swap3A_298 = arith.index_cast %swap3A_297 : i32 to index
    %swap3A_299 = arith.constant 32 : index
    %swap3A_300 = tpu.vector_load %arg16[%swap3A_298, %swap3A_299] {strides = array<i32>} : memref<16x128xf32, #tpu.memory_space<vmem>>, vector<16xf32>,
    tpu.vector_store %arg16[%swap3A_298, %swap3A_299], %broadcast_in_dim3A_1 {strides = array<i32>} : memref<16x128xf32, #tpu.memory_space<vmem>>, vector<16xf32>,
    %swap3A_301 = arith.constant 9 : i32
    %swap3A_302 = arith.index_cast %swap3A_301 : i32 to index
    %swap3A_303 = arith.constant 48 : index
    %swap3A_304 = tpu.vector_load %arg16[%swap3A_302, %swap3A_303] {strides = array<i32>} : memref<16x128xf32, #tpu.memory_space<vmem>>, vector<16xf32>,
    tpu.vector_store %arg16[%swap3A_302, %swap3A_303], %broadcast_in_dim3A_1 {strides = array<i32>} : memref<16x128xf32, #tpu.memory_space<vmem>>, vector<16xf32>,
    %swap3A_305 = arith.constant 9 : i32
    %swap3A_306 = arith.index_cast %swap3A_305 : i32 to index
    %swap3A_307 = arith.constant 64 : index
    %swap3A_308 = tpu.vector_load %arg16[%swap3A_306, %swap3A_307] {strides = array<i32>} : memref<16x128xf32, #tpu.memory_space<vmem>>, vector<16xf32>,
    tpu.vector_store %arg16[%swap3A_306, %swap3A_307], %broadcast_in_dim3A_1 {strides = array<i32>} : memref<16x128xf32, #tpu.memory_space<vmem>>, vector<16xf32>,
    %swap3A_309 = arith.constant 9 : i32
    %swap3A_310 = arith.index_cast %swap3A_309 : i32 to index
    %swap3A_311 = arith.constant 80 : index
    %swap3A_312 = tpu.vector_load %arg16[%swap3A_310, %swap3A_311] {strides = array<i32>} : memref<16x128xf32, #tpu.memory_space<vmem>>, vector<16xf32>,
    tpu.vector_store %arg16[%swap3A_310, %swap3A_311], %broadcast_in_dim3A_1 {strides = array<i32>} : memref<16x128xf32, #tpu.memory_space<vmem>>, vector<16xf32>,
    %swap3A_313 = arith.constant 9 : i32
    %swap3A_314 = arith.index_cast %swap3A_313 : i32 to index
    %swap3A_315 = arith.constant 96 : index
    %swap3A_316 = tpu.vector_load %arg16[%swap3A_314, %swap3A_315] {strides = array<i32>} : memref<16x128xf32, #tpu.memory_space<vmem>>, vector<16xf32>,
    tpu.vector_store %arg16[%swap3A_314, %swap3A_315], %broadcast_in_dim3A_1 {strides = array<i32>} : memref<16x128xf32, #tpu.memory_space<vmem>>, vector<16xf32>,
    %swap3A_317 = arith.constant 9 : i32
    %swap3A_318 = arith.index_cast %swap3A_317 : i32 to index
    %swap3A_319 = arith.constant 112 : index
    %swap3A_320 = tpu.vector_load %arg16[%swap3A_318, %swap3A_319] {strides = array<i32>} : memref<16x128xf32, #tpu.memory_space<vmem>>, vector<16xf32>,
    tpu.vector_store %arg16[%swap3A_318, %swap3A_319], %broadcast_in_dim3A_1 {strides = array<i32>} : memref<16x128xf32, #tpu.memory_space<vmem>>, vector<16xf32>,
    %swap3A_321 = arith.constant 10 : i32
    %swap3A_322 = arith.index_cast %swap3A_321 : i32 to index
    %swap3A_323 = arith.constant 0 : index
    %swap3A_324 = tpu.vector_load %arg16[%swap3A_322, %swap3A_323] {strides = array<i32>} : memref<16x128xf32, #tpu.memory_space<vmem>>, vector<16xf32>,
    tpu.vector_store %arg16[%swap3A_322, %swap3A_323], %broadcast_in_dim3A_1 {strides = array<i32>} : memref<16x128xf32, #tpu.memory_space<vmem>>, vector<16xf32>,
    %swap3A_325 = arith.constant 10 : i32
    %swap3A_326 = arith.index_cast %swap3A_325 : i32 to index
    %swap3A_327 = arith.constant 16 : index
    %swap3A_328 = tpu.vector_load %arg16[%swap3A_326, %swap3A_327] {strides = array<i32>} : memref<16x128xf32, #tpu.memory_space<vmem>>, vector<16xf32>,
    tpu.vector_store %arg16[%swap3A_326, %swap3A_327], %broadcast_in_dim3A_1 {strides = array<i32>} : memref<16x128xf32, #tpu.memory_space<vmem>>, vector<16xf32>,
    %swap3A_329 = arith.constant 10 : i32
    %swap3A_330 = arith.index_cast %swap3A_329 : i32 to index
    %swap3A_331 = arith.constant 32 : index
    %swap3A_332 = tpu.vector_load %arg16[%swap3A_330, %swap3A_331] {strides = array<i32>} : memref<16x128xf32, #tpu.memory_space<vmem>>, vector<16xf32>,
    tpu.vector_store %arg16[%swap3A_330, %swap3A_331], %broadcast_in_dim3A_1 {strides = array<i32>} : memref<16x128xf32, #tpu.memory_space<vmem>>, vector<16xf32>,
    %swap3A_333 = arith.constant 10 : i32
    %swap3A_334 = arith.index_cast %swap3A_333 : i32 to index
    %swap3A_335 = arith.constant 48 : index
    %swap3A_336 = tpu.vector_load %arg16[%swap3A_334, %swap3A_335] {strides = array<i32>} : memref<16x128xf32, #tpu.memory_space<vmem>>, vector<16xf32>,
    tpu.vector_store %arg16[%swap3A_334, %swap3A_335], %broadcast_in_dim3A_1 {strides = array<i32>} : memref<16x128xf32, #tpu.memory_space<vmem>>, vector<16xf32>,
    %swap3A_337 = arith.constant 10 : i32
    %swap3A_338 = arith.index_cast %swap3A_337 : i32 to index
    %swap3A_339 = arith.constant 64 : index
    %swap3A_340 = tpu.vector_load %arg16[%swap3A_338, %swap3A_339] {strides = array<i32>} : memref<16x128xf32, #tpu.memory_space<vmem>>, vector<16xf32>,
    tpu.vector_store %arg16[%swap3A_338, %swap3A_339], %broadcast_in_dim3A_1 {strides = array<i32>} : memref<16x128xf32, #tpu.memory_space<vmem>>, vector<16xf32>,
    %swap3A_341 = arith.constant 10 : i32
    %swap3A_342 = arith.index_cast %swap3A_341 : i32 to index
    %swap3A_343 = arith.constant 80 : index
    %swap3A_344 = tpu.vector_load %arg16[%swap3A_342, %swap3A_343] {strides = array<i32>} : memref<16x128xf32, #tpu.memory_space<vmem>>, vector<16xf32>,
    tpu.vector_store %arg16[%swap3A_342, %swap3A_343], %broadcast_in_dim3A_1 {strides = array<i32>} : memref<16x128xf32, #tpu.memory_space<vmem>>, vector<16xf32>,
    %swap3A_345 = arith.constant 10 : i32
    %swap3A_346 = arith.index_cast %swap3A_345 : i32 to index
    %swap3A_347 = arith.constant 96 : index
    %swap3A_348 = tpu.vector_load %arg16[%swap3A_346, %swap3A_347] {strides = array<i32>} : memref<16x128xf32, #tpu.memory_space<vmem>>, vector<16xf32>,
    tpu.vector_store %arg16[%swap3A_346, %swap3A_347], %broadcast_in_dim3A_1 {strides = array<i32>} : memref<16x128xf32, #tpu.memory_space<vmem>>, vector<16xf32>,
    %swap3A_349 = arith.constant 10 : i32
    %swap3A_350 = arith.index_cast %swap3A_349 : i32 to index
    %swap3A_351 = arith.constant 112 : index
    %swap3A_352 = tpu.vector_load %arg16[%swap3A_350, %swap3A_351] {strides = array<i32>} : memref<16x128xf32, #tpu.memory_space<vmem>>, vector<16xf32>,
    tpu.vector_store %arg16[%swap3A_350, %swap3A_351], %broadcast_in_dim3A_1 {strides = array<i32>} : memref<16x128xf32, #tpu.memory_space<vmem>>, vector<16xf32>,
    %swap3A_353 = arith.constant 11 : i32
    %swap3A_354 = arith.index_cast %swap3A_353 : i32 to index
    %swap3A_355 = arith.constant 0 : index
    %swap3A_356 = tpu.vector_load %arg16[%swap3A_354, %swap3A_355] {strides = array<i32>} : memref<16x128xf32, #tpu.memory_space<vmem>>, vector<16xf32>,
    tpu.vector_store %arg16[%swap3A_354, %swap3A_355], %broadcast_in_dim3A_1 {strides = array<i32>} : memref<16x128xf32, #tpu.memory_space<vmem>>, vector<16xf32>,
    %swap3A_357 = arith.constant 11 : i32
    %swap3A_358 = arith.index_cast %swap3A_357 : i32 to index
    %swap3A_359 = arith.constant 16 : index
    %swap3A_360 = tpu.vector_load %arg16[%swap3A_358, %swap3A_359] {strides = array<i32>} : memref<16x128xf32, #tpu.memory_space<vmem>>, vector<16xf32>,
    tpu.vector_store %arg16[%swap3A_358, %swap3A_359], %broadcast_in_dim3A_1 {strides = array<i32>} : memref<16x128xf32, #tpu.memory_space<vmem>>, vector<16xf32>,
    %swap3A_361 = arith.constant 11 : i32
    %swap3A_362 = arith.index_cast %swap3A_361 : i32 to index
    %swap3A_363 = arith.constant 32 : index
    %swap3A_364 = tpu.vector_load %arg16[%swap3A_362, %swap3A_363] {strides = array<i32>} : memref<16x128xf32, #tpu.memory_space<vmem>>, vector<16xf32>,
    tpu.vector_store %arg16[%swap3A_362, %swap3A_363], %broadcast_in_dim3A_1 {strides = array<i32>} : memref<16x128xf32, #tpu.memory_space<vmem>>, vector<16xf32>,
    %swap3A_365 = arith.constant 11 : i32
    %swap3A_366 = arith.index_cast %swap3A_365 : i32 to index
    %swap3A_367 = arith.constant 48 : index
    %swap3A_368 = tpu.vector_load %arg16[%swap3A_366, %swap3A_367] {strides = array<i32>} : memref<16x128xf32, #tpu.memory_space<vmem>>, vector<16xf32>,
    tpu.vector_store %arg16[%swap3A_366, %swap3A_367], %broadcast_in_dim3A_1 {strides = array<i32>} : memref<16x128xf32, #tpu.memory_space<vmem>>, vector<16xf32>,
    %swap3A_369 = arith.constant 11 : i32
    %swap3A_370 = arith.index_cast %swap3A_369 : i32 to index
    %swap3A_371 = arith.constant 64 : index
    %swap3A_372 = tpu.vector_load %arg16[%swap3A_370, %swap3A_371] {strides = array<i32>} : memref<16x128xf32, #tpu.memory_space<vmem>>, vector<16xf32>,
    tpu.vector_store %arg16[%swap3A_370, %swap3A_371], %broadcast_in_dim3A_1 {strides = array<i32>} : memref<16x128xf32, #tpu.memory_space<vmem>>, vector<16xf32>,
    %swap3A_373 = arith.constant 11 : i32
    %swap3A_374 = arith.index_cast %swap3A_373 : i32 to index
    %swap3A_375 = arith.constant 80 : index
    %swap3A_376 = tpu.vector_load %arg16[%swap3A_374, %swap3A_375] {strides = array<i32>} : memref<16x128xf32, #tpu.memory_space<vmem>>, vector<16xf32>,
    tpu.vector_store %arg16[%swap3A_374, %swap3A_375], %broadcast_in_dim3A_1 {strides = array<i32>} : memref<16x128xf32, #tpu.memory_space<vmem>>, vector<16xf32>,
    %swap3A_377 = arith.constant 11 : i32
    %swap3A_378 = arith.index_cast %swap3A_377 : i32 to index
    %swap3A_379 = arith.constant 96 : index
    %swap3A_380 = tpu.vector_load %arg16[%swap3A_378, %swap3A_379] {strides = array<i32>} : memref<16x128xf32, #tpu.memory_space<vmem>>, vector<16xf32>,
    tpu.vector_store %arg16[%swap3A_378, %swap3A_379], %broadcast_in_dim3A_1 {strides = array<i32>} : memref<16x128xf32, #tpu.memory_space<vmem>>, vector<16xf32>,
    %swap3A_381 = arith.constant 11 : i32
    %swap3A_382 = arith.index_cast %swap3A_381 : i32 to index
    %swap3A_383 = arith.constant 112 : index
    %swap3A_384 = tpu.vector_load %arg16[%swap3A_382, %swap3A_383] {strides = array<i32>} : memref<16x128xf32, #tpu.memory_space<vmem>>, vector<16xf32>,
    tpu.vector_store %arg16[%swap3A_382, %swap3A_383], %broadcast_in_dim3A_1 {strides = array<i32>} : memref<16x128xf32, #tpu.memory_space<vmem>>, vector<16xf32>,
    %swap3A_385 = arith.constant 12 : i32
    %swap3A_386 = arith.index_cast %swap3A_385 : i32 to index
    %swap3A_387 = arith.constant 0 : index
    %swap3A_388 = tpu.vector_load %arg16[%swap3A_386, %swap3A_387] {strides = array<i32>} : memref<16x128xf32, #tpu.memory_space<vmem>>, vector<16xf32>,
    tpu.vector_store %arg16[%swap3A_386, %swap3A_387], %broadcast_in_dim3A_1 {strides = array<i32>} : memref<16x128xf32, #tpu.memory_space<vmem>>, vector<16xf32>,
    %swap3A_389 = arith.constant 12 : i32
    %swap3A_390 = arith.index_cast %swap3A_389 : i32 to index
    %swap3A_391 = arith.constant 16 : index
    %swap3A_392 = tpu.vector_load %arg16[%swap3A_390, %swap3A_391] {strides = array<i32>} : memref<16x128xf32, #tpu.memory_space<vmem>>, vector<16xf32>,
    tpu.vector_store %arg16[%swap3A_390, %swap3A_391], %broadcast_in_dim3A_1 {strides = array<i32>} : memref<16x128xf32, #tpu.memory_space<vmem>>, vector<16xf32>,
    %swap3A_393 = arith.constant 12 : i32
    %swap3A_394 = arith.index_cast %swap3A_393 : i32 to index
    %swap3A_395 = arith.constant 32 : index
    %swap3A_396 = tpu.vector_load %arg16[%swap3A_394, %swap3A_395] {strides = array<i32>} : memref<16x128xf32, #tpu.memory_space<vmem>>, vector<16xf32>,
    tpu.vector_store %arg16[%swap3A_394, %swap3A_395], %broadcast_in_dim3A_1 {strides = array<i32>} : memref<16x128xf32, #tpu.memory_space<vmem>>, vector<16xf32>,
    %swap3A_397 = arith.constant 12 : i32
    %swap3A_398 = arith.index_cast %swap3A_397 : i32 to index
    %swap3A_399 = arith.constant 48 : index
    %swap3A_400 = tpu.vector_load %arg16[%swap3A_398, %swap3A_399] {strides = array<i32>} : memref<16x128xf32, #tpu.memory_space<vmem>>, vector<16xf32>,
    tpu.vector_store %arg16[%swap3A_398, %swap3A_399], %broadcast_in_dim3A_1 {strides = array<i32>} : memref<16x128xf32, #tpu.memory_space<vmem>>, vector<16xf32>,
    %swap3A_401 = arith.constant 12 : i32
    %swap3A_402 = arith.index_cast %swap3A_401 : i32 to index
    %swap3A_403 = arith.constant 64 : index
    %swap3A_404 = tpu.vector_load %arg16[%swap3A_402, %swap3A_403] {strides = array<i32>} : memref<16x128xf32, #tpu.memory_space<vmem>>, vector<16xf32>,
    tpu.vector_store %arg16[%swap3A_402, %swap3A_403], %broadcast_in_dim3A_1 {strides = array<i32>} : memref<16x128xf32, #tpu.memory_space<vmem>>, vector<16xf32>,
    %swap3A_405 = arith.constant 12 : i32
    %swap3A_406 = arith.index_cast %swap3A_405 : i32 to index
    %swap3A_407 = arith.constant 80 : index
    %swap3A_408 = tpu.vector_load %arg16[%swap3A_406, %swap3A_407] {strides = array<i32>} : memref<16x128xf32, #tpu.memory_space<vmem>>, vector<16xf32>,
    tpu.vector_store %arg16[%swap3A_406, %swap3A_407], %broadcast_in_dim3A_1 {strides = array<i32>} : memref<16x128xf32, #tpu.memory_space<vmem>>, vector<16xf32>,
    %swap3A_409 = arith.constant 12 : i32
    %swap3A_410 = arith.index_cast %swap3A_409 : i32 to index
    %swap3A_411 = arith.constant 96 : index
    %swap3A_412 = tpu.vector_load %arg16[%swap3A_410, %swap3A_411] {strides = array<i32>} : memref<16x128xf32, #tpu.memory_space<vmem>>, vector<16xf32>,
    tpu.vector_store %arg16[%swap3A_410, %swap3A_411], %broadcast_in_dim3A_1 {strides = array<i32>} : memref<16x128xf32, #tpu.memory_space<vmem>>, vector<16xf32>,
    %swap3A_413 = arith.constant 12 : i32
    %swap3A_414 = arith.index_cast %swap3A_413 : i32 to index
    %swap3A_415 = arith.constant 112 : index
    %swap3A_416 = tpu.vector_load %arg16[%swap3A_414, %swap3A_415] {strides = array<i32>} : memref<16x128xf32, #tpu.memory_space<vmem>>, vector<16xf32>,
    tpu.vector_store %arg16[%swap3A_414, %swap3A_415], %broadcast_in_dim3A_1 {strides = array<i32>} : memref<16x128xf32, #tpu.memory_space<vmem>>, vector<16xf32>,
    %swap3A_417 = arith.constant 13 : i32
    %swap3A_418 = arith.index_cast %swap3A_417 : i32 to index
    %swap3A_419 = arith.constant 0 : index
    %swap3A_420 = tpu.vector_load %arg16[%swap3A_418, %swap3A_419] {strides = array<i32>} : memref<16x128xf32, #tpu.memory_space<vmem>>, vector<16xf32>,
    tpu.vector_store %arg16[%swap3A_418, %swap3A_419], %broadcast_in_dim3A_1 {strides = array<i32>} : memref<16x128xf32, #tpu.memory_space<vmem>>, vector<16xf32>,
    %swap3A_421 = arith.constant 13 : i32
    %swap3A_422 = arith.index_cast %swap3A_421 : i32 to index
    %swap3A_423 = arith.constant 16 : index
    %swap3A_424 = tpu.vector_load %arg16[%swap3A_422, %swap3A_423] {strides = array<i32>} : memref<16x128xf32, #tpu.memory_space<vmem>>, vector<16xf32>,
    tpu.vector_store %arg16[%swap3A_422, %swap3A_423], %broadcast_in_dim3A_1 {strides = array<i32>} : memref<16x128xf32, #tpu.memory_space<vmem>>, vector<16xf32>,
    %swap3A_425 = arith.constant 13 : i32
    %swap3A_426 = arith.index_cast %swap3A_425 : i32 to index
    %swap3A_427 = arith.constant 32 : index
    %swap3A_428 = tpu.vector_load %arg16[%swap3A_426, %swap3A_427] {strides = array<i32>} : memref<16x128xf32, #tpu.memory_space<vmem>>, vector<16xf32>,
    tpu.vector_store %arg16[%swap3A_426, %swap3A_427], %broadcast_in_dim3A_1 {strides = array<i32>} : memref<16x128xf32, #tpu.memory_space<vmem>>, vector<16xf32>,
    %swap3A_429 = arith.constant 13 : i32
    %swap3A_430 = arith.index_cast %swap3A_429 : i32 to index
    %swap3A_431 = arith.constant 48 : index
    %swap3A_432 = tpu.vector_load %arg16[%swap3A_430, %swap3A_431] {strides = array<i32>} : memref<16x128xf32, #tpu.memory_space<vmem>>, vector<16xf32>,
    tpu.vector_store %arg16[%swap3A_430, %swap3A_431], %broadcast_in_dim3A_1 {strides = array<i32>} : memref<16x128xf32, #tpu.memory_space<vmem>>, vector<16xf32>,
    %swap3A_433 = arith.constant 13 : i32
    %swap3A_434 = arith.index_cast %swap3A_433 : i32 to index
    %swap3A_435 = arith.constant 64 : index
    %swap3A_436 = tpu.vector_load %arg16[%swap3A_434, %swap3A_435] {strides = array<i32>} : memref<16x128xf32, #tpu.memory_space<vmem>>, vector<16xf32>,
    tpu.vector_store %arg16[%swap3A_434, %swap3A_435], %broadcast_in_dim3A_1 {strides = array<i32>} : memref<16x128xf32, #tpu.memory_space<vmem>>, vector<16xf32>,
    %swap3A_437 = arith.constant 13 : i32
    %swap3A_438 = arith.index_cast %swap3A_437 : i32 to index
    %swap3A_439 = arith.constant 80 : index
    %swap3A_440 = tpu.vector_load %arg16[%swap3A_438, %swap3A_439] {strides = array<i32>} : memref<16x128xf32, #tpu.memory_space<vmem>>, vector<16xf32>,
    tpu.vector_store %arg16[%swap3A_438, %swap3A_439], %broadcast_in_dim3A_1 {strides = array<i32>} : memref<16x128xf32, #tpu.memory_space<vmem>>, vector<16xf32>,
    %swap3A_441 = arith.constant 13 : i32
    %swap3A_442 = arith.index_cast %swap3A_441 : i32 to index
    %swap3A_443 = arith.constant 96 : index
    %swap3A_444 = tpu.vector_load %arg16[%swap3A_442, %swap3A_443] {strides = array<i32>} : memref<16x128xf32, #tpu.memory_space<vmem>>, vector<16xf32>,
    tpu.vector_store %arg16[%swap3A_442, %swap3A_443], %broadcast_in_dim3A_1 {strides = array<i32>} : memref<16x128xf32, #tpu.memory_space<vmem>>, vector<16xf32>,
    %swap3A_445 = arith.constant 13 : i32
    %swap3A_446 = arith.index_cast %swap3A_445 : i32 to index
    %swap3A_447 = arith.constant 112 : index
    %swap3A_448 = tpu.vector_load %arg16[%swap3A_446, %swap3A_447] {strides = array<i32>} : memref<16x128xf32, #tpu.memory_space<vmem>>, vector<16xf32>,
    tpu.vector_store %arg16[%swap3A_446, %swap3A_447], %broadcast_in_dim3A_1 {strides = array<i32>} : memref<16x128xf32, #tpu.memory_space<vmem>>, vector<16xf32>,
    %swap3A_449 = arith.constant 14 : i32
    %swap3A_450 = arith.index_cast %swap3A_449 : i32 to index
    %swap3A_451 = arith.constant 0 : index
    %swap3A_452 = tpu.vector_load %arg16[%swap3A_450, %swap3A_451] {strides = array<i32>} : memref<16x128xf32, #tpu.memory_space<vmem>>, vector<16xf32>,
    tpu.vector_store %arg16[%swap3A_450, %swap3A_451], %broadcast_in_dim3A_1 {strides = array<i32>} : memref<16x128xf32, #tpu.memory_space<vmem>>, vector<16xf32>,
    %swap3A_453 = arith.constant 14 : i32
    %swap3A_454 = arith.index_cast %swap3A_453 : i32 to index
    %swap3A_455 = arith.constant 16 : index
    %swap3A_456 = tpu.vector_load %arg16[%swap3A_454, %swap3A_455] {strides = array<i32>} : memref<16x128xf32, #tpu.memory_space<vmem>>, vector<16xf32>,
    tpu.vector_store %arg16[%swap3A_454, %swap3A_455], %broadcast_in_dim3A_1 {strides = array<i32>} : memref<16x128xf32, #tpu.memory_space<vmem>>, vector<16xf32>,
    %swap3A_457 = arith.constant 14 : i32
    %swap3A_458 = arith.index_cast %swap3A_457 : i32 to index
    %swap3A_459 = arith.constant 32 : index
    %swap3A_460 = tpu.vector_load %arg16[%swap3A_458, %swap3A_459] {strides = array<i32>} : memref<16x128xf32, #tpu.memory_space<vmem>>, vector<16xf32>,
    tpu.vector_store %arg16[%swap3A_458, %swap3A_459], %broadcast_in_dim3A_1 {strides = array<i32>} : memref<16x128xf32, #tpu.memory_space<vmem>>, vector<16xf32>,
    %swap3A_461 = arith.constant 14 : i32
    %swap3A_462 = arith.index_cast %swap3A_461 : i32 to index
    %swap3A_463 = arith.constant 48 : index
    %swap3A_464 = tpu.vector_load %arg16[%swap3A_462, %swap3A_463] {strides = array<i32>} : memref<16x128xf32, #tpu.memory_space<vmem>>, vector<16xf32>,
    tpu.vector_store %arg16[%swap3A_462, %swap3A_463], %broadcast_in_dim3A_1 {strides = array<i32>} : memref<16x128xf32, #tpu.memory_space<vmem>>, vector<16xf32>,
    %swap3A_465 = arith.constant 14 : i32
    %swap3A_466 = arith.index_cast %swap3A_465 : i32 to index
    %swap3A_467 = arith.constant 64 : index
    %swap3A_468 = tpu.vector_load %arg16[%swap3A_466, %swap3A_467] {strides = array<i32>} : memref<16x128xf32, #tpu.memory_space<vmem>>, vector<16xf32>,
    tpu.vector_store %arg16[%swap3A_466, %swap3A_467], %broadcast_in_dim3A_1 {strides = array<i32>} : memref<16x128xf32, #tpu.memory_space<vmem>>, vector<16xf32>,
    %swap3A_469 = arith.constant 14 : i32
    %swap3A_470 = arith.index_cast %swap3A_469 : i32 to index
    %swap3A_471 = arith.constant 80 : index
    %swap3A_472 = tpu.vector_load %arg16[%swap3A_470, %swap3A_471] {strides = array<i32>} : memref<16x128xf32, #tpu.memory_space<vmem>>, vector<16xf32>,
    tpu.vector_store %arg16[%swap3A_470, %swap3A_471], %broadcast_in_dim3A_1 {strides = array<i32>} : memref<16x128xf32, #tpu.memory_space<vmem>>, vector<16xf32>,
    %swap3A_473 = arith.constant 14 : i32
    %swap3A_474 = arith.index_cast %swap3A_473 : i32 to index
    %swap3A_475 = arith.constant 96 : index
    %swap3A_476 = tpu.vector_load %arg16[%swap3A_474, %swap3A_475] {strides = array<i32>} : memref<16x128xf32, #tpu.memory_space<vmem>>, vector<16xf32>,
    tpu.vector_store %arg16[%swap3A_474, %swap3A_475], %broadcast_in_dim3A_1 {strides = array<i32>} : memref<16x128xf32, #tpu.memory_space<vmem>>, vector<16xf32>,
    %swap3A_477 = arith.constant 14 : i32
    %swap3A_478 = arith.index_cast %swap3A_477 : i32 to index
    %swap3A_479 = arith.constant 112 : index
    %swap3A_480 = tpu.vector_load %arg16[%swap3A_478, %swap3A_479] {strides = array<i32>} : memref<16x128xf32, #tpu.memory_space<vmem>>, vector<16xf32>,
    tpu.vector_store %arg16[%swap3A_478, %swap3A_479], %broadcast_in_dim3A_1 {strides = array<i32>} : memref<16x128xf32, #tpu.memory_space<vmem>>, vector<16xf32>,
    %swap3A_481 = arith.constant 15 : i32
    %swap3A_482 = arith.index_cast %swap3A_481 : i32 to index
    %swap3A_483 = arith.constant 0 : index
    %swap3A_484 = tpu.vector_load %arg16[%swap3A_482, %swap3A_483] {strides = array<i32>} : memref<16x128xf32, #tpu.memory_space<vmem>>, vector<16xf32>,
    tpu.vector_store %arg16[%swap3A_482, %swap3A_483], %broadcast_in_dim3A_1 {strides = array<i32>} : memref<16x128xf32, #tpu.memory_space<vmem>>, vector<16xf32>,
    %swap3A_485 = arith.constant 15 : i32
    %swap3A_486 = arith.index_cast %swap3A_485 : i32 to index
    %swap3A_487 = arith.constant 16 : index
    %swap3A_488 = tpu.vector_load %arg16[%swap3A_486, %swap3A_487] {strides = array<i32>} : memref<16x128xf32, #tpu.memory_space<vmem>>, vector<16xf32>,
    tpu.vector_store %arg16[%swap3A_486, %swap3A_487], %broadcast_in_dim3A_1 {strides = array<i32>} : memref<16x128xf32, #tpu.memory_space<vmem>>, vector<16xf32>,
    %swap3A_489 = arith.constant 15 : i32
    %swap3A_490 = arith.index_cast %swap3A_489 : i32 to index
    %swap3A_491 = arith.constant 32 : index
    %swap3A_492 = tpu.vector_load %arg16[%swap3A_490, %swap3A_491] {strides = array<i32>} : memref<16x128xf32, #tpu.memory_space<vmem>>, vector<16xf32>,
    tpu.vector_store %arg16[%swap3A_490, %swap3A_491], %broadcast_in_dim3A_1 {strides = array<i32>} : memref<16x128xf32, #tpu.memory_space<vmem>>, vector<16xf32>,
    %swap3A_493 = arith.constant 15 : i32
    %swap3A_494 = arith.index_cast %swap3A_493 : i32 to index
    %swap3A_495 = arith.constant 48 : index
    %swap3A_496 = tpu.vector_load %arg16[%swap3A_494, %swap3A_495] {strides = array<i32>} : memref<16x128xf32, #tpu.memory_space<vmem>>, vector<16xf32>,
    tpu.vector_store %arg16[%swap3A_494, %swap3A_495], %broadcast_in_dim3A_1 {strides = array<i32>} : memref<16x128xf32, #tpu.memory_space<vmem>>, vector<16xf32>,
    %swap3A_497 = arith.constant 15 : i32
    %swap3A_498 = arith.index_cast %swap3A_497 : i32 to index
    %swap3A_499 = arith.constant 64 : index
    %swap3A_500 = tpu.vector_load %arg16[%swap3A_498, %swap3A_499] {strides = array<i32>} : memref<16x128xf32, #tpu.memory_space<vmem>>, vector<16xf32>,
    tpu.vector_store %arg16[%swap3A_498, %swap3A_499], %broadcast_in_dim3A_1 {strides = array<i32>} : memref<16x128xf32, #tpu.memory_space<vmem>>, vector<16xf32>,
    %swap3A_501 = arith.constant 15 : i32
    %swap3A_502 = arith.index_cast %swap3A_501 : i32 to index
    %swap3A_503 = arith.constant 80 : index
    %swap3A_504 = tpu.vector_load %arg16[%swap3A_502, %swap3A_503] {strides = array<i32>} : memref<16x128xf32, #tpu.memory_space<vmem>>, vector<16xf32>,
    tpu.vector_store %arg16[%swap3A_502, %swap3A_503], %broadcast_in_dim3A_1 {strides = array<i32>} : memref<16x128xf32, #tpu.memory_space<vmem>>, vector<16xf32>,
    %swap3A_505 = arith.constant 15 : i32
    %swap3A_506 = arith.index_cast %swap3A_505 : i32 to index
    %swap3A_507 = arith.constant 96 : index
    %swap3A_508 = tpu.vector_load %arg16[%swap3A_506, %swap3A_507] {strides = array<i32>} : memref<16x128xf32, #tpu.memory_space<vmem>>, vector<16xf32>,
    tpu.vector_store %arg16[%swap3A_506, %swap3A_507], %broadcast_in_dim3A_1 {strides = array<i32>} : memref<16x128xf32, #tpu.memory_space<vmem>>, vector<16xf32>,
    %swap3A_509 = arith.constant 15 : i32
    %swap3A_510 = arith.index_cast %swap3A_509 : i32 to index
    %swap3A_511 = arith.constant 112 : index
    %swap3A_512 = tpu.vector_load %arg16[%swap3A_510, %swap3A_511] {strides = array<i32>} : memref<16x128xf32, #tpu.memory_space<vmem>>, vector<16xf32>,
    tpu.vector_store %arg16[%swap3A_510, %swap3A_511], %broadcast_in_dim3A_1 {strides = array<i32>} : memref<16x128xf32, #tpu.memory_space<vmem>>, vector<16xf32>,
    %scan3A = arith.constant 0 : i32
    %scan3A_513 = arith.constant 0 : i32
    %scan3A_514 = arith.constant 40 : i32
    %scan3A_515 = arith.addi %scan3A_513, %scan3A_514 : i32
    %scan3A_516 = arith.constant 1 : i32
    scf.for %scan3A_660 = %scan3A_513 to %scan3A_515 step %scan3A_516  : i32 {
      %mul3A_661 = arith.constant 640 : i32
      %mul3A_662 = arith.muli %arg1, %mul3A_661 : i32
      %mul3A_663 = arith.constant 16 : i32
      %mul3A_664 = arith.muli %scan3A_660, %mul3A_663 : i32
      %add3A_665 = arith.addi %mul3A_662, %mul3A_664 : i32
      "tpu.region"() ({
        %run_scoped3A = tpu.sem_alloc : memref<!tpu.dma_semaphore, #tpu.memory_space<semaphore_mem>>
        %dma_start3A_666 = arith.constant 0 : i32
        %dma_start3A_667 = tpu.memref_slice %arg22[%add3A_665, %dma_start3A_666] : memref<10240x128xf32, #tpu.memory_space<vmem_shared>> -> memref<16x128xf32, #tpu.memory_space<vmem_shared>>
        %dma_start3A_668 = arith.constant 0 : i32
        %dma_start3A_669 = tpu.memref_slice %arg22[%add3A_665, %dma_start3A_668] : memref<10240x128xf32, #tpu.memory_space<vmem_shared>> -> memref<16x128xf32, #tpu.memory_space<vmem_shared>>
        tpu.enqueue_dma source(%arg16 : memref<16x128xf32, #tpu.memory_space<vmem>>) target(%dma_start3A_669 : memref<16x128xf32, #tpu.memory_space<vmem_shared>>) target_semaphore(%run_scoped3A : memref<!tpu.dma_semaphore, #tpu.memory_space<semaphore_mem>>)
        %dma_wait3A_670 = arith.constant 0 : i32
        %dma_wait3A_671 = tpu.memref_slice %arg22[%add3A_665, %dma_wait3A_670] : memref<10240x128xf32, #tpu.memory_space<vmem_shared>> -> memref<16x128xf32, #tpu.memory_space<vmem_shared>>
        %dma_wait3A_672 = arith.constant 0 : i32
        %dma_wait3A_673 = tpu.memref_slice %arg22[%add3A_665, %dma_wait3A_672] : memref<10240x128xf32, #tpu.memory_space<vmem_shared>> -> memref<16x128xf32, #tpu.memory_space<vmem_shared>>
        tpu.wait_dma2 semaphore(%run_scoped3A : memref<!tpu.dma_semaphore, #tpu.memory_space<semaphore_mem>>) src(%arg16 : memref<16x128xf32, #tpu.memory_space<vmem>>) dst(%dma_wait3A_673 : memref<16x128xf32, #tpu.memory_space<vmem_shared>>)
        tpu.yield
      }) : () -> ()
    }
    %scan3A_517 = arith.constant 40 : i32
    %barrier3A = arith.constant 0 : index
    tpu.barrier barrier_id(%barrier3A)
    %add3A = arith.constant 0 : i32
    %add3A_518 = arith.addi %mul3A_0, %add3A : i32
    %dma_start3A = arith.constant 0 : i32
    %dma_start3A_519 = arith.constant 0 : i32
    %dma_start3A_520 = arith.constant 0 : i32
    %dma_start3A_521 = tpu.memref_slice %arg10[%dma_start3A, %dma_start3A_519, %dma_start3A_520] : memref<2x2x128xi32, #tpu.memory_space<vmem>> -> memref<1x2x128xi32, #tpu.memory_space<vmem>>
    %dma_start3A_522 = arith.constant 0 : i32
    %dma_start3A_523 = arith.constant 0 : i32
    %dma_start3A_524 = tpu.memref_slice %arg6[%add3A_518, %dma_start3A_522, %dma_start3A_523] : memref<2560x2x128xi32, #tpu.memory_space<hbm>> -> memref<1x2x128xi32, #tpu.memory_space<hbm>>
    %dma_start3A_525 = arith.constant 0 : i32
    %dma_start3A_526 = arith.constant 0 : i32
    %dma_start3A_527 = arith.constant 0 : i32
    %dma_start3A_528 = tpu.memref_slice %arg10[%dma_start3A_525, %dma_start3A_526, %dma_start3A_527] : memref<2x2x128xi32, #tpu.memory_space<vmem>> -> memref<1x2x128xi32, #tpu.memory_space<vmem>>
    %dma_start3A_529 = arith.constant 0 : i32
    %dma_start3A_530 = arith.constant 0 : i32
    %dma_start3A_531 = tpu.memref_slice %arg6[%add3A_518, %dma_start3A_529, %dma_start3A_530] : memref<2560x2x128xi32, #tpu.memory_space<hbm>> -> memref<1x2x128xi32, #tpu.memory_space<hbm>>
    tpu.enqueue_dma source(%dma_start3A_531 : memref<1x2x128xi32, #tpu.memory_space<hbm>>) target(%dma_start3A_528 : memref<1x2x128xi32, #tpu.memory_space<vmem>>) target_semaphore(%arg17 : memref<!tpu.dma_semaphore, #tpu.memory_space<semaphore_mem>>)
    %add3A_532 = arith.constant 0 : i32
    %add3A_533 = arith.addi %mul3A_0, %add3A_532 : i32
    %dma_start3A_534 = arith.constant 0 : i32
    %dma_start3A_535 = arith.constant 0 : i32
    %dma_start3A_536 = tpu.memref_slice %arg11[%dma_start3A_534, %dma_start3A_535] : memref<2x128xf32, #tpu.memory_space<vmem>> -> memref<1x128xf32, #tpu.memory_space<vmem>>
    %dma_start3A_537 = arith.constant 0 : i32
    %dma_start3A_538 = tpu.memref_slice %arg4[%add3A_533, %dma_start3A_537] : memref<2560x128xf32, #tpu.memory_space<hbm>> -> memref<1x128xf32, #tpu.memory_space<hbm>>
    %dma_start3A_539 = arith.constant 0 : i32
    %dma_start3A_540 = arith.constant 0 : i32
    %dma_start3A_541 = tpu.memref_slice %arg11[%dma_start3A_539, %dma_start3A_540] : memref<2x128xf32, #tpu.memory_space<vmem>> -> memref<1x128xf32, #tpu.memory_space<vmem>>
    %dma_start3A_542 = arith.constant 0 : i32
    %dma_start3A_543 = tpu.memref_slice %arg4[%add3A_533, %dma_start3A_542] : memref<2560x128xf32, #tpu.memory_space<hbm>> -> memref<1x128xf32, #tpu.memory_space<hbm>>
    tpu.enqueue_dma source(%dma_start3A_543 : memref<1x128xf32, #tpu.memory_space<hbm>>) target(%dma_start3A_541 : memref<1x128xf32, #tpu.memory_space<vmem>>) target_semaphore(%arg17 : memref<!tpu.dma_semaphore, #tpu.memory_space<semaphore_mem>>)
    %add3A_544 = arith.constant 1 : i32
    %add3A_545 = arith.addi %mul3A_0, %add3A_544 : i32
    %dma_start3A_546 = arith.constant 1 : i32
    %dma_start3A_547 = arith.constant 0 : i32
    %dma_start3A_548 = arith.constant 0 : i32
    %dma_start3A_549 = tpu.memref_slice %arg10[%dma_start3A_546, %dma_start3A_547, %dma_start3A_548] : memref<2x2x128xi32, #tpu.memory_space<vmem>> -> memref<1x2x128xi32, #tpu.memory_space<vmem>>
    %dma_start3A_550 = arith.constant 0 : i32
    %dma_start3A_551 = arith.constant 0 : i32
    %dma_start3A_552 = tpu.memref_slice %arg6[%add3A_545, %dma_start3A_550, %dma_start3A_551] : memref<2560x2x128xi32, #tpu.memory_space<hbm>> -> memref<1x2x128xi32, #tpu.memory_space<hbm>>
    %dma_start3A_553 = arith.constant 1 : i32
    %dma_start3A_554 = arith.constant 0 : i32
    %dma_start3A_555 = arith.constant 0 : i32
    %dma_start3A_556 = tpu.memref_slice %arg10[%dma_start3A_553, %dma_start3A_554, %dma_start3A_555] : memref<2x2x128xi32, #tpu.memory_space<vmem>> -> memref<1x2x128xi32, #tpu.memory_space<vmem>>
    %dma_start3A_557 = arith.constant 0 : i32
    %dma_start3A_558 = arith.constant 0 : i32
    %dma_start3A_559 = tpu.memref_slice %arg6[%add3A_545, %dma_start3A_557, %dma_start3A_558] : memref<2560x2x128xi32, #tpu.memory_space<hbm>> -> memref<1x2x128xi32, #tpu.memory_space<hbm>>
    tpu.enqueue_dma source(%dma_start3A_559 : memref<1x2x128xi32, #tpu.memory_space<hbm>>) target(%dma_start3A_556 : memref<1x2x128xi32, #tpu.memory_space<vmem>>) target_semaphore(%arg18 : memref<!tpu.dma_semaphore, #tpu.memory_space<semaphore_mem>>)
    %add3A_560 = arith.constant 1 : i32
    %add3A_561 = arith.addi %mul3A_0, %add3A_560 : i32
    %dma_start3A_562 = arith.constant 1 : i32
    %dma_start3A_563 = arith.constant 0 : i32
    %dma_start3A_564 = tpu.memref_slice %arg11[%dma_start3A_562, %dma_start3A_563] : memref<2x128xf32, #tpu.memory_space<vmem>> -> memref<1x128xf32, #tpu.memory_space<vmem>>
    %dma_start3A_565 = arith.constant 0 : i32
    %dma_start3A_566 = tpu.memref_slice %arg4[%add3A_561, %dma_start3A_565] : memref<2560x128xf32, #tpu.memory_space<hbm>> -> memref<1x128xf32, #tpu.memory_space<hbm>>
    %dma_start3A_567 = arith.constant 1 : i32
    %dma_start3A_568 = arith.constant 0 : i32
    %dma_start3A_569 = tpu.memref_slice %arg11[%dma_start3A_567, %dma_start3A_568] : memref<2x128xf32, #tpu.memory_space<vmem>> -> memref<1x128xf32, #tpu.memory_space<vmem>>
    %dma_start3A_570 = arith.constant 0 : i32
    %dma_start3A_571 = tpu.memref_slice %arg4[%add3A_561, %dma_start3A_570] : memref<2560x128xf32, #tpu.memory_space<hbm>> -> memref<1x128xf32, #tpu.memory_space<hbm>>
    tpu.enqueue_dma source(%dma_start3A_571 : memref<1x128xf32, #tpu.memory_space<hbm>>) target(%dma_start3A_569 : memref<1x128xf32, #tpu.memory_space<vmem>>) target_semaphore(%arg18 : memref<!tpu.dma_semaphore, #tpu.memory_space<semaphore_mem>>)
    %add3A_572 = arith.constant 0 : i32
    %add3A_573 = arith.addi %mul3A_0, %add3A_572 : i32
    %dma_wait3A = arith.constant 0 : i32
    %dma_wait3A_574 = arith.constant 0 : i32
    %dma_wait3A_575 = arith.constant 0 : i32
    %dma_wait3A_576 = tpu.memref_slice %arg10[%dma_wait3A, %dma_wait3A_574, %dma_wait3A_575] : memref<2x2x128xi32, #tpu.memory_space<vmem>> -> memref<1x2x128xi32, #tpu.memory_space<vmem>>
    %dma_wait3A_577 = arith.constant 0 : i32
    %dma_wait3A_578 = arith.constant 0 : i32
    %dma_wait3A_579 = tpu.memref_slice %arg6[%add3A_573, %dma_wait3A_577, %dma_wait3A_578] : memref<2560x2x128xi32, #tpu.memory_space<hbm>> -> memref<1x2x128xi32, #tpu.memory_space<hbm>>
    %dma_wait3A_580 = arith.constant 0 : i32
    %dma_wait3A_581 = arith.constant 0 : i32
    %dma_wait3A_582 = arith.constant 0 : i32
    %dma_wait3A_583 = tpu.memref_slice %arg10[%dma_wait3A_580, %dma_wait3A_581, %dma_wait3A_582] : memref<2x2x128xi32, #tpu.memory_space<vmem>> -> memref<1x2x128xi32, #tpu.memory_space<vmem>>
    %dma_wait3A_584 = arith.constant 0 : i32
    %dma_wait3A_585 = arith.constant 0 : i32
    %dma_wait3A_586 = tpu.memref_slice %arg6[%add3A_573, %dma_wait3A_584, %dma_wait3A_585] : memref<2560x2x128xi32, #tpu.memory_space<hbm>> -> memref<1x2x128xi32, #tpu.memory_space<hbm>>
    tpu.wait_dma2 semaphore(%arg17 : memref<!tpu.dma_semaphore, #tpu.memory_space<semaphore_mem>>) src(%dma_wait3A_586 : memref<1x2x128xi32, #tpu.memory_space<hbm>>) dst(%dma_wait3A_583 : memref<1x2x128xi32, #tpu.memory_space<vmem>>)
    %add3A_587 = arith.constant 0 : i32
    %add3A_588 = arith.addi %mul3A_0, %add3A_587 : i32
    %dma_wait3A_589 = arith.constant 0 : i32
    %dma_wait3A_590 = arith.constant 0 : i32
    %dma_wait3A_591 = tpu.memref_slice %arg11[%dma_wait3A_589, %dma_wait3A_590] : memref<2x128xf32, #tpu.memory_space<vmem>> -> memref<1x128xf32, #tpu.memory_space<vmem>>
    %dma_wait3A_592 = arith.constant 0 : i32
    %dma_wait3A_593 = tpu.memref_slice %arg4[%add3A_588, %dma_wait3A_592] : memref<2560x128xf32, #tpu.memory_space<hbm>> -> memref<1x128xf32, #tpu.memory_space<hbm>>
    %dma_wait3A_594 = arith.constant 0 : i32
    %dma_wait3A_595 = arith.constant 0 : i32
    %dma_wait3A_596 = tpu.memref_slice %arg11[%dma_wait3A_594, %dma_wait3A_595] : memref<2x128xf32, #tpu.memory_space<vmem>> -> memref<1x128xf32, #tpu.memory_space<vmem>>
    %dma_wait3A_597 = arith.constant 0 : i32
    %dma_wait3A_598 = tpu.memref_slice %arg4[%add3A_588, %dma_wait3A_597] : memref<2560x128xf32, #tpu.memory_space<hbm>> -> memref<1x128xf32, #tpu.memory_space<hbm>>
    tpu.wait_dma2 semaphore(%arg17 : memref<!tpu.dma_semaphore, #tpu.memory_space<semaphore_mem>>) src(%dma_wait3A_598 : memref<1x128xf32, #tpu.memory_space<hbm>>) dst(%dma_wait3A_596 : memref<1x128xf32, #tpu.memory_space<vmem>>)
    %eq3A = arith.constant 0 : i32
    %eq3A_599 = arith.cmpi eq, %arg0, %eq3A : i32
    %convert_element_type3A = arith.extui %eq3A_599 : i1 to i32
    %cond3A = arith.constant 0 : i32
    %cond3A_600 = arith.constant 0 : i32
    %cond3A_601 = arith.constant 0 : i32
    %cond3A_602 = arith.cmpi ne, %convert_element_type3A, %cond3A_601 : i32
    scf.if %cond3A_602 {
      %dma_start3A_660 = arith.constant 0 : i32
      %dma_start3A_661 = arith.constant 0 : i32
      %dma_start3A_662 = tpu.memref_slice %arg14[%dma_start3A_660, %dma_start3A_661] : memref<256x64xi32, #tpu.memory_space<vmem>> -> memref<64x64xi32, #tpu.memory_space<vmem>>
      %dma_start3A_663 = arith.constant 0 : i32
      %dma_start3A_664 = arith.constant 0 : i32
      %dma_start3A_665 = tpu.memref_slice %arg10[%cond3A, %dma_start3A_663, %dma_start3A_664] : memref<2x2x128xi32, #tpu.memory_space<vmem>> -> memref<1x2x128xi32, #tpu.memory_space<vmem>>
      %dma_start3A_666 = tpu.memref_squeeze %dma_start3A_665 : memref<1x2x128xi32, #tpu.memory_space<vmem>> -> memref<2x128xi32, #tpu.memory_space<vmem>>
      %dma_start3A_667 = arith.constant 0 : i32
      %dma_start3A_668 = tpu.memref_slice %dma_start3A_666[%cond3A_600, %dma_start3A_667] : memref<2x128xi32, #tpu.memory_space<vmem>> -> memref<1x128xi32, #tpu.memory_space<vmem>>
      %dma_start3A_669 = tpu.memref_squeeze %dma_start3A_668 : memref<1x128xi32, #tpu.memory_space<vmem>> -> memref<128xi32, #tpu.memory_space<vmem>>
      %dma_start3A_670 = arith.constant 0 : i32
      %dma_start3A_671 = tpu.memref_slice %dma_start3A_669[%dma_start3A_670] : memref<128xi32, #tpu.memory_space<vmem>> -> memref<64xi32, #tpu.memory_space<vmem>>
      %dma_start3A_672 = arith.constant 0 : i32
      %dma_start3A_673 = arith.constant 0 : i32
      %dma_start3A_674 = tpu.memref_slice %arg2[%dma_start3A_672, %dma_start3A_673] : memref<10240x64xi32, #tpu.memory_space<hbm>> -> memref<10240x64xi32, #tpu.memory_space<hbm>>
      tpu.enqueue_indirect_dma source(%dma_start3A_674 : memref<10240x64xi32, #tpu.memory_space<hbm>>) target(%dma_start3A_662 : memref<64x64xi32, #tpu.memory_space<vmem>>) offsets(%dma_start3A_671 : memref<64xi32, #tpu.memory_space<vmem>>) semaphore(%arg19 : memref<!tpu.dma_semaphore, #tpu.memory_space<semaphore_mem>>)
    } else {
    }
    %eq3A_603 = arith.constant 1 : i32
    %eq3A_604 = arith.cmpi eq, %arg0, %eq3A_603 : i32
    %convert_element_type3A_605 = arith.extui %eq3A_604 : i1 to i32
    %cond3A_606 = arith.constant 0 : i32
    %cond3A_607 = arith.constant 0 : i32
    %cond3A_608 = arith.constant 0 : i32
    %cond3A_609 = arith.cmpi ne, %convert_element_type3A_605, %cond3A_608 : i32
    scf.if %cond3A_609 {
      %dma_start3A_660 = arith.constant 0 : i32
      %dma_start3A_661 = arith.constant 0 : i32
      %dma_start3A_662 = tpu.memref_slice %arg14[%dma_start3A_660, %dma_start3A_661] : memref<256x64xi32, #tpu.memory_space<vmem>> -> memref<64x64xi32, #tpu.memory_space<vmem>>
      %dma_start3A_663 = arith.constant 0 : i32
      %dma_start3A_664 = arith.constant 0 : i32
      %dma_start3A_665 = tpu.memref_slice %arg10[%cond3A_606, %dma_start3A_663, %dma_start3A_664] : memref<2x2x128xi32, #tpu.memory_space<vmem>> -> memref<1x2x128xi32, #tpu.memory_space<vmem>>
      %dma_start3A_666 = tpu.memref_squeeze %dma_start3A_665 : memref<1x2x128xi32, #tpu.memory_space<vmem>> -> memref<2x128xi32, #tpu.memory_space<vmem>>
      %dma_start3A_667 = arith.constant 0 : i32
      %dma_start3A_668 = tpu.memref_slice %dma_start3A_666[%cond3A_607, %dma_start3A_667] : memref<2x128xi32, #tpu.memory_space<vmem>> -> memref<1x128xi32, #tpu.memory_space<vmem>>
      %dma_start3A_669 = tpu.memref_squeeze %dma_start3A_668 : memref<1x128xi32, #tpu.memory_space<vmem>> -> memref<128xi32, #tpu.memory_space<vmem>>
      %dma_start3A_670 = arith.constant 0 : i32
      %dma_start3A_671 = tpu.memref_slice %dma_start3A_669[%dma_start3A_670] : memref<128xi32, #tpu.memory_space<vmem>> -> memref<64xi32, #tpu.memory_space<vmem>>
      %dma_start3A_672 = arith.constant 0 : i32
      %dma_start3A_673 = arith.constant 0 : i32
      %dma_start3A_674 = tpu.memref_slice %arg3[%dma_start3A_672, %dma_start3A_673] : memref<10240x64xi32, #tpu.memory_space<hbm>> -> memref<10240x64xi32, #tpu.memory_space<hbm>>
      tpu.enqueue_indirect_dma source(%dma_start3A_674 : memref<10240x64xi32, #tpu.memory_space<hbm>>) target(%dma_start3A_662 : memref<64x64xi32, #tpu.memory_space<vmem>>) offsets(%dma_start3A_671 : memref<64xi32, #tpu.memory_space<vmem>>) semaphore(%arg19 : memref<!tpu.dma_semaphore, #tpu.memory_space<semaphore_mem>>)
    } else {
    }
    %eq3A_610 = arith.constant 0 : i32
    %eq3A_611 = arith.cmpi eq, %arg0, %eq3A_610 : i32
    %convert_element_type3A_612 = arith.extui %eq3A_611 : i1 to i32
    %cond3A_613 = arith.constant 0 : i32
    %cond3A_614 = arith.constant 0 : i32
    %cond3A_615 = arith.constant 0 : i32
    %cond3A_616 = arith.cmpi ne, %convert_element_type3A_612, %cond3A_615 : i32
    scf.if %cond3A_616 {
      %dma_start3A_660 = arith.constant 64 : i32
      %dma_start3A_661 = arith.constant 0 : i32
      %dma_start3A_662 = tpu.memref_slice %arg14[%dma_start3A_660, %dma_start3A_661] : memref<256x64xi32, #tpu.memory_space<vmem>> -> memref<64x64xi32, #tpu.memory_space<vmem>>
      %dma_start3A_663 = arith.constant 0 : i32
      %dma_start3A_664 = arith.constant 0 : i32
      %dma_start3A_665 = tpu.memref_slice %arg10[%cond3A_613, %dma_start3A_663, %dma_start3A_664] : memref<2x2x128xi32, #tpu.memory_space<vmem>> -> memref<1x2x128xi32, #tpu.memory_space<vmem>>
      %dma_start3A_666 = tpu.memref_squeeze %dma_start3A_665 : memref<1x2x128xi32, #tpu.memory_space<vmem>> -> memref<2x128xi32, #tpu.memory_space<vmem>>
      %dma_start3A_667 = arith.constant 0 : i32
      %dma_start3A_668 = tpu.memref_slice %dma_start3A_666[%cond3A_614, %dma_start3A_667] : memref<2x128xi32, #tpu.memory_space<vmem>> -> memref<1x128xi32, #tpu.memory_space<vmem>>
      %dma_start3A_669 = tpu.memref_squeeze %dma_start3A_668 : memref<1x128xi32, #tpu.memory_space<vmem>> -> memref<128xi32, #tpu.memory_space<vmem>>
      %dma_start3A_670 = arith.constant 64 : i32
      %dma_start3A_671 = tpu.memref_slice %dma_start3A_669[%dma_start3A_670] : memref<128xi32, #tpu.memory_space<vmem>> -> memref<64xi32, #tpu.memory_space<vmem>>
      %dma_start3A_672 = arith.constant 0 : i32
      %dma_start3A_673 = arith.constant 0 : i32
      %dma_start3A_674 = tpu.memref_slice %arg2[%dma_start3A_672, %dma_start3A_673] : memref<10240x64xi32, #tpu.memory_space<hbm>> -> memref<10240x64xi32, #tpu.memory_space<hbm>>
      tpu.enqueue_indirect_dma source(%dma_start3A_674 : memref<10240x64xi32, #tpu.memory_space<hbm>>) target(%dma_start3A_662 : memref<64x64xi32, #tpu.memory_space<vmem>>) offsets(%dma_start3A_671 : memref<64xi32, #tpu.memory_space<vmem>>) semaphore(%arg19 : memref<!tpu.dma_semaphore, #tpu.memory_space<semaphore_mem>>)
    } else {
    }
    %eq3A_617 = arith.constant 1 : i32
    %eq3A_618 = arith.cmpi eq, %arg0, %eq3A_617 : i32
    %convert_element_type3A_619 = arith.extui %eq3A_618 : i1 to i32
    %cond3A_620 = arith.constant 0 : i32
    %cond3A_621 = arith.constant 0 : i32
    %cond3A_622 = arith.constant 0 : i32
    %cond3A_623 = arith.cmpi ne, %convert_element_type3A_619, %cond3A_622 : i32
    scf.if %cond3A_623 {
      %dma_start3A_660 = arith.constant 64 : i32
      %dma_start3A_661 = arith.constant 0 : i32
      %dma_start3A_662 = tpu.memref_slice %arg14[%dma_start3A_660, %dma_start3A_661] : memref<256x64xi32, #tpu.memory_space<vmem>> -> memref<64x64xi32, #tpu.memory_space<vmem>>
      %dma_start3A_663 = arith.constant 0 : i32
      %dma_start3A_664 = arith.constant 0 : i32
      %dma_start3A_665 = tpu.memref_slice %arg10[%cond3A_620, %dma_start3A_663, %dma_start3A_664] : memref<2x2x128xi32, #tpu.memory_space<vmem>> -> memref<1x2x128xi32, #tpu.memory_space<vmem>>
      %dma_start3A_666 = tpu.memref_squeeze %dma_start3A_665 : memref<1x2x128xi32, #tpu.memory_space<vmem>> -> memref<2x128xi32, #tpu.memory_space<vmem>>
      %dma_start3A_667 = arith.constant 0 : i32
      %dma_start3A_668 = tpu.memref_slice %dma_start3A_666[%cond3A_621, %dma_start3A_667] : memref<2x128xi32, #tpu.memory_space<vmem>> -> memref<1x128xi32, #tpu.memory_space<vmem>>
      %dma_start3A_669 = tpu.memref_squeeze %dma_start3A_668 : memref<1x128xi32, #tpu.memory_space<vmem>> -> memref<128xi32, #tpu.memory_space<vmem>>
      %dma_start3A_670 = arith.constant 64 : i32
      %dma_start3A_671 = tpu.memref_slice %dma_start3A_669[%dma_start3A_670] : memref<128xi32, #tpu.memory_space<vmem>> -> memref<64xi32, #tpu.memory_space<vmem>>
      %dma_start3A_672 = arith.constant 0 : i32
      %dma_start3A_673 = arith.constant 0 : i32
      %dma_start3A_674 = tpu.memref_slice %arg3[%dma_start3A_672, %dma_start3A_673] : memref<10240x64xi32, #tpu.memory_space<hbm>> -> memref<10240x64xi32, #tpu.memory_space<hbm>>
      tpu.enqueue_indirect_dma source(%dma_start3A_674 : memref<10240x64xi32, #tpu.memory_space<hbm>>) target(%dma_start3A_662 : memref<64x64xi32, #tpu.memory_space<vmem>>) offsets(%dma_start3A_671 : memref<64xi32, #tpu.memory_space<vmem>>) semaphore(%arg19 : memref<!tpu.dma_semaphore, #tpu.memory_space<semaphore_mem>>)
    } else {
    }
    %broadcast_in_dim3A_624 = arith.constant 0 : i32
    %broadcast_in_dim3A_625 = vector.broadcast %broadcast_in_dim3A_624 : i32 to vector<16xi32>
    %iota3A = tpu.iota {dimensions = array<i32: 0>} : vector<16xi32>
    %mul3A_626 = arith.constant 2 : i32
    %mul3A_627 = vector.broadcast %mul3A_626 : i32 to vector<16xi32>
    %mul3A_628 = arith.muli %iota3A, %mul3A_627 : vector<16xi32>
    %add3A_629 = arith.constant 1 : i32
    %add3A_630 = vector.broadcast %add3A_629 : i32 to vector<16xi32>
    %add3A_631 = arith.addi %mul3A_628, %add3A_630 : vector<16xi32>
    %broadcast_in_dim3A_632 = arith.constant -65536 : i32
    %broadcast_in_dim3A_633 = vector.broadcast %broadcast_in_dim3A_632 : i32 to vector<16xi32>
    %scan3A_634 = arith.constant 0 : i32
    %scan3A_635 = arith.constant 0 : i32
    %scan3A_636 = arith.constant 80 : i32
    %scan3A_637 = arith.addi %scan3A_635, %scan3A_636 : i32
    %scan3A_638 = arith.constant 1 : i32
    scf.for %scan3A_660 = %scan3A_635 to %scan3A_637 step %scan3A_638  : i32 {
      %mul3A_661 = arith.constant 2 : i32
      %mul3A_662 = arith.muli %scan3A_660, %mul3A_661 : i32
      %add3A_663 = arith.constant 0 : i32
      %add3A_664 = arith.addi %mul3A_662, %add3A_663 : i32
      %dma_wait3A_665 = arith.constant 0 : i32
      %dma_wait3A_666 = arith.constant 0 : i32
      %dma_wait3A_667 = arith.constant 0 : i32
      %dma_wait3A_668 = arith.constant 0 : i32
      %dma_wait3A_669 = tpu.memref_slice %arg14[%dma_wait3A_667, %dma_wait3A_668] : memref<256x64xi32, #tpu.memory_space<vmem>> -> memref<64x64xi32, #tpu.memory_space<vmem>>
      %dma_wait3A_670 = arith.constant 0 : i32
      %dma_wait3A_671 = arith.constant 0 : i32
      %dma_wait3A_672 = tpu.memref_slice %arg10[%dma_wait3A_665, %dma_wait3A_670, %dma_wait3A_671] : memref<2x2x128xi32, #tpu.memory_space<vmem>> -> memref<1x2x128xi32, #tpu.memory_space<vmem>>
      %dma_wait3A_673 = tpu.memref_squeeze %dma_wait3A_672 : memref<1x2x128xi32, #tpu.memory_space<vmem>> -> memref<2x128xi32, #tpu.memory_space<vmem>>
      %dma_wait3A_674 = arith.constant 0 : i32
      %dma_wait3A_675 = tpu.memref_slice %dma_wait3A_673[%dma_wait3A_666, %dma_wait3A_674] : memref<2x128xi32, #tpu.memory_space<vmem>> -> memref<1x128xi32, #tpu.memory_space<vmem>>
      %dma_wait3A_676 = tpu.memref_squeeze %dma_wait3A_675 : memref<1x128xi32, #tpu.memory_space<vmem>> -> memref<128xi32, #tpu.memory_space<vmem>>
      %dma_wait3A_677 = arith.constant 0 : i32
      %dma_wait3A_678 = tpu.memref_slice %dma_wait3A_676[%dma_wait3A_677] : memref<128xi32, #tpu.memory_space<vmem>> -> memref<64xi32, #tpu.memory_space<vmem>>
      %dma_wait3A_679 = arith.constant 0 : i32
      %dma_wait3A_680 = arith.constant 0 : i32
      %dma_wait3A_681 = tpu.memref_slice %arg2[%dma_wait3A_679, %dma_wait3A_680] : memref<10240x64xi32, #tpu.memory_space<hbm>> -> memref<10240x64xi32, #tpu.memory_space<hbm>>
      tpu.wait_indirect_dma semaphore(%arg19 : memref<!tpu.dma_semaphore, #tpu.memory_space<semaphore_mem>>) src(%dma_wait3A_681 : memref<10240x64xi32, #tpu.memory_space<hbm>>) dst(%dma_wait3A_669 : memref<64x64xi32, #tpu.memory_space<vmem>>)
      %dma_wait3A_682 = arith.constant 0 : i32
      %dma_wait3A_683 = arith.constant 0 : i32
      %dma_wait3A_684 = arith.constant 64 : i32
      %dma_wait3A_685 = arith.constant 0 : i32
      %dma_wait3A_686 = tpu.memref_slice %arg14[%dma_wait3A_684, %dma_wait3A_685] : memref<256x64xi32, #tpu.memory_space<vmem>> -> memref<64x64xi32, #tpu.memory_space<vmem>>
      %dma_wait3A_687 = arith.constant 0 : i32
      %dma_wait3A_688 = arith.constant 0 : i32
      %dma_wait3A_689 = tpu.memref_slice %arg10[%dma_wait3A_682, %dma_wait3A_687, %dma_wait3A_688] : memref<2x2x128xi32, #tpu.memory_space<vmem>> -> memref<1x2x128xi32, #tpu.memory_space<vmem>>
      %dma_wait3A_690 = tpu.memref_squeeze %dma_wait3A_689 : memref<1x2x128xi32, #tpu.memory_space<vmem>> -> memref<2x128xi32, #tpu.memory_space<vmem>>
      %dma_wait3A_691 = arith.constant 0 : i32
      %dma_wait3A_692 = tpu.memref_slice %dma_wait3A_690[%dma_wait3A_683, %dma_wait3A_691] : memref<2x128xi32, #tpu.memory_space<vmem>> -> memref<1x128xi32, #tpu.memory_space<vmem>>
      %dma_wait3A_693 = tpu.memref_squeeze %dma_wait3A_692 : memref<1x128xi32, #tpu.memory_space<vmem>> -> memref<128xi32, #tpu.memory_space<vmem>>
      %dma_wait3A_694 = arith.constant 64 : i32
      %dma_wait3A_695 = tpu.memref_slice %dma_wait3A_693[%dma_wait3A_694] : memref<128xi32, #tpu.memory_space<vmem>> -> memref<64xi32, #tpu.memory_space<vmem>>
      %dma_wait3A_696 = arith.constant 0 : i32
      %dma_wait3A_697 = arith.constant 0 : i32
      %dma_wait3A_698 = tpu.memref_slice %arg2[%dma_wait3A_696, %dma_wait3A_697] : memref<10240x64xi32, #tpu.memory_space<hbm>> -> memref<10240x64xi32, #tpu.memory_space<hbm>>
      tpu.wait_indirect_dma semaphore(%arg19 : memref<!tpu.dma_semaphore, #tpu.memory_space<semaphore_mem>>) src(%dma_wait3A_698 : memref<10240x64xi32, #tpu.memory_space<hbm>>) dst(%dma_wait3A_686 : memref<64x64xi32, #tpu.memory_space<vmem>>)
      %add3A_699 = arith.constant 1 : i32
      %add3A_700 = arith.addi %add3A_664, %add3A_699 : i32
      %lt3A = arith.constant 160 : i32
      %lt3A_701 = arith.cmpi slt, %add3A_700, %lt3A : i32
      %convert_element_type3A_702 = arith.extui %lt3A_701 : i1 to i32
      %cond3A_703 = arith.constant 0 : i32
      %cond3A_704 = arith.cmpi ne, %convert_element_type3A_702, %cond3A_703 : i32
      scf.if %cond3A_704 {
        %add3A_1132 = arith.constant 1 : i32
        %add3A_1133 = arith.addi %add3A_664, %add3A_1132 : i32
        %add3A_1134 = arith.addi %mul3A_0, %add3A_1133 : i32
        %dma_wait3A_1135 = arith.constant 1 : i32
        %dma_wait3A_1136 = arith.constant 0 : i32
        %dma_wait3A_1137 = arith.constant 0 : i32
        %dma_wait3A_1138 = tpu.memref_slice %arg10[%dma_wait3A_1135, %dma_wait3A_1136, %dma_wait3A_1137] : memref<2x2x128xi32, #tpu.memory_space<vmem>> -> memref<1x2x128xi32, #tpu.memory_space<vmem>>
        %dma_wait3A_1139 = arith.constant 0 : i32
        %dma_wait3A_1140 = arith.constant 0 : i32
        %dma_wait3A_1141 = tpu.memref_slice %arg6[%add3A_1134, %dma_wait3A_1139, %dma_wait3A_1140] : memref<2560x2x128xi32, #tpu.memory_space<hbm>> -> memref<1x2x128xi32, #tpu.memory_space<hbm>>
        %dma_wait3A_1142 = arith.constant 1 : i32
        %dma_wait3A_1143 = arith.constant 0 : i32
        %dma_wait3A_1144 = arith.constant 0 : i32
        %dma_wait3A_1145 = tpu.memref_slice %arg10[%dma_wait3A_1142, %dma_wait3A_1143, %dma_wait3A_1144] : memref<2x2x128xi32, #tpu.memory_space<vmem>> -> memref<1x2x128xi32, #tpu.memory_space<vmem>>
        %dma_wait3A_1146 = arith.constant 0 : i32
        %dma_wait3A_1147 = arith.constant 0 : i32
        %dma_wait3A_1148 = tpu.memref_slice %arg6[%add3A_1134, %dma_wait3A_1146, %dma_wait3A_1147] : memref<2560x2x128xi32, #tpu.memory_space<hbm>> -> memref<1x2x128xi32, #tpu.memory_space<hbm>>
        tpu.wait_dma2 semaphore(%arg18 : memref<!tpu.dma_semaphore, #tpu.memory_space<semaphore_mem>>) src(%dma_wait3A_1148 : memref<1x2x128xi32, #tpu.memory_space<hbm>>) dst(%dma_wait3A_1145 : memref<1x2x128xi32, #tpu.memory_space<vmem>>)
        %add3A_1149 = arith.addi %mul3A_0, %add3A_1133 : i32
        %dma_wait3A_1150 = arith.constant 1 : i32
        %dma_wait3A_1151 = arith.constant 0 : i32
        %dma_wait3A_1152 = tpu.memref_slice %arg11[%dma_wait3A_1150, %dma_wait3A_1151] : memref<2x128xf32, #tpu.memory_space<vmem>> -> memref<1x128xf32, #tpu.memory_space<vmem>>
        %dma_wait3A_1153 = arith.constant 0 : i32
        %dma_wait3A_1154 = tpu.memref_slice %arg4[%add3A_1149, %dma_wait3A_1153] : memref<2560x128xf32, #tpu.memory_space<hbm>> -> memref<1x128xf32, #tpu.memory_space<hbm>>
        %dma_wait3A_1155 = arith.constant 1 : i32
        %dma_wait3A_1156 = arith.constant 0 : i32
        %dma_wait3A_1157 = tpu.memref_slice %arg11[%dma_wait3A_1155, %dma_wait3A_1156] : memref<2x128xf32, #tpu.memory_space<vmem>> -> memref<1x128xf32, #tpu.memory_space<vmem>>
        %dma_wait3A_1158 = arith.constant 0 : i32
        %dma_wait3A_1159 = tpu.memref_slice %arg4[%add3A_1149, %dma_wait3A_1158] : memref<2560x128xf32, #tpu.memory_space<hbm>> -> memref<1x128xf32, #tpu.memory_space<hbm>>
        tpu.wait_dma2 semaphore(%arg18 : memref<!tpu.dma_semaphore, #tpu.memory_space<semaphore_mem>>) src(%dma_wait3A_1159 : memref<1x128xf32, #tpu.memory_space<hbm>>) dst(%dma_wait3A_1157 : memref<1x128xf32, #tpu.memory_space<vmem>>)
        %eq3A_1160 = arith.constant 0 : i32
        %eq3A_1161 = arith.cmpi eq, %arg0, %eq3A_1160 : i32
        %convert_element_type3A_1162 = arith.extui %eq3A_1161 : i1 to i32
        %cond3A_1163 = arith.constant 1 : i32
        %cond3A_1164 = arith.constant 0 : i32
        %cond3A_1165 = arith.constant 0 : i32
        %cond3A_1166 = arith.cmpi ne, %convert_element_type3A_1162, %cond3A_1165 : i32
        scf.if %cond3A_1166 {
          %dma_start3A_1188 = arith.constant 128 : i32
          %dma_start3A_1189 = arith.constant 0 : i32
          %dma_start3A_1190 = tpu.memref_slice %arg14[%dma_start3A_1188, %dma_start3A_1189] : memref<256x64xi32, #tpu.memory_space<vmem>> -> memref<64x64xi32, #tpu.memory_space<vmem>>
          %dma_start3A_1191 = arith.constant 0 : i32
          %dma_start3A_1192 = arith.constant 0 : i32
          %dma_start3A_1193 = tpu.memref_slice %arg10[%cond3A_1163, %dma_start3A_1191, %dma_start3A_1192] : memref<2x2x128xi32, #tpu.memory_space<vmem>> -> memref<1x2x128xi32, #tpu.memory_space<vmem>>
          %dma_start3A_1194 = tpu.memref_squeeze %dma_start3A_1193 : memref<1x2x128xi32, #tpu.memory_space<vmem>> -> memref<2x128xi32, #tpu.memory_space<vmem>>
          %dma_start3A_1195 = arith.constant 0 : i32
          %dma_start3A_1196 = tpu.memref_slice %dma_start3A_1194[%cond3A_1164, %dma_start3A_1195] : memref<2x128xi32, #tpu.memory_space<vmem>> -> memref<1x128xi32, #tpu.memory_space<vmem>>
          %dma_start3A_1197 = tpu.memref_squeeze %dma_start3A_1196 : memref<1x128xi32, #tpu.memory_space<vmem>> -> memref<128xi32, #tpu.memory_space<vmem>>
          %dma_start3A_1198 = arith.constant 0 : i32
          %dma_start3A_1199 = tpu.memref_slice %dma_start3A_1197[%dma_start3A_1198] : memref<128xi32, #tpu.memory_space<vmem>> -> memref<64xi32, #tpu.memory_space<vmem>>
          %dma_start3A_1200 = arith.constant 0 : i32
          %dma_start3A_1201 = arith.constant 0 : i32
          %dma_start3A_1202 = tpu.memref_slice %arg2[%dma_start3A_1200, %dma_start3A_1201] : memref<10240x64xi32, #tpu.memory_space<hbm>> -> memref<10240x64xi32, #tpu.memory_space<hbm>>
          tpu.enqueue_indirect_dma source(%dma_start3A_1202 : memref<10240x64xi32, #tpu.memory_space<hbm>>) target(%dma_start3A_1190 : memref<64x64xi32, #tpu.memory_space<vmem>>) offsets(%dma_start3A_1199 : memref<64xi32, #tpu.memory_space<vmem>>) semaphore(%arg20 : memref<!tpu.dma_semaphore, #tpu.memory_space<semaphore_mem>>)
        } else {
        }
        %eq3A_1167 = arith.constant 1 : i32
        %eq3A_1168 = arith.cmpi eq, %arg0, %eq3A_1167 : i32
        %convert_element_type3A_1169 = arith.extui %eq3A_1168 : i1 to i32
        %cond3A_1170 = arith.constant 1 : i32
        %cond3A_1171 = arith.constant 0 : i32
        %cond3A_1172 = arith.constant 0 : i32
        %cond3A_1173 = arith.cmpi ne, %convert_element_type3A_1169, %cond3A_1172 : i32
        scf.if %cond3A_1173 {
          %dma_start3A_1188 = arith.constant 128 : i32
          %dma_start3A_1189 = arith.constant 0 : i32
          %dma_start3A_1190 = tpu.memref_slice %arg14[%dma_start3A_1188, %dma_start3A_1189] : memref<256x64xi32, #tpu.memory_space<vmem>> -> memref<64x64xi32, #tpu.memory_space<vmem>>
          %dma_start3A_1191 = arith.constant 0 : i32
          %dma_start3A_1192 = arith.constant 0 : i32
          %dma_start3A_1193 = tpu.memref_slice %arg10[%cond3A_1170, %dma_start3A_1191, %dma_start3A_1192] : memref<2x2x128xi32, #tpu.memory_space<vmem>> -> memref<1x2x128xi32, #tpu.memory_space<vmem>>
          %dma_start3A_1194 = tpu.memref_squeeze %dma_start3A_1193 : memref<1x2x128xi32, #tpu.memory_space<vmem>> -> memref<2x128xi32, #tpu.memory_space<vmem>>
          %dma_start3A_1195 = arith.constant 0 : i32
          %dma_start3A_1196 = tpu.memref_slice %dma_start3A_1194[%cond3A_1171, %dma_start3A_1195] : memref<2x128xi32, #tpu.memory_space<vmem>> -> memref<1x128xi32, #tpu.memory_space<vmem>>
          %dma_start3A_1197 = tpu.memref_squeeze %dma_start3A_1196 : memref<1x128xi32, #tpu.memory_space<vmem>> -> memref<128xi32, #tpu.memory_space<vmem>>
          %dma_start3A_1198 = arith.constant 0 : i32
          %dma_start3A_1199 = tpu.memref_slice %dma_start3A_1197[%dma_start3A_1198] : memref<128xi32, #tpu.memory_space<vmem>> -> memref<64xi32, #tpu.memory_space<vmem>>
          %dma_start3A_1200 = arith.constant 0 : i32
          %dma_start3A_1201 = arith.constant 0 : i32
          %dma_start3A_1202 = tpu.memref_slice %arg3[%dma_start3A_1200, %dma_start3A_1201] : memref<10240x64xi32, #tpu.memory_space<hbm>> -> memref<10240x64xi32, #tpu.memory_space<hbm>>
          tpu.enqueue_indirect_dma source(%dma_start3A_1202 : memref<10240x64xi32, #tpu.memory_space<hbm>>) target(%dma_start3A_1190 : memref<64x64xi32, #tpu.memory_space<vmem>>) offsets(%dma_start3A_1199 : memref<64xi32, #tpu.memory_space<vmem>>) semaphore(%arg20 : memref<!tpu.dma_semaphore, #tpu.memory_space<semaphore_mem>>)
        } else {
        }
        %eq3A_1174 = arith.constant 0 : i32
        %eq3A_1175 = arith.cmpi eq, %arg0, %eq3A_1174 : i32
        %convert_element_type3A_1176 = arith.extui %eq3A_1175 : i1 to i32
        %cond3A_1177 = arith.constant 1 : i32
        %cond3A_1178 = arith.constant 0 : i32
        %cond3A_1179 = arith.constant 0 : i32
        %cond3A_1180 = arith.cmpi ne, %convert_element_type3A_1176, %cond3A_1179 : i32
        scf.if %cond3A_1180 {
          %dma_start3A_1188 = arith.constant 192 : i32
          %dma_start3A_1189 = arith.constant 0 : i32
          %dma_start3A_1190 = tpu.memref_slice %arg14[%dma_start3A_1188, %dma_start3A_1189] : memref<256x64xi32, #tpu.memory_space<vmem>> -> memref<64x64xi32, #tpu.memory_space<vmem>>
          %dma_start3A_1191 = arith.constant 0 : i32
          %dma_start3A_1192 = arith.constant 0 : i32
          %dma_start3A_1193 = tpu.memref_slice %arg10[%cond3A_1177, %dma_start3A_1191, %dma_start3A_1192] : memref<2x2x128xi32, #tpu.memory_space<vmem>> -> memref<1x2x128xi32, #tpu.memory_space<vmem>>
          %dma_start3A_1194 = tpu.memref_squeeze %dma_start3A_1193 : memref<1x2x128xi32, #tpu.memory_space<vmem>> -> memref<2x128xi32, #tpu.memory_space<vmem>>
          %dma_start3A_1195 = arith.constant 0 : i32
          %dma_start3A_1196 = tpu.memref_slice %dma_start3A_1194[%cond3A_1178, %dma_start3A_1195] : memref<2x128xi32, #tpu.memory_space<vmem>> -> memref<1x128xi32, #tpu.memory_space<vmem>>
          %dma_start3A_1197 = tpu.memref_squeeze %dma_start3A_1196 : memref<1x128xi32, #tpu.memory_space<vmem>> -> memref<128xi32, #tpu.memory_space<vmem>>
          %dma_start3A_1198 = arith.constant 64 : i32
          %dma_start3A_1199 = tpu.memref_slice %dma_start3A_1197[%dma_start3A_1198] : memref<128xi32, #tpu.memory_space<vmem>> -> memref<64xi32, #tpu.memory_space<vmem>>
          %dma_start3A_1200 = arith.constant 0 : i32
          %dma_start3A_1201 = arith.constant 0 : i32
          %dma_start3A_1202 = tpu.memref_slice %arg2[%dma_start3A_1200, %dma_start3A_1201] : memref<10240x64xi32, #tpu.memory_space<hbm>> -> memref<10240x64xi32, #tpu.memory_space<hbm>>
          tpu.enqueue_indirect_dma source(%dma_start3A_1202 : memref<10240x64xi32, #tpu.memory_space<hbm>>) target(%dma_start3A_1190 : memref<64x64xi32, #tpu.memory_space<vmem>>) offsets(%dma_start3A_1199 : memref<64xi32, #tpu.memory_space<vmem>>) semaphore(%arg20 : memref<!tpu.dma_semaphore, #tpu.memory_space<semaphore_mem>>)
        } else {
        }
        %eq3A_1181 = arith.constant 1 : i32
        %eq3A_1182 = arith.cmpi eq, %arg0, %eq3A_1181 : i32
        %convert_element_type3A_1183 = arith.extui %eq3A_1182 : i1 to i32
        %cond3A_1184 = arith.constant 1 : i32
        %cond3A_1185 = arith.constant 0 : i32
        %cond3A_1186 = arith.constant 0 : i32
        %cond3A_1187 = arith.cmpi ne, %convert_element_type3A_1183, %cond3A_1186 : i32
        scf.if %cond3A_1187 {
          %dma_start3A_1188 = arith.constant 192 : i32
          %dma_start3A_1189 = arith.constant 0 : i32
          %dma_start3A_1190 = tpu.memref_slice %arg14[%dma_start3A_1188, %dma_start3A_1189] : memref<256x64xi32, #tpu.memory_space<vmem>> -> memref<64x64xi32, #tpu.memory_space<vmem>>
          %dma_start3A_1191 = arith.constant 0 : i32
          %dma_start3A_1192 = arith.constant 0 : i32
          %dma_start3A_1193 = tpu.memref_slice %arg10[%cond3A_1184, %dma_start3A_1191, %dma_start3A_1192] : memref<2x2x128xi32, #tpu.memory_space<vmem>> -> memref<1x2x128xi32, #tpu.memory_space<vmem>>
          %dma_start3A_1194 = tpu.memref_squeeze %dma_start3A_1193 : memref<1x2x128xi32, #tpu.memory_space<vmem>> -> memref<2x128xi32, #tpu.memory_space<vmem>>
          %dma_start3A_1195 = arith.constant 0 : i32
          %dma_start3A_1196 = tpu.memref_slice %dma_start3A_1194[%cond3A_1185, %dma_start3A_1195] : memref<2x128xi32, #tpu.memory_space<vmem>> -> memref<1x128xi32, #tpu.memory_space<vmem>>
          %dma_start3A_1197 = tpu.memref_squeeze %dma_start3A_1196 : memref<1x128xi32, #tpu.memory_space<vmem>> -> memref<128xi32, #tpu.memory_space<vmem>>
          %dma_start3A_1198 = arith.constant 64 : i32
          %dma_start3A_1199 = tpu.memref_slice %dma_start3A_1197[%dma_start3A_1198] : memref<128xi32, #tpu.memory_space<vmem>> -> memref<64xi32, #tpu.memory_space<vmem>>
          %dma_start3A_1200 = arith.constant 0 : i32
          %dma_start3A_1201 = arith.constant 0 : i32
          %dma_start3A_1202 = tpu.memref_slice %arg3[%dma_start3A_1200, %dma_start3A_1201] : memref<10240x64xi32, #tpu.memory_space<hbm>> -> memref<10240x64xi32, #tpu.memory_space<hbm>>
          tpu.enqueue_indirect_dma source(%dma_start3A_1202 : memref<10240x64xi32, #tpu.memory_space<hbm>>) target(%dma_start3A_1190 : memref<64x64xi32, #tpu.memory_space<vmem>>) offsets(%dma_start3A_1199 : memref<64xi32, #tpu.memory_space<vmem>>) semaphore(%arg20 : memref<!tpu.dma_semaphore, #tpu.memory_space<semaphore_mem>>)
        } else {
        }
      } else {
      }
      %ge3A = arith.constant 1 : i32
      %ge3A_705 = arith.cmpi sge, %add3A_664, %ge3A : i32
      %convert_element_type3A_706 = arith.extui %ge3A_705 : i1 to i32
      %cond3A_707 = arith.constant 0 : i32
      %cond3A_708 = arith.cmpi ne, %convert_element_type3A_706, %cond3A_707 : i32
      scf.if %cond3A_708 {
        %dma_wait3A_1132 = arith.constant 0 : i32
        %dma_wait3A_1133 = arith.constant 0 : i32
        %dma_wait3A_1134 = tpu.memref_slice %arg12[%dma_wait3A_1132, %dma_wait3A_1133] : memref<1x128xi32, #tpu.memory_space<vmem>> -> memref<1x128xi32, #tpu.memory_space<vmem>>
        %dma_wait3A_1135 = tpu.memref_squeeze %dma_wait3A_1134 : memref<1x128xi32, #tpu.memory_space<vmem>> -> memref<128xi32, #tpu.memory_space<vmem>>
        %dma_wait3A_1136 = arith.constant 0 : i32
        %dma_wait3A_1137 = arith.constant 0 : i32
        %dma_wait3A_1138 = tpu.memref_slice %arg22[%dma_wait3A_1136, %dma_wait3A_1137] : memref<10240x128xf32, #tpu.memory_space<vmem_shared>> -> memref<10240x128xf32, #tpu.memory_space<vmem_shared>>
        tpu.wait_indirect_dma semaphore(%arg21 : memref<!tpu.dma_semaphore, #tpu.memory_space<semaphore_mem>>) src(%arg15 : memref<128x128xf32, #tpu.memory_space<vmem>>) dst(%dma_wait3A_1138 : memref<10240x128xf32, #tpu.memory_space<vmem_shared>>)
      } else {
      }
      %get3A = arith.constant 0 : i32
      %get3A_709 = arith.constant 1 : i32
      %get3A_710 = arith.index_cast %get3A : i32 to index
      %get3A_711 = arith.index_cast %get3A_709 : i32 to index
      %get3A_712 = arith.constant 0 : index
      %get3A_713 = tpu.vector_load %arg10[%get3A_710, %get3A_711, %get3A_712] {strides = array<i32>} : memref<2x2x128xi32, #tpu.memory_space<vmem>>, vector<16xi32>,
      %gather3A = tpu.vector_load_idx %arg9[%get3A_713] : memref<10240xf32, #tpu.memory_space<vmem>>[vector<16xi32>], vector<16xf32>,
      %add3A_714 = arith.constant 1.000000e-16 : f32
      %add3A_715 = vector.broadcast %add3A_714 : f32 to vector<16xf32>
      %add3A_716 = arith.addf %gather3A, %add3A_715 : vector<16xf32>
      %get3A_717 = arith.constant 0 : i32
      %get3A_718 = arith.index_cast %get3A_717 : i32 to index
      %get3A_719 = arith.constant 0 : index
      %get3A_720 = tpu.vector_load %arg11[%get3A_718, %get3A_719] {strides = array<i32>} : memref<2x128xf32, #tpu.memory_space<vmem>>, vector<16xf32>,
      %div3A = arith.divf %get3A_720, %add3A_716 : vector<16xf32>
      %swap3A_721 = arith.constant 0 : index
      %swap3A_722 = tpu.vector_load %arg13[%swap3A_721] {strides = array<i32>} : memref<128xf32, #tpu.memory_space<vmem>>, vector<16xf32>,
      tpu.vector_store %arg13[%swap3A_721], %div3A {strides = array<i32>} : memref<128xf32, #tpu.memory_space<vmem>>, vector<16xf32>,
      %swap3A_723 = arith.constant 0 : i32
      %swap3A_724 = arith.index_cast %swap3A_723 : i32 to index
      %swap3A_725 = arith.constant 0 : index
      %swap3A_726 = tpu.vector_load %arg12[%swap3A_724, %swap3A_725] {strides = array<i32>} : memref<1x128xi32, #tpu.memory_space<vmem>>, vector<16xi32>,
      tpu.vector_store %arg12[%swap3A_724, %swap3A_725], %get3A_713 {strides = array<i32>} : memref<1x128xi32, #tpu.memory_space<vmem>>, vector<16xi32>,
      %get3A_727 = arith.constant 0 : i32
      %get3A_728 = arith.constant 1 : i32
      %get3A_729 = arith.index_cast %get3A_727 : i32 to index
      %get3A_730 = arith.index_cast %get3A_728 : i32 to index
      %get3A_731 = arith.constant 16 : index
      %get3A_732 = tpu.vector_load %arg10[%get3A_729, %get3A_730, %get3A_731] {strides = array<i32>} : memref<2x2x128xi32, #tpu.memory_space<vmem>>, vector<16xi32>,
      %gather3A_733 = tpu.vector_load_idx %arg9[%get3A_732] : memref<10240xf32, #tpu.memory_space<vmem>>[vector<16xi32>], vector<16xf32>,
      %add3A_734 = arith.constant 1.000000e-16 : f32
      %add3A_735 = vector.broadcast %add3A_734 : f32 to vector<16xf32>
      %add3A_736 = arith.addf %gather3A_733, %add3A_735 : vector<16xf32>
      %get3A_737 = arith.constant 0 : i32
      %get3A_738 = arith.index_cast %get3A_737 : i32 to index
      %get3A_739 = arith.constant 16 : index
      %get3A_740 = tpu.vector_load %arg11[%get3A_738, %get3A_739] {strides = array<i32>} : memref<2x128xf32, #tpu.memory_space<vmem>>, vector<16xf32>,
      %div3A_741 = arith.divf %get3A_740, %add3A_736 : vector<16xf32>
      %swap3A_742 = arith.constant 16 : index
      %swap3A_743 = tpu.vector_load %arg13[%swap3A_742] {strides = array<i32>} : memref<128xf32, #tpu.memory_space<vmem>>, vector<16xf32>,
      tpu.vector_store %arg13[%swap3A_742], %div3A_741 {strides = array<i32>} : memref<128xf32, #tpu.memory_space<vmem>>, vector<16xf32>,
      %swap3A_744 = arith.constant 0 : i32
      %swap3A_745 = arith.index_cast %swap3A_744 : i32 to index
      %swap3A_746 = arith.constant 16 : index
      %swap3A_747 = tpu.vector_load %arg12[%swap3A_745, %swap3A_746] {strides = array<i32>} : memref<1x128xi32, #tpu.memory_space<vmem>>, vector<16xi32>,
      tpu.vector_store %arg12[%swap3A_745, %swap3A_746], %get3A_732 {strides = array<i32>} : memref<1x128xi32, #tpu.memory_space<vmem>>, vector<16xi32>,
      %get3A_748 = arith.constant 0 : i32
      %get3A_749 = arith.constant 1 : i32
      %get3A_750 = arith.index_cast %get3A_748 : i32 to index
      %get3A_751 = arith.index_cast %get3A_749 : i32 to index
      %get3A_752 = arith.constant 32 : index
      %get3A_753 = tpu.vector_load %arg10[%get3A_750, %get3A_751, %get3A_752] {strides = array<i32>} : memref<2x2x128xi32, #tpu.memory_space<vmem>>, vector<16xi32>,
      %gather3A_754 = tpu.vector_load_idx %arg9[%get3A_753] : memref<10240xf32, #tpu.memory_space<vmem>>[vector<16xi32>], vector<16xf32>,
      %add3A_755 = arith.constant 1.000000e-16 : f32
      %add3A_756 = vector.broadcast %add3A_755 : f32 to vector<16xf32>
      %add3A_757 = arith.addf %gather3A_754, %add3A_756 : vector<16xf32>
      %get3A_758 = arith.constant 0 : i32
      %get3A_759 = arith.index_cast %get3A_758 : i32 to index
      %get3A_760 = arith.constant 32 : index
      %get3A_761 = tpu.vector_load %arg11[%get3A_759, %get3A_760] {strides = array<i32>} : memref<2x128xf32, #tpu.memory_space<vmem>>, vector<16xf32>,
      %div3A_762 = arith.divf %get3A_761, %add3A_757 : vector<16xf32>
      %swap3A_763 = arith.constant 32 : index
      %swap3A_764 = tpu.vector_load %arg13[%swap3A_763] {strides = array<i32>} : memref<128xf32, #tpu.memory_space<vmem>>, vector<16xf32>,
      tpu.vector_store %arg13[%swap3A_763], %div3A_762 {strides = array<i32>} : memref<128xf32, #tpu.memory_space<vmem>>, vector<16xf32>,
      %swap3A_765 = arith.constant 0 : i32
      %swap3A_766 = arith.index_cast %swap3A_765 : i32 to index
      %swap3A_767 = arith.constant 32 : index
      %swap3A_768 = tpu.vector_load %arg12[%swap3A_766, %swap3A_767] {strides = array<i32>} : memref<1x128xi32, #tpu.memory_space<vmem>>, vector<16xi32>,
      tpu.vector_store %arg12[%swap3A_766, %swap3A_767], %get3A_753 {strides = array<i32>} : memref<1x128xi32, #tpu.memory_space<vmem>>, vector<16xi32>,
      %get3A_769 = arith.constant 0 : i32
      %get3A_770 = arith.constant 1 : i32
      %get3A_771 = arith.index_cast %get3A_769 : i32 to index
      %get3A_772 = arith.index_cast %get3A_770 : i32 to index
      %get3A_773 = arith.constant 48 : index
      %get3A_774 = tpu.vector_load %arg10[%get3A_771, %get3A_772, %get3A_773] {strides = array<i32>} : memref<2x2x128xi32, #tpu.memory_space<vmem>>, vector<16xi32>,
      %gather3A_775 = tpu.vector_load_idx %arg9[%get3A_774] : memref<10240xf32, #tpu.memory_space<vmem>>[vector<16xi32>], vector<16xf32>,
      %add3A_776 = arith.constant 1.000000e-16 : f32
      %add3A_777 = vector.broadcast %add3A_776 : f32 to vector<16xf32>
      %add3A_778 = arith.addf %gather3A_775, %add3A_777 : vector<16xf32>
      %get3A_779 = arith.constant 0 : i32
      %get3A_780 = arith.index_cast %get3A_779 : i32 to index
      %get3A_781 = arith.constant 48 : index
      %get3A_782 = tpu.vector_load %arg11[%get3A_780, %get3A_781] {strides = array<i32>} : memref<2x128xf32, #tpu.memory_space<vmem>>, vector<16xf32>,
      %div3A_783 = arith.divf %get3A_782, %add3A_778 : vector<16xf32>
      %swap3A_784 = arith.constant 48 : index
      %swap3A_785 = tpu.vector_load %arg13[%swap3A_784] {strides = array<i32>} : memref<128xf32, #tpu.memory_space<vmem>>, vector<16xf32>,
      tpu.vector_store %arg13[%swap3A_784], %div3A_783 {strides = array<i32>} : memref<128xf32, #tpu.memory_space<vmem>>, vector<16xf32>,
      %swap3A_786 = arith.constant 0 : i32
      %swap3A_787 = arith.index_cast %swap3A_786 : i32 to index
      %swap3A_788 = arith.constant 48 : index
      %swap3A_789 = tpu.vector_load %arg12[%swap3A_787, %swap3A_788] {strides = array<i32>} : memref<1x128xi32, #tpu.memory_space<vmem>>, vector<16xi32>,
      tpu.vector_store %arg12[%swap3A_787, %swap3A_788], %get3A_774 {strides = array<i32>} : memref<1x128xi32, #tpu.memory_space<vmem>>, vector<16xi32>,
      %get3A_790 = arith.constant 0 : i32
      %get3A_791 = arith.constant 1 : i32
      %get3A_792 = arith.index_cast %get3A_790 : i32 to index
      %get3A_793 = arith.index_cast %get3A_791 : i32 to index
      %get3A_794 = arith.constant 64 : index
      %get3A_795 = tpu.vector_load %arg10[%get3A_792, %get3A_793, %get3A_794] {strides = array<i32>} : memref<2x2x128xi32, #tpu.memory_space<vmem>>, vector<16xi32>,
      %gather3A_796 = tpu.vector_load_idx %arg9[%get3A_795] : memref<10240xf32, #tpu.memory_space<vmem>>[vector<16xi32>], vector<16xf32>,
      %add3A_797 = arith.constant 1.000000e-16 : f32
      %add3A_798 = vector.broadcast %add3A_797 : f32 to vector<16xf32>
      %add3A_799 = arith.addf %gather3A_796, %add3A_798 : vector<16xf32>
      %get3A_800 = arith.constant 0 : i32
      %get3A_801 = arith.index_cast %get3A_800 : i32 to index
      %get3A_802 = arith.constant 64 : index
      %get3A_803 = tpu.vector_load %arg11[%get3A_801, %get3A_802] {strides = array<i32>} : memref<2x128xf32, #tpu.memory_space<vmem>>, vector<16xf32>,
      %div3A_804 = arith.divf %get3A_803, %add3A_799 : vector<16xf32>
      %swap3A_805 = arith.constant 64 : index
      %swap3A_806 = tpu.vector_load %arg13[%swap3A_805] {strides = array<i32>} : memref<128xf32, #tpu.memory_space<vmem>>, vector<16xf32>,
      tpu.vector_store %arg13[%swap3A_805], %div3A_804 {strides = array<i32>} : memref<128xf32, #tpu.memory_space<vmem>>, vector<16xf32>,
      %swap3A_807 = arith.constant 0 : i32
      %swap3A_808 = arith.index_cast %swap3A_807 : i32 to index
      %swap3A_809 = arith.constant 64 : index
      %swap3A_810 = tpu.vector_load %arg12[%swap3A_808, %swap3A_809] {strides = array<i32>} : memref<1x128xi32, #tpu.memory_space<vmem>>, vector<16xi32>,
      tpu.vector_store %arg12[%swap3A_808, %swap3A_809], %get3A_795 {strides = array<i32>} : memref<1x128xi32, #tpu.memory_space<vmem>>, vector<16xi32>,
      %get3A_811 = arith.constant 0 : i32
      %get3A_812 = arith.constant 1 : i32
      %get3A_813 = arith.index_cast %get3A_811 : i32 to index
      %get3A_814 = arith.index_cast %get3A_812 : i32 to index
      %get3A_815 = arith.constant 80 : index
      %get3A_816 = tpu.vector_load %arg10[%get3A_813, %get3A_814, %get3A_815] {strides = array<i32>} : memref<2x2x128xi32, #tpu.memory_space<vmem>>, vector<16xi32>,
      %gather3A_817 = tpu.vector_load_idx %arg9[%get3A_816] : memref<10240xf32, #tpu.memory_space<vmem>>[vector<16xi32>], vector<16xf32>,
      %add3A_818 = arith.constant 1.000000e-16 : f32
      %add3A_819 = vector.broadcast %add3A_818 : f32 to vector<16xf32>
      %add3A_820 = arith.addf %gather3A_817, %add3A_819 : vector<16xf32>
      %get3A_821 = arith.constant 0 : i32
      %get3A_822 = arith.index_cast %get3A_821 : i32 to index
      %get3A_823 = arith.constant 80 : index
      %get3A_824 = tpu.vector_load %arg11[%get3A_822, %get3A_823] {strides = array<i32>} : memref<2x128xf32, #tpu.memory_space<vmem>>, vector<16xf32>,
      %div3A_825 = arith.divf %get3A_824, %add3A_820 : vector<16xf32>
      %swap3A_826 = arith.constant 80 : index
      %swap3A_827 = tpu.vector_load %arg13[%swap3A_826] {strides = array<i32>} : memref<128xf32, #tpu.memory_space<vmem>>, vector<16xf32>,
      tpu.vector_store %arg13[%swap3A_826], %div3A_825 {strides = array<i32>} : memref<128xf32, #tpu.memory_space<vmem>>, vector<16xf32>,
      %swap3A_828 = arith.constant 0 : i32
      %swap3A_829 = arith.index_cast %swap3A_828 : i32 to index
      %swap3A_830 = arith.constant 80 : index
      %swap3A_831 = tpu.vector_load %arg12[%swap3A_829, %swap3A_830] {strides = array<i32>} : memref<1x128xi32, #tpu.memory_space<vmem>>, vector<16xi32>,
      tpu.vector_store %arg12[%swap3A_829, %swap3A_830], %get3A_816 {strides = array<i32>} : memref<1x128xi32, #tpu.memory_space<vmem>>, vector<16xi32>,
      %get3A_832 = arith.constant 0 : i32
      %get3A_833 = arith.constant 1 : i32
      %get3A_834 = arith.index_cast %get3A_832 : i32 to index
      %get3A_835 = arith.index_cast %get3A_833 : i32 to index
      %get3A_836 = arith.constant 96 : index
      %get3A_837 = tpu.vector_load %arg10[%get3A_834, %get3A_835, %get3A_836] {strides = array<i32>} : memref<2x2x128xi32, #tpu.memory_space<vmem>>, vector<16xi32>,
      %gather3A_838 = tpu.vector_load_idx %arg9[%get3A_837] : memref<10240xf32, #tpu.memory_space<vmem>>[vector<16xi32>], vector<16xf32>,
      %add3A_839 = arith.constant 1.000000e-16 : f32
      %add3A_840 = vector.broadcast %add3A_839 : f32 to vector<16xf32>
      %add3A_841 = arith.addf %gather3A_838, %add3A_840 : vector<16xf32>
      %get3A_842 = arith.constant 0 : i32
      %get3A_843 = arith.index_cast %get3A_842 : i32 to index
      %get3A_844 = arith.constant 96 : index
      %get3A_845 = tpu.vector_load %arg11[%get3A_843, %get3A_844] {strides = array<i32>} : memref<2x128xf32, #tpu.memory_space<vmem>>, vector<16xf32>,
      %div3A_846 = arith.divf %get3A_845, %add3A_841 : vector<16xf32>
      %swap3A_847 = arith.constant 96 : index
      %swap3A_848 = tpu.vector_load %arg13[%swap3A_847] {strides = array<i32>} : memref<128xf32, #tpu.memory_space<vmem>>, vector<16xf32>,
      tpu.vector_store %arg13[%swap3A_847], %div3A_846 {strides = array<i32>} : memref<128xf32, #tpu.memory_space<vmem>>, vector<16xf32>,
      %swap3A_849 = arith.constant 0 : i32
      %swap3A_850 = arith.index_cast %swap3A_849 : i32 to index
      %swap3A_851 = arith.constant 96 : index
      %swap3A_852 = tpu.vector_load %arg12[%swap3A_850, %swap3A_851] {strides = array<i32>} : memref<1x128xi32, #tpu.memory_space<vmem>>, vector<16xi32>,
      tpu.vector_store %arg12[%swap3A_850, %swap3A_851], %get3A_837 {strides = array<i32>} : memref<1x128xi32, #tpu.memory_space<vmem>>, vector<16xi32>,
      %get3A_853 = arith.constant 0 : i32
      %get3A_854 = arith.constant 1 : i32
      %get3A_855 = arith.index_cast %get3A_853 : i32 to index
      %get3A_856 = arith.index_cast %get3A_854 : i32 to index
      %get3A_857 = arith.constant 112 : index
      %get3A_858 = tpu.vector_load %arg10[%get3A_855, %get3A_856, %get3A_857] {strides = array<i32>} : memref<2x2x128xi32, #tpu.memory_space<vmem>>, vector<16xi32>,
      %gather3A_859 = tpu.vector_load_idx %arg9[%get3A_858] : memref<10240xf32, #tpu.memory_space<vmem>>[vector<16xi32>], vector<16xf32>,
      %add3A_860 = arith.constant 1.000000e-16 : f32
      %add3A_861 = vector.broadcast %add3A_860 : f32 to vector<16xf32>
      %add3A_862 = arith.addf %gather3A_859, %add3A_861 : vector<16xf32>
      %get3A_863 = arith.constant 0 : i32
      %get3A_864 = arith.index_cast %get3A_863 : i32 to index
      %get3A_865 = arith.constant 112 : index
      %get3A_866 = tpu.vector_load %arg11[%get3A_864, %get3A_865] {strides = array<i32>} : memref<2x128xf32, #tpu.memory_space<vmem>>, vector<16xf32>,
      %div3A_867 = arith.divf %get3A_866, %add3A_862 : vector<16xf32>
      %swap3A_868 = arith.constant 112 : index
      %swap3A_869 = tpu.vector_load %arg13[%swap3A_868] {strides = array<i32>} : memref<128xf32, #tpu.memory_space<vmem>>, vector<16xf32>,
      tpu.vector_store %arg13[%swap3A_868], %div3A_867 {strides = array<i32>} : memref<128xf32, #tpu.memory_space<vmem>>, vector<16xf32>,
      %swap3A_870 = arith.constant 0 : i32
      %swap3A_871 = arith.index_cast %swap3A_870 : i32 to index
      %swap3A_872 = arith.constant 112 : index
      %swap3A_873 = tpu.vector_load %arg12[%swap3A_871, %swap3A_872] {strides = array<i32>} : memref<1x128xi32, #tpu.memory_space<vmem>>, vector<16xi32>,
      tpu.vector_store %arg12[%swap3A_871, %swap3A_872], %get3A_858 {strides = array<i32>} : memref<1x128xi32, #tpu.memory_space<vmem>>, vector<16xi32>,
      %add3A_874 = arith.constant 2 : i32
      %add3A_875 = arith.addi %add3A_664, %add3A_874 : i32
      %lt3A_876 = arith.constant 160 : i32
      %lt3A_877 = arith.cmpi slt, %add3A_875, %lt3A_876 : i32
      %convert_element_type3A_878 = arith.extui %lt3A_877 : i1 to i32
      %cond3A_879 = arith.constant 0 : i32
      %cond3A_880 = arith.cmpi ne, %convert_element_type3A_878, %cond3A_879 : i32
      scf.if %cond3A_880 {
        %add3A_1132 = arith.constant 2 : i32
        %add3A_1133 = arith.addi %add3A_664, %add3A_1132 : i32
        %add3A_1134 = arith.addi %mul3A_0, %add3A_1133 : i32
        %dma_start3A_1135 = arith.constant 0 : i32
        %dma_start3A_1136 = arith.constant 0 : i32
        %dma_start3A_1137 = arith.constant 0 : i32
        %dma_start3A_1138 = tpu.memref_slice %arg10[%dma_start3A_1135, %dma_start3A_1136, %dma_start3A_1137] : memref<2x2x128xi32, #tpu.memory_space<vmem>> -> memref<1x2x128xi32, #tpu.memory_space<vmem>>
        %dma_start3A_1139 = arith.constant 0 : i32
        %dma_start3A_1140 = arith.constant 0 : i32
        %dma_start3A_1141 = tpu.memref_slice %arg6[%add3A_1134, %dma_start3A_1139, %dma_start3A_1140] : memref<2560x2x128xi32, #tpu.memory_space<hbm>> -> memref<1x2x128xi32, #tpu.memory_space<hbm>>
        %dma_start3A_1142 = arith.constant 0 : i32
        %dma_start3A_1143 = arith.constant 0 : i32
        %dma_start3A_1144 = arith.constant 0 : i32
        %dma_start3A_1145 = tpu.memref_slice %arg10[%dma_start3A_1142, %dma_start3A_1143, %dma_start3A_1144] : memref<2x2x128xi32, #tpu.memory_space<vmem>> -> memref<1x2x128xi32, #tpu.memory_space<vmem>>
        %dma_start3A_1146 = arith.constant 0 : i32
        %dma_start3A_1147 = arith.constant 0 : i32
        %dma_start3A_1148 = tpu.memref_slice %arg6[%add3A_1134, %dma_start3A_1146, %dma_start3A_1147] : memref<2560x2x128xi32, #tpu.memory_space<hbm>> -> memref<1x2x128xi32, #tpu.memory_space<hbm>>
        tpu.enqueue_dma source(%dma_start3A_1148 : memref<1x2x128xi32, #tpu.memory_space<hbm>>) target(%dma_start3A_1145 : memref<1x2x128xi32, #tpu.memory_space<vmem>>) target_semaphore(%arg17 : memref<!tpu.dma_semaphore, #tpu.memory_space<semaphore_mem>>)
        %add3A_1149 = arith.addi %mul3A_0, %add3A_1133 : i32
        %dma_start3A_1150 = arith.constant 0 : i32
        %dma_start3A_1151 = arith.constant 0 : i32
        %dma_start3A_1152 = tpu.memref_slice %arg11[%dma_start3A_1150, %dma_start3A_1151] : memref<2x128xf32, #tpu.memory_space<vmem>> -> memref<1x128xf32, #tpu.memory_space<vmem>>
        %dma_start3A_1153 = arith.constant 0 : i32
        %dma_start3A_1154 = tpu.memref_slice %arg4[%add3A_1149, %dma_start3A_1153] : memref<2560x128xf32, #tpu.memory_space<hbm>> -> memref<1x128xf32, #tpu.memory_space<hbm>>
        %dma_start3A_1155 = arith.constant 0 : i32
        %dma_start3A_1156 = arith.constant 0 : i32
        %dma_start3A_1157 = tpu.memref_slice %arg11[%dma_start3A_1155, %dma_start3A_1156] : memref<2x128xf32, #tpu.memory_space<vmem>> -> memref<1x128xf32, #tpu.memory_space<vmem>>
        %dma_start3A_1158 = arith.constant 0 : i32
        %dma_start3A_1159 = tpu.memref_slice %arg4[%add3A_1149, %dma_start3A_1158] : memref<2560x128xf32, #tpu.memory_space<hbm>> -> memref<1x128xf32, #tpu.memory_space<hbm>>
        tpu.enqueue_dma source(%dma_start3A_1159 : memref<1x128xf32, #tpu.memory_space<hbm>>) target(%dma_start3A_1157 : memref<1x128xf32, #tpu.memory_space<vmem>>) target_semaphore(%arg17 : memref<!tpu.dma_semaphore, #tpu.memory_space<semaphore_mem>>)
      } else {
      }
      %scan3A_881 = arith.constant 0 : i32
      %scan3A_882 = arith.constant 0 : i32
      %scan3A_883 = arith.constant 128 : i32
      %scan3A_884 = arith.addi %scan3A_882, %scan3A_883 : i32
      %scan3A_885 = arith.constant 1 : i32
      scf.for %scan3A_1132 = %scan3A_882 to %scan3A_884 step %scan3A_885  : i32 {
        %add3A_1133 = vector.broadcast %scan3A_1132 : i32 to vector<16xi32>
        %add3A_1134 = arith.addi %broadcast_in_dim3A_625, %add3A_1133 : vector<16xi32>
        %gather3A_1135 = tpu.vector_load_idx %arg13[%add3A_1134] : memref<128xf32, #tpu.memory_space<vmem>>[vector<16xi32>], vector<16xf32>,
        %add3A_1136 = vector.broadcast %scan3A_1132 : i32 to vector<16xi32>
        %add3A_1137 = arith.addi %broadcast_in_dim3A_625, %add3A_1136 : vector<16xi32>
        %add3A_1138 = arith.constant 0 : i32
        %add3A_1139 = arith.addi %add3A_1138, %scan3A_1132 : i32
        %get3A_1140 = arith.index_cast %add3A_1139 : i32 to index
        %get3A_1141 = arith.constant 0 : index
        %get3A_1142 = tpu.vector_load %arg14[%get3A_1140, %get3A_1141] {strides = array<i32>} : memref<256x64xi32, #tpu.memory_space<vmem>>, vector<16xi32>,
        %shift_left3A = arith.constant 16 : i32
        %shift_left3A_1143 = vector.broadcast %shift_left3A : i32 to vector<16xi32>
        %shift_left3A_1144 = arith.shli %get3A_1142, %shift_left3A_1143 : vector<16xi32>
        %bitcast3A = vector.bitcast %shift_left3A_1144 : vector<16xi32> to vector<16xf32>
        %and3A = arith.andi %get3A_1142, %broadcast_in_dim3A_633 : vector<16xi32>
        %bitcast3A_1145 = vector.bitcast %and3A : vector<16xi32> to vector<16xf32>
        %add3A_1146 = arith.constant 0 : i32
        %add3A_1147 = vector.broadcast %add3A_1146 : i32 to vector<16xi32>
        %add3A_1148 = arith.addi %mul3A_628, %add3A_1147 : vector<16xi32>
        %mul3A_1149 = arith.mulf %bitcast3A, %gather3A_1135 : vector<16xf32>
        tpu.vector_store_idx %arg15[%add3A_1137, %add3A_1148], %mul3A_1149 : memref<128x128xf32, #tpu.memory_space<vmem>>[vector<16xi32>, vector<16xi32>], vector<16xf32>,
        %add3A_1150 = arith.constant 0 : i32
        %add3A_1151 = vector.broadcast %add3A_1150 : i32 to vector<16xi32>
        %add3A_1152 = arith.addi %add3A_631, %add3A_1151 : vector<16xi32>
        %mul3A_1153 = arith.mulf %bitcast3A_1145, %gather3A_1135 : vector<16xf32>
        tpu.vector_store_idx %arg15[%add3A_1137, %add3A_1152], %mul3A_1153 : memref<128x128xf32, #tpu.memory_space<vmem>>[vector<16xi32>, vector<16xi32>], vector<16xf32>,
        %add3A_1154 = arith.constant 0 : i32
        %add3A_1155 = arith.addi %add3A_1154, %scan3A_1132 : i32
        %get3A_1156 = arith.index_cast %add3A_1155 : i32 to index
        %get3A_1157 = arith.constant 16 : index
        %get3A_1158 = tpu.vector_load %arg14[%get3A_1156, %get3A_1157] {strides = array<i32>} : memref<256x64xi32, #tpu.memory_space<vmem>>, vector<16xi32>,
        %shift_left3A_1159 = arith.constant 16 : i32
        %shift_left3A_1160 = vector.broadcast %shift_left3A_1159 : i32 to vector<16xi32>
        %shift_left3A_1161 = arith.shli %get3A_1158, %shift_left3A_1160 : vector<16xi32>
        %bitcast3A_1162 = vector.bitcast %shift_left3A_1161 : vector<16xi32> to vector<16xf32>
        %and3A_1163 = arith.andi %get3A_1158, %broadcast_in_dim3A_633 : vector<16xi32>
        %bitcast3A_1164 = vector.bitcast %and3A_1163 : vector<16xi32> to vector<16xf32>
        %add3A_1165 = arith.constant 32 : i32
        %add3A_1166 = vector.broadcast %add3A_1165 : i32 to vector<16xi32>
        %add3A_1167 = arith.addi %mul3A_628, %add3A_1166 : vector<16xi32>
        %mul3A_1168 = arith.mulf %bitcast3A_1162, %gather3A_1135 : vector<16xf32>
        tpu.vector_store_idx %arg15[%add3A_1137, %add3A_1167], %mul3A_1168 : memref<128x128xf32, #tpu.memory_space<vmem>>[vector<16xi32>, vector<16xi32>], vector<16xf32>,
        %add3A_1169 = arith.constant 32 : i32
        %add3A_1170 = vector.broadcast %add3A_1169 : i32 to vector<16xi32>
        %add3A_1171 = arith.addi %add3A_631, %add3A_1170 : vector<16xi32>
        %mul3A_1172 = arith.mulf %bitcast3A_1164, %gather3A_1135 : vector<16xf32>
        tpu.vector_store_idx %arg15[%add3A_1137, %add3A_1171], %mul3A_1172 : memref<128x128xf32, #tpu.memory_space<vmem>>[vector<16xi32>, vector<16xi32>], vector<16xf32>,
        %add3A_1173 = arith.constant 0 : i32
        %add3A_1174 = arith.addi %add3A_1173, %scan3A_1132 : i32
        %get3A_1175 = arith.index_cast %add3A_1174 : i32 to index
        %get3A_1176 = arith.constant 32 : index
        %get3A_1177 = tpu.vector_load %arg14[%get3A_1175, %get3A_1176] {strides = array<i32>} : memref<256x64xi32, #tpu.memory_space<vmem>>, vector<16xi32>,
        %shift_left3A_1178 = arith.constant 16 : i32
        %shift_left3A_1179 = vector.broadcast %shift_left3A_1178 : i32 to vector<16xi32>
        %shift_left3A_1180 = arith.shli %get3A_1177, %shift_left3A_1179 : vector<16xi32>
        %bitcast3A_1181 = vector.bitcast %shift_left3A_1180 : vector<16xi32> to vector<16xf32>
        %and3A_1182 = arith.andi %get3A_1177, %broadcast_in_dim3A_633 : vector<16xi32>
        %bitcast3A_1183 = vector.bitcast %and3A_1182 : vector<16xi32> to vector<16xf32>
        %add3A_1184 = arith.constant 64 : i32
        %add3A_1185 = vector.broadcast %add3A_1184 : i32 to vector<16xi32>
        %add3A_1186 = arith.addi %mul3A_628, %add3A_1185 : vector<16xi32>
        %mul3A_1187 = arith.mulf %bitcast3A_1181, %gather3A_1135 : vector<16xf32>
        tpu.vector_store_idx %arg15[%add3A_1137, %add3A_1186], %mul3A_1187 : memref<128x128xf32, #tpu.memory_space<vmem>>[vector<16xi32>, vector<16xi32>], vector<16xf32>,
        %add3A_1188 = arith.constant 64 : i32
        %add3A_1189 = vector.broadcast %add3A_1188 : i32 to vector<16xi32>
        %add3A_1190 = arith.addi %add3A_631, %add3A_1189 : vector<16xi32>
        %mul3A_1191 = arith.mulf %bitcast3A_1183, %gather3A_1135 : vector<16xf32>
        tpu.vector_store_idx %arg15[%add3A_1137, %add3A_1190], %mul3A_1191 : memref<128x128xf32, #tpu.memory_space<vmem>>[vector<16xi32>, vector<16xi32>], vector<16xf32>,
        %add3A_1192 = arith.constant 0 : i32
        %add3A_1193 = arith.addi %add3A_1192, %scan3A_1132 : i32
        %get3A_1194 = arith.index_cast %add3A_1193 : i32 to index
        %get3A_1195 = arith.constant 48 : index
        %get3A_1196 = tpu.vector_load %arg14[%get3A_1194, %get3A_1195] {strides = array<i32>} : memref<256x64xi32, #tpu.memory_space<vmem>>, vector<16xi32>,
        %shift_left3A_1197 = arith.constant 16 : i32
        %shift_left3A_1198 = vector.broadcast %shift_left3A_1197 : i32 to vector<16xi32>
        %shift_left3A_1199 = arith.shli %get3A_1196, %shift_left3A_1198 : vector<16xi32>
        %bitcast3A_1200 = vector.bitcast %shift_left3A_1199 : vector<16xi32> to vector<16xf32>
        %and3A_1201 = arith.andi %get3A_1196, %broadcast_in_dim3A_633 : vector<16xi32>
        %bitcast3A_1202 = vector.bitcast %and3A_1201 : vector<16xi32> to vector<16xf32>
        %add3A_1203 = arith.constant 96 : i32
        %add3A_1204 = vector.broadcast %add3A_1203 : i32 to vector<16xi32>
        %add3A_1205 = arith.addi %mul3A_628, %add3A_1204 : vector<16xi32>
        %mul3A_1206 = arith.mulf %bitcast3A_1200, %gather3A_1135 : vector<16xf32>
        tpu.vector_store_idx %arg15[%add3A_1137, %add3A_1205], %mul3A_1206 : memref<128x128xf32, #tpu.memory_space<vmem>>[vector<16xi32>, vector<16xi32>], vector<16xf32>,
        %add3A_1207 = arith.constant 96 : i32
        %add3A_1208 = vector.broadcast %add3A_1207 : i32 to vector<16xi32>
        %add3A_1209 = arith.addi %add3A_631, %add3A_1208 : vector<16xi32>
        %mul3A_1210 = arith.mulf %bitcast3A_1202, %gather3A_1135 : vector<16xf32>
        tpu.vector_store_idx %arg15[%add3A_1137, %add3A_1209], %mul3A_1210 : memref<128x128xf32, #tpu.memory_space<vmem>>[vector<16xi32>, vector<16xi32>], vector<16xf32>,
      }
      %scan3A_886 = arith.constant 128 : i32
      %dma_start3A_887 = arith.constant 0 : i32
      %dma_start3A_888 = arith.constant 0 : i32
      %dma_start3A_889 = tpu.memref_slice %arg12[%dma_start3A_887, %dma_start3A_888] : memref<1x128xi32, #tpu.memory_space<vmem>> -> memref<1x128xi32, #tpu.memory_space<vmem>>
      %dma_start3A_890 = tpu.memref_squeeze %dma_start3A_889 : memref<1x128xi32, #tpu.memory_space<vmem>> -> memref<128xi32, #tpu.memory_space<vmem>>
      %dma_start3A_891 = arith.constant 0 : i32
      %dma_start3A_892 = arith.constant 0 : i32
      %dma_start3A_893 = tpu.memref_slice %arg22[%dma_start3A_891, %dma_start3A_892] : memref<10240x128xf32, #tpu.memory_space<vmem_shared>> -> memref<10240x128xf32, #tpu.memory_space<vmem_shared>>
      tpu.enqueue_indirect_dma source(%arg15 : memref<128x128xf32, #tpu.memory_space<vmem>>) target(%dma_start3A_893 : memref<10240x128xf32, #tpu.memory_space<vmem_shared>>) offsets(%dma_start3A_890 : memref<128xi32, #tpu.memory_space<vmem>>) semaphore(%arg21 : memref<!tpu.dma_semaphore, #tpu.memory_space<semaphore_mem>>) {add = true}
      %mul3A_894 = arith.constant 2 : i32
      %mul3A_895 = arith.muli %scan3A_660, %mul3A_894 : i32
      %add3A_896 = arith.constant 1 : i32
      %add3A_897 = arith.addi %mul3A_895, %add3A_896 : i32
      %dma_wait3A_898 = arith.constant 1 : i32
      %dma_wait3A_899 = arith.constant 0 : i32
      %dma_wait3A_900 = arith.constant 128 : i32
      %dma_wait3A_901 = arith.constant 0 : i32
      %dma_wait3A_902 = tpu.memref_slice %arg14[%dma_wait3A_900, %dma_wait3A_901] : memref<256x64xi32, #tpu.memory_space<vmem>> -> memref<64x64xi32, #tpu.memory_space<vmem>>
      %dma_wait3A_903 = arith.constant 0 : i32
      %dma_wait3A_904 = arith.constant 0 : i32
      %dma_wait3A_905 = tpu.memref_slice %arg10[%dma_wait3A_898, %dma_wait3A_903, %dma_wait3A_904] : memref<2x2x128xi32, #tpu.memory_space<vmem>> -> memref<1x2x128xi32, #tpu.memory_space<vmem>>
      %dma_wait3A_906 = tpu.memref_squeeze %dma_wait3A_905 : memref<1x2x128xi32, #tpu.memory_space<vmem>> -> memref<2x128xi32, #tpu.memory_space<vmem>>
      %dma_wait3A_907 = arith.constant 0 : i32
      %dma_wait3A_908 = tpu.memref_slice %dma_wait3A_906[%dma_wait3A_899, %dma_wait3A_907] : memref<2x128xi32, #tpu.memory_space<vmem>> -> memref<1x128xi32, #tpu.memory_space<vmem>>
      %dma_wait3A_909 = tpu.memref_squeeze %dma_wait3A_908 : memref<1x128xi32, #tpu.memory_space<vmem>> -> memref<128xi32, #tpu.memory_space<vmem>>
      %dma_wait3A_910 = arith.constant 0 : i32
      %dma_wait3A_911 = tpu.memref_slice %dma_wait3A_909[%dma_wait3A_910] : memref<128xi32, #tpu.memory_space<vmem>> -> memref<64xi32, #tpu.memory_space<vmem>>
      %dma_wait3A_912 = arith.constant 0 : i32
      %dma_wait3A_913 = arith.constant 0 : i32
      %dma_wait3A_914 = tpu.memref_slice %arg2[%dma_wait3A_912, %dma_wait3A_913] : memref<10240x64xi32, #tpu.memory_space<hbm>> -> memref<10240x64xi32, #tpu.memory_space<hbm>>
      tpu.wait_indirect_dma semaphore(%arg20 : memref<!tpu.dma_semaphore, #tpu.memory_space<semaphore_mem>>) src(%dma_wait3A_914 : memref<10240x64xi32, #tpu.memory_space<hbm>>) dst(%dma_wait3A_902 : memref<64x64xi32, #tpu.memory_space<vmem>>)
      %dma_wait3A_915 = arith.constant 1 : i32
      %dma_wait3A_916 = arith.constant 0 : i32
      %dma_wait3A_917 = arith.constant 192 : i32
      %dma_wait3A_918 = arith.constant 0 : i32
      %dma_wait3A_919 = tpu.memref_slice %arg14[%dma_wait3A_917, %dma_wait3A_918] : memref<256x64xi32, #tpu.memory_space<vmem>> -> memref<64x64xi32, #tpu.memory_space<vmem>>
      %dma_wait3A_920 = arith.constant 0 : i32
      %dma_wait3A_921 = arith.constant 0 : i32
      %dma_wait3A_922 = tpu.memref_slice %arg10[%dma_wait3A_915, %dma_wait3A_920, %dma_wait3A_921] : memref<2x2x128xi32, #tpu.memory_space<vmem>> -> memref<1x2x128xi32, #tpu.memory_space<vmem>>
      %dma_wait3A_923 = tpu.memref_squeeze %dma_wait3A_922 : memref<1x2x128xi32, #tpu.memory_space<vmem>> -> memref<2x128xi32, #tpu.memory_space<vmem>>
      %dma_wait3A_924 = arith.constant 0 : i32
      %dma_wait3A_925 = tpu.memref_slice %dma_wait3A_923[%dma_wait3A_916, %dma_wait3A_924] : memref<2x128xi32, #tpu.memory_space<vmem>> -> memref<1x128xi32, #tpu.memory_space<vmem>>
      %dma_wait3A_926 = tpu.memref_squeeze %dma_wait3A_925 : memref<1x128xi32, #tpu.memory_space<vmem>> -> memref<128xi32, #tpu.memory_space<vmem>>
      %dma_wait3A_927 = arith.constant 64 : i32
      %dma_wait3A_928 = tpu.memref_slice %dma_wait3A_926[%dma_wait3A_927] : memref<128xi32, #tpu.memory_space<vmem>> -> memref<64xi32, #tpu.memory_space<vmem>>
      %dma_wait3A_929 = arith.constant 0 : i32
      %dma_wait3A_930 = arith.constant 0 : i32
      %dma_wait3A_931 = tpu.memref_slice %arg2[%dma_wait3A_929, %dma_wait3A_930] : memref<10240x64xi32, #tpu.memory_space<hbm>> -> memref<10240x64xi32, #tpu.memory_space<hbm>>
      tpu.wait_indirect_dma semaphore(%arg20 : memref<!tpu.dma_semaphore, #tpu.memory_space<semaphore_mem>>) src(%dma_wait3A_931 : memref<10240x64xi32, #tpu.memory_space<hbm>>) dst(%dma_wait3A_919 : memref<64x64xi32, #tpu.memory_space<vmem>>)
      %add3A_932 = arith.constant 1 : i32
      %add3A_933 = arith.addi %add3A_897, %add3A_932 : i32
      %lt3A_934 = arith.constant 160 : i32
      %lt3A_935 = arith.cmpi slt, %add3A_933, %lt3A_934 : i32
      %convert_element_type3A_936 = arith.extui %lt3A_935 : i1 to i32
      %cond3A_937 = arith.constant 0 : i32
      %cond3A_938 = arith.cmpi ne, %convert_element_type3A_936, %cond3A_937 : i32
      scf.if %cond3A_938 {
        %add3A_1132 = arith.constant 1 : i32
        %add3A_1133 = arith.addi %add3A_897, %add3A_1132 : i32
        %add3A_1134 = arith.addi %mul3A_0, %add3A_1133 : i32
        %dma_wait3A_1135 = arith.constant 0 : i32
        %dma_wait3A_1136 = arith.constant 0 : i32
        %dma_wait3A_1137 = arith.constant 0 : i32
        %dma_wait3A_1138 = tpu.memref_slice %arg10[%dma_wait3A_1135, %dma_wait3A_1136, %dma_wait3A_1137] : memref<2x2x128xi32, #tpu.memory_space<vmem>> -> memref<1x2x128xi32, #tpu.memory_space<vmem>>
        %dma_wait3A_1139 = arith.constant 0 : i32
        %dma_wait3A_1140 = arith.constant 0 : i32
        %dma_wait3A_1141 = tpu.memref_slice %arg6[%add3A_1134, %dma_wait3A_1139, %dma_wait3A_1140] : memref<2560x2x128xi32, #tpu.memory_space<hbm>> -> memref<1x2x128xi32, #tpu.memory_space<hbm>>
        %dma_wait3A_1142 = arith.constant 0 : i32
        %dma_wait3A_1143 = arith.constant 0 : i32
        %dma_wait3A_1144 = arith.constant 0 : i32
        %dma_wait3A_1145 = tpu.memref_slice %arg10[%dma_wait3A_1142, %dma_wait3A_1143, %dma_wait3A_1144] : memref<2x2x128xi32, #tpu.memory_space<vmem>> -> memref<1x2x128xi32, #tpu.memory_space<vmem>>
        %dma_wait3A_1146 = arith.constant 0 : i32
        %dma_wait3A_1147 = arith.constant 0 : i32
        %dma_wait3A_1148 = tpu.memref_slice %arg6[%add3A_1134, %dma_wait3A_1146, %dma_wait3A_1147] : memref<2560x2x128xi32, #tpu.memory_space<hbm>> -> memref<1x2x128xi32, #tpu.memory_space<hbm>>
        tpu.wait_dma2 semaphore(%arg17 : memref<!tpu.dma_semaphore, #tpu.memory_space<semaphore_mem>>) src(%dma_wait3A_1148 : memref<1x2x128xi32, #tpu.memory_space<hbm>>) dst(%dma_wait3A_1145 : memref<1x2x128xi32, #tpu.memory_space<vmem>>)
        %add3A_1149 = arith.addi %mul3A_0, %add3A_1133 : i32
        %dma_wait3A_1150 = arith.constant 0 : i32
        %dma_wait3A_1151 = arith.constant 0 : i32
        %dma_wait3A_1152 = tpu.memref_slice %arg11[%dma_wait3A_1150, %dma_wait3A_1151] : memref<2x128xf32, #tpu.memory_space<vmem>> -> memref<1x128xf32, #tpu.memory_space<vmem>>
        %dma_wait3A_1153 = arith.constant 0 : i32
        %dma_wait3A_1154 = tpu.memref_slice %arg4[%add3A_1149, %dma_wait3A_1153] : memref<2560x128xf32, #tpu.memory_space<hbm>> -> memref<1x128xf32, #tpu.memory_space<hbm>>
        %dma_wait3A_1155 = arith.constant 0 : i32
        %dma_wait3A_1156 = arith.constant 0 : i32
        %dma_wait3A_1157 = tpu.memref_slice %arg11[%dma_wait3A_1155, %dma_wait3A_1156] : memref<2x128xf32, #tpu.memory_space<vmem>> -> memref<1x128xf32, #tpu.memory_space<vmem>>
        %dma_wait3A_1158 = arith.constant 0 : i32
        %dma_wait3A_1159 = tpu.memref_slice %arg4[%add3A_1149, %dma_wait3A_1158] : memref<2560x128xf32, #tpu.memory_space<hbm>> -> memref<1x128xf32, #tpu.memory_space<hbm>>
        tpu.wait_dma2 semaphore(%arg17 : memref<!tpu.dma_semaphore, #tpu.memory_space<semaphore_mem>>) src(%dma_wait3A_1159 : memref<1x128xf32, #tpu.memory_space<hbm>>) dst(%dma_wait3A_1157 : memref<1x128xf32, #tpu.memory_space<vmem>>)
        %eq3A_1160 = arith.constant 0 : i32
        %eq3A_1161 = arith.cmpi eq, %arg0, %eq3A_1160 : i32
        %convert_element_type3A_1162 = arith.extui %eq3A_1161 : i1 to i32
        %cond3A_1163 = arith.constant 0 : i32
        %cond3A_1164 = arith.constant 0 : i32
        %cond3A_1165 = arith.constant 0 : i32
        %cond3A_1166 = arith.cmpi ne, %convert_element_type3A_1162, %cond3A_1165 : i32
        scf.if %cond3A_1166 {
          %dma_start3A_1188 = arith.constant 0 : i32
          %dma_start3A_1189 = arith.constant 0 : i32
          %dma_start3A_1190 = tpu.memref_slice %arg14[%dma_start3A_1188, %dma_start3A_1189] : memref<256x64xi32, #tpu.memory_space<vmem>> -> memref<64x64xi32, #tpu.memory_space<vmem>>
          %dma_start3A_1191 = arith.constant 0 : i32
          %dma_start3A_1192 = arith.constant 0 : i32
          %dma_start3A_1193 = tpu.memref_slice %arg10[%cond3A_1163, %dma_start3A_1191, %dma_start3A_1192] : memref<2x2x128xi32, #tpu.memory_space<vmem>> -> memref<1x2x128xi32, #tpu.memory_space<vmem>>
          %dma_start3A_1194 = tpu.memref_squeeze %dma_start3A_1193 : memref<1x2x128xi32, #tpu.memory_space<vmem>> -> memref<2x128xi32, #tpu.memory_space<vmem>>
          %dma_start3A_1195 = arith.constant 0 : i32
          %dma_start3A_1196 = tpu.memref_slice %dma_start3A_1194[%cond3A_1164, %dma_start3A_1195] : memref<2x128xi32, #tpu.memory_space<vmem>> -> memref<1x128xi32, #tpu.memory_space<vmem>>
          %dma_start3A_1197 = tpu.memref_squeeze %dma_start3A_1196 : memref<1x128xi32, #tpu.memory_space<vmem>> -> memref<128xi32, #tpu.memory_space<vmem>>
          %dma_start3A_1198 = arith.constant 0 : i32
          %dma_start3A_1199 = tpu.memref_slice %dma_start3A_1197[%dma_start3A_1198] : memref<128xi32, #tpu.memory_space<vmem>> -> memref<64xi32, #tpu.memory_space<vmem>>
          %dma_start3A_1200 = arith.constant 0 : i32
          %dma_start3A_1201 = arith.constant 0 : i32
          %dma_start3A_1202 = tpu.memref_slice %arg2[%dma_start3A_1200, %dma_start3A_1201] : memref<10240x64xi32, #tpu.memory_space<hbm>> -> memref<10240x64xi32, #tpu.memory_space<hbm>>
          tpu.enqueue_indirect_dma source(%dma_start3A_1202 : memref<10240x64xi32, #tpu.memory_space<hbm>>) target(%dma_start3A_1190 : memref<64x64xi32, #tpu.memory_space<vmem>>) offsets(%dma_start3A_1199 : memref<64xi32, #tpu.memory_space<vmem>>) semaphore(%arg19 : memref<!tpu.dma_semaphore, #tpu.memory_space<semaphore_mem>>)
        } else {
        }
        %eq3A_1167 = arith.constant 1 : i32
        %eq3A_1168 = arith.cmpi eq, %arg0, %eq3A_1167 : i32
        %convert_element_type3A_1169 = arith.extui %eq3A_1168 : i1 to i32
        %cond3A_1170 = arith.constant 0 : i32
        %cond3A_1171 = arith.constant 0 : i32
        %cond3A_1172 = arith.constant 0 : i32
        %cond3A_1173 = arith.cmpi ne, %convert_element_type3A_1169, %cond3A_1172 : i32
        scf.if %cond3A_1173 {
          %dma_start3A_1188 = arith.constant 0 : i32
          %dma_start3A_1189 = arith.constant 0 : i32
          %dma_start3A_1190 = tpu.memref_slice %arg14[%dma_start3A_1188, %dma_start3A_1189] : memref<256x64xi32, #tpu.memory_space<vmem>> -> memref<64x64xi32, #tpu.memory_space<vmem>>
          %dma_start3A_1191 = arith.constant 0 : i32
          %dma_start3A_1192 = arith.constant 0 : i32
          %dma_start3A_1193 = tpu.memref_slice %arg10[%cond3A_1170, %dma_start3A_1191, %dma_start3A_1192] : memref<2x2x128xi32, #tpu.memory_space<vmem>> -> memref<1x2x128xi32, #tpu.memory_space<vmem>>
          %dma_start3A_1194 = tpu.memref_squeeze %dma_start3A_1193 : memref<1x2x128xi32, #tpu.memory_space<vmem>> -> memref<2x128xi32, #tpu.memory_space<vmem>>
          %dma_start3A_1195 = arith.constant 0 : i32
          %dma_start3A_1196 = tpu.memref_slice %dma_start3A_1194[%cond3A_1171, %dma_start3A_1195] : memref<2x128xi32, #tpu.memory_space<vmem>> -> memref<1x128xi32, #tpu.memory_space<vmem>>
          %dma_start3A_1197 = tpu.memref_squeeze %dma_start3A_1196 : memref<1x128xi32, #tpu.memory_space<vmem>> -> memref<128xi32, #tpu.memory_space<vmem>>
          %dma_start3A_1198 = arith.constant 0 : i32
          %dma_start3A_1199 = tpu.memref_slice %dma_start3A_1197[%dma_start3A_1198] : memref<128xi32, #tpu.memory_space<vmem>> -> memref<64xi32, #tpu.memory_space<vmem>>
          %dma_start3A_1200 = arith.constant 0 : i32
          %dma_start3A_1201 = arith.constant 0 : i32
          %dma_start3A_1202 = tpu.memref_slice %arg3[%dma_start3A_1200, %dma_start3A_1201] : memref<10240x64xi32, #tpu.memory_space<hbm>> -> memref<10240x64xi32, #tpu.memory_space<hbm>>
          tpu.enqueue_indirect_dma source(%dma_start3A_1202 : memref<10240x64xi32, #tpu.memory_space<hbm>>) target(%dma_start3A_1190 : memref<64x64xi32, #tpu.memory_space<vmem>>) offsets(%dma_start3A_1199 : memref<64xi32, #tpu.memory_space<vmem>>) semaphore(%arg19 : memref<!tpu.dma_semaphore, #tpu.memory_space<semaphore_mem>>)
        } else {
        }
        %eq3A_1174 = arith.constant 0 : i32
        %eq3A_1175 = arith.cmpi eq, %arg0, %eq3A_1174 : i32
        %convert_element_type3A_1176 = arith.extui %eq3A_1175 : i1 to i32
        %cond3A_1177 = arith.constant 0 : i32
        %cond3A_1178 = arith.constant 0 : i32
        %cond3A_1179 = arith.constant 0 : i32
        %cond3A_1180 = arith.cmpi ne, %convert_element_type3A_1176, %cond3A_1179 : i32
        scf.if %cond3A_1180 {
          %dma_start3A_1188 = arith.constant 64 : i32
          %dma_start3A_1189 = arith.constant 0 : i32
          %dma_start3A_1190 = tpu.memref_slice %arg14[%dma_start3A_1188, %dma_start3A_1189] : memref<256x64xi32, #tpu.memory_space<vmem>> -> memref<64x64xi32, #tpu.memory_space<vmem>>
          %dma_start3A_1191 = arith.constant 0 : i32
          %dma_start3A_1192 = arith.constant 0 : i32
          %dma_start3A_1193 = tpu.memref_slice %arg10[%cond3A_1177, %dma_start3A_1191, %dma_start3A_1192] : memref<2x2x128xi32, #tpu.memory_space<vmem>> -> memref<1x2x128xi32, #tpu.memory_space<vmem>>
          %dma_start3A_1194 = tpu.memref_squeeze %dma_start3A_1193 : memref<1x2x128xi32, #tpu.memory_space<vmem>> -> memref<2x128xi32, #tpu.memory_space<vmem>>
          %dma_start3A_1195 = arith.constant 0 : i32
          %dma_start3A_1196 = tpu.memref_slice %dma_start3A_1194[%cond3A_1178, %dma_start3A_1195] : memref<2x128xi32, #tpu.memory_space<vmem>> -> memref<1x128xi32, #tpu.memory_space<vmem>>
          %dma_start3A_1197 = tpu.memref_squeeze %dma_start3A_1196 : memref<1x128xi32, #tpu.memory_space<vmem>> -> memref<128xi32, #tpu.memory_space<vmem>>
          %dma_start3A_1198 = arith.constant 64 : i32
          %dma_start3A_1199 = tpu.memref_slice %dma_start3A_1197[%dma_start3A_1198] : memref<128xi32, #tpu.memory_space<vmem>> -> memref<64xi32, #tpu.memory_space<vmem>>
          %dma_start3A_1200 = arith.constant 0 : i32
          %dma_start3A_1201 = arith.constant 0 : i32
          %dma_start3A_1202 = tpu.memref_slice %arg2[%dma_start3A_1200, %dma_start3A_1201] : memref<10240x64xi32, #tpu.memory_space<hbm>> -> memref<10240x64xi32, #tpu.memory_space<hbm>>
          tpu.enqueue_indirect_dma source(%dma_start3A_1202 : memref<10240x64xi32, #tpu.memory_space<hbm>>) target(%dma_start3A_1190 : memref<64x64xi32, #tpu.memory_space<vmem>>) offsets(%dma_start3A_1199 : memref<64xi32, #tpu.memory_space<vmem>>) semaphore(%arg19 : memref<!tpu.dma_semaphore, #tpu.memory_space<semaphore_mem>>)
        } else {
        }
        %eq3A_1181 = arith.constant 1 : i32
        %eq3A_1182 = arith.cmpi eq, %arg0, %eq3A_1181 : i32
        %convert_element_type3A_1183 = arith.extui %eq3A_1182 : i1 to i32
        %cond3A_1184 = arith.constant 0 : i32
        %cond3A_1185 = arith.constant 0 : i32
        %cond3A_1186 = arith.constant 0 : i32
        %cond3A_1187 = arith.cmpi ne, %convert_element_type3A_1183, %cond3A_1186 : i32
        scf.if %cond3A_1187 {
          %dma_start3A_1188 = arith.constant 64 : i32
          %dma_start3A_1189 = arith.constant 0 : i32
          %dma_start3A_1190 = tpu.memref_slice %arg14[%dma_start3A_1188, %dma_start3A_1189] : memref<256x64xi32, #tpu.memory_space<vmem>> -> memref<64x64xi32, #tpu.memory_space<vmem>>
          %dma_start3A_1191 = arith.constant 0 : i32
          %dma_start3A_1192 = arith.constant 0 : i32
          %dma_start3A_1193 = tpu.memref_slice %arg10[%cond3A_1184, %dma_start3A_1191, %dma_start3A_1192] : memref<2x2x128xi32, #tpu.memory_space<vmem>> -> memref<1x2x128xi32, #tpu.memory_space<vmem>>
          %dma_start3A_1194 = tpu.memref_squeeze %dma_start3A_1193 : memref<1x2x128xi32, #tpu.memory_space<vmem>> -> memref<2x128xi32, #tpu.memory_space<vmem>>
          %dma_start3A_1195 = arith.constant 0 : i32
          %dma_start3A_1196 = tpu.memref_slice %dma_start3A_1194[%cond3A_1185, %dma_start3A_1195] : memref<2x128xi32, #tpu.memory_space<vmem>> -> memref<1x128xi32, #tpu.memory_space<vmem>>
          %dma_start3A_1197 = tpu.memref_squeeze %dma_start3A_1196 : memref<1x128xi32, #tpu.memory_space<vmem>> -> memref<128xi32, #tpu.memory_space<vmem>>
          %dma_start3A_1198 = arith.constant 64 : i32
          %dma_start3A_1199 = tpu.memref_slice %dma_start3A_1197[%dma_start3A_1198] : memref<128xi32, #tpu.memory_space<vmem>> -> memref<64xi32, #tpu.memory_space<vmem>>
          %dma_start3A_1200 = arith.constant 0 : i32
          %dma_start3A_1201 = arith.constant 0 : i32
          %dma_start3A_1202 = tpu.memref_slice %arg3[%dma_start3A_1200, %dma_start3A_1201] : memref<10240x64xi32, #tpu.memory_space<hbm>> -> memref<10240x64xi32, #tpu.memory_space<hbm>>
          tpu.enqueue_indirect_dma source(%dma_start3A_1202 : memref<10240x64xi32, #tpu.memory_space<hbm>>) target(%dma_start3A_1190 : memref<64x64xi32, #tpu.memory_space<vmem>>) offsets(%dma_start3A_1199 : memref<64xi32, #tpu.memory_space<vmem>>) semaphore(%arg19 : memref<!tpu.dma_semaphore, #tpu.memory_space<semaphore_mem>>)
        } else {
        }
      } else {
      }
      %ge3A_939 = arith.constant 1 : i32
      %ge3A_940 = arith.cmpi sge, %add3A_897, %ge3A_939 : i32
      %convert_element_type3A_941 = arith.extui %ge3A_940 : i1 to i32
      %cond3A_942 = arith.constant 0 : i32
      %cond3A_943 = arith.cmpi ne, %convert_element_type3A_941, %cond3A_942 : i32
      scf.if %cond3A_943 {
        %dma_wait3A_1132 = arith.constant 0 : i32
        %dma_wait3A_1133 = arith.constant 0 : i32
        %dma_wait3A_1134 = tpu.memref_slice %arg12[%dma_wait3A_1132, %dma_wait3A_1133] : memref<1x128xi32, #tpu.memory_space<vmem>> -> memref<1x128xi32, #tpu.memory_space<vmem>>
        %dma_wait3A_1135 = tpu.memref_squeeze %dma_wait3A_1134 : memref<1x128xi32, #tpu.memory_space<vmem>> -> memref<128xi32, #tpu.memory_space<vmem>>
        %dma_wait3A_1136 = arith.constant 0 : i32
        %dma_wait3A_1137 = arith.constant 0 : i32
        %dma_wait3A_1138 = tpu.memref_slice %arg22[%dma_wait3A_1136, %dma_wait3A_1137] : memref<10240x128xf32, #tpu.memory_space<vmem_shared>> -> memref<10240x128xf32, #tpu.memory_space<vmem_shared>>
        tpu.wait_indirect_dma semaphore(%arg21 : memref<!tpu.dma_semaphore, #tpu.memory_space<semaphore_mem>>) src(%arg15 : memref<128x128xf32, #tpu.memory_space<vmem>>) dst(%dma_wait3A_1138 : memref<10240x128xf32, #tpu.memory_space<vmem_shared>>)
      } else {
      }
      %get3A_944 = arith.constant 1 : i32
      %get3A_945 = arith.constant 1 : i32
      %get3A_946 = arith.index_cast %get3A_944 : i32 to index
      %get3A_947 = arith.index_cast %get3A_945 : i32 to index
      %get3A_948 = arith.constant 0 : index
      %get3A_949 = tpu.vector_load %arg10[%get3A_946, %get3A_947, %get3A_948] {strides = array<i32>} : memref<2x2x128xi32, #tpu.memory_space<vmem>>, vector<16xi32>,
      %gather3A_950 = tpu.vector_load_idx %arg9[%get3A_949] : memref<10240xf32, #tpu.memory_space<vmem>>[vector<16xi32>], vector<16xf32>,
      %add3A_951 = arith.constant 1.000000e-16 : f32
      %add3A_952 = vector.broadcast %add3A_951 : f32 to vector<16xf32>
      %add3A_953 = arith.addf %gather3A_950, %add3A_952 : vector<16xf32>
      %get3A_954 = arith.constant 1 : i32
      %get3A_955 = arith.index_cast %get3A_954 : i32 to index
      %get3A_956 = arith.constant 0 : index
      %get3A_957 = tpu.vector_load %arg11[%get3A_955, %get3A_956] {strides = array<i32>} : memref<2x128xf32, #tpu.memory_space<vmem>>, vector<16xf32>,
      %div3A_958 = arith.divf %get3A_957, %add3A_953 : vector<16xf32>
      %swap3A_959 = arith.constant 0 : index
      %swap3A_960 = tpu.vector_load %arg13[%swap3A_959] {strides = array<i32>} : memref<128xf32, #tpu.memory_space<vmem>>, vector<16xf32>,
      tpu.vector_store %arg13[%swap3A_959], %div3A_958 {strides = array<i32>} : memref<128xf32, #tpu.memory_space<vmem>>, vector<16xf32>,
      %swap3A_961 = arith.constant 0 : i32
      %swap3A_962 = arith.index_cast %swap3A_961 : i32 to index
      %swap3A_963 = arith.constant 0 : index
      %swap3A_964 = tpu.vector_load %arg12[%swap3A_962, %swap3A_963] {strides = array<i32>} : memref<1x128xi32, #tpu.memory_space<vmem>>, vector<16xi32>,
      tpu.vector_store %arg12[%swap3A_962, %swap3A_963], %get3A_949 {strides = array<i32>} : memref<1x128xi32, #tpu.memory_space<vmem>>, vector<16xi32>,
      %get3A_965 = arith.constant 1 : i32
      %get3A_966 = arith.constant 1 : i32
      %get3A_967 = arith.index_cast %get3A_965 : i32 to index
      %get3A_968 = arith.index_cast %get3A_966 : i32 to index
      %get3A_969 = arith.constant 16 : index
      %get3A_970 = tpu.vector_load %arg10[%get3A_967, %get3A_968, %get3A_969] {strides = array<i32>} : memref<2x2x128xi32, #tpu.memory_space<vmem>>, vector<16xi32>,
      %gather3A_971 = tpu.vector_load_idx %arg9[%get3A_970] : memref<10240xf32, #tpu.memory_space<vmem>>[vector<16xi32>], vector<16xf32>,
      %add3A_972 = arith.constant 1.000000e-16 : f32
      %add3A_973 = vector.broadcast %add3A_972 : f32 to vector<16xf32>
      %add3A_974 = arith.addf %gather3A_971, %add3A_973 : vector<16xf32>
      %get3A_975 = arith.constant 1 : i32
      %get3A_976 = arith.index_cast %get3A_975 : i32 to index
      %get3A_977 = arith.constant 16 : index
      %get3A_978 = tpu.vector_load %arg11[%get3A_976, %get3A_977] {strides = array<i32>} : memref<2x128xf32, #tpu.memory_space<vmem>>, vector<16xf32>,
      %div3A_979 = arith.divf %get3A_978, %add3A_974 : vector<16xf32>
      %swap3A_980 = arith.constant 16 : index
      %swap3A_981 = tpu.vector_load %arg13[%swap3A_980] {strides = array<i32>} : memref<128xf32, #tpu.memory_space<vmem>>, vector<16xf32>,
      tpu.vector_store %arg13[%swap3A_980], %div3A_979 {strides = array<i32>} : memref<128xf32, #tpu.memory_space<vmem>>, vector<16xf32>,
      %swap3A_982 = arith.constant 0 : i32
      %swap3A_983 = arith.index_cast %swap3A_982 : i32 to index
      %swap3A_984 = arith.constant 16 : index
      %swap3A_985 = tpu.vector_load %arg12[%swap3A_983, %swap3A_984] {strides = array<i32>} : memref<1x128xi32, #tpu.memory_space<vmem>>, vector<16xi32>,
      tpu.vector_store %arg12[%swap3A_983, %swap3A_984], %get3A_970 {strides = array<i32>} : memref<1x128xi32, #tpu.memory_space<vmem>>, vector<16xi32>,
      %get3A_986 = arith.constant 1 : i32
      %get3A_987 = arith.constant 1 : i32
      %get3A_988 = arith.index_cast %get3A_986 : i32 to index
      %get3A_989 = arith.index_cast %get3A_987 : i32 to index
      %get3A_990 = arith.constant 32 : index
      %get3A_991 = tpu.vector_load %arg10[%get3A_988, %get3A_989, %get3A_990] {strides = array<i32>} : memref<2x2x128xi32, #tpu.memory_space<vmem>>, vector<16xi32>,
      %gather3A_992 = tpu.vector_load_idx %arg9[%get3A_991] : memref<10240xf32, #tpu.memory_space<vmem>>[vector<16xi32>], vector<16xf32>,
      %add3A_993 = arith.constant 1.000000e-16 : f32
      %add3A_994 = vector.broadcast %add3A_993 : f32 to vector<16xf32>
      %add3A_995 = arith.addf %gather3A_992, %add3A_994 : vector<16xf32>
      %get3A_996 = arith.constant 1 : i32
      %get3A_997 = arith.index_cast %get3A_996 : i32 to index
      %get3A_998 = arith.constant 32 : index
      %get3A_999 = tpu.vector_load %arg11[%get3A_997, %get3A_998] {strides = array<i32>} : memref<2x128xf32, #tpu.memory_space<vmem>>, vector<16xf32>,
      %div3A_1000 = arith.divf %get3A_999, %add3A_995 : vector<16xf32>
      %swap3A_1001 = arith.constant 32 : index
      %swap3A_1002 = tpu.vector_load %arg13[%swap3A_1001] {strides = array<i32>} : memref<128xf32, #tpu.memory_space<vmem>>, vector<16xf32>,
      tpu.vector_store %arg13[%swap3A_1001], %div3A_1000 {strides = array<i32>} : memref<128xf32, #tpu.memory_space<vmem>>, vector<16xf32>,
      %swap3A_1003 = arith.constant 0 : i32
      %swap3A_1004 = arith.index_cast %swap3A_1003 : i32 to index
      %swap3A_1005 = arith.constant 32 : index
      %swap3A_1006 = tpu.vector_load %arg12[%swap3A_1004, %swap3A_1005] {strides = array<i32>} : memref<1x128xi32, #tpu.memory_space<vmem>>, vector<16xi32>,
      tpu.vector_store %arg12[%swap3A_1004, %swap3A_1005], %get3A_991 {strides = array<i32>} : memref<1x128xi32, #tpu.memory_space<vmem>>, vector<16xi32>,
      %get3A_1007 = arith.constant 1 : i32
      %get3A_1008 = arith.constant 1 : i32
      %get3A_1009 = arith.index_cast %get3A_1007 : i32 to index
      %get3A_1010 = arith.index_cast %get3A_1008 : i32 to index
      %get3A_1011 = arith.constant 48 : index
      %get3A_1012 = tpu.vector_load %arg10[%get3A_1009, %get3A_1010, %get3A_1011] {strides = array<i32>} : memref<2x2x128xi32, #tpu.memory_space<vmem>>, vector<16xi32>,
      %gather3A_1013 = tpu.vector_load_idx %arg9[%get3A_1012] : memref<10240xf32, #tpu.memory_space<vmem>>[vector<16xi32>], vector<16xf32>,
      %add3A_1014 = arith.constant 1.000000e-16 : f32
      %add3A_1015 = vector.broadcast %add3A_1014 : f32 to vector<16xf32>
      %add3A_1016 = arith.addf %gather3A_1013, %add3A_1015 : vector<16xf32>
      %get3A_1017 = arith.constant 1 : i32
      %get3A_1018 = arith.index_cast %get3A_1017 : i32 to index
      %get3A_1019 = arith.constant 48 : index
      %get3A_1020 = tpu.vector_load %arg11[%get3A_1018, %get3A_1019] {strides = array<i32>} : memref<2x128xf32, #tpu.memory_space<vmem>>, vector<16xf32>,
      %div3A_1021 = arith.divf %get3A_1020, %add3A_1016 : vector<16xf32>
      %swap3A_1022 = arith.constant 48 : index
      %swap3A_1023 = tpu.vector_load %arg13[%swap3A_1022] {strides = array<i32>} : memref<128xf32, #tpu.memory_space<vmem>>, vector<16xf32>,
      tpu.vector_store %arg13[%swap3A_1022], %div3A_1021 {strides = array<i32>} : memref<128xf32, #tpu.memory_space<vmem>>, vector<16xf32>,
      %swap3A_1024 = arith.constant 0 : i32
      %swap3A_1025 = arith.index_cast %swap3A_1024 : i32 to index
      %swap3A_1026 = arith.constant 48 : index
      %swap3A_1027 = tpu.vector_load %arg12[%swap3A_1025, %swap3A_1026] {strides = array<i32>} : memref<1x128xi32, #tpu.memory_space<vmem>>, vector<16xi32>,
      tpu.vector_store %arg12[%swap3A_1025, %swap3A_1026], %get3A_1012 {strides = array<i32>} : memref<1x128xi32, #tpu.memory_space<vmem>>, vector<16xi32>,
      %get3A_1028 = arith.constant 1 : i32
      %get3A_1029 = arith.constant 1 : i32
      %get3A_1030 = arith.index_cast %get3A_1028 : i32 to index
      %get3A_1031 = arith.index_cast %get3A_1029 : i32 to index
      %get3A_1032 = arith.constant 64 : index
      %get3A_1033 = tpu.vector_load %arg10[%get3A_1030, %get3A_1031, %get3A_1032] {strides = array<i32>} : memref<2x2x128xi32, #tpu.memory_space<vmem>>, vector<16xi32>,
      %gather3A_1034 = tpu.vector_load_idx %arg9[%get3A_1033] : memref<10240xf32, #tpu.memory_space<vmem>>[vector<16xi32>], vector<16xf32>,
      %add3A_1035 = arith.constant 1.000000e-16 : f32
      %add3A_1036 = vector.broadcast %add3A_1035 : f32 to vector<16xf32>
      %add3A_1037 = arith.addf %gather3A_1034, %add3A_1036 : vector<16xf32>
      %get3A_1038 = arith.constant 1 : i32
      %get3A_1039 = arith.index_cast %get3A_1038 : i32 to index
      %get3A_1040 = arith.constant 64 : index
      %get3A_1041 = tpu.vector_load %arg11[%get3A_1039, %get3A_1040] {strides = array<i32>} : memref<2x128xf32, #tpu.memory_space<vmem>>, vector<16xf32>,
      %div3A_1042 = arith.divf %get3A_1041, %add3A_1037 : vector<16xf32>
      %swap3A_1043 = arith.constant 64 : index
      %swap3A_1044 = tpu.vector_load %arg13[%swap3A_1043] {strides = array<i32>} : memref<128xf32, #tpu.memory_space<vmem>>, vector<16xf32>,
      tpu.vector_store %arg13[%swap3A_1043], %div3A_1042 {strides = array<i32>} : memref<128xf32, #tpu.memory_space<vmem>>, vector<16xf32>,
      %swap3A_1045 = arith.constant 0 : i32
      %swap3A_1046 = arith.index_cast %swap3A_1045 : i32 to index
      %swap3A_1047 = arith.constant 64 : index
      %swap3A_1048 = tpu.vector_load %arg12[%swap3A_1046, %swap3A_1047] {strides = array<i32>} : memref<1x128xi32, #tpu.memory_space<vmem>>, vector<16xi32>,
      tpu.vector_store %arg12[%swap3A_1046, %swap3A_1047], %get3A_1033 {strides = array<i32>} : memref<1x128xi32, #tpu.memory_space<vmem>>, vector<16xi32>,
      %get3A_1049 = arith.constant 1 : i32
      %get3A_1050 = arith.constant 1 : i32
      %get3A_1051 = arith.index_cast %get3A_1049 : i32 to index
      %get3A_1052 = arith.index_cast %get3A_1050 : i32 to index
      %get3A_1053 = arith.constant 80 : index
      %get3A_1054 = tpu.vector_load %arg10[%get3A_1051, %get3A_1052, %get3A_1053] {strides = array<i32>} : memref<2x2x128xi32, #tpu.memory_space<vmem>>, vector<16xi32>,
      %gather3A_1055 = tpu.vector_load_idx %arg9[%get3A_1054] : memref<10240xf32, #tpu.memory_space<vmem>>[vector<16xi32>], vector<16xf32>,
      %add3A_1056 = arith.constant 1.000000e-16 : f32
      %add3A_1057 = vector.broadcast %add3A_1056 : f32 to vector<16xf32>
      %add3A_1058 = arith.addf %gather3A_1055, %add3A_1057 : vector<16xf32>
      %get3A_1059 = arith.constant 1 : i32
      %get3A_1060 = arith.index_cast %get3A_1059 : i32 to index
      %get3A_1061 = arith.constant 80 : index
      %get3A_1062 = tpu.vector_load %arg11[%get3A_1060, %get3A_1061] {strides = array<i32>} : memref<2x128xf32, #tpu.memory_space<vmem>>, vector<16xf32>,
      %div3A_1063 = arith.divf %get3A_1062, %add3A_1058 : vector<16xf32>
      %swap3A_1064 = arith.constant 80 : index
      %swap3A_1065 = tpu.vector_load %arg13[%swap3A_1064] {strides = array<i32>} : memref<128xf32, #tpu.memory_space<vmem>>, vector<16xf32>,
      tpu.vector_store %arg13[%swap3A_1064], %div3A_1063 {strides = array<i32>} : memref<128xf32, #tpu.memory_space<vmem>>, vector<16xf32>,
      %swap3A_1066 = arith.constant 0 : i32
      %swap3A_1067 = arith.index_cast %swap3A_1066 : i32 to index
      %swap3A_1068 = arith.constant 80 : index
      %swap3A_1069 = tpu.vector_load %arg12[%swap3A_1067, %swap3A_1068] {strides = array<i32>} : memref<1x128xi32, #tpu.memory_space<vmem>>, vector<16xi32>,
      tpu.vector_store %arg12[%swap3A_1067, %swap3A_1068], %get3A_1054 {strides = array<i32>} : memref<1x128xi32, #tpu.memory_space<vmem>>, vector<16xi32>,
      %get3A_1070 = arith.constant 1 : i32
      %get3A_1071 = arith.constant 1 : i32
      %get3A_1072 = arith.index_cast %get3A_1070 : i32 to index
      %get3A_1073 = arith.index_cast %get3A_1071 : i32 to index
      %get3A_1074 = arith.constant 96 : index
      %get3A_1075 = tpu.vector_load %arg10[%get3A_1072, %get3A_1073, %get3A_1074] {strides = array<i32>} : memref<2x2x128xi32, #tpu.memory_space<vmem>>, vector<16xi32>,
      %gather3A_1076 = tpu.vector_load_idx %arg9[%get3A_1075] : memref<10240xf32, #tpu.memory_space<vmem>>[vector<16xi32>], vector<16xf32>,
      %add3A_1077 = arith.constant 1.000000e-16 : f32
      %add3A_1078 = vector.broadcast %add3A_1077 : f32 to vector<16xf32>
      %add3A_1079 = arith.addf %gather3A_1076, %add3A_1078 : vector<16xf32>
      %get3A_1080 = arith.constant 1 : i32
      %get3A_1081 = arith.index_cast %get3A_1080 : i32 to index
      %get3A_1082 = arith.constant 96 : index
      %get3A_1083 = tpu.vector_load %arg11[%get3A_1081, %get3A_1082] {strides = array<i32>} : memref<2x128xf32, #tpu.memory_space<vmem>>, vector<16xf32>,
      %div3A_1084 = arith.divf %get3A_1083, %add3A_1079 : vector<16xf32>
      %swap3A_1085 = arith.constant 96 : index
      %swap3A_1086 = tpu.vector_load %arg13[%swap3A_1085] {strides = array<i32>} : memref<128xf32, #tpu.memory_space<vmem>>, vector<16xf32>,
      tpu.vector_store %arg13[%swap3A_1085], %div3A_1084 {strides = array<i32>} : memref<128xf32, #tpu.memory_space<vmem>>, vector<16xf32>,
      %swap3A_1087 = arith.constant 0 : i32
      %swap3A_1088 = arith.index_cast %swap3A_1087 : i32 to index
      %swap3A_1089 = arith.constant 96 : index
      %swap3A_1090 = tpu.vector_load %arg12[%swap3A_1088, %swap3A_1089] {strides = array<i32>} : memref<1x128xi32, #tpu.memory_space<vmem>>, vector<16xi32>,
      tpu.vector_store %arg12[%swap3A_1088, %swap3A_1089], %get3A_1075 {strides = array<i32>} : memref<1x128xi32, #tpu.memory_space<vmem>>, vector<16xi32>,
      %get3A_1091 = arith.constant 1 : i32
      %get3A_1092 = arith.constant 1 : i32
      %get3A_1093 = arith.index_cast %get3A_1091 : i32 to index
      %get3A_1094 = arith.index_cast %get3A_1092 : i32 to index
      %get3A_1095 = arith.constant 112 : index
      %get3A_1096 = tpu.vector_load %arg10[%get3A_1093, %get3A_1094, %get3A_1095] {strides = array<i32>} : memref<2x2x128xi32, #tpu.memory_space<vmem>>, vector<16xi32>,
      %gather3A_1097 = tpu.vector_load_idx %arg9[%get3A_1096] : memref<10240xf32, #tpu.memory_space<vmem>>[vector<16xi32>], vector<16xf32>,
      %add3A_1098 = arith.constant 1.000000e-16 : f32
      %add3A_1099 = vector.broadcast %add3A_1098 : f32 to vector<16xf32>
      %add3A_1100 = arith.addf %gather3A_1097, %add3A_1099 : vector<16xf32>
      %get3A_1101 = arith.constant 1 : i32
      %get3A_1102 = arith.index_cast %get3A_1101 : i32 to index
      %get3A_1103 = arith.constant 112 : index
      %get3A_1104 = tpu.vector_load %arg11[%get3A_1102, %get3A_1103] {strides = array<i32>} : memref<2x128xf32, #tpu.memory_space<vmem>>, vector<16xf32>,
      %div3A_1105 = arith.divf %get3A_1104, %add3A_1100 : vector<16xf32>
      %swap3A_1106 = arith.constant 112 : index
      %swap3A_1107 = tpu.vector_load %arg13[%swap3A_1106] {strides = array<i32>} : memref<128xf32, #tpu.memory_space<vmem>>, vector<16xf32>,
      tpu.vector_store %arg13[%swap3A_1106], %div3A_1105 {strides = array<i32>} : memref<128xf32, #tpu.memory_space<vmem>>, vector<16xf32>,
      %swap3A_1108 = arith.constant 0 : i32
      %swap3A_1109 = arith.index_cast %swap3A_1108 : i32 to index
      %swap3A_1110 = arith.constant 112 : index
      %swap3A_1111 = tpu.vector_load %arg12[%swap3A_1109, %swap3A_1110] {strides = array<i32>} : memref<1x128xi32, #tpu.memory_space<vmem>>, vector<16xi32>,
      tpu.vector_store %arg12[%swap3A_1109, %swap3A_1110], %get3A_1096 {strides = array<i32>} : memref<1x128xi32, #tpu.memory_space<vmem>>, vector<16xi32>,
      %add3A_1112 = arith.constant 2 : i32
      %add3A_1113 = arith.addi %add3A_897, %add3A_1112 : i32
      %lt3A_1114 = arith.constant 160 : i32
      %lt3A_1115 = arith.cmpi slt, %add3A_1113, %lt3A_1114 : i32
      %convert_element_type3A_1116 = arith.extui %lt3A_1115 : i1 to i32
      %cond3A_1117 = arith.constant 0 : i32
      %cond3A_1118 = arith.cmpi ne, %convert_element_type3A_1116, %cond3A_1117 : i32
      scf.if %cond3A_1118 {
        %add3A_1132 = arith.constant 2 : i32
        %add3A_1133 = arith.addi %add3A_897, %add3A_1132 : i32
        %add3A_1134 = arith.addi %mul3A_0, %add3A_1133 : i32
        %dma_start3A_1135 = arith.constant 1 : i32
        %dma_start3A_1136 = arith.constant 0 : i32
        %dma_start3A_1137 = arith.constant 0 : i32
        %dma_start3A_1138 = tpu.memref_slice %arg10[%dma_start3A_1135, %dma_start3A_1136, %dma_start3A_1137] : memref<2x2x128xi32, #tpu.memory_space<vmem>> -> memref<1x2x128xi32, #tpu.memory_space<vmem>>
        %dma_start3A_1139 = arith.constant 0 : i32
        %dma_start3A_1140 = arith.constant 0 : i32
        %dma_start3A_1141 = tpu.memref_slice %arg6[%add3A_1134, %dma_start3A_1139, %dma_start3A_1140] : memref<2560x2x128xi32, #tpu.memory_space<hbm>> -> memref<1x2x128xi32, #tpu.memory_space<hbm>>
        %dma_start3A_1142 = arith.constant 1 : i32
        %dma_start3A_1143 = arith.constant 0 : i32
        %dma_start3A_1144 = arith.constant 0 : i32
        %dma_start3A_1145 = tpu.memref_slice %arg10[%dma_start3A_1142, %dma_start3A_1143, %dma_start3A_1144] : memref<2x2x128xi32, #tpu.memory_space<vmem>> -> memref<1x2x128xi32, #tpu.memory_space<vmem>>
        %dma_start3A_1146 = arith.constant 0 : i32
        %dma_start3A_1147 = arith.constant 0 : i32
        %dma_start3A_1148 = tpu.memref_slice %arg6[%add3A_1134, %dma_start3A_1146, %dma_start3A_1147] : memref<2560x2x128xi32, #tpu.memory_space<hbm>> -> memref<1x2x128xi32, #tpu.memory_space<hbm>>
        tpu.enqueue_dma source(%dma_start3A_1148 : memref<1x2x128xi32, #tpu.memory_space<hbm>>) target(%dma_start3A_1145 : memref<1x2x128xi32, #tpu.memory_space<vmem>>) target_semaphore(%arg18 : memref<!tpu.dma_semaphore, #tpu.memory_space<semaphore_mem>>)
        %add3A_1149 = arith.addi %mul3A_0, %add3A_1133 : i32
        %dma_start3A_1150 = arith.constant 1 : i32
        %dma_start3A_1151 = arith.constant 0 : i32
        %dma_start3A_1152 = tpu.memref_slice %arg11[%dma_start3A_1150, %dma_start3A_1151] : memref<2x128xf32, #tpu.memory_space<vmem>> -> memref<1x128xf32, #tpu.memory_space<vmem>>
        %dma_start3A_1153 = arith.constant 0 : i32
        %dma_start3A_1154 = tpu.memref_slice %arg4[%add3A_1149, %dma_start3A_1153] : memref<2560x128xf32, #tpu.memory_space<hbm>> -> memref<1x128xf32, #tpu.memory_space<hbm>>
        %dma_start3A_1155 = arith.constant 1 : i32
        %dma_start3A_1156 = arith.constant 0 : i32
        %dma_start3A_1157 = tpu.memref_slice %arg11[%dma_start3A_1155, %dma_start3A_1156] : memref<2x128xf32, #tpu.memory_space<vmem>> -> memref<1x128xf32, #tpu.memory_space<vmem>>
        %dma_start3A_1158 = arith.constant 0 : i32
        %dma_start3A_1159 = tpu.memref_slice %arg4[%add3A_1149, %dma_start3A_1158] : memref<2560x128xf32, #tpu.memory_space<hbm>> -> memref<1x128xf32, #tpu.memory_space<hbm>>
        tpu.enqueue_dma source(%dma_start3A_1159 : memref<1x128xf32, #tpu.memory_space<hbm>>) target(%dma_start3A_1157 : memref<1x128xf32, #tpu.memory_space<vmem>>) target_semaphore(%arg18 : memref<!tpu.dma_semaphore, #tpu.memory_space<semaphore_mem>>)
      } else {
      }
      %scan3A_1119 = arith.constant 0 : i32
      %scan3A_1120 = arith.constant 0 : i32
      %scan3A_1121 = arith.constant 128 : i32
      %scan3A_1122 = arith.addi %scan3A_1120, %scan3A_1121 : i32
      %scan3A_1123 = arith.constant 1 : i32
      scf.for %scan3A_1132 = %scan3A_1120 to %scan3A_1122 step %scan3A_1123  : i32 {
        %add3A_1133 = vector.broadcast %scan3A_1132 : i32 to vector<16xi32>
        %add3A_1134 = arith.addi %broadcast_in_dim3A_625, %add3A_1133 : vector<16xi32>
        %gather3A_1135 = tpu.vector_load_idx %arg13[%add3A_1134] : memref<128xf32, #tpu.memory_space<vmem>>[vector<16xi32>], vector<16xf32>,
        %add3A_1136 = vector.broadcast %scan3A_1132 : i32 to vector<16xi32>
        %add3A_1137 = arith.addi %broadcast_in_dim3A_625, %add3A_1136 : vector<16xi32>
        %add3A_1138 = arith.constant 128 : i32
        %add3A_1139 = arith.addi %add3A_1138, %scan3A_1132 : i32
        %get3A_1140 = arith.index_cast %add3A_1139 : i32 to index
        %get3A_1141 = arith.constant 0 : index
        %get3A_1142 = tpu.vector_load %arg14[%get3A_1140, %get3A_1141] {strides = array<i32>} : memref<256x64xi32, #tpu.memory_space<vmem>>, vector<16xi32>,
        %shift_left3A = arith.constant 16 : i32
        %shift_left3A_1143 = vector.broadcast %shift_left3A : i32 to vector<16xi32>
        %shift_left3A_1144 = arith.shli %get3A_1142, %shift_left3A_1143 : vector<16xi32>
        %bitcast3A = vector.bitcast %shift_left3A_1144 : vector<16xi32> to vector<16xf32>
        %and3A = arith.andi %get3A_1142, %broadcast_in_dim3A_633 : vector<16xi32>
        %bitcast3A_1145 = vector.bitcast %and3A : vector<16xi32> to vector<16xf32>
        %add3A_1146 = arith.constant 0 : i32
        %add3A_1147 = vector.broadcast %add3A_1146 : i32 to vector<16xi32>
        %add3A_1148 = arith.addi %mul3A_628, %add3A_1147 : vector<16xi32>
        %mul3A_1149 = arith.mulf %bitcast3A, %gather3A_1135 : vector<16xf32>
        tpu.vector_store_idx %arg15[%add3A_1137, %add3A_1148], %mul3A_1149 : memref<128x128xf32, #tpu.memory_space<vmem>>[vector<16xi32>, vector<16xi32>], vector<16xf32>,
        %add3A_1150 = arith.constant 0 : i32
        %add3A_1151 = vector.broadcast %add3A_1150 : i32 to vector<16xi32>
        %add3A_1152 = arith.addi %add3A_631, %add3A_1151 : vector<16xi32>
        %mul3A_1153 = arith.mulf %bitcast3A_1145, %gather3A_1135 : vector<16xf32>
        tpu.vector_store_idx %arg15[%add3A_1137, %add3A_1152], %mul3A_1153 : memref<128x128xf32, #tpu.memory_space<vmem>>[vector<16xi32>, vector<16xi32>], vector<16xf32>,
        %add3A_1154 = arith.constant 128 : i32
        %add3A_1155 = arith.addi %add3A_1154, %scan3A_1132 : i32
        %get3A_1156 = arith.index_cast %add3A_1155 : i32 to index
        %get3A_1157 = arith.constant 16 : index
        %get3A_1158 = tpu.vector_load %arg14[%get3A_1156, %get3A_1157] {strides = array<i32>} : memref<256x64xi32, #tpu.memory_space<vmem>>, vector<16xi32>,
        %shift_left3A_1159 = arith.constant 16 : i32
        %shift_left3A_1160 = vector.broadcast %shift_left3A_1159 : i32 to vector<16xi32>
        %shift_left3A_1161 = arith.shli %get3A_1158, %shift_left3A_1160 : vector<16xi32>
        %bitcast3A_1162 = vector.bitcast %shift_left3A_1161 : vector<16xi32> to vector<16xf32>
        %and3A_1163 = arith.andi %get3A_1158, %broadcast_in_dim3A_633 : vector<16xi32>
        %bitcast3A_1164 = vector.bitcast %and3A_1163 : vector<16xi32> to vector<16xf32>
        %add3A_1165 = arith.constant 32 : i32
        %add3A_1166 = vector.broadcast %add3A_1165 : i32 to vector<16xi32>
        %add3A_1167 = arith.addi %mul3A_628, %add3A_1166 : vector<16xi32>
        %mul3A_1168 = arith.mulf %bitcast3A_1162, %gather3A_1135 : vector<16xf32>
        tpu.vector_store_idx %arg15[%add3A_1137, %add3A_1167], %mul3A_1168 : memref<128x128xf32, #tpu.memory_space<vmem>>[vector<16xi32>, vector<16xi32>], vector<16xf32>,
        %add3A_1169 = arith.constant 32 : i32
        %add3A_1170 = vector.broadcast %add3A_1169 : i32 to vector<16xi32>
        %add3A_1171 = arith.addi %add3A_631, %add3A_1170 : vector<16xi32>
        %mul3A_1172 = arith.mulf %bitcast3A_1164, %gather3A_1135 : vector<16xf32>
        tpu.vector_store_idx %arg15[%add3A_1137, %add3A_1171], %mul3A_1172 : memref<128x128xf32, #tpu.memory_space<vmem>>[vector<16xi32>, vector<16xi32>], vector<16xf32>,
        %add3A_1173 = arith.constant 128 : i32
        %add3A_1174 = arith.addi %add3A_1173, %scan3A_1132 : i32
        %get3A_1175 = arith.index_cast %add3A_1174 : i32 to index
        %get3A_1176 = arith.constant 32 : index
        %get3A_1177 = tpu.vector_load %arg14[%get3A_1175, %get3A_1176] {strides = array<i32>} : memref<256x64xi32, #tpu.memory_space<vmem>>, vector<16xi32>,
        %shift_left3A_1178 = arith.constant 16 : i32
        %shift_left3A_1179 = vector.broadcast %shift_left3A_1178 : i32 to vector<16xi32>
        %shift_left3A_1180 = arith.shli %get3A_1177, %shift_left3A_1179 : vector<16xi32>
        %bitcast3A_1181 = vector.bitcast %shift_left3A_1180 : vector<16xi32> to vector<16xf32>
        %and3A_1182 = arith.andi %get3A_1177, %broadcast_in_dim3A_633 : vector<16xi32>
        %bitcast3A_1183 = vector.bitcast %and3A_1182 : vector<16xi32> to vector<16xf32>
        %add3A_1184 = arith.constant 64 : i32
        %add3A_1185 = vector.broadcast %add3A_1184 : i32 to vector<16xi32>
        %add3A_1186 = arith.addi %mul3A_628, %add3A_1185 : vector<16xi32>
        %mul3A_1187 = arith.mulf %bitcast3A_1181, %gather3A_1135 : vector<16xf32>
        tpu.vector_store_idx %arg15[%add3A_1137, %add3A_1186], %mul3A_1187 : memref<128x128xf32, #tpu.memory_space<vmem>>[vector<16xi32>, vector<16xi32>], vector<16xf32>,
        %add3A_1188 = arith.constant 64 : i32
        %add3A_1189 = vector.broadcast %add3A_1188 : i32 to vector<16xi32>
        %add3A_1190 = arith.addi %add3A_631, %add3A_1189 : vector<16xi32>
        %mul3A_1191 = arith.mulf %bitcast3A_1183, %gather3A_1135 : vector<16xf32>
        tpu.vector_store_idx %arg15[%add3A_1137, %add3A_1190], %mul3A_1191 : memref<128x128xf32, #tpu.memory_space<vmem>>[vector<16xi32>, vector<16xi32>], vector<16xf32>,
        %add3A_1192 = arith.constant 128 : i32
        %add3A_1193 = arith.addi %add3A_1192, %scan3A_1132 : i32
        %get3A_1194 = arith.index_cast %add3A_1193 : i32 to index
        %get3A_1195 = arith.constant 48 : index
        %get3A_1196 = tpu.vector_load %arg14[%get3A_1194, %get3A_1195] {strides = array<i32>} : memref<256x64xi32, #tpu.memory_space<vmem>>, vector<16xi32>,
        %shift_left3A_1197 = arith.constant 16 : i32
        %shift_left3A_1198 = vector.broadcast %shift_left3A_1197 : i32 to vector<16xi32>
        %shift_left3A_1199 = arith.shli %get3A_1196, %shift_left3A_1198 : vector<16xi32>
        %bitcast3A_1200 = vector.bitcast %shift_left3A_1199 : vector<16xi32> to vector<16xf32>
        %and3A_1201 = arith.andi %get3A_1196, %broadcast_in_dim3A_633 : vector<16xi32>
        %bitcast3A_1202 = vector.bitcast %and3A_1201 : vector<16xi32> to vector<16xf32>
        %add3A_1203 = arith.constant 96 : i32
        %add3A_1204 = vector.broadcast %add3A_1203 : i32 to vector<16xi32>
        %add3A_1205 = arith.addi %mul3A_628, %add3A_1204 : vector<16xi32>
        %mul3A_1206 = arith.mulf %bitcast3A_1200, %gather3A_1135 : vector<16xf32>
        tpu.vector_store_idx %arg15[%add3A_1137, %add3A_1205], %mul3A_1206 : memref<128x128xf32, #tpu.memory_space<vmem>>[vector<16xi32>, vector<16xi32>], vector<16xf32>,
        %add3A_1207 = arith.constant 96 : i32
        %add3A_1208 = vector.broadcast %add3A_1207 : i32 to vector<16xi32>
        %add3A_1209 = arith.addi %add3A_631, %add3A_1208 : vector<16xi32>
        %mul3A_1210 = arith.mulf %bitcast3A_1202, %gather3A_1135 : vector<16xf32>
        tpu.vector_store_idx %arg15[%add3A_1137, %add3A_1209], %mul3A_1210 : memref<128x128xf32, #tpu.memory_space<vmem>>[vector<16xi32>, vector<16xi32>], vector<16xf32>,
      }
      %scan3A_1124 = arith.constant 128 : i32
      %dma_start3A_1125 = arith.constant 0 : i32
      %dma_start3A_1126 = arith.constant 0 : i32
      %dma_start3A_1127 = tpu.memref_slice %arg12[%dma_start3A_1125, %dma_start3A_1126] : memref<1x128xi32, #tpu.memory_space<vmem>> -> memref<1x128xi32, #tpu.memory_space<vmem>>
      %dma_start3A_1128 = tpu.memref_squeeze %dma_start3A_1127 : memref<1x128xi32, #tpu.memory_space<vmem>> -> memref<128xi32, #tpu.memory_space<vmem>>
      %dma_start3A_1129 = arith.constant 0 : i32
      %dma_start3A_1130 = arith.constant 0 : i32
      %dma_start3A_1131 = tpu.memref_slice %arg22[%dma_start3A_1129, %dma_start3A_1130] : memref<10240x128xf32, #tpu.memory_space<vmem_shared>> -> memref<10240x128xf32, #tpu.memory_space<vmem_shared>>
      tpu.enqueue_indirect_dma source(%arg15 : memref<128x128xf32, #tpu.memory_space<vmem>>) target(%dma_start3A_1131 : memref<10240x128xf32, #tpu.memory_space<vmem_shared>>) offsets(%dma_start3A_1128 : memref<128xi32, #tpu.memory_space<vmem>>) semaphore(%arg21 : memref<!tpu.dma_semaphore, #tpu.memory_space<semaphore_mem>>) {add = true}
    }
    %scan3A_639 = arith.constant 80 : i32
    %dma_wait3A_640 = arith.constant 0 : i32
    %dma_wait3A_641 = arith.constant 0 : i32
    %dma_wait3A_642 = tpu.memref_slice %arg12[%dma_wait3A_640, %dma_wait3A_641] : memref<1x128xi32, #tpu.memory_space<vmem>> -> memref<1x128xi32, #tpu.memory_space<vmem>>
    %dma_wait3A_643 = tpu.memref_squeeze %dma_wait3A_642 : memref<1x128xi32, #tpu.memory_space<vmem>> -> memref<128xi32, #tpu.memory_space<vmem>>
    %dma_wait3A_644 = arith.constant 0 : i32
    %dma_wait3A_645 = arith.constant 0 : i32
    %dma_wait3A_646 = tpu.memref_slice %arg22[%dma_wait3A_644, %dma_wait3A_645] : memref<10240x128xf32, #tpu.memory_space<vmem_shared>> -> memref<10240x128xf32, #tpu.memory_space<vmem_shared>>
    tpu.wait_indirect_dma semaphore(%arg21 : memref<!tpu.dma_semaphore, #tpu.memory_space<semaphore_mem>>) src(%arg15 : memref<128x128xf32, #tpu.memory_space<vmem>>) dst(%dma_wait3A_646 : memref<10240x128xf32, #tpu.memory_space<vmem_shared>>)
    %barrier3A_647 = arith.constant 0 : index
    tpu.barrier barrier_id(%barrier3A_647)
    %mul3A_648 = arith.constant 640 : i32
    %mul3A_649 = arith.muli %arg1, %mul3A_648 : i32
    %eq3A_650 = arith.constant 0 : i32
    %eq3A_651 = arith.cmpi eq, %arg0, %eq3A_650 : i32
    %convert_element_type3A_652 = arith.extui %eq3A_651 : i1 to i32
    %cond3A_653 = arith.constant 0 : i32
    %cond3A_654 = arith.cmpi ne, %convert_element_type3A_652, %cond3A_653 : i32
    scf.if %cond3A_654 {
      "tpu.region"() ({
        %run_scoped3A = tpu.sem_alloc : memref<!tpu.dma_semaphore, #tpu.memory_space<semaphore_mem>>
        %dma_start3A_660 = arith.constant 0 : i32
        %dma_start3A_661 = tpu.memref_slice %arg7[%mul3A_649, %dma_start3A_660] : memref<10240x128xf32, #tpu.memory_space<hbm>> -> memref<640x128xf32, #tpu.memory_space<hbm>>
        %dma_start3A_662 = arith.constant 0 : i32
        %dma_start3A_663 = tpu.memref_slice %arg22[%mul3A_649, %dma_start3A_662] : memref<10240x128xf32, #tpu.memory_space<vmem_shared>> -> memref<640x128xf32, #tpu.memory_space<vmem_shared>>
        tpu.enqueue_dma source(%dma_start3A_663 : memref<640x128xf32, #tpu.memory_space<vmem_shared>>) target(%dma_start3A_661 : memref<640x128xf32, #tpu.memory_space<hbm>>) target_semaphore(%run_scoped3A : memref<!tpu.dma_semaphore, #tpu.memory_space<semaphore_mem>>)
        %dma_wait3A_664 = arith.constant 0 : i32
        %dma_wait3A_665 = tpu.memref_slice %arg7[%mul3A_649, %dma_wait3A_664] : memref<10240x128xf32, #tpu.memory_space<hbm>> -> memref<640x128xf32, #tpu.memory_space<hbm>>
        %dma_wait3A_666 = arith.constant 0 : i32
        %dma_wait3A_667 = tpu.memref_slice %arg22[%mul3A_649, %dma_wait3A_666] : memref<10240x128xf32, #tpu.memory_space<vmem_shared>> -> memref<640x128xf32, #tpu.memory_space<vmem_shared>>
        tpu.wait_dma2 semaphore(%run_scoped3A : memref<!tpu.dma_semaphore, #tpu.memory_space<semaphore_mem>>) src(%dma_wait3A_667 : memref<640x128xf32, #tpu.memory_space<vmem_shared>>) dst(%dma_wait3A_665 : memref<640x128xf32, #tpu.memory_space<hbm>>)
        tpu.yield
      }) : () -> ()
    } else {
    }
    %eq3A_655 = arith.constant 1 : i32
    %eq3A_656 = arith.cmpi eq, %arg0, %eq3A_655 : i32
    %convert_element_type3A_657 = arith.extui %eq3A_656 : i1 to i32
    %cond3A_658 = arith.constant 0 : i32
    %cond3A_659 = arith.cmpi ne, %convert_element_type3A_657, %cond3A_658 : i32
    scf.if %cond3A_659 {
      "tpu.region"() ({
        %run_scoped3A = tpu.sem_alloc : memref<!tpu.dma_semaphore, #tpu.memory_space<semaphore_mem>>
        %dma_start3A_660 = arith.constant 0 : i32
        %dma_start3A_661 = tpu.memref_slice %arg8[%mul3A_649, %dma_start3A_660] : memref<10240x128xf32, #tpu.memory_space<hbm>> -> memref<640x128xf32, #tpu.memory_space<hbm>>
        %dma_start3A_662 = arith.constant 0 : i32
        %dma_start3A_663 = tpu.memref_slice %arg22[%mul3A_649, %dma_start3A_662] : memref<10240x128xf32, #tpu.memory_space<vmem_shared>> -> memref<640x128xf32, #tpu.memory_space<vmem_shared>>
        tpu.enqueue_dma source(%dma_start3A_663 : memref<640x128xf32, #tpu.memory_space<vmem_shared>>) target(%dma_start3A_661 : memref<640x128xf32, #tpu.memory_space<hbm>>) target_semaphore(%run_scoped3A : memref<!tpu.dma_semaphore, #tpu.memory_space<semaphore_mem>>)
        %dma_wait3A_664 = arith.constant 0 : i32
        %dma_wait3A_665 = tpu.memref_slice %arg8[%mul3A_649, %dma_wait3A_664] : memref<10240x128xf32, #tpu.memory_space<hbm>> -> memref<640x128xf32, #tpu.memory_space<hbm>>
        %dma_wait3A_666 = arith.constant 0 : i32
        %dma_wait3A_667 = tpu.memref_slice %arg22[%mul3A_649, %dma_wait3A_666] : memref<10240x128xf32, #tpu.memory_space<vmem_shared>> -> memref<640x128xf32, #tpu.memory_space<vmem_shared>>
        tpu.wait_dma2 semaphore(%run_scoped3A : memref<!tpu.dma_semaphore, #tpu.memory_space<semaphore_mem>>) src(%dma_wait3A_667 : memref<640x128xf32, #tpu.memory_space<vmem_shared>>) dst(%dma_wait3A_665 : memref<640x128xf32, #tpu.memory_space<hbm>>)
        tpu.yield
      }) : () -> ()
    } else {
    }
    return
  }
}

module attributes {stable_mosaic.version = 14 : i64} {
  func.func @_mm1_body(%arg0: i32, %arg1: memref<1024x128xf32, #tpu.memory_space<vmem>>, %arg2: memref<128x256xf32, #tpu.memory_space<vmem>>, %arg3: memref<256x1xf32, #tpu.memory_space<vmem>>, %arg4: memref<256x1xf32, #tpu.memory_space<vmem>>, %arg5: memref<2x1024x128xbf16, #tpu.memory_space<vmem>>, %arg6: memref<1024x1xf32, #tpu.memory_space<vmem>>, %arg7: memref<1024x1xf32, #tpu.memory_space<vmem>>, %arg8: memref<1x1xf32, #tpu.memory_space<vmem>>, %arg9: memref<1x1xf32, #tpu.memory_space<vmem>>, %arg10: memref<1x2xf32, #tpu.memory_space<smem>>) attributes {dimension_semantics = [#tpu.dimension_semantics<arbitrary>], iteration_bounds = array<i64: 10>, scalar_prefetch = 0 : i64, scratch_operands = 1 : i64, tpu.core_type = #tpu.core_type<tc>, window_params = [{transform_indices = @transform_0, window_bounds = array<i64: 1024, 128>}, {pipeline_mode = #tpu.pipeline_mode<synchronous>, transform_indices = @transform_1, window_bounds = array<i64: 128, 256>}, {pipeline_mode = #tpu.pipeline_mode<synchronous>, transform_indices = @transform_2, window_bounds = array<i64: 256, 1>}, {pipeline_mode = #tpu.pipeline_mode<synchronous>, transform_indices = @transform_3, window_bounds = array<i64: 256, 1>}, {transform_indices = @transform_4, window_bounds = array<i64: 2, 1024, 128>}, {transform_indices = @transform_5, window_bounds = array<i64: 1024, 1>}, {transform_indices = @transform_6, window_bounds = array<i64: 1024, 1>}, {pipeline_mode = #tpu.pipeline_mode<synchronous>, transform_indices = @transform_7, window_bounds = array<i64: 1, 1>}, {pipeline_mode = #tpu.pipeline_mode<synchronous>, transform_indices = @transform_8, window_bounds = array<i64: 1, 1>}]} {
    %get3A = arith.constant 0 : index
    %get3A_0 = arith.constant 0 : index
    %get3A_1 = vector.load %arg1[%get3A, %get3A_0] : memref<1024x128xf32, #tpu.memory_space<vmem>>, vector<1024x128xf32>
    %get3A_2 = arith.constant 0 : index
    %get3A_3 = arith.constant 0 : index
    %get3A_4 = vector.load %arg2[%get3A_2, %get3A_3] : memref<128x256xf32, #tpu.memory_space<vmem>>, vector<128x256xf32>
    %dot_general3A = arith.constant dense<0.000000e+00> : vector<1024x256xf32>
    %dot_general3A_5 = tpu.matmul %get3A_1, %get3A_4, %dot_general3A {dimension_numbers = #tpu.dot_dimension_numbers<[1], [0], [0], [1], [0, 0, 1, 1], [], []>, transpose_lhs_hint = false} : vector<1024x128xf32>, vector<128x256xf32>, vector<1024x256xf32> -> vector<1024x256xf32>
    %slice3A = vector.extract_strided_slice %dot_general3A_5 {offsets = [0, 0], sizes = [1024, 128], strides = [1, 1]} : vector<1024x256xf32> to vector<1024x128xf32>
    %convert_element_type3A = arith.truncf %slice3A : vector<1024x128xf32> to vector<1024x128xbf16>
    %swap3A = arith.constant 0 : index
    %swap3A_6 = arith.constant 0 : index
    %swap3A_7 = arith.constant 0 : index
    %swap3A_8 = vector.load %arg5[%swap3A, %swap3A_6, %swap3A_7] : memref<2x1024x128xbf16, #tpu.memory_space<vmem>>, vector<1x1024x128xbf16>
    %swap3A_9 = vector.shape_cast %swap3A_8 : vector<1x1024x128xbf16> to vector<1024x128xbf16>
    %swap3A_10 = vector.shape_cast %convert_element_type3A : vector<1024x128xbf16> to vector<1x1024x128xbf16>
    tpu.vector_store %arg5[%swap3A, %swap3A_6, %swap3A_7], %swap3A_10 {strides = array<i32>} : memref<2x1024x128xbf16, #tpu.memory_space<vmem>>, vector<1x1024x128xbf16>,
    %slice3A_11 = vector.extract_strided_slice %dot_general3A_5 {offsets = [0, 128], sizes = [1024, 128], strides = [1, 1]} : vector<1024x256xf32> to vector<1024x128xf32>
    %convert_element_type3A_12 = arith.truncf %slice3A_11 : vector<1024x128xf32> to vector<1024x128xbf16>
    %swap3A_13 = arith.constant 1 : index
    %swap3A_14 = arith.constant 0 : index
    %swap3A_15 = arith.constant 0 : index
    %swap3A_16 = vector.load %arg5[%swap3A_13, %swap3A_14, %swap3A_15] : memref<2x1024x128xbf16, #tpu.memory_space<vmem>>, vector<1x1024x128xbf16>
    %swap3A_17 = vector.shape_cast %swap3A_16 : vector<1x1024x128xbf16> to vector<1024x128xbf16>
    %swap3A_18 = vector.shape_cast %convert_element_type3A_12 : vector<1024x128xbf16> to vector<1x1024x128xbf16>
    tpu.vector_store %arg5[%swap3A_13, %swap3A_14, %swap3A_15], %swap3A_18 {strides = array<i32>} : memref<2x1024x128xbf16, #tpu.memory_space<vmem>>, vector<1x1024x128xbf16>,
    %get3A_19 = arith.constant 0 : index
    %get3A_20 = arith.constant 0 : index
    %get3A_21 = vector.load %arg3[%get3A_19, %get3A_20] : memref<256x1xf32, #tpu.memory_space<vmem>>, vector<256x1xf32>
    %dot_general3A_22 = arith.constant dense<0.000000e+00> : vector<1024x1xf32>
    %dot_general3A_23 = tpu.matmul %dot_general3A_5, %get3A_21, %dot_general3A_22 {dimension_numbers = #tpu.dot_dimension_numbers<[1], [0], [0], [1], [0, 0, 1, 1], [], []>, transpose_lhs_hint = false} : vector<1024x256xf32>, vector<256x1xf32>, vector<1024x1xf32> -> vector<1024x1xf32>
    %get3A_24 = arith.constant 0 : index
    %get3A_25 = arith.constant 0 : index
    %get3A_26 = vector.load %arg4[%get3A_24, %get3A_25] : memref<256x1xf32, #tpu.memory_space<vmem>>, vector<256x1xf32>
    %dot_general3A_27 = arith.constant dense<0.000000e+00> : vector<1024x1xf32>
    %dot_general3A_28 = tpu.matmul %dot_general3A_5, %get3A_26, %dot_general3A_27 {dimension_numbers = #tpu.dot_dimension_numbers<[1], [0], [0], [1], [0, 0, 1, 1], [], []>, transpose_lhs_hint = false} : vector<1024x256xf32>, vector<256x1xf32>, vector<1024x1xf32> -> vector<1024x1xf32>
    %swap3A_29 = arith.constant 0 : index
    %swap3A_30 = arith.constant 0 : index
    %swap3A_31 = vector.load %arg6[%swap3A_29, %swap3A_30] : memref<1024x1xf32, #tpu.memory_space<vmem>>, vector<1024x1xf32>
    tpu.vector_store %arg6[%swap3A_29, %swap3A_30], %dot_general3A_23 {strides = array<i32>} : memref<1024x1xf32, #tpu.memory_space<vmem>>, vector<1024x1xf32>,
    %swap3A_32 = arith.constant 0 : index
    %swap3A_33 = arith.constant 0 : index
    %swap3A_34 = vector.load %arg7[%swap3A_32, %swap3A_33] : memref<1024x1xf32, #tpu.memory_space<vmem>>, vector<1024x1xf32>
    tpu.vector_store %arg7[%swap3A_32, %swap3A_33], %dot_general3A_28 {strides = array<i32>} : memref<1024x1xf32, #tpu.memory_space<vmem>>, vector<1024x1xf32>,
    %reduce_max3A = vector.shape_cast %dot_general3A_23 : vector<1024x1xf32> to vector<1x1024x1xf32>
    %reduce_max3A_35 = arith.constant dense<0xFF800000> : vector<1xf32>
    %reduce_max3A_36 = vector.multi_reduction <maximumf>, %reduce_max3A, %reduce_max3A_35 [1, 2] : vector<1x1024x1xf32> to vector<1xf32>
    %reduce_max3A_37 = vector.shape_cast %reduce_max3A_36 : vector<1xf32> to vector<1x1x1xf32>
    %reduce_max3A_38 = vector.extract %reduce_max3A_37[0, 0, 0] : f32 from vector<1x1x1xf32>
    %reduce_max3A_39 = vector.shape_cast %dot_general3A_28 : vector<1024x1xf32> to vector<1x1024x1xf32>
    %reduce_max3A_40 = arith.constant dense<0xFF800000> : vector<1xf32>
    %reduce_max3A_41 = vector.multi_reduction <maximumf>, %reduce_max3A_39, %reduce_max3A_40 [1, 2] : vector<1x1024x1xf32> to vector<1xf32>
    %reduce_max3A_42 = vector.shape_cast %reduce_max3A_41 : vector<1xf32> to vector<1x1x1xf32>
    %reduce_max3A_43 = vector.extract %reduce_max3A_42[0, 0, 0] : f32 from vector<1x1x1xf32>
    %eq3A = arith.constant 0 : i32
    %eq3A_44 = arith.cmpi eq, %arg0, %eq3A : i32
    %convert_element_type3A_45 = arith.extui %eq3A_44 : i1 to i32
    %cond3A = arith.constant 0 : i32
    %cond3A_46 = arith.cmpi ne, %convert_element_type3A_45, %cond3A : i32
    scf.if %cond3A_46 {
      %swap3A_56 = arith.constant 0 : index
      %swap3A_57 = arith.constant 0 : index
      %swap3A_58 = memref.load %arg10[%swap3A_56, %swap3A_57] : memref<1x2xf32, #tpu.memory_space<smem>>
      memref.store %reduce_max3A_38, %arg10[%swap3A_56, %swap3A_57] : memref<1x2xf32, #tpu.memory_space<smem>>
      %swap3A_59 = arith.constant 0 : index
      %swap3A_60 = arith.constant 1 : index
      %swap3A_61 = memref.load %arg10[%swap3A_59, %swap3A_60] : memref<1x2xf32, #tpu.memory_space<smem>>
      memref.store %reduce_max3A_43, %arg10[%swap3A_59, %swap3A_60] : memref<1x2xf32, #tpu.memory_space<smem>>
    } else {
    }
    %gt3A = arith.constant 0 : i32
    %gt3A_47 = arith.cmpi sgt, %arg0, %gt3A : i32
    %convert_element_type3A_48 = arith.extui %gt3A_47 : i1 to i32
    %cond3A_49 = arith.constant 0 : i32
    %cond3A_50 = arith.cmpi ne, %convert_element_type3A_48, %cond3A_49 : i32
    scf.if %cond3A_50 {
      %get3A_56 = arith.constant 0 : index
      %get3A_57 = arith.constant 0 : index
      %get3A_58 = memref.load %arg10[%get3A_56, %get3A_57] : memref<1x2xf32, #tpu.memory_space<smem>>
      %max3A = arith.maximumf %get3A_58, %reduce_max3A_38 : f32
      %swap3A_59 = arith.constant 0 : index
      %swap3A_60 = arith.constant 0 : index
      %swap3A_61 = memref.load %arg10[%swap3A_59, %swap3A_60] : memref<1x2xf32, #tpu.memory_space<smem>>
      memref.store %max3A, %arg10[%swap3A_59, %swap3A_60] : memref<1x2xf32, #tpu.memory_space<smem>>
      %get3A_62 = arith.constant 0 : index
      %get3A_63 = arith.constant 1 : index
      %get3A_64 = memref.load %arg10[%get3A_62, %get3A_63] : memref<1x2xf32, #tpu.memory_space<smem>>
      %max3A_65 = arith.maximumf %get3A_64, %reduce_max3A_43 : f32
      %swap3A_66 = arith.constant 0 : index
      %swap3A_67 = arith.constant 1 : index
      %swap3A_68 = memref.load %arg10[%swap3A_66, %swap3A_67] : memref<1x2xf32, #tpu.memory_space<smem>>
      memref.store %max3A_65, %arg10[%swap3A_66, %swap3A_67] : memref<1x2xf32, #tpu.memory_space<smem>>
    } else {
    }
    %eq3A_51 = arith.constant 9 : i32
    %eq3A_52 = arith.cmpi eq, %arg0, %eq3A_51 : i32
    %convert_element_type3A_53 = arith.extui %eq3A_52 : i1 to i32
    %cond3A_54 = arith.constant 0 : i32
    %cond3A_55 = arith.cmpi ne, %convert_element_type3A_53, %cond3A_54 : i32
    scf.if %cond3A_55 {
      %get3A_56 = arith.constant 0 : index
      %get3A_57 = arith.constant 0 : index
      %get3A_58 = memref.load %arg10[%get3A_56, %get3A_57] : memref<1x2xf32, #tpu.memory_space<smem>>
      %broadcast_in_dim3A = vector.broadcast %get3A_58 : f32 to vector<1x1xf32>
      %swap3A_59 = arith.constant 0 : index
      %swap3A_60 = arith.constant 0 : index
      %swap3A_61 = vector.load %arg8[%swap3A_59, %swap3A_60] : memref<1x1xf32, #tpu.memory_space<vmem>>, vector<1x1xf32>
      tpu.vector_store %arg8[%swap3A_59, %swap3A_60], %broadcast_in_dim3A {strides = array<i32>} : memref<1x1xf32, #tpu.memory_space<vmem>>, vector<1x1xf32>,
      %get3A_62 = arith.constant 0 : index
      %get3A_63 = arith.constant 1 : index
      %get3A_64 = memref.load %arg10[%get3A_62, %get3A_63] : memref<1x2xf32, #tpu.memory_space<smem>>
      %broadcast_in_dim3A_65 = vector.broadcast %get3A_64 : f32 to vector<1x1xf32>
      %swap3A_66 = arith.constant 0 : index
      %swap3A_67 = arith.constant 0 : index
      %swap3A_68 = vector.load %arg9[%swap3A_66, %swap3A_67] : memref<1x1xf32, #tpu.memory_space<vmem>>, vector<1x1xf32>
      tpu.vector_store %arg9[%swap3A_66, %swap3A_67], %broadcast_in_dim3A_65 {strides = array<i32>} : memref<1x1xf32, #tpu.memory_space<vmem>>, vector<1x1xf32>,
    } else {
    }
    return
  }
  func.func @transform_0(%arg0: i32) -> (i32, i32) {
    %c0_i32 = arith.constant 0 : i32
    %c0_i32_0 = arith.constant 0 : i32
    return %arg0, %c0_i32 : i32, i32
  }
  func.func @transform_1(%arg0: i32) -> (i32, i32) {
    %c0_i32 = arith.constant 0 : i32
    %c0_i32_0 = arith.constant 0 : i32
    %c0_i32_1 = arith.constant 0 : i32
    return %c0_i32, %c0_i32_0 : i32, i32
  }
  func.func @transform_2(%arg0: i32) -> (i32, i32) {
    %c0_i32 = arith.constant 0 : i32
    %c0_i32_0 = arith.constant 0 : i32
    %c0_i32_1 = arith.constant 0 : i32
    return %c0_i32, %c0_i32_0 : i32, i32
  }
  func.func @transform_3(%arg0: i32) -> (i32, i32) {
    %c0_i32 = arith.constant 0 : i32
    %c0_i32_0 = arith.constant 0 : i32
    %c0_i32_1 = arith.constant 0 : i32
    return %c0_i32, %c0_i32_0 : i32, i32
  }
  func.func @transform_4(%arg0: i32) -> (i32, i32, i32) {
    %c0_i32 = arith.constant 0 : i32
    %c0_i32_0 = arith.constant 0 : i32
    %c0_i32_1 = arith.constant 0 : i32
    return %c0_i32, %arg0, %c0_i32_0 : i32, i32, i32
  }
  func.func @transform_5(%arg0: i32) -> (i32, i32) {
    %c0_i32 = arith.constant 0 : i32
    %c0_i32_0 = arith.constant 0 : i32
    return %arg0, %c0_i32 : i32, i32
  }
  func.func @transform_6(%arg0: i32) -> (i32, i32) {
    %c0_i32 = arith.constant 0 : i32
    %c0_i32_0 = arith.constant 0 : i32
    return %arg0, %c0_i32 : i32, i32
  }
  func.func @transform_7(%arg0: i32) -> (i32, i32) {
    %c0_i32 = arith.constant 0 : i32
    %c0_i32_0 = arith.constant 0 : i32
    %c0_i32_1 = arith.constant 0 : i32
    return %c0_i32, %c0_i32_0 : i32, i32
  }
  func.func @transform_8(%arg0: i32) -> (i32, i32) {
    %c0_i32 = arith.constant 0 : i32
    %c0_i32_0 = arith.constant 0 : i32
    %c0_i32_1 = arith.constant 0 : i32
    return %c0_i32, %c0_i32_0 : i32, i32
  }
}

module attributes {stable_mosaic.version = 14 : i64} {
  func.func @_dsum_body(%arg0: memref<2x8x1280xf32, #tpu.memory_space<vmem>>, %arg1: memref<8x1280xf32, #tpu.memory_space<vmem>>) attributes {dimension_semantics = [], scalar_prefetch = 0 : i64, scratch_operands = 0 : i64, tpu.core_type = #tpu.core_type<tc>} {
    %get3A = arith.constant 0 : index
    %get3A_0 = arith.constant 0 : index
    %get3A_1 = arith.constant 0 : index
    %get3A_2 = vector.load %arg0[%get3A, %get3A_0, %get3A_1] : memref<2x8x1280xf32, #tpu.memory_space<vmem>>, vector<1x8x1280xf32>
    %get3A_3 = vector.shape_cast %get3A_2 : vector<1x8x1280xf32> to vector<8x1280xf32>
    %get3A_4 = arith.constant 1 : index
    %get3A_5 = arith.constant 0 : index
    %get3A_6 = arith.constant 0 : index
    %get3A_7 = vector.load %arg0[%get3A_4, %get3A_5, %get3A_6] : memref<2x8x1280xf32, #tpu.memory_space<vmem>>, vector<1x8x1280xf32>
    %get3A_8 = vector.shape_cast %get3A_7 : vector<1x8x1280xf32> to vector<8x1280xf32>
    %add3A = arith.addf %get3A_3, %get3A_8 : vector<8x1280xf32>
    %swap3A = arith.constant 0 : index
    %swap3A_9 = arith.constant 0 : index
    %swap3A_10 = vector.load %arg1[%swap3A, %swap3A_9] : memref<8x1280xf32, #tpu.memory_space<vmem>>, vector<8x1280xf32>
    tpu.vector_store %arg1[%swap3A, %swap3A_9], %add3A {strides = array<i32>} : memref<8x1280xf32, #tpu.memory_space<vmem>>, vector<8x1280xf32>,
    return
  }
}

module attributes {stable_mosaic.version = 14 : i64} {
  func.func @_mm2_body(%arg0: i32, %arg1: memref<2x1024x128xf32, #tpu.memory_space<vmem>>, %arg2: memref<1x256xf32, #tpu.memory_space<vmem>>, %arg3: memref<256x256xf32, #tpu.memory_space<vmem>>, %arg4: memref<256x1xf32, #tpu.memory_space<vmem>>, %arg5: memref<256x1xf32, #tpu.memory_space<vmem>>, %arg6: memref<1024x256xf32, #tpu.memory_space<vmem>>, %arg7: memref<1024x1xf32, #tpu.memory_space<vmem>>, %arg8: memref<1024x1xf32, #tpu.memory_space<vmem>>, %arg9: memref<1x1xf32, #tpu.memory_space<vmem>>, %arg10: memref<1x1xf32, #tpu.memory_space<vmem>>, %arg11: memref<1x2xf32, #tpu.memory_space<smem>>) attributes {dimension_semantics = [#tpu.dimension_semantics<arbitrary>], iteration_bounds = array<i64: 10>, scalar_prefetch = 0 : i64, scratch_operands = 1 : i64, tpu.core_type = #tpu.core_type<tc>, window_params = [{transform_indices = @transform_0, window_bounds = array<i64: 2, 1024, 128>}, {pipeline_mode = #tpu.pipeline_mode<synchronous>, transform_indices = @transform_1, window_bounds = array<i64: 1, 256>}, {pipeline_mode = #tpu.pipeline_mode<synchronous>, transform_indices = @transform_2, window_bounds = array<i64: 256, 256>}, {pipeline_mode = #tpu.pipeline_mode<synchronous>, transform_indices = @transform_3, window_bounds = array<i64: 256, 1>}, {pipeline_mode = #tpu.pipeline_mode<synchronous>, transform_indices = @transform_4, window_bounds = array<i64: 256, 1>}, {transform_indices = @transform_5, window_bounds = array<i64: 1024, 256>}, {transform_indices = @transform_6, window_bounds = array<i64: 1024, 1>}, {transform_indices = @transform_7, window_bounds = array<i64: 1024, 1>}, {pipeline_mode = #tpu.pipeline_mode<synchronous>, transform_indices = @transform_8, window_bounds = array<i64: 1, 1>}, {pipeline_mode = #tpu.pipeline_mode<synchronous>, transform_indices = @transform_9, window_bounds = array<i64: 1, 1>}]} {
    %get3A = arith.constant 0 : index
    %get3A_0 = arith.constant 0 : index
    %get3A_1 = arith.constant 0 : index
    %get3A_2 = vector.load %arg1[%get3A, %get3A_0, %get3A_1] : memref<2x1024x128xf32, #tpu.memory_space<vmem>>, vector<1x1024x128xf32>
    %get3A_3 = vector.shape_cast %get3A_2 : vector<1x1024x128xf32> to vector<1024x128xf32>
    %get3A_4 = arith.constant 0 : index
    %get3A_5 = arith.constant 0 : index
    %get3A_6 = vector.load %arg2[%get3A_4, %get3A_5] : memref<1x256xf32, #tpu.memory_space<vmem>>, vector<1x128xf32>
    %add3A = vector.broadcast %get3A_6 : vector<1x128xf32> to vector<1024x128xf32>
    %add3A_7 = arith.addf %get3A_3, %add3A : vector<1024x128xf32>
    %max3A = arith.constant 0.000000e+00 : f32
    %max3A_8 = vector.broadcast %max3A : f32 to vector<1024x128xf32>
    %max3A_9 = arith.maximumf %add3A_7, %max3A_8 : vector<1024x128xf32>
    %get3A_10 = arith.constant 1 : index
    %get3A_11 = arith.constant 0 : index
    %get3A_12 = arith.constant 0 : index
    %get3A_13 = vector.load %arg1[%get3A_10, %get3A_11, %get3A_12] : memref<2x1024x128xf32, #tpu.memory_space<vmem>>, vector<1x1024x128xf32>
    %get3A_14 = vector.shape_cast %get3A_13 : vector<1x1024x128xf32> to vector<1024x128xf32>
    %get3A_15 = arith.constant 0 : index
    %get3A_16 = arith.constant 128 : index
    %get3A_17 = vector.load %arg2[%get3A_15, %get3A_16] : memref<1x256xf32, #tpu.memory_space<vmem>>, vector<1x128xf32>
    %add3A_18 = vector.broadcast %get3A_17 : vector<1x128xf32> to vector<1024x128xf32>
    %add3A_19 = arith.addf %get3A_14, %add3A_18 : vector<1024x128xf32>
    %max3A_20 = arith.constant 0.000000e+00 : f32
    %max3A_21 = vector.broadcast %max3A_20 : f32 to vector<1024x128xf32>
    %max3A_22 = arith.maximumf %add3A_19, %max3A_21 : vector<1024x128xf32>
    %get3A_23 = arith.constant 0 : index
    %get3A_24 = arith.constant 0 : index
    %get3A_25 = vector.load %arg3[%get3A_23, %get3A_24] : memref<256x256xf32, #tpu.memory_space<vmem>>, vector<128x256xf32>
    %dot_general3A = arith.constant dense<0.000000e+00> : vector<1024x256xf32>
    %dot_general3A_26 = tpu.matmul %max3A_9, %get3A_25, %dot_general3A {dimension_numbers = #tpu.dot_dimension_numbers<[1], [0], [0], [1], [0, 0, 1, 1], [], []>, transpose_lhs_hint = false} : vector<1024x128xf32>, vector<128x256xf32>, vector<1024x256xf32> -> vector<1024x256xf32>
    %get3A_27 = arith.constant 128 : index
    %get3A_28 = arith.constant 0 : index
    %get3A_29 = vector.load %arg3[%get3A_27, %get3A_28] : memref<256x256xf32, #tpu.memory_space<vmem>>, vector<128x256xf32>
    %dot_general3A_30 = arith.constant dense<0.000000e+00> : vector<1024x256xf32>
    %dot_general3A_31 = tpu.matmul %max3A_22, %get3A_29, %dot_general3A_30 {dimension_numbers = #tpu.dot_dimension_numbers<[1], [0], [0], [1], [0, 0, 1, 1], [], []>, transpose_lhs_hint = false} : vector<1024x128xf32>, vector<128x256xf32>, vector<1024x256xf32> -> vector<1024x256xf32>
    %add3A_32 = arith.addf %dot_general3A_26, %dot_general3A_31 : vector<1024x256xf32>
    %swap3A = arith.constant 0 : index
    %swap3A_33 = arith.constant 0 : index
    %swap3A_34 = vector.load %arg6[%swap3A, %swap3A_33] : memref<1024x256xf32, #tpu.memory_space<vmem>>, vector<1024x256xf32>
    tpu.vector_store %arg6[%swap3A, %swap3A_33], %add3A_32 {strides = array<i32>} : memref<1024x256xf32, #tpu.memory_space<vmem>>, vector<1024x256xf32>,
    %get3A_35 = arith.constant 0 : index
    %get3A_36 = arith.constant 0 : index
    %get3A_37 = vector.load %arg4[%get3A_35, %get3A_36] : memref<256x1xf32, #tpu.memory_space<vmem>>, vector<256x1xf32>
    %dot_general3A_38 = arith.constant dense<0.000000e+00> : vector<1024x1xf32>
    %dot_general3A_39 = tpu.matmul %add3A_32, %get3A_37, %dot_general3A_38 {dimension_numbers = #tpu.dot_dimension_numbers<[1], [0], [0], [1], [0, 0, 1, 1], [], []>, transpose_lhs_hint = false} : vector<1024x256xf32>, vector<256x1xf32>, vector<1024x1xf32> -> vector<1024x1xf32>
    %get3A_40 = arith.constant 0 : index
    %get3A_41 = arith.constant 0 : index
    %get3A_42 = vector.load %arg5[%get3A_40, %get3A_41] : memref<256x1xf32, #tpu.memory_space<vmem>>, vector<256x1xf32>
    %dot_general3A_43 = arith.constant dense<0.000000e+00> : vector<1024x1xf32>
    %dot_general3A_44 = tpu.matmul %add3A_32, %get3A_42, %dot_general3A_43 {dimension_numbers = #tpu.dot_dimension_numbers<[1], [0], [0], [1], [0, 0, 1, 1], [], []>, transpose_lhs_hint = false} : vector<1024x256xf32>, vector<256x1xf32>, vector<1024x1xf32> -> vector<1024x1xf32>
    %swap3A_45 = arith.constant 0 : index
    %swap3A_46 = arith.constant 0 : index
    %swap3A_47 = vector.load %arg7[%swap3A_45, %swap3A_46] : memref<1024x1xf32, #tpu.memory_space<vmem>>, vector<1024x1xf32>
    tpu.vector_store %arg7[%swap3A_45, %swap3A_46], %dot_general3A_39 {strides = array<i32>} : memref<1024x1xf32, #tpu.memory_space<vmem>>, vector<1024x1xf32>,
    %swap3A_48 = arith.constant 0 : index
    %swap3A_49 = arith.constant 0 : index
    %swap3A_50 = vector.load %arg8[%swap3A_48, %swap3A_49] : memref<1024x1xf32, #tpu.memory_space<vmem>>, vector<1024x1xf32>
    tpu.vector_store %arg8[%swap3A_48, %swap3A_49], %dot_general3A_44 {strides = array<i32>} : memref<1024x1xf32, #tpu.memory_space<vmem>>, vector<1024x1xf32>,
    %reduce_max3A = vector.shape_cast %dot_general3A_39 : vector<1024x1xf32> to vector<1x1024x1xf32>
    %reduce_max3A_51 = arith.constant dense<0xFF800000> : vector<1xf32>
    %reduce_max3A_52 = vector.multi_reduction <maximumf>, %reduce_max3A, %reduce_max3A_51 [1, 2] : vector<1x1024x1xf32> to vector<1xf32>
    %reduce_max3A_53 = vector.shape_cast %reduce_max3A_52 : vector<1xf32> to vector<1x1x1xf32>
    %reduce_max3A_54 = vector.extract %reduce_max3A_53[0, 0, 0] : f32 from vector<1x1x1xf32>
    %reduce_max3A_55 = vector.shape_cast %dot_general3A_44 : vector<1024x1xf32> to vector<1x1024x1xf32>
    %reduce_max3A_56 = arith.constant dense<0xFF800000> : vector<1xf32>
    %reduce_max3A_57 = vector.multi_reduction <maximumf>, %reduce_max3A_55, %reduce_max3A_56 [1, 2] : vector<1x1024x1xf32> to vector<1xf32>
    %reduce_max3A_58 = vector.shape_cast %reduce_max3A_57 : vector<1xf32> to vector<1x1x1xf32>
    %reduce_max3A_59 = vector.extract %reduce_max3A_58[0, 0, 0] : f32 from vector<1x1x1xf32>
    %eq3A = arith.constant 0 : i32
    %eq3A_60 = arith.cmpi eq, %arg0, %eq3A : i32
    %convert_element_type3A = arith.extui %eq3A_60 : i1 to i32
    %cond3A = arith.constant 0 : i32
    %cond3A_61 = arith.cmpi ne, %convert_element_type3A, %cond3A : i32
    scf.if %cond3A_61 {
      %swap3A_71 = arith.constant 0 : index
      %swap3A_72 = arith.constant 0 : index
      %swap3A_73 = memref.load %arg11[%swap3A_71, %swap3A_72] : memref<1x2xf32, #tpu.memory_space<smem>>
      memref.store %reduce_max3A_54, %arg11[%swap3A_71, %swap3A_72] : memref<1x2xf32, #tpu.memory_space<smem>>
      %swap3A_74 = arith.constant 0 : index
      %swap3A_75 = arith.constant 1 : index
      %swap3A_76 = memref.load %arg11[%swap3A_74, %swap3A_75] : memref<1x2xf32, #tpu.memory_space<smem>>
      memref.store %reduce_max3A_59, %arg11[%swap3A_74, %swap3A_75] : memref<1x2xf32, #tpu.memory_space<smem>>
    } else {
    }
    %gt3A = arith.constant 0 : i32
    %gt3A_62 = arith.cmpi sgt, %arg0, %gt3A : i32
    %convert_element_type3A_63 = arith.extui %gt3A_62 : i1 to i32
    %cond3A_64 = arith.constant 0 : i32
    %cond3A_65 = arith.cmpi ne, %convert_element_type3A_63, %cond3A_64 : i32
    scf.if %cond3A_65 {
      %get3A_71 = arith.constant 0 : index
      %get3A_72 = arith.constant 0 : index
      %get3A_73 = memref.load %arg11[%get3A_71, %get3A_72] : memref<1x2xf32, #tpu.memory_space<smem>>
      %max3A_74 = arith.maximumf %get3A_73, %reduce_max3A_54 : f32
      %swap3A_75 = arith.constant 0 : index
      %swap3A_76 = arith.constant 0 : index
      %swap3A_77 = memref.load %arg11[%swap3A_75, %swap3A_76] : memref<1x2xf32, #tpu.memory_space<smem>>
      memref.store %max3A_74, %arg11[%swap3A_75, %swap3A_76] : memref<1x2xf32, #tpu.memory_space<smem>>
      %get3A_78 = arith.constant 0 : index
      %get3A_79 = arith.constant 1 : index
      %get3A_80 = memref.load %arg11[%get3A_78, %get3A_79] : memref<1x2xf32, #tpu.memory_space<smem>>
      %max3A_81 = arith.maximumf %get3A_80, %reduce_max3A_59 : f32
      %swap3A_82 = arith.constant 0 : index
      %swap3A_83 = arith.constant 1 : index
      %swap3A_84 = memref.load %arg11[%swap3A_82, %swap3A_83] : memref<1x2xf32, #tpu.memory_space<smem>>
      memref.store %max3A_81, %arg11[%swap3A_82, %swap3A_83] : memref<1x2xf32, #tpu.memory_space<smem>>
    } else {
    }
    %eq3A_66 = arith.constant 9 : i32
    %eq3A_67 = arith.cmpi eq, %arg0, %eq3A_66 : i32
    %convert_element_type3A_68 = arith.extui %eq3A_67 : i1 to i32
    %cond3A_69 = arith.constant 0 : i32
    %cond3A_70 = arith.cmpi ne, %convert_element_type3A_68, %cond3A_69 : i32
    scf.if %cond3A_70 {
      %get3A_71 = arith.constant 0 : index
      %get3A_72 = arith.constant 0 : index
      %get3A_73 = memref.load %arg11[%get3A_71, %get3A_72] : memref<1x2xf32, #tpu.memory_space<smem>>
      %broadcast_in_dim3A = vector.broadcast %get3A_73 : f32 to vector<1x1xf32>
      %swap3A_74 = arith.constant 0 : index
      %swap3A_75 = arith.constant 0 : index
      %swap3A_76 = vector.load %arg9[%swap3A_74, %swap3A_75] : memref<1x1xf32, #tpu.memory_space<vmem>>, vector<1x1xf32>
      tpu.vector_store %arg9[%swap3A_74, %swap3A_75], %broadcast_in_dim3A {strides = array<i32>} : memref<1x1xf32, #tpu.memory_space<vmem>>, vector<1x1xf32>,
      %get3A_77 = arith.constant 0 : index
      %get3A_78 = arith.constant 1 : index
      %get3A_79 = memref.load %arg11[%get3A_77, %get3A_78] : memref<1x2xf32, #tpu.memory_space<smem>>
      %broadcast_in_dim3A_80 = vector.broadcast %get3A_79 : f32 to vector<1x1xf32>
      %swap3A_81 = arith.constant 0 : index
      %swap3A_82 = arith.constant 0 : index
      %swap3A_83 = vector.load %arg10[%swap3A_81, %swap3A_82] : memref<1x1xf32, #tpu.memory_space<vmem>>, vector<1x1xf32>
      tpu.vector_store %arg10[%swap3A_81, %swap3A_82], %broadcast_in_dim3A_80 {strides = array<i32>} : memref<1x1xf32, #tpu.memory_space<vmem>>, vector<1x1xf32>,
    } else {
    }
    return
  }
  func.func @transform_0(%arg0: i32) -> (i32, i32, i32) {
    %c0_i32 = arith.constant 0 : i32
    %c0_i32_0 = arith.constant 0 : i32
    %c0_i32_1 = arith.constant 0 : i32
    return %c0_i32, %arg0, %c0_i32_0 : i32, i32, i32
  }
  func.func @transform_1(%arg0: i32) -> (i32, i32) {
    %c0_i32 = arith.constant 0 : i32
    %c0_i32_0 = arith.constant 0 : i32
    %c0_i32_1 = arith.constant 0 : i32
    return %c0_i32, %c0_i32_0 : i32, i32
  }
  func.func @transform_2(%arg0: i32) -> (i32, i32) {
    %c0_i32 = arith.constant 0 : i32
    %c0_i32_0 = arith.constant 0 : i32
    %c0_i32_1 = arith.constant 0 : i32
    return %c0_i32, %c0_i32_0 : i32, i32
  }
  func.func @transform_3(%arg0: i32) -> (i32, i32) {
    %c0_i32 = arith.constant 0 : i32
    %c0_i32_0 = arith.constant 0 : i32
    %c0_i32_1 = arith.constant 0 : i32
    return %c0_i32, %c0_i32_0 : i32, i32
  }
  func.func @transform_4(%arg0: i32) -> (i32, i32) {
    %c0_i32 = arith.constant 0 : i32
    %c0_i32_0 = arith.constant 0 : i32
    %c0_i32_1 = arith.constant 0 : i32
    return %c0_i32, %c0_i32_0 : i32, i32
  }
  func.func @transform_5(%arg0: i32) -> (i32, i32) {
    %c0_i32 = arith.constant 0 : i32
    %c0_i32_0 = arith.constant 0 : i32
    return %arg0, %c0_i32 : i32, i32
  }
  func.func @transform_6(%arg0: i32) -> (i32, i32) {
    %c0_i32 = arith.constant 0 : i32
    %c0_i32_0 = arith.constant 0 : i32
    return %arg0, %c0_i32 : i32, i32
  }
  func.func @transform_7(%arg0: i32) -> (i32, i32) {
    %c0_i32 = arith.constant 0 : i32
    %c0_i32_0 = arith.constant 0 : i32
    return %arg0, %c0_i32 : i32, i32
  }
  func.func @transform_8(%arg0: i32) -> (i32, i32) {
    %c0_i32 = arith.constant 0 : i32
    %c0_i32_0 = arith.constant 0 : i32
    %c0_i32_1 = arith.constant 0 : i32
    return %c0_i32, %c0_i32_0 : i32, i32
  }
  func.func @transform_9(%arg0: i32) -> (i32, i32) {
    %c0_i32 = arith.constant 0 : i32
    %c0_i32_0 = arith.constant 0 : i32
    %c0_i32_1 = arith.constant 0 : i32
    return %c0_i32, %c0_i32_0 : i32, i32
  }
}

module attributes {stable_mosaic.version = 14 : i64} {
  func.func @_pool_body(%arg0: i32, %arg1: memref<2x1024xf32, #tpu.memory_space<vmem>>, %arg2: memref<1024x256xf32, #tpu.memory_space<vmem>>, %arg3: memref<1x256xf32, #tpu.memory_space<vmem>>, %arg4: memref<1x256xf32, #tpu.memory_space<vmem>>, %arg5: memref<1x256xf32, #tpu.memory_space<vmem>>) attributes {dimension_semantics = [#tpu.dimension_semantics<arbitrary>], iteration_bounds = array<i64: 10>, scalar_prefetch = 0 : i64, scratch_operands = 1 : i64, tpu.core_type = #tpu.core_type<tc>, window_params = [{transform_indices = @transform_0, window_bounds = array<i64: 2, 1024>}, {transform_indices = @transform_1, window_bounds = array<i64: 1024, 256>}, {pipeline_mode = #tpu.pipeline_mode<synchronous>, transform_indices = @transform_2, window_bounds = array<i64: 1, 256>}, {pipeline_mode = #tpu.pipeline_mode<synchronous>, transform_indices = @transform_3, window_bounds = array<i64: 1, 256>}]} {
    %get3A = arith.constant 0 : index
    %get3A_0 = arith.constant 0 : index
    %get3A_1 = vector.load %arg1[%get3A, %get3A_0] : memref<2x1024xf32, #tpu.memory_space<vmem>>, vector<1x1024xf32>
    %get3A_2 = arith.constant 1 : index
    %get3A_3 = arith.constant 0 : index
    %get3A_4 = vector.load %arg1[%get3A_2, %get3A_3] : memref<2x1024xf32, #tpu.memory_space<vmem>>, vector<1x1024xf32>
    %add3A = arith.addf %get3A_1, %get3A_4 : vector<1x1024xf32>
    %get3A_5 = arith.constant 0 : index
    %get3A_6 = arith.constant 0 : index
    %get3A_7 = vector.load %arg2[%get3A_5, %get3A_6] : memref<1024x256xf32, #tpu.memory_space<vmem>>, vector<1024x256xf32>
    %dot_general3A = arith.constant dense<0.000000e+00> : vector<1x256xf32>
    %dot_general3A_8 = tpu.matmul %add3A, %get3A_7, %dot_general3A {dimension_numbers = #tpu.dot_dimension_numbers<[1], [0], [0], [1], [0, 0, 1, 1], [], []>, transpose_lhs_hint = false} : vector<1x1024xf32>, vector<1024x256xf32>, vector<1x256xf32> -> vector<1x256xf32>
    %eq3A = arith.constant 0 : i32
    %eq3A_9 = arith.cmpi eq, %arg0, %eq3A : i32
    %convert_element_type3A = arith.extui %eq3A_9 : i1 to i32
    %cond3A = arith.constant 0 : i32
    %cond3A_10 = arith.cmpi ne, %convert_element_type3A, %cond3A : i32
    scf.if %cond3A_10 {
      %swap3A = arith.constant 0 : index
      %swap3A_20 = arith.constant 0 : index
      %swap3A_21 = vector.load %arg5[%swap3A, %swap3A_20] : memref<1x256xf32, #tpu.memory_space<vmem>>, vector<1x256xf32>
      tpu.vector_store %arg5[%swap3A, %swap3A_20], %dot_general3A_8 {strides = array<i32>} : memref<1x256xf32, #tpu.memory_space<vmem>>, vector<1x256xf32>,
    } else {
    }
    %gt3A = arith.constant 0 : i32
    %gt3A_11 = arith.cmpi sgt, %arg0, %gt3A : i32
    %convert_element_type3A_12 = arith.extui %gt3A_11 : i1 to i32
    %cond3A_13 = arith.constant 0 : i32
    %cond3A_14 = arith.cmpi ne, %convert_element_type3A_12, %cond3A_13 : i32
    scf.if %cond3A_14 {
      %get3A_20 = arith.constant 0 : index
      %get3A_21 = arith.constant 0 : index
      %get3A_22 = vector.load %arg5[%get3A_20, %get3A_21] : memref<1x256xf32, #tpu.memory_space<vmem>>, vector<1x256xf32>
      %add3A_23 = arith.addf %get3A_22, %dot_general3A_8 : vector<1x256xf32>
      %swap3A = arith.constant 0 : index
      %swap3A_24 = arith.constant 0 : index
      %swap3A_25 = vector.load %arg5[%swap3A, %swap3A_24] : memref<1x256xf32, #tpu.memory_space<vmem>>, vector<1x256xf32>
      tpu.vector_store %arg5[%swap3A, %swap3A_24], %add3A_23 {strides = array<i32>} : memref<1x256xf32, #tpu.memory_space<vmem>>, vector<1x256xf32>,
    } else {
    }
    %eq3A_15 = arith.constant 9 : i32
    %eq3A_16 = arith.cmpi eq, %arg0, %eq3A_15 : i32
    %convert_element_type3A_17 = arith.extui %eq3A_16 : i1 to i32
    %cond3A_18 = arith.constant 0 : i32
    %cond3A_19 = arith.cmpi ne, %convert_element_type3A_17, %cond3A_18 : i32
    scf.if %cond3A_19 {
      %get3A_20 = arith.constant 0 : index
      %get3A_21 = arith.constant 0 : index
      %get3A_22 = vector.load %arg5[%get3A_20, %get3A_21] : memref<1x256xf32, #tpu.memory_space<vmem>>, vector<1x256xf32>
      %get3A_23 = arith.constant 0 : index
      %get3A_24 = arith.constant 0 : index
      %get3A_25 = vector.load %arg3[%get3A_23, %get3A_24] : memref<1x256xf32, #tpu.memory_space<vmem>>, vector<1x256xf32>
      %mul3A = arith.constant 1.000000e+04 : f32
      %mul3A_26 = vector.broadcast %mul3A : f32 to vector<1x256xf32>
      %mul3A_27 = arith.mulf %mul3A_26, %get3A_25 : vector<1x256xf32>
      %add3A_28 = arith.addf %get3A_22, %mul3A_27 : vector<1x256xf32>
      %swap3A = arith.constant 0 : index
      %swap3A_29 = arith.constant 0 : index
      %swap3A_30 = vector.load %arg4[%swap3A, %swap3A_29] : memref<1x256xf32, #tpu.memory_space<vmem>>, vector<1x256xf32>
      tpu.vector_store %arg4[%swap3A, %swap3A_29], %add3A_28 {strides = array<i32>} : memref<1x256xf32, #tpu.memory_space<vmem>>, vector<1x256xf32>,
    } else {
    }
    return
  }
  func.func @transform_0(%arg0: i32) -> (i32, i32) {
    %c0_i32 = arith.constant 0 : i32
    %c0_i32_0 = arith.constant 0 : i32
    return %c0_i32, %arg0 : i32, i32
  }
  func.func @transform_1(%arg0: i32) -> (i32, i32) {
    %c0_i32 = arith.constant 0 : i32
    %c0_i32_0 = arith.constant 0 : i32
    return %arg0, %c0_i32 : i32, i32
  }
  func.func @transform_2(%arg0: i32) -> (i32, i32) {
    %c0_i32 = arith.constant 0 : i32
    %c0_i32_0 = arith.constant 0 : i32
    %c0_i32_1 = arith.constant 0 : i32
    return %c0_i32, %c0_i32_0 : i32, i32
  }
  func.func @transform_3(%arg0: i32) -> (i32, i32) {
    %c0_i32 = arith.constant 0 : i32
    %c0_i32_0 = arith.constant 0 : i32
    %c0_i32_1 = arith.constant 0 : i32
    return %c0_i32, %c0_i32_0 : i32, i32
  }
}

</mosaic_0001>

<sc_bundles>
// kernel: kernel.11.cloned.1.call-start
scs
__scs_entry_jumppad:
0x0: {  	(pc) =	sbr.rel $0x88, $3  }
0x1: {  	(tag) =	ssettag $0x0;
	lr =	simm.s32 $0x1  }
0x2: {  	[smem:$0x3F97] =	sst lr;
	_ =	strace $0xD0000000  }
0x3: {  	_ = 	snop  }
0x4: {  	_ = 	snop  }
0x5: {  	_ = 	snop  }
0x6: {  	_ = 	snop  }
0x7: {  	_ = 	snop  }
__scs_overlays_trampoline_lowered:
0x8: {  	[smem:$0x3FA6] =	sst s0  }
0x9: {  	[smem:$0x3FA7] =	sst s1  }
0xa: {  	[smem:$0x3FA8] =	sst s2  }
0xb: {  	[smem:$0x3FA9] =	sst s3  }
0xc: {  	[smem:$0x3FAA] =	sst s4  }
0xd: {  	[smem:$0x3FAB] =	sst s5  }
0xe: {  	[smem:$0x3FAC] =	sst s6  }
0xf: {  	[smem:$0x3FAD] =	sst s7  }
0x10: {  	[smem:$0x3FAE] =	sst s8  }
0x11: {  	[smem:$0x3FAF] =	sst s9;
	s0 =	simm.s32 @!p0 $0x0  }
0x12: {  	s1 =	sld [smem:$0x3F95];
	s0 =	simm.s32 @p0 $0x1  }
0x13: {  	[smem:$0x3FB0] =	sst s0;
	s0 =	simm.s32 @!p1 $0x0  }
0x14: {  	s2 =	sld [smem:$0x3F94];
	s0 =	simm.s32 @p1 $0x1  }
0x15: {  	[smem:$0x3FB1] =	sst s0;
	s0 =	simm.s32 @!p2 $0x0  }
0x16: {  	s3 =	sld [smem:$0x3FDB];
	s0 =	simm.s32 @p2 $0x1  }
0x17: {  	s4 =	simm.s32 $0x1BF5;
	[smem:$0x3FB3] =	sst s0  }
0x18: {  	s0 =	sld [smem:$0x3F96];
	_ =	swait.ge [sflag:s4], $0x0  }
0x19: {  	s7 =	sld [smem:$0x3F97]  }
0x1a: {  	s8 =	sadd.s32 $0xFFFFE003, lr  }
0x1b: {  	s9 =	sadd.s32 $0xFFFFFEF7, lr;
	s5 =	simm.s32 $0xFFFFFFFF;
	p2 =	slt.u32 s8, $0xFFFFF086  }
0x1c: {  	p1 =	slt.u32 s9, $0xF7A;
	s5 =	simm.s32 @!p2 $0x0  }
0x1d: {  	s5 =	simm.s32 @p1 $0x1;
	p0 =	seq.s32 s7, s2  }
0x1e: {  	s7 =	smul.u32 @!p0 $0xF7A, s2;
	p2 =	seq.s32 @!p0 s5, $0x0  }
0x1f: {  	s9 =	smul.u32 $0xF7A, s1;
	s8 =	simm.s32 @!p0 $0x1BF5;
	p2 =	por !p2, p0  }
0x20: {  	[sflag:s8] =	ssyncset.s32 @!p0 $0xFFFFF086;
	s6 =	sadd.s32 @!p0 s3, s7;
	s7 =	simm.s32 @!p0 $0x108  }
0x21: {  	s3 =	sadd.s32 s3, s9;
	s6 =	sadd.s32 @!p0 $0x88, s6;
	s7 =	simm.s32 @p2 $0x1082  }
0x22: {  	[simem:s7], [sflag:s8] =	dma.local @!p0 [hbm:s6], $0xF7A  }
0x23: {  	s9 =	sor.u32 $0xD0000000, s2;
	s6 =	simm.s32 $0x108;
	_ =	swait.ge @!p0 [sflag:s8], $0x0  }
0x24: {  	s3 =	sadd.s32 $0x88, s3;
	s6 =	simm.s32 @!p1 $0x1082;
	[sflag:s4] =	ssyncset.s32 $0xFFFFF086  }
0x25: {  	[simem:s6], [sflag:s4] =	dma.local [hbm:s3], $0xF7A  }
0x26: {  	[smem:$0x3F97] =	sst s1;
	(tag) =	ssettag s2;
	_ =	strace s9  }
0x27: {  	s1 =	sld [smem:$0x3FA7]  }
0x28: {  	s2 =	sld [smem:$0x3FA8]  }
0x29: {  	s4 =	sld [smem:$0x3FAA]  }
0x2a: {  	p0 =	seq.s32 s5, $0x0;
	s5 =	sld [smem:$0x3FAB]  }
0x2b: {  	s6 =	sld [smem:$0x3FAC]  }
0x2c: {  	s7 =	sld [smem:$0x3FAD]  }
0x2d: {  	s3 =	simm.s32 $0x108;
	s8 =	sld [smem:$0x3FAE]  }
0x2e: {  	s3 =	simm.s32 @!p0 $0x1082;
	s9 =	sld [smem:$0x3FAF]  }
0x2f: {  	lr =	sadd.s32 s0, s3;
	s0 =	sld [smem:$0x3FA6]  }
0x30: {  	s3 =	sld [smem:$0x3FA9]  }
0x31: {  	[smem:$0x3FB2] =	sst s10  }
0x32: {  	s10 =	sld [smem:$0x3FB0];
	_ =	sdelay $0x3  }
0x33: {  	p0 =	seq.s32 s10, $0x1;
	s10 =	sld [smem:$0x3FB2];
	_ =	sdelay $0x3  }
0x34: {  	[smem:$0x3FB2] =	sst s10  }
0x35: {  	s10 =	sld [smem:$0x3FB1];
	_ =	sdelay $0x3  }
0x36: {  	p1 =	seq.s32 s10, $0x1;
	s10 =	sld [smem:$0x3FB2];
	_ =	sdelay $0x3  }
0x37: {  	[smem:$0x3FB2] =	sst s10  }
0x38: {  	s10 =	sld [smem:$0x3FB3]  }
0x39: {  	_ = 	snop;
	(pc) =	sbr.ind lr, $3  }
0x3a: {  	_ = 	snop  }
0x3b: {  	_ = 	snop  }
0x3c: {  	p2 =	seq.s32 s10, $0x1;
	s10 =	sld [smem:$0x3FB2]  }
0x3d: {  	_ =	shalt  }
0x3e: {  	_ =	shalt  }
0x3f: {  	_ =	shalt  }
0x40: {  	_ =	shalt  }
0x41: {  	_ =	shalt  }
0x42: {  	_ =	shalt  }
0x43: {  	_ =	shalt  }
0x44: {  	_ =	shalt  }
0x45: {  	_ =	shalt  }
0x46: {  	_ =	shalt  }
0x47: {  	_ =	shalt  }
0x48: {  	_ =	shalt  }
0x49: {  	_ =	shalt  }
0x4a: {  	_ =	shalt  }
0x4b: {  	_ =	shalt  }
0x4c: {  	_ =	shalt  }
0x4d: {  	_ =	shalt  }
0x4e: {  	_ =	shalt  }
0x4f: {  	_ =	shalt  }
0x50: {  	_ =	shalt  }
0x51: {  	_ =	shalt  }
0x52: {  	_ =	shalt  }
0x53: {  	_ =	shalt  }
0x54: {  	_ =	shalt  }
0x55: {  	_ =	shalt  }
0x56: {  	_ =	shalt  }
0x57: {  	_ =	shalt  }
0x58: {  	_ =	shalt  }
0x59: {  	_ =	shalt  }
0x5a: {  	_ =	shalt  }
0x5b: {  	_ =	shalt  }
0x5c: {  	_ =	shalt  }
0x5d: {  	_ =	shalt  }
0x5e: {  	_ =	shalt  }
0x5f: {  	_ =	shalt  }
0x60: {  	_ =	shalt  }
0x61: {  	_ =	shalt  }
0x62: {  	_ =	shalt  }
0x63: {  	_ =	shalt  }
0x64: {  	_ =	shalt  }
0x65: {  	_ =	shalt  }
0x66: {  	_ =	shalt  }
0x67: {  	_ =	shalt  }
0x68: {  	_ =	shalt  }
0x69: {  	_ =	shalt  }
0x6a: {  	_ =	shalt  }
0x6b: {  	_ =	shalt  }
0x6c: {  	_ =	shalt  }
0x6d: {  	_ =	shalt  }
0x6e: {  	_ =	shalt  }
0x6f: {  	_ =	shalt  }
0x70: {  	_ =	shalt  }
0x71: {  	_ =	shalt  }
0x72: {  	_ =	shalt  }
0x73: {  	_ =	shalt  }
0x74: {  	_ =	shalt  }
0x75: {  	_ =	shalt  }
0x76: {  	_ =	shalt  }
0x77: {  	_ =	shalt  }
0x78: {  	_ =	shalt  }
0x79: {  	_ =	shalt  }
0x7a: {  	_ =	shalt  }
0x7b: {  	_ =	shalt  }
0x7c: {  	_ =	shalt  }
0x7d: {  	_ =	shalt  }
0x7e: {  	_ =	shalt  }
0x7f: {  	_ =	shalt  }
0x80: {  	_ =	shalt  }
0x81: {  	_ =	shalt  }
0x82: {  	_ =	shalt  }
0x83: {  	_ =	shalt  }
0x84: {  	_ =	shalt  }
0x85: {  	_ =	shalt  }
0x86: {  	_ =	shalt  }
0x87: {  	_ =	shalt  }
.Lfunc_end0:
.L_simem_size_0:
called_computation_lowered:
.L_overlay_start_0:
0x88: {  	s2 =	sld [smem:$0x3FD9]  }
0x89: {  	s3 =	sld [smem:$0x3FFE];
	_ =	sdelay $0x1  }
0x8a: {  	s1 =	srdreg.scid  }
0x8b: {  	s0 =	sand.u32 $0x1, s1  }
0x8c: {  	s16 =	sshll.u32 s0, $0xA;
	s2 =	sadd.s32 s3, s2  }
0x8d: {  	s2 =	sadd.s32 s2, s16  }
0x8e: {  	[smem:$0x3FBE] =	sst s2  }
0x8f: {  	_ = 	snop  }
0x90: {  	(tm) =	ssettm $0x1  }
0x91: {  	s17 =	sld [smem:$0x3FFB];
	_ =	sdelay $0x3  }
0x92: {  	_ =	strace s17  }
0x93: {  	s2 =	sld [smem:$0x3FFC];
	_ =	sdelay $0x3  }
0x94: {  	_ =	strace s2  }
0x95: {  	s2 =	sld [smem:$0x3FFD];
	_ =	sdelay $0x3  }
0x96: {  	_ =	strace s2  }
0x97: {  	_ =	strace $0x8FFFFFFF  }
0x98: {  	s18 =	sld [smem:$0x3FDB];
	_ =	sdelay $0x1  }
0x99: {  	s19 =	simm.s32 $_scs_section_size  }
0x9a: {  	s4 =	simm.s32 $_size__tile_overlayer_lowered;
	s5 =	simm.s32 $_tile_overlayer_lowered  }
0x9b: {  	s22 =	simm.s32 $0x1BFF;
	s21 =	sshll.u32 s5, $0x1;
	s2 =	sadd.s32 s19, s18  }
0x9c: {  	s6 =	simm.s32 $0x0;
	s20 =	sshll.u32 s4, $0x1;
	s4 =	sadd.s32 s21, s2  }
0x9d: {  	[timem:s6], [sflag:s22] =	dma.local [hbm:s4], s20  }
0x9e: {  	_ =	swait.ge [sflag:s22], s20  }
0x9f: {  	s3 =	ssub.s32 $0x0, s20;
	[sflag:s22] =	ssyncset.done $0x0  }
0xa0: {  	[sflag:s22] =	ssyncadd.s32 s3;
	_ =	sdelay $0x1  }
0xa1: {  	s23 =	simm.s32 $0x1B8B  }
0xa2: {  	_ =	swait.ge [sflag:s23], $0x1  }
0xa3: {  	[sflag:s23] =	ssyncset.done $0x0  }
0xa4: {  	s25 =	simm.s32 $0x1B8E;
	s24 =	sld [smem:$0x3FFE];
	[sflag:s23] =	ssyncadd.s32 $0xFFFFFFFF  }
0xa5: {  	s26 =	simm.s32 $execute0_lowered;
	[smem:$0x3FD2] =	sst s25  }
0xa6: {  	s4 =	sshll.u32 s26, $0x1;
	_ =	strace $0x80000046;
	[dreg:$0x1] =	wrdreg $0xFFFFFFFF  }
0xa7: {  	s28 =	simm.s32 $_size_execute0_lowered;
	s2 =	sadd.s32 s2, s4;
	[dreg:$0x0] =	wrdreg $0x0  }
0xa8: {  	s4 =	sshll.u32 s28, $0x1;
	[dreg:$0x2] =	wrdreg s2  }
0xa9: {  	[dreg:$0x3] =	wrdreg s4  }
0xaa: {  	[dreg:$0x4] =	wrdreg $0xC0  }
0xab: {  	_ =	task [dreg:s6], $0x5FFFF  }
0xac: {  	[dreg:$0x1] =	wrdreg $0xFFFFFFFF  }
0xad: {  	[dreg:$0x0] =	wrdreg $0x60  }
0xae: {  	[dreg:$0x2] =	wrdreg s24  }
0xaf: {  	[dreg:$0x3] =	wrdreg $0xCB000  }
0xb0: {  	[dreg:$0x4] =	wrdreg $0x9  }
0xb1: {  	_ =	task.clear_ibuf [dreg:s6], $0x5FFFF;
	_ =	strace $0x90000046  }
0xb2: {  	s29 =	simm.s32 $0x9;
	_ =	strace $0x80000048  }
0xb3: {  	_ =	swait.ge [sflag:s29], $0x1  }
0xb4: {  	[sflag:s29] =	ssyncadd.s32 $0xFFFFFFFF  }
0xb5: {  	_ =	strace $0x90000048  }
0xb6: {  	_ =	sfence  }
0xb7: {  	s30 =	sld [smem:$0x0];
	_ =	sdelay $0x2  }
0xb8: {  	s31 =	sshll.u32 s1, $0xD;
	s1 =	sshrl.u32 s1, $0x2  }
0xb9: {  	s3 =	sand.u32 $0x4000, s31;
	s1 =	sadd.s32 s1, s30  }
0xba: {  	s0 =	sor.u32 s3, s0;
	s1 =	sshll.u32 s1, $0x11  }
0xbb: {  	s0 =	sor.u32 s1, s0  }
0xbc: {  	s0 =	sadd.s32 $0x8F2B, s0  }
0xbd: {  	[sflag:s0] =	ssyncadd.remote.s32 $0x1  }
0xbe: {  	_ =	sfence.sel $0xFFFF  }
0xbf: {  	[dreg:$0x0] =	wrdreg $0xFFFFFFFF;
	(pc) =	sbr.abs _section_cstart, $3  }
0xc0: {  	[dreg:$0x1] =	wrdreg $0xFFFFFFFF  }
0xc1: {  	_ =	task.clear_ibuf [dreg:s6], $0x2FFFF;
	_ =	strace $0x9FFFFFFF  }
0xc2: {  	(tm) =	ssettm $0x7FFFFFFF  }
0xc3: {  	_ =	shalt  }
tec
execute0_lowered:
.L_overlay_start_1:
0x0: {  	(tag) =	ssettag $0x1  }
0x1: {  	s6 =	rddreg [dreg:$0x0]  }
0x2: {  	s1 =	rddreg [dreg:$0x1];
	s3 =	srdreg.scid  }
0x3: {  	s0 =	rddreg [dreg:$0x2];
	s2 =	simm.s32 $0x0;
	s19 =	stileid.u32  }
0x4: {  	s15 =	simm.s32 $0x5000;
	s16 =	simm.s32 $0x7800;
	s17 =	simm.s32 $0xC880  }
0x5: {  	s18 =	simm.s32 $0x80;
	s21 =	simm.s32 $0x0;
	s5 =	sand.u32 $0x1, s3  }
0x6: {  	[smem:$0x7FF] =	sst s2;
	s3 =	sadd.s32 $0x1000, s6;
	s4 =	sadd.s32 $0x1600, s6  }
0x7: {  	s11 =	smul.u32 $0xA00, s19;
	p0 =	sne.s32 s19, $0x0;
	s7 =	sshll.u32 s5, $0x4  }
0x8: {  	_ =	strace $0x80000047;
	s9 =	ssub.s32 $0x2, s5;
	s5 =	sadd.s32 $0xE00, s6  }
0x9: {  	s20 =	sshrl.u32 @!p0 s1, $0x3;
	s8 =	sor.u32 s19, s7;
	s10 =	sshrl.u32 s9, $0x1  }
0xa: {  	s13 =	sadd.s32 s7, s6;
	s31 =	sshrl.u32 s11, $0x2;
	s8 =	smul.u32 $0x500, s8  }
0xb: {  	s19 =	simm.s32 $0xA000;
	s14 =	ssub.s32 s9, s10;
	s10 =	sadd.s32 $0x15C00, s13  }
0xc: {  	s13 =	simm.s32 $0x2800;
	s11 =	smax.u32 s14, $0x1;
	s12 =	sadd.s32 s8, s6  }
0xd: {  	s14 =	simm.s32 $0xC800;
	s8 =	sadd.s32 s31, s1;
	s6 =	sadd.s32 $0x1C00, s12  }
0xe: {  	v0 =	vimm.f32 $0.0e+00;
	s7 =	sadd.s32 $0xBC00, s12;
	s9 =	sadd.s32 $0x16600, s12;
	s12 =	simm.s32 $0x1  }
.LBB2_1:
0xf: {  	[tilespmem:s2], [sflag:$0x1] =	stream.linear.gather [hbm4b:s3+s2], $0x2800, $0x38;
	[tilespmem:$0xCD80] =	vst v63  }
0x10: {  	_ =	swait.ge [sflag:s12], $0x2800  }
0x11: {  	[sflag:s12] =	ssyncset.done $0x0  }
0x12: {  	[sflag:s12] =	ssyncadd.s32 $0xFFFFD800  }
0x13: {  	[tilespmem:s13], [sflag:$0x1] =	stream.linear.gather [hbm4b:s4+s2], $0x2800, $0x38;
	[tilespmem:$0xCD80] =	vst v63  }
0x14: {  	_ =	swait.ge [sflag:s12], $0x2800  }
0x15: {  	[sflag:s12] =	ssyncset.done $0x0  }
0x16: {  	[sflag:s12] =	ssyncadd.s32 $0xFFFFD800  }
0x17: {  	[tilespmem:s14], [sflag:$0x1] =	stream.linear.gather [hbm4b:s5+s2], $0x80, $0x38;
	[tilespmem:$0xCD80] =	vst v63  }
0x18: {  	_ =	swait.ge [sflag:s12], $0x80  }
0x19: {  	[sflag:s12] =	ssyncset.done $0x0  }
0x1a: {  	[sflag:s12] =	ssyncadd.s32 $0xFFFFFF80  }
0x1b: {  	[tilespmem:s15], [sflag:$0x1] =	stream.linear.gather [hbm4b:s6+s2], $0x2800, $0x38;
	[tilespmem:$0xCD80] =	vst v63  }
0x1c: {  	_ =	swait.ge [sflag:s12], $0x2800  }
0x1d: {  	[sflag:s12] =	ssyncset.done $0x0  }
0x1e: {  	[sflag:s12] =	ssyncadd.s32 $0xFFFFD800  }
0x1f: {  	[tilespmem:s16], [sflag:$0x1] =	stream.linear.gather [hbm4b:s7+s2], $0x2800, $0x38;
	[tilespmem:$0xCD80] =	vst v63  }
0x20: {  	_ =	swait.ge [sflag:s12], $0x2800  }
0x21: {  	[sflag:s12] =	ssyncset.done $0x0  }
0x22: {  	[sflag:s12] =	ssyncadd.s32 $0xFFFFD800  }
0x23: {  	[tilespmem:$0xC880] =	vst v0  }
0x24: {  	[tilespmem:$0xC890] =	vst v0  }
0x25: {  	[tilespmem:$0xC8A0] =	vst v0  }
0x26: {  	[tilespmem:$0xC8B0] =	vst v0  }
0x27: {  	[tilespmem:$0xC8C0] =	vst v0  }
0x28: {  	[tilespmem:$0xC8D0] =	vst v0  }
0x29: {  	[tilespmem:$0xC8E0] =	vst v0  }
0x2a: {  	[tilespmem:$0xC8F0] =	vst v0  }
0x2b: {  	[tilespmem:$0xC900] =	vst v0  }
0x2c: {  	[tilespmem:$0xC910] =	vst v0  }
0x2d: {  	[tilespmem:$0xC920] =	vst v0  }
0x2e: {  	[tilespmem:$0xC930] =	vst v0  }
0x2f: {  	[tilespmem:$0xC940] =	vst v0  }
0x30: {  	[tilespmem:$0xC950] =	vst v0  }
0x31: {  	[tilespmem:$0xC960] =	vst v0  }
0x32: {  	[tilespmem:$0xC970] =	vst v0  }
0x33: {  	[tilespmem:$0xC980] =	vst v0  }
0x34: {  	[tilespmem:$0xC990] =	vst v0  }
0x35: {  	[tilespmem:$0xC9A0] =	vst v0  }
0x36: {  	[tilespmem:$0xC9B0] =	vst v0  }
0x37: {  	[tilespmem:$0xC9C0] =	vst v0  }
0x38: {  	[tilespmem:$0xC9D0] =	vst v0  }
0x39: {  	[tilespmem:$0xC9E0] =	vst v0  }
0x3a: {  	[tilespmem:$0xC9F0] =	vst v0  }
0x3b: {  	[tilespmem:$0xCA00] =	vst v0  }
0x3c: {  	[tilespmem:$0xCA10] =	vst v0  }
0x3d: {  	[tilespmem:$0xCA20] =	vst v0  }
0x3e: {  	[tilespmem:$0xCA30] =	vst v0  }
0x3f: {  	[tilespmem:$0xCA40] =	vst v0  }
0x40: {  	[tilespmem:$0xCA50] =	vst v0  }
0x41: {  	[tilespmem:$0xCA60] =	vst v0  }
0x42: {  	[tilespmem:$0xCA70] =	vst v0  }
0x43: {  	[tilespmem:$0xCA80] =	vst v0  }
0x44: {  	[tilespmem:$0xCA90] =	vst v0  }
0x45: {  	[tilespmem:$0xCAA0] =	vst v0  }
0x46: {  	[tilespmem:$0xCAB0] =	vst v0  }
0x47: {  	[tilespmem:$0xCAC0] =	vst v0  }
0x48: {  	[tilespmem:$0xCAD0] =	vst v0  }
0x49: {  	[tilespmem:$0xCAE0] =	vst v0  }
0x4a: {  	[tilespmem:$0xCAF0] =	vst v0  }
0x4b: {  	[spmem:s8] =	stream.linear.scatter [tilespmem:s17], [sflag:$0x1], $0x280, $0x38;
	[tilespmem:$0xCD80] =	vst v63  }
0x4c: {  	_ =	swait.ge [sflag:s12], $0x280  }
0x4d: {  	[sflag:s12] =	ssyncset.done $0x0  }
0x4e: {  	[sflag:s12] =	ssyncadd.s32 $0xFFFFFD80  }
0x4f: {  	s22 =	simm.s32 $0x0;
	[bflag:$0x0] =	sbarrier.arrive $0xFFFF  }
0x50: {  	v1 =	vld [tilespmem:s22+$0x5000]  }
0x51: {  	v2 =	vld [tilespmem:s22+$0x7800];
	_ =	sdelay $0x6  }
0x52: {  	v3 =	vld.idx.msk [tilespmem:v1+s2+$0x0], $0xffff  }
0x53: {  	v2 =	vld.idx.msk [tilespmem:v2+s13+$0x0], $0xffff;
	_ =	sdelay $0x4  }
0x54: {  	v1 =	vld [tilespmem:$0xC800];
	v2 =	vadd.f32 v2, v3;
	_ =	sdelay $0x1  }
0x55: {  	v3 =	vmul.f32 $2.000000030e-01, v2  }
0x56: {  	vm0 =	vge.f32 v2, $0.0e+00  }
0x57: {  	v2 =	vsel vm0, v2, v3  }
0x58: {  	v2 =	vsub.f32 v2, v1;
	_ =	sdelay $0x1  }
0x59: {  	v2 =	vmul.f32 $1.442695020e+00, v2;
	_ =	sdelay $0x1  }
0x5a: {  	(erf) = vpow2.f32 v2;
	_ =	sdelay $0x2  }
0x5b: {  	v2 =	vld [tilespmem:s22+$0x5010]  }
0x5c: {  	v3 =	vld [tilespmem:s22+$0x7810];
	_ =	sdelay $0x4  }
0x5d: {  	v4 =	vpop (erf)  }
0x5e: {  	[tilespmem:s22+$0xA000] =	vst v4  }
0x5f: {  	v2 =	vld.idx.msk [tilespmem:v2+s2+$0x0], $0xffff  }
0x60: {  	v3 =	vld.idx.msk [tilespmem:v3+s13+$0x0], $0xffff;
	_ =	sdelay $0x4  }
0x61: {  	v2 =	vadd.f32 v3, v2;
	_ =	sdelay $0x1  }
0x62: {  	v3 =	vmul.f32 $2.000000030e-01, v2  }
0x63: {  	vm9 =	vge.f32 v2, $0.0e+00  }
0x64: {  	v2 =	vsel vm9, v2, v3  }
0x65: {  	v2 =	vsub.f32 v2, v1;
	_ =	sdelay $0x1  }
0x66: {  	v2 =	vmul.f32 $1.442695020e+00, v2;
	_ =	sdelay $0x1  }
0x67: {  	(erf) = vpow2.f32 v2;
	_ =	sdelay $0x2  }
0x68: {  	v2 =	vld [tilespmem:s22+$0x5020]  }
0x69: {  	v3 =	vld [tilespmem:s22+$0x7820];
	_ =	sdelay $0x4  }
0x6a: {  	v58 =	vpop (erf)  }
0x6b: {  	[tilespmem:s22+$0xA010] =	vst v58  }
0x6c: {  	v2 =	vld.idx.msk [tilespmem:v2+s2+$0x0], $0xffff  }
0x6d: {  	v3 =	vld.idx.msk [tilespmem:v3+s13+$0x0], $0xffff;
	_ =	sdelay $0x4  }
0x6e: {  	v2 =	vadd.f32 v3, v2;
	_ =	sdelay $0x1  }
0x6f: {  	v3 =	vmul.f32 $2.000000030e-01, v2  }
0x70: {  	vm10 =	vge.f32 v2, $0.0e+00  }
0x71: {  	v2 =	vsel vm10, v2, v3  }
0x72: {  	v2 =	vsub.f32 v2, v1;
	_ =	sdelay $0x1  }
0x73: {  	v2 =	vmul.f32 $1.442695020e+00, v2;
	_ =	sdelay $0x1  }
0x74: {  	(erf) = vpow2.f32 v2;
	_ =	sdelay $0x2  }
0x75: {  	v2 =	vld [tilespmem:s22+$0x5030]  }
0x76: {  	v3 =	vld [tilespmem:s22+$0x7830];
	_ =	sdelay $0x4  }
0x77: {  	v59 =	vpop (erf)  }
0x78: {  	[tilespmem:s22+$0xA020] =	vst v59  }
0x79: {  	v2 =	vld.idx.msk [tilespmem:v2+s2+$0x0], $0xffff  }
0x7a: {  	v3 =	vld.idx.msk [tilespmem:v3+s13+$0x0], $0xffff;
	_ =	sdelay $0x4  }
0x7b: {  	v2 =	vadd.f32 v3, v2;
	_ =	sdelay $0x1  }
0x7c: {  	v3 =	vmul.f32 $2.000000030e-01, v2  }
0x7d: {  	vm11 =	vge.f32 v2, $0.0e+00  }
0x7e: {  	v2 =	vsel vm11, v2, v3  }
0x7f: {  	v2 =	vsub.f32 v2, v1;
	_ =	sdelay $0x1  }
0x80: {  	v2 =	vmul.f32 $1.442695020e+00, v2;
	_ =	sdelay $0x1  }
0x81: {  	(erf) = vpow2.f32 v2;
	_ =	sdelay $0x2  }
0x82: {  	v2 =	vld [tilespmem:s22+$0x5040]  }
0x83: {  	v3 =	vld [tilespmem:s22+$0x7840];
	_ =	sdelay $0x4  }
0x84: {  	v60 =	vpop (erf)  }
0x85: {  	[tilespmem:s22+$0xA030] =	vst v60  }
0x86: {  	v2 =	vld.idx.msk [tilespmem:v2+s2+$0x0], $0xffff  }
0x87: {  	v3 =	vld.idx.msk [tilespmem:v3+s13+$0x0], $0xffff;
	_ =	sdelay $0x4  }
0x88: {  	v2 =	vadd.f32 v3, v2;
	_ =	sdelay $0x1  }
0x89: {  	v3 =	vmul.f32 $2.000000030e-01, v2  }
0x8a: {  	vm12 =	vge.f32 v2, $0.0e+00  }
0x8b: {  	v2 =	vsel vm12, v2, v3  }
0x8c: {  	v2 =	vsub.f32 v2, v1;
	_ =	sdelay $0x1  }
0x8d: {  	v2 =	vmul.f32 $1.442695020e+00, v2;
	_ =	sdelay $0x1  }
0x8e: {  	(erf) = vpow2.f32 v2;
	_ =	sdelay $0x2  }
0x8f: {  	v2 =	vld [tilespmem:s22+$0x5050]  }
0x90: {  	v3 =	vld [tilespmem:s22+$0x7850];
	_ =	sdelay $0x4  }
0x91: {  	v61 =	vpop (erf)  }
0x92: {  	[tilespmem:s22+$0xA040] =	vst v61  }
0x93: {  	v2 =	vld.idx.msk [tilespmem:v2+s2+$0x0], $0xffff  }
0x94: {  	v3 =	vld.idx.msk [tilespmem:v3+s13+$0x0], $0xffff;
	_ =	sdelay $0x4  }
0x95: {  	v2 =	vadd.f32 v3, v2;
	_ =	sdelay $0x1  }
0x96: {  	v3 =	vmul.f32 $2.000000030e-01, v2  }
0x97: {  	vm13 =	vge.f32 v2, $0.0e+00  }
0x98: {  	v2 =	vsel vm13, v2, v3  }
0x99: {  	v2 =	vsub.f32 v2, v1;
	_ =	sdelay $0x1  }
0x9a: {  	v2 =	vmul.f32 $1.442695020e+00, v2;
	_ =	sdelay $0x1  }
0x9b: {  	(erf) = vpow2.f32 v2;
	_ =	sdelay $0x2  }
0x9c: {  	v2 =	vld [tilespmem:s22+$0x5060]  }
0x9d: {  	v3 =	vld [tilespmem:s22+$0x7860];
	_ =	sdelay $0x4  }
0x9e: {  	v62 =	vpop (erf)  }
0x9f: {  	[tilespmem:s22+$0xA050] =	vst v62  }
0xa0: {  	v2 =	vld.idx.msk [tilespmem:v2+s2+$0x0], $0xffff  }
0xa1: {  	v3 =	vld.idx.msk [tilespmem:v3+s13+$0x0], $0xffff;
	_ =	sdelay $0x4  }
0xa2: {  	v2 =	vadd.f32 v3, v2;
	_ =	sdelay $0x1  }
0xa3: {  	v3 =	vmul.f32 $2.000000030e-01, v2  }
0xa4: {  	vm14 =	vge.f32 v2, $0.0e+00  }
0xa5: {  	v2 =	vsel vm14, v2, v3  }
0xa6: {  	v2 =	vsub.f32 v2, v1;
	_ =	sdelay $0x1  }
0xa7: {  	v2 =	vmul.f32 $1.442695020e+00, v2;
	_ =	sdelay $0x1  }
0xa8: {  	(erf) = vpow2.f32 v2;
	_ =	sdelay $0x2  }
0xa9: {  	v2 =	vld [tilespmem:s22+$0x5070]  }
0xaa: {  	v3 =	vld [tilespmem:s22+$0x7870];
	_ =	sdelay $0x4  }
0xab: {  	v63 =	vpop (erf)  }
0xac: {  	[tilespmem:s22+$0xA060] =	vst v63  }
0xad: {  	v2 =	vld.idx.msk [tilespmem:v2+s2+$0x0], $0xffff  }
0xae: {  	v3 =	vld.idx.msk [tilespmem:v3+s13+$0x0], $0xffff;
	_ =	sdelay $0x4  }
0xaf: {  	v2 =	vadd.f32 v3, v2;
	_ =	sdelay $0x1  }
0xb0: {  	v3 =	vmul.f32 $2.000000030e-01, v2  }
0xb1: {  	vm15 =	vge.f32 v2, $0.0e+00  }
0xb2: {  	v2 =	vsel vm15, v2, v3  }
0xb3: {  	v2 =	vsub.f32 v2, v1;
	_ =	sdelay $0x1  }
0xb4: {  	v2 =	vmul.f32 $1.442695020e+00, v2;
	_ =	sdelay $0x1  }
0xb5: {  	(erf) = vpow2.f32 v2;
	_ =	sdelay $0x1  }
0xb6: {  	s23 =	simm.s32 $0x200;
	s24 =	simm.s32 $0x7800;
	s25 =	simm.s32 $0xA000  }
.LBB2_2:
0xb7: {  	_ =	sdelay $0x2  }
0xb8: {  	p1 =	sne.s32 s23, $0x9E00;
	s26 =	smov.u32 s23;
	s23 =	sadd.s32 $0x200, s23  }
0xb9: {  	_ =	sdelay $0x1  }
0xba: {  	v2 =	vpop (erf)  }
0xbb: {  	[tilespmem:s22+$0xA070] =	vst v2  }
0xbc: {  	[spmem:s1] =	stream.indirect.scatter.add.f32 [tilespmem:s25], [sflag:$0x1], $0x1, s24, s18, $0xb8;
	[tilespmem:$0xCD80] =	vst v63  }
0xbd: {  	_ =	swait.ge [sflag:s12], $0x80  }
0xbe: {  	[sflag:s12] =	ssyncset.done $0x0  }
0xbf: {  	s22 =	sshra.s32 s26, $0x2;
	[sflag:s12] =	ssyncadd.s32 $0xFFFFFF80  }
0xc0: {  	v2 =	vld [tilespmem:s22+$0x5000]  }
0xc1: {  	v3 =	vld [tilespmem:s22+$0x7800];
	_ =	sdelay $0x6  }
0xc2: {  	v2 =	vld.idx.msk [tilespmem:v2+s2+$0x0], $0xffff  }
0xc3: {  	v3 =	vld.idx.msk [tilespmem:v3+s13+$0x0], $0xffff;
	_ =	sdelay $0x5  }
0xc4: {  	v2 =	vadd.f32 v3, v2;
	_ =	sdelay $0x1  }
0xc5: {  	vm0 =	vge.f32 v2, $0.0e+00;
	v3 =	vmul.f32 $2.000000030e-01, v2;
	_ =	sdelay $0x1  }
0xc6: {  	v2 =	vsel vm0, v2, v3  }
0xc7: {  	v2 =	vsub.f32 v2, v1;
	_ =	sdelay $0x1  }
0xc8: {  	v2 =	vmul.f32 $1.442695020e+00, v2;
	_ =	sdelay $0x1  }
0xc9: {  	(erf) = vpow2.f32 v2;
	_ =	sdelay $0x1  }
0xca: {  	v2 =	vld [tilespmem:s22+$0x7810]  }
0xcb: {  	v3 =	vld [tilespmem:s22+$0x5010];
	_ =	sdelay $0x5  }
0xcc: {  	v4 =	vpop (erf)  }
0xcd: {  	[tilespmem:s22+$0xA000] =	vst v4  }
0xce: {  	v3 =	vld.idx.msk [tilespmem:v3+s2+$0x0], $0xffff  }
0xcf: {  	v2 =	vld.idx.msk [tilespmem:v2+s13+$0x0], $0xffff;
	_ =	sdelay $0x5  }
0xd0: {  	v2 =	vadd.f32 v2, v3;
	_ =	sdelay $0x1  }
0xd1: {  	vm0 =	vge.f32 v2, $0.0e+00;
	v3 =	vmul.f32 $2.000000030e-01, v2;
	_ =	sdelay $0x1  }
0xd2: {  	v2 =	vsel vm0, v2, v3  }
0xd3: {  	v2 =	vsub.f32 v2, v1;
	_ =	sdelay $0x1  }
0xd4: {  	v2 =	vmul.f32 $1.442695020e+00, v2;
	_ =	sdelay $0x1  }
0xd5: {  	(erf) = vpow2.f32 v2;
	_ =	sdelay $0x1  }
0xd6: {  	v2 =	vld [tilespmem:s22+$0x7820]  }
0xd7: {  	v3 =	vld [tilespmem:s22+$0x5020];
	_ =	sdelay $0x5  }
0xd8: {  	v4 =	vpop (erf)  }
0xd9: {  	[tilespmem:s22+$0xA010] =	vst v4  }
0xda: {  	v3 =	vld.idx.msk [tilespmem:v3+s2+$0x0], $0xffff  }
0xdb: {  	v2 =	vld.idx.msk [tilespmem:v2+s13+$0x0], $0xffff;
	_ =	sdelay $0x5  }
0xdc: {  	v2 =	vadd.f32 v2, v3;
	_ =	sdelay $0x1  }
0xdd: {  	vm0 =	vge.f32 v2, $0.0e+00;
	v3 =	vmul.f32 $2.000000030e-01, v2;
	_ =	sdelay $0x1  }
0xde: {  	v2 =	vsel vm0, v2, v3  }
0xdf: {  	v2 =	vsub.f32 v2, v1;
	_ =	sdelay $0x1  }
0xe0: {  	v2 =	vmul.f32 $1.442695020e+00, v2;
	_ =	sdelay $0x1  }
0xe1: {  	(erf) = vpow2.f32 v2;
	_ =	sdelay $0x1  }
0xe2: {  	v2 =	vld [tilespmem:s22+$0x7830]  }
0xe3: {  	v3 =	vld [tilespmem:s22+$0x5030];
	_ =	sdelay $0x5  }
0xe4: {  	v4 =	vpop (erf)  }
0xe5: {  	[tilespmem:s22+$0xA020] =	vst v4  }
0xe6: {  	v3 =	vld.idx.msk [tilespmem:v3+s2+$0x0], $0xffff  }
0xe7: {  	v2 =	vld.idx.msk [tilespmem:v2+s13+$0x0], $0xffff;
	_ =	sdelay $0x5  }
0xe8: {  	v2 =	vadd.f32 v2, v3;
	_ =	sdelay $0x1  }
0xe9: {  	vm0 =	vge.f32 v2, $0.0e+00;
	v3 =	vmul.f32 $2.000000030e-01, v2;
	_ =	sdelay $0x1  }
0xea: {  	v2 =	vsel vm0, v2, v3  }
0xeb: {  	v2 =	vsub.f32 v2, v1;
	_ =	sdelay $0x1  }
0xec: {  	v2 =	vmul.f32 $1.442695020e+00, v2;
	_ =	sdelay $0x1  }
0xed: {  	(erf) = vpow2.f32 v2;
	_ =	sdelay $0x1  }
0xee: {  	v2 =	vld [tilespmem:s22+$0x7840]  }
0xef: {  	v3 =	vld [tilespmem:s22+$0x5040];
	_ =	sdelay $0x5  }
0xf0: {  	v4 =	vpop (erf)  }
0xf1: {  	[tilespmem:s22+$0xA030] =	vst v4  }
0xf2: {  	v3 =	vld.idx.msk [tilespmem:v3+s2+$0x0], $0xffff  }
0xf3: {  	v2 =	vld.idx.msk [tilespmem:v2+s13+$0x0], $0xffff;
	_ =	sdelay $0x5  }
0xf4: {  	v2 =	vadd.f32 v2, v3;
	_ =	sdelay $0x1  }
0xf5: {  	vm0 =	vge.f32 v2, $0.0e+00;
	v3 =	vmul.f32 $2.000000030e-01, v2;
	_ =	sdelay $0x1  }
0xf6: {  	v2 =	vsel vm0, v2, v3  }
0xf7: {  	v2 =	vsub.f32 v2, v1;
	_ =	sdelay $0x1  }
0xf8: {  	v2 =	vmul.f32 $1.442695020e+00, v2;
	_ =	sdelay $0x1  }
0xf9: {  	(erf) = vpow2.f32 v2;
	_ =	sdelay $0x1  }
0xfa: {  	v2 =	vld [tilespmem:s22+$0x7850]  }
0xfb: {  	v3 =	vld [tilespmem:s22+$0x5050];
	_ =	sdelay $0x5  }
0xfc: {  	v4 =	vpop (erf)  }
0xfd: {  	[tilespmem:s22+$0xA040] =	vst v4  }
0xfe: {  	v3 =	vld.idx.msk [tilespmem:v3+s2+$0x0], $0xffff  }
0xff: {  	v2 =	vld.idx.msk [tilespmem:v2+s13+$0x0], $0xffff;
	_ =	sdelay $0x5  }
0x100: {  	v2 =	vadd.f32 v2, v3;
	_ =	sdelay $0x1  }
0x101: {  	vm0 =	vge.f32 v2, $0.0e+00;
	v3 =	vmul.f32 $2.000000030e-01, v2;
	_ =	sdelay $0x1  }
0x102: {  	v2 =	vsel vm0, v2, v3  }
0x103: {  	v2 =	vsub.f32 v2, v1;
	_ =	sdelay $0x1  }
0x104: {  	v2 =	vmul.f32 $1.442695020e+00, v2;
	_ =	sdelay $0x1  }
0x105: {  	(erf) = vpow2.f32 v2;
	_ =	sdelay $0x1  }
0x106: {  	v2 =	vld [tilespmem:s22+$0x7860]  }
0x107: {  	v3 =	vld [tilespmem:s22+$0x5060];
	_ =	sdelay $0x5  }
0x108: {  	v4 =	vpop (erf)  }
0x109: {  	[tilespmem:s22+$0xA050] =	vst v4  }
0x10a: {  	v3 =	vld.idx.msk [tilespmem:v3+s2+$0x0], $0xffff  }
0x10b: {  	v2 =	vld.idx.msk [tilespmem:v2+s13+$0x0], $0xffff;
	_ =	sdelay $0x5  }
0x10c: {  	v2 =	vadd.f32 v2, v3;
	_ =	sdelay $0x1  }
0x10d: {  	vm0 =	vge.f32 v2, $0.0e+00;
	v3 =	vmul.f32 $2.000000030e-01, v2;
	_ =	sdelay $0x1  }
0x10e: {  	v2 =	vsel vm0, v2, v3  }
0x10f: {  	v2 =	vsub.f32 v2, v1;
	_ =	sdelay $0x1  }
0x110: {  	v2 =	vmul.f32 $1.442695020e+00, v2;
	_ =	sdelay $0x1  }
0x111: {  	(erf) = vpow2.f32 v2;
	_ =	sdelay $0x1  }
0x112: {  	v2 =	vld [tilespmem:s22+$0x7870]  }
0x113: {  	v3 =	vld [tilespmem:s22+$0x5070];
	_ =	sdelay $0x5  }
0x114: {  	v4 =	vpop (erf)  }
0x115: {  	[tilespmem:s22+$0xA060] =	vst v4  }
0x116: {  	v3 =	vld.idx.msk [tilespmem:v3+s2+$0x0], $0xffff  }
0x117: {  	v2 =	vld.idx.msk [tilespmem:v2+s13+$0x0], $0xffff;
	_ =	sdelay $0x5  }
0x118: {  	v2 =	vadd.f32 v2, v3;
	_ =	sdelay $0x1  }
0x119: {  	vm0 =	vge.f32 v2, $0.0e+00;
	v3 =	vmul.f32 $2.000000030e-01, v2;
	_ =	sdelay $0x1  }
0x11a: {  	v2 =	vsel vm0, v2, v3  }
0x11b: {  	v2 =	vsub.f32 v2, v1;
	_ =	sdelay $0x1  }
.Ltmp0:
0x11c: {  	v2 =	vmul.f32 $1.442695020e+00, v2;
	(pc) =	sbr.rel @p1 .LBB2_2-.Ltmp0, $3  }
0x11d: {  	_ = 	snop  }
0x11e: {  	(erf) = vpow2.f32 v2;
	_ =	sdelay $0x1  }
0x11f: {  	s24 =	sadd.s32 $0x7800, s22;
	s25 =	sadd.s32 $0xA000, s22  }
0x120: {  	_ =	sdelay $0x5  }
0x121: {  	v1 =	vpop (erf)  }
0x122: {  	[tilespmem:s22+$0xA070] =	vst v1  }
0x123: {  	[spmem:s1] =	stream.indirect.scatter.add.f32 [tilespmem:s25], [sflag:$0x1], $0x1, s24, s18, $0xb8;
	[tilespmem:$0xCD80] =	vst v63  }
0x124: {  	_ =	swait.ge [sflag:s12], $0x80  }
0x125: {  	[sflag:s12] =	ssyncset.done $0x0  }
0x126: {  	[sflag:s12] =	ssyncadd.s32 $0xFFFFFF80  }
0x127: {  	[hbm4b:s9+s2] =	stream.linear.scatter [tilespmem:s19], [sflag:$0x1], $0x2800, $0x38;
	[tilespmem:$0xCD80] =	vst v63  }
0x128: {  	s21 =	sadd.s32 $0x1, s21;
	_ =	swait.ge [sflag:s12], $0x2800  }
0x129: {  	s23 =	simm.s32 @!p0 $0x20;
	p1 =	sne.s32 s21, s11;
	[sflag:s12] =	ssyncset.done $0x0  }
0x12a: {  	s22 =	simm.s32 @!p0 $0x1;
	s24 =	simm.s32 @!p0 $0x10;
	[sflag:s12] =	ssyncadd.s32 $0xFFFFD800  }
.Ltmp1:
0x12b: {  	s25 =	simm.s32 @!p0 $0x1C01;
	[bflag:$0x0] =	sbarrier.arrive $0xFFFF;
	(pc) =	sbr.rel @p1 .LBB2_1-.Ltmp1, $4  }
0x12c: {  	[hbm:s10@s23], [sflag:s25] =	dma.strided @!p0 [spmem:s20@s24], $0x500, s22, $0x10   }
0x12d: {  	_ =	swait.ge @!p0 [sflag:s22], $0x500  }
0x12e: {  	[sflag:s22] =	ssyncset.done @!p0 $0x0  }
0x12f: {  	[sflag:s22] =	ssyncadd.s32 @!p0 $0xFFFFFB00  }
0x130: {  	_ =	sfence.sel $0x180000  }
0x131: {  	[bflag:$0x0] =	sbarrier.arrive $0xFFFF  }
0x132: {  	_ =	strace $0x90000047  }
0x133: {  	s0 =	sadd.s32 @!p0 $0x100000, s0;
	[bflag:$0x2] =	sbarrier.arrive $0xFFFF  }
0x134: {  	[sflag:s0] =	ssyncadd.tile.s32 @!p0 $0x1;
	_ =	shalt  }
.Lfunc_end2:
_tile_overlayer_lowered:
.L_overlay_start_2:
0x135: {  	(tag) =	ssettag $0x2  }
0x136: {  	s0 =	rddreg [dreg:$0x0];
	s2 =	stileid.u32  }
0x137: {  	s1 =	rddreg [dreg:$0x1];
	p0 =	sne.s32 s2, $0x0  }
0x138: {  	s3 =	rddreg [dreg:$0x2];
	[bflag:$0x3] =	sbarrier.arrive $0xFFFF;
	s2 =	simm.s32 @!p0 $0x1C01  }
0x139: {  	[timem:s3], [sflag:s2] =	dma.local @!p0 [hbm:s0], s1  }
0x13a: {  	s0 =	simm.s32 @!p0 $0x1  }
0x13b: {  	_ =	swait.ge @!p0 [sflag:s0], s1  }
0x13c: {  	s1 =	ssub.s32 @!p0 $0x0, s1;
	[sflag:s0] =	ssyncset.done @!p0 $0x0  }
0x13d: {  	[sflag:s0] =	ssyncadd.s32 @!p0 s1  }
0x13e: {  	[bflag:$0x3] =	sbarrier.arrive $0xFFFF  }
0x13f: {  	_ =	shalt  }

// kernel: kernel.14.cloned.1.call-start
scs
__scs_entry_jumppad:
0x0: {  	(pc) =	sbr.rel $0x88, $3  }
0x1: {  	(tag) =	ssettag $0x0;
	lr =	simm.s32 $0x1  }
0x2: {  	[smem:$0x3F97] =	sst lr;
	_ =	strace $0xD0000000  }
0x3: {  	_ = 	snop  }
0x4: {  	_ = 	snop  }
0x5: {  	_ = 	snop  }
0x6: {  	_ = 	snop  }
0x7: {  	_ = 	snop  }
__scs_overlays_trampoline_lowered:
0x8: {  	[smem:$0x3FA6] =	sst s0  }
0x9: {  	[smem:$0x3FA7] =	sst s1  }
0xa: {  	[smem:$0x3FA8] =	sst s2  }
0xb: {  	[smem:$0x3FA9] =	sst s3  }
0xc: {  	[smem:$0x3FAA] =	sst s4  }
0xd: {  	[smem:$0x3FAB] =	sst s5  }
0xe: {  	[smem:$0x3FAC] =	sst s6  }
0xf: {  	[smem:$0x3FAD] =	sst s7  }
0x10: {  	[smem:$0x3FAE] =	sst s8  }
0x11: {  	[smem:$0x3FAF] =	sst s9;
	s0 =	simm.s32 @!p0 $0x0  }
0x12: {  	s1 =	sld [smem:$0x3F95];
	s0 =	simm.s32 @p0 $0x1  }
0x13: {  	[smem:$0x3FB0] =	sst s0;
	s0 =	simm.s32 @!p1 $0x0  }
0x14: {  	s2 =	sld [smem:$0x3F94];
	s0 =	simm.s32 @p1 $0x1  }
0x15: {  	[smem:$0x3FB1] =	sst s0;
	s0 =	simm.s32 @!p2 $0x0  }
0x16: {  	s3 =	sld [smem:$0x3FDB];
	s0 =	simm.s32 @p2 $0x1  }
0x17: {  	s4 =	simm.s32 $0x1BF5;
	[smem:$0x3FB3] =	sst s0  }
0x18: {  	s0 =	sld [smem:$0x3F96];
	_ =	swait.ge [sflag:s4], $0x0  }
0x19: {  	s7 =	sld [smem:$0x3F97]  }
0x1a: {  	s8 =	sadd.s32 $0xFFFFE003, lr  }
0x1b: {  	s9 =	sadd.s32 $0xFFFFFEF7, lr;
	s5 =	simm.s32 $0xFFFFFFFF;
	p2 =	slt.u32 s8, $0xFFFFF086  }
0x1c: {  	p1 =	slt.u32 s9, $0xF7A;
	s5 =	simm.s32 @!p2 $0x0  }
0x1d: {  	s5 =	simm.s32 @p1 $0x1;
	p0 =	seq.s32 s7, s2  }
0x1e: {  	s7 =	smul.u32 @!p0 $0xF7A, s2;
	p2 =	seq.s32 @!p0 s5, $0x0  }
0x1f: {  	s9 =	smul.u32 $0xF7A, s1;
	s8 =	simm.s32 @!p0 $0x1BF5;
	p2 =	por !p2, p0  }
0x20: {  	[sflag:s8] =	ssyncset.s32 @!p0 $0xFFFFF086;
	s6 =	sadd.s32 @!p0 s3, s7;
	s7 =	simm.s32 @!p0 $0x108  }
0x21: {  	s3 =	sadd.s32 s3, s9;
	s6 =	sadd.s32 @!p0 $0x88, s6;
	s7 =	simm.s32 @p2 $0x1082  }
0x22: {  	[simem:s7], [sflag:s8] =	dma.local @!p0 [hbm:s6], $0xF7A  }
0x23: {  	s9 =	sor.u32 $0xD0000000, s2;
	s6 =	simm.s32 $0x108;
	_ =	swait.ge @!p0 [sflag:s8], $0x0  }
0x24: {  	s3 =	sadd.s32 $0x88, s3;
	s6 =	simm.s32 @!p1 $0x1082;
	[sflag:s4] =	ssyncset.s32 $0xFFFFF086  }
0x25: {  	[simem:s6], [sflag:s4] =	dma.local [hbm:s3], $0xF7A  }
0x26: {  	[smem:$0x3F97] =	sst s1;
	(tag) =	ssettag s2;
	_ =	strace s9  }
0x27: {  	s1 =	sld [smem:$0x3FA7]  }
0x28: {  	s2 =	sld [smem:$0x3FA8]  }
0x29: {  	s4 =	sld [smem:$0x3FAA]  }
0x2a: {  	p0 =	seq.s32 s5, $0x0;
	s5 =	sld [smem:$0x3FAB]  }
0x2b: {  	s6 =	sld [smem:$0x3FAC]  }
0x2c: {  	s7 =	sld [smem:$0x3FAD]  }
0x2d: {  	s3 =	simm.s32 $0x108;
	s8 =	sld [smem:$0x3FAE]  }
0x2e: {  	s3 =	simm.s32 @!p0 $0x1082;
	s9 =	sld [smem:$0x3FAF]  }
0x2f: {  	lr =	sadd.s32 s0, s3;
	s0 =	sld [smem:$0x3FA6]  }
0x30: {  	s3 =	sld [smem:$0x3FA9]  }
0x31: {  	[smem:$0x3FB2] =	sst s10  }
0x32: {  	s10 =	sld [smem:$0x3FB0];
	_ =	sdelay $0x3  }
0x33: {  	p0 =	seq.s32 s10, $0x1;
	s10 =	sld [smem:$0x3FB2];
	_ =	sdelay $0x3  }
0x34: {  	[smem:$0x3FB2] =	sst s10  }
0x35: {  	s10 =	sld [smem:$0x3FB1];
	_ =	sdelay $0x3  }
0x36: {  	p1 =	seq.s32 s10, $0x1;
	s10 =	sld [smem:$0x3FB2];
	_ =	sdelay $0x3  }
0x37: {  	[smem:$0x3FB2] =	sst s10  }
0x38: {  	s10 =	sld [smem:$0x3FB3]  }
0x39: {  	_ = 	snop;
	(pc) =	sbr.ind lr, $3  }
0x3a: {  	_ = 	snop  }
0x3b: {  	_ = 	snop  }
0x3c: {  	p2 =	seq.s32 s10, $0x1;
	s10 =	sld [smem:$0x3FB2]  }
0x3d: {  	_ =	shalt  }
0x3e: {  	_ =	shalt  }
0x3f: {  	_ =	shalt  }
0x40: {  	_ =	shalt  }
0x41: {  	_ =	shalt  }
0x42: {  	_ =	shalt  }
0x43: {  	_ =	shalt  }
0x44: {  	_ =	shalt  }
0x45: {  	_ =	shalt  }
0x46: {  	_ =	shalt  }
0x47: {  	_ =	shalt  }
0x48: {  	_ =	shalt  }
0x49: {  	_ =	shalt  }
0x4a: {  	_ =	shalt  }
0x4b: {  	_ =	shalt  }
0x4c: {  	_ =	shalt  }
0x4d: {  	_ =	shalt  }
0x4e: {  	_ =	shalt  }
0x4f: {  	_ =	shalt  }
0x50: {  	_ =	shalt  }
0x51: {  	_ =	shalt  }
0x52: {  	_ =	shalt  }
0x53: {  	_ =	shalt  }
0x54: {  	_ =	shalt  }
0x55: {  	_ =	shalt  }
0x56: {  	_ =	shalt  }
0x57: {  	_ =	shalt  }
0x58: {  	_ =	shalt  }
0x59: {  	_ =	shalt  }
0x5a: {  	_ =	shalt  }
0x5b: {  	_ =	shalt  }
0x5c: {  	_ =	shalt  }
0x5d: {  	_ =	shalt  }
0x5e: {  	_ =	shalt  }
0x5f: {  	_ =	shalt  }
0x60: {  	_ =	shalt  }
0x61: {  	_ =	shalt  }
0x62: {  	_ =	shalt  }
0x63: {  	_ =	shalt  }
0x64: {  	_ =	shalt  }
0x65: {  	_ =	shalt  }
0x66: {  	_ =	shalt  }
0x67: {  	_ =	shalt  }
0x68: {  	_ =	shalt  }
0x69: {  	_ =	shalt  }
0x6a: {  	_ =	shalt  }
0x6b: {  	_ =	shalt  }
0x6c: {  	_ =	shalt  }
0x6d: {  	_ =	shalt  }
0x6e: {  	_ =	shalt  }
0x6f: {  	_ =	shalt  }
0x70: {  	_ =	shalt  }
0x71: {  	_ =	shalt  }
0x72: {  	_ =	shalt  }
0x73: {  	_ =	shalt  }
0x74: {  	_ =	shalt  }
0x75: {  	_ =	shalt  }
0x76: {  	_ =	shalt  }
0x77: {  	_ =	shalt  }
0x78: {  	_ =	shalt  }
0x79: {  	_ =	shalt  }
0x7a: {  	_ =	shalt  }
0x7b: {  	_ =	shalt  }
0x7c: {  	_ =	shalt  }
0x7d: {  	_ =	shalt  }
0x7e: {  	_ =	shalt  }
0x7f: {  	_ =	shalt  }
0x80: {  	_ =	shalt  }
0x81: {  	_ =	shalt  }
0x82: {  	_ =	shalt  }
0x83: {  	_ =	shalt  }
0x84: {  	_ =	shalt  }
0x85: {  	_ =	shalt  }
0x86: {  	_ =	shalt  }
0x87: {  	_ =	shalt  }
.Lfunc_end0:
.L_simem_size_0:
called_computation.1_lowered:
.L_overlay_start_0:
0x88: {  	s2 =	sld [smem:$0x3FD9]  }
0x89: {  	s3 =	sld [smem:$0x3FFE];
	_ =	sdelay $0x1  }
0x8a: {  	s1 =	srdreg.scid  }
0x8b: {  	s0 =	sand.u32 $0x1, s1  }
0x8c: {  	s16 =	sshll.u32 s0, $0xA;
	s2 =	sadd.s32 s3, s2  }
0x8d: {  	s2 =	sadd.s32 s2, s16  }
0x8e: {  	[smem:$0x3FBE] =	sst s2  }
0x8f: {  	_ = 	snop  }
0x90: {  	(tm) =	ssettm $0x1  }
0x91: {  	s17 =	sld [smem:$0x3FFB];
	_ =	sdelay $0x3  }
0x92: {  	_ =	strace s17  }
0x93: {  	s2 =	sld [smem:$0x3FFC];
	_ =	sdelay $0x3  }
0x94: {  	_ =	strace s2  }
0x95: {  	s2 =	sld [smem:$0x3FFD];
	_ =	sdelay $0x3  }
0x96: {  	_ =	strace s2  }
0x97: {  	_ =	strace $0x8FFFFFFF  }
0x98: {  	s18 =	sld [smem:$0x3FDB];
	_ =	sdelay $0x1  }
0x99: {  	s19 =	simm.s32 $_scs_section_size  }
0x9a: {  	s4 =	simm.s32 $_size__tile_overlayer_lowered;
	s5 =	simm.s32 $_tile_overlayer_lowered  }
0x9b: {  	s22 =	simm.s32 $0x1BFF;
	s21 =	sshll.u32 s5, $0x1;
	s2 =	sadd.s32 s19, s18  }
0x9c: {  	s6 =	simm.s32 $0x0;
	s20 =	sshll.u32 s4, $0x1;
	s4 =	sadd.s32 s21, s2  }
0x9d: {  	[timem:s6], [sflag:s22] =	dma.local [hbm:s4], s20  }
0x9e: {  	_ =	swait.ge [sflag:s22], s20  }
0x9f: {  	s3 =	ssub.s32 $0x0, s20;
	[sflag:s22] =	ssyncset.done $0x0  }
0xa0: {  	[sflag:s22] =	ssyncadd.s32 s3;
	_ =	sdelay $0x1  }
0xa1: {  	s23 =	simm.s32 $0x1B8B  }
0xa2: {  	_ =	swait.ge [sflag:s23], $0x1  }
0xa3: {  	[sflag:s23] =	ssyncset.done $0x0  }
0xa4: {  	s25 =	simm.s32 $0x1B8E;
	s24 =	sld [smem:$0x3FFE];
	[sflag:s23] =	ssyncadd.s32 $0xFFFFFFFF  }
0xa5: {  	s26 =	simm.s32 $execute0_lowered;
	[smem:$0x3FD2] =	sst s25  }
0xa6: {  	s4 =	sshll.u32 s26, $0x1;
	_ =	strace $0x80000049;
	[dreg:$0x1] =	wrdreg $0xFFFFFFFF  }
0xa7: {  	s28 =	simm.s32 $_size_execute0_lowered;
	s2 =	sadd.s32 s2, s4;
	[dreg:$0x0] =	wrdreg $0x0  }
0xa8: {  	s4 =	sshll.u32 s28, $0x1;
	[dreg:$0x2] =	wrdreg s2  }
0xa9: {  	[dreg:$0x3] =	wrdreg s4  }
0xaa: {  	[dreg:$0x4] =	wrdreg $0xC0  }
0xab: {  	_ =	task [dreg:s6], $0x5FFFF  }
0xac: {  	[dreg:$0x1] =	wrdreg $0xFFFFFFFF  }
0xad: {  	[dreg:$0x0] =	wrdreg $0x60  }
0xae: {  	[dreg:$0x2] =	wrdreg s24  }
0xaf: {  	[dreg:$0x3] =	wrdreg $0xB4000  }
0xb0: {  	[dreg:$0x4] =	wrdreg $0x9  }
0xb1: {  	_ =	task.clear_ibuf [dreg:s6], $0x5FFFF;
	_ =	strace $0x90000049  }
0xb2: {  	s29 =	simm.s32 $0x9;
	_ =	strace $0x8000004B  }
0xb3: {  	_ =	swait.ge [sflag:s29], $0x1  }
0xb4: {  	[sflag:s29] =	ssyncadd.s32 $0xFFFFFFFF  }
0xb5: {  	_ =	strace $0x9000004B  }
0xb6: {  	_ =	sfence  }
0xb7: {  	s30 =	sld [smem:$0x0];
	_ =	sdelay $0x2  }
0xb8: {  	s31 =	sshll.u32 s1, $0xD;
	s1 =	sshrl.u32 s1, $0x2  }
0xb9: {  	s3 =	sand.u32 $0x4000, s31;
	s1 =	sadd.s32 s1, s30  }
0xba: {  	s0 =	sor.u32 s3, s0;
	s1 =	sshll.u32 s1, $0x11  }
0xbb: {  	s0 =	sor.u32 s1, s0  }
0xbc: {  	s0 =	sadd.s32 $0x8F2B, s0  }
0xbd: {  	[sflag:s0] =	ssyncadd.remote.s32 $0x1  }
0xbe: {  	_ =	sfence.sel $0xFFFF  }
0xbf: {  	[dreg:$0x0] =	wrdreg $0xFFFFFFFF;
	(pc) =	sbr.abs _section_cstart, $3  }
0xc0: {  	[dreg:$0x1] =	wrdreg $0xFFFFFFFF  }
0xc1: {  	_ =	task.clear_ibuf [dreg:s6], $0x2FFFF;
	_ =	strace $0x9FFFFFFF  }
0xc2: {  	(tm) =	ssettm $0x7FFFFFFF  }
0xc3: {  	_ =	shalt  }
tec
execute0_lowered:
.L_overlay_start_1:
0x0: {  	(tag) =	ssettag $0x1  }
0x1: {  	s0 =	rddreg [dreg:$0x0]  }
0x2: {  	s1 =	rddreg [dreg:$0x1];
	s2 =	simm.s32 $0x0  }
0x3: {  	s15 =	srdreg.scid;
	s14 =	stileid.u32;
	s24 =	simm.s32 $0x40  }
0x4: {  	s30 =	simm.s32 $0x3;
	s31 =	simm.s32 $0x2;
	s28 =	simm.s32 $0x6C00  }
0x5: {  	s29 =	simm.s32 $0x80;
	[smem:$0x7FF] =	sst s2;
	s9 =	smul.u32 $0xA0, s14  }
0x6: {  	s3 =	sadd.s32 $0x34600, s0;
	s4 =	sadd.s32 $0x20600, s0;
	s11 =	smul.u32 $0x50000, s14  }
0x7: {  	s5 =	sadd.s32 $0x16600, s0;
	s6 =	sadd.s32 $0x15C00, s0;
	s13 =	smul.u32 $0x1400, s14  }
0x8: {  	s7 =	sadd.s32 $0x48600, s0;
	s10 =	sadd.s32 $0x5C600, s0;
	s17 =	smul.u32 $0xA00, s14  }
0x9: {  	_ =	strace $0x8000004A;
	[dreg:$0x3] =	wrdreg s6;
	s6 =	sand.u32 $0x1, s15  }
0xa: {  	s0 =	sadd.s32 $0x84600, s0;
	s21 =	smul.u32 $0x14000, s14;
	s8 =	ssub.s32 $0x2, s6  }
0xb: {  	s16 =	sshrl.u32 s11, $0x2;
	s13 =	sadd.s32 s7, s13;
	s18 =	sor.u32 $0x1, s9  }
0xc: {  	s11 =	sadd.s32 s5, s17;
	p0 =	seq.s32 s6, $0x0;
	s14 =	sor.u32 $0x3, s9  }
0xd: {  	s22 =	sshrl.u32 s21, $0x3;
	s23 =	sadd.s32 s21, s1;
	s17 =	simm.s32 $0x6  }
0xe: {  	s21 =	simm.s32 $0x2900;
	s6 =	simm.s32 $0x4;
	[dreg:$0x4] =	wrdreg s13  }
0xf: {  	s12 =	sshrl.u32 s8, $0x1;
	[dreg:$0x5] =	wrdreg s11;
	s19 =	sshll.u32 s18, $0x5  }
0x10: {  	s13 =	sshll.u32 s18, $0x4;
	s0 =	smov.u32 @p0 s10;
	s4 =	smov.u32 @p0 s3  }
0x11: {  	s18 =	simm.s32 $0xAC00;
	s26 =	sshrl.u32 s23, $0x3;
	s3 =	simm.s32 $0x2B00  }
0x12: {  	v0 =	vlaneseq.u32;
	s10 =	simm.s32 $0x0;
	s12 =	ssub.s32 s8, s12;
	s8 =	sadd.s32 s16, s1  }
0x13: {  	v0 =	vmul.u32 $0x2, v0;
	s11 =	sadd.s32 s7, s19;
	s20 =	sadd.s32 s5, s13;
	[dreg:$0xa] =	wrdreg s26  }
0x14: {  	s13 =	sor.u32 $0x2, s9;
	s0 =	sadd.s32 s0, s22;
	[dreg:$0x6] =	wrdreg s11  }
0x15: {  	v1 =	vimm.f32 $0.0e+00;
	v2 =	vor.u32 $0x1, v0;
	s22 =	simm.s32 $0x5C00;
	s26 =	simm.s32 $0x2B80;
	[dreg:$0x7] =	wrdreg s20  }
0x16: {  	v3 =	vor.u32 $0x20, v0;
	v4 =	vor.u32 $0x21, v0;
	v5 =	vor.u32 $0x40, v0;
	s9 =	simm.s32 $0x5;
	s25 =	smax.u32 s12, $0x1;
	[dreg:$0x9] =	wrdreg s0  }
0x17: {  	v6 =	vor.u32 $0x41, v0;
	v7 =	vor.u32 $0x60, v0;
	v8 =	vor.u32 $0x61, v0;
	s0 =	simm.s32 $0x4C00;
	s20 =	simm.s32 $0x2940;
	[dreg:$0x8] =	wrdreg s25  }
.LBB2_1:
0x18: {  	s11 =	rddreg [dreg:$0x3]  }
0x19: {  	[tilespmem:s2], [sflag:$0x6] =	stream.linear.gather [hbm4b:s11+s2], $0x2800, $0x38;
	[tilespmem:$0x1F400] =	vst v63  }
0x1a: {  	_ =	swait.ge [sflag:s17], $0x2800  }
0x1b: {  	[sflag:s17] =	ssyncset.done $0x0  }
0x1c: {  	[sflag:s17] =	ssyncadd.s32 $0xFFFFD800  }
0x1d: {  	[tilespmem:$0xAC00] =	vst v1  }
0x1e: {  	[tilespmem:$0xAC10] =	vst v1  }
0x1f: {  	[tilespmem:$0xAC20] =	vst v1  }
0x20: {  	[tilespmem:$0xAC30] =	vst v1  }
0x21: {  	[tilespmem:$0xAC40] =	vst v1  }
0x22: {  	[tilespmem:$0xAC50] =	vst v1  }
0x23: {  	[tilespmem:$0xAC60] =	vst v1  }
0x24: {  	[tilespmem:$0xAC70] =	vst v1  }
0x25: {  	[tilespmem:$0xAC80] =	vst v1  }
0x26: {  	[tilespmem:$0xAC90] =	vst v1  }
0x27: {  	[tilespmem:$0xACA0] =	vst v1  }
0x28: {  	[tilespmem:$0xACB0] =	vst v1  }
0x29: {  	[tilespmem:$0xACC0] =	vst v1  }
0x2a: {  	[tilespmem:$0xACD0] =	vst v1  }
0x2b: {  	[tilespmem:$0xACE0] =	vst v1  }
0x2c: {  	[tilespmem:$0xACF0] =	vst v1  }
0x2d: {  	[tilespmem:$0xAD00] =	vst v1  }
0x2e: {  	[tilespmem:$0xAD10] =	vst v1  }
0x2f: {  	[tilespmem:$0xAD20] =	vst v1  }
0x30: {  	[tilespmem:$0xAD30] =	vst v1  }
0x31: {  	[tilespmem:$0xAD40] =	vst v1  }
0x32: {  	[tilespmem:$0xAD50] =	vst v1  }
0x33: {  	[tilespmem:$0xAD60] =	vst v1  }
0x34: {  	[tilespmem:$0xAD70] =	vst v1  }
0x35: {  	[tilespmem:$0xAD80] =	vst v1  }
0x36: {  	[tilespmem:$0xAD90] =	vst v1  }
0x37: {  	[tilespmem:$0xADA0] =	vst v1  }
0x38: {  	[tilespmem:$0xADB0] =	vst v1  }
0x39: {  	[tilespmem:$0xADC0] =	vst v1  }
0x3a: {  	[tilespmem:$0xADD0] =	vst v1  }
0x3b: {  	[tilespmem:$0xADE0] =	vst v1  }
0x3c: {  	[tilespmem:$0xADF0] =	vst v1  }
0x3d: {  	[tilespmem:$0xAE00] =	vst v1  }
0x3e: {  	[tilespmem:$0xAE10] =	vst v1  }
0x3f: {  	[tilespmem:$0xAE20] =	vst v1  }
0x40: {  	[tilespmem:$0xAE30] =	vst v1  }
0x41: {  	[tilespmem:$0xAE40] =	vst v1  }
0x42: {  	[tilespmem:$0xAE50] =	vst v1  }
0x43: {  	[tilespmem:$0xAE60] =	vst v1  }
0x44: {  	[tilespmem:$0xAE70] =	vst v1  }
0x45: {  	[tilespmem:$0xAE80] =	vst v1  }
0x46: {  	[tilespmem:$0xAE90] =	vst v1  }
0x47: {  	[tilespmem:$0xAEA0] =	vst v1  }
0x48: {  	[tilespmem:$0xAEB0] =	vst v1  }
0x49: {  	[tilespmem:$0xAEC0] =	vst v1  }
0x4a: {  	[tilespmem:$0xAED0] =	vst v1  }
0x4b: {  	[tilespmem:$0xAEE0] =	vst v1  }
0x4c: {  	[tilespmem:$0xAEF0] =	vst v1  }
0x4d: {  	[tilespmem:$0xAF00] =	vst v1  }
0x4e: {  	[tilespmem:$0xAF10] =	vst v1  }
0x4f: {  	[tilespmem:$0xAF20] =	vst v1  }
0x50: {  	[tilespmem:$0xAF30] =	vst v1  }
0x51: {  	[tilespmem:$0xAF40] =	vst v1  }
0x52: {  	[tilespmem:$0xAF50] =	vst v1  }
0x53: {  	[tilespmem:$0xAF60] =	vst v1  }
0x54: {  	[tilespmem:$0xAF70] =	vst v1  }
0x55: {  	[tilespmem:$0xAF80] =	vst v1  }
0x56: {  	[tilespmem:$0xAF90] =	vst v1  }
0x57: {  	[tilespmem:$0xAFA0] =	vst v1  }
0x58: {  	[tilespmem:$0xAFB0] =	vst v1  }
0x59: {  	[tilespmem:$0xAFC0] =	vst v1  }
0x5a: {  	[tilespmem:$0xAFD0] =	vst v1  }
0x5b: {  	[tilespmem:$0xAFE0] =	vst v1  }
0x5c: {  	[tilespmem:$0xAFF0] =	vst v1  }
0x5d: {  	[tilespmem:$0xB000] =	vst v1  }
0x5e: {  	[tilespmem:$0xB010] =	vst v1  }
0x5f: {  	[tilespmem:$0xB020] =	vst v1  }
0x60: {  	[tilespmem:$0xB030] =	vst v1  }
0x61: {  	[tilespmem:$0xB040] =	vst v1  }
0x62: {  	[tilespmem:$0xB050] =	vst v1  }
0x63: {  	[tilespmem:$0xB060] =	vst v1  }
0x64: {  	[tilespmem:$0xB070] =	vst v1  }
0x65: {  	[tilespmem:$0xB080] =	vst v1  }
0x66: {  	[tilespmem:$0xB090] =	vst v1  }
0x67: {  	[tilespmem:$0xB0A0] =	vst v1  }
0x68: {  	[tilespmem:$0xB0B0] =	vst v1  }
0x69: {  	[tilespmem:$0xB0C0] =	vst v1  }
0x6a: {  	[tilespmem:$0xB0D0] =	vst v1  }
0x6b: {  	[tilespmem:$0xB0E0] =	vst v1  }
0x6c: {  	[tilespmem:$0xB0F0] =	vst v1  }
0x6d: {  	[tilespmem:$0xB100] =	vst v1  }
0x6e: {  	[tilespmem:$0xB110] =	vst v1  }
0x6f: {  	[tilespmem:$0xB120] =	vst v1  }
0x70: {  	[tilespmem:$0xB130] =	vst v1  }
0x71: {  	[tilespmem:$0xB140] =	vst v1  }
0x72: {  	[tilespmem:$0xB150] =	vst v1  }
0x73: {  	[tilespmem:$0xB160] =	vst v1  }
0x74: {  	[tilespmem:$0xB170] =	vst v1  }
0x75: {  	[tilespmem:$0xB180] =	vst v1  }
0x76: {  	[tilespmem:$0xB190] =	vst v1  }
0x77: {  	[tilespmem:$0xB1A0] =	vst v1  }
0x78: {  	[tilespmem:$0xB1B0] =	vst v1  }
0x79: {  	[tilespmem:$0xB1C0] =	vst v1  }
0x7a: {  	[tilespmem:$0xB1D0] =	vst v1  }
0x7b: {  	[tilespmem:$0xB1E0] =	vst v1  }
0x7c: {  	[tilespmem:$0xB1F0] =	vst v1  }
0x7d: {  	[tilespmem:$0xB200] =	vst v1  }
0x7e: {  	[tilespmem:$0xB210] =	vst v1  }
0x7f: {  	[tilespmem:$0xB220] =	vst v1  }
0x80: {  	[tilespmem:$0xB230] =	vst v1  }
0x81: {  	[tilespmem:$0xB240] =	vst v1  }
0x82: {  	[tilespmem:$0xB250] =	vst v1  }
0x83: {  	[tilespmem:$0xB260] =	vst v1  }
0x84: {  	[tilespmem:$0xB270] =	vst v1  }
0x85: {  	[tilespmem:$0xB280] =	vst v1  }
0x86: {  	[tilespmem:$0xB290] =	vst v1  }
0x87: {  	[tilespmem:$0xB2A0] =	vst v1  }
0x88: {  	[tilespmem:$0xB2B0] =	vst v1  }
0x89: {  	[tilespmem:$0xB2C0] =	vst v1  }
0x8a: {  	[tilespmem:$0xB2D0] =	vst v1  }
0x8b: {  	[tilespmem:$0xB2E0] =	vst v1  }
0x8c: {  	[tilespmem:$0xB2F0] =	vst v1  }
0x8d: {  	[tilespmem:$0xB300] =	vst v1  }
0x8e: {  	[tilespmem:$0xB310] =	vst v1  }
0x8f: {  	[tilespmem:$0xB320] =	vst v1  }
0x90: {  	[tilespmem:$0xB330] =	vst v1  }
0x91: {  	[tilespmem:$0xB340] =	vst v1  }
0x92: {  	[tilespmem:$0xB350] =	vst v1  }
0x93: {  	[tilespmem:$0xB360] =	vst v1  }
0x94: {  	[tilespmem:$0xB370] =	vst v1  }
0x95: {  	[tilespmem:$0xB380] =	vst v1  }
0x96: {  	[tilespmem:$0xB390] =	vst v1  }
0x97: {  	[tilespmem:$0xB3A0] =	vst v1  }
0x98: {  	[tilespmem:$0xB3B0] =	vst v1  }
0x99: {  	[tilespmem:$0xB3C0] =	vst v1  }
0x9a: {  	[tilespmem:$0xB3D0] =	vst v1  }
0x9b: {  	[tilespmem:$0xB3E0] =	vst v1  }
0x9c: {  	s25 =	sadd.s32 $0x0, s8;
	[tilespmem:$0xB3F0] =	vst v1  }
0x9d: {  	[spmem:s25] =	stream.linear.scatter [tilespmem:s18], [sflag:$0x6], $0x800, $0x38;
	[tilespmem:$0x1F400] =	vst v63  }
0x9e: {  	s11 =	simm.s32 $0x2000;
	_ =	swait.ge [sflag:s17], $0x800  }
.LBB2_2:
0x9f: {  	s12 =	sshra.s32 s11, $0x2;
	[sflag:s17] =	ssyncset.done $0x0;
	p0 =	sne.s32 s11, $0x4E000  }
.Ltmp0:
0xa0: {  	s12 =	sadd.s32 s12, s8;
	[sflag:s17] =	ssyncadd.s32 $0xFFFFF800;
	(pc) =	sbr.rel @p0 .LBB2_2-.Ltmp0, $3  }
0xa1: {  	[spmem:s12] =	stream.linear.scatter [tilespmem:s18], [sflag:$0x6], $0x800, $0x38;
	[tilespmem:$0x1F400] =	vst v63  }
0xa2: {  	s11 =	sadd.s32 $0x2000, s11;
	_ =	sdelay $0x1  }
0xa3: {  	_ =	swait.ge [sflag:s17], $0x800  }
0xa4: {  	[sflag:s17] =	ssyncset.done $0x0  }
0xa5: {  	[sflag:s17] =	ssyncadd.s32 $0xFFFFF800  }
0xa6: {  	[bflag:$0x0] =	sbarrier.arrive $0xFFFF  }
0xa7: {  	s11 =	simm.s32 $0x0;
	s15 =	simm.s32 $0x2800;
	s12 =	rddreg [dreg:$0x4]  }
0xa8: {  	[tilespmem:s15], [sflag:$0x1] =	stream.linear.gather [hbm4b:s12+s11], $0x100, $0x38;
	[tilespmem:$0x1F400] =	vst v63  }
0xa9: {  	s16 =	simm.s32 $0x2A00;
	s25 =	rddreg [dreg:$0x5]  }
0xaa: {  	[tilespmem:s16], [sflag:$0x1] =	stream.linear.gather [hbm4b:s25+s11], $0x80, $0x38;
	[tilespmem:$0x1F400] =	vst v63  }
0xab: {  	s19 =	rddreg [dreg:$0x6]  }
0xac: {  	[tilespmem:s21], [sflag:$0x2] =	stream.linear.gather [hbm4b:s19+s11], $0x100, $0x38;
	[tilespmem:$0x1F400] =	vst v63  }
0xad: {  	s23 =	rddreg [dreg:$0x7];
	s25 =	simm.s32 $0x2A80;
	s16 =	simm.s32 $0x1  }
0xae: {  	[tilespmem:s25], [sflag:$0x2] =	stream.linear.gather [hbm4b:s23+s11], $0x80, $0x38;
	[tilespmem:$0x1F400] =	vst v63  }
0xaf: {  	_ =	swait.ge [sflag:s16], $0x100  }
0xb0: {  	[sflag:s16] =	ssyncset.done $0x0  }
0xb1: {  	[sflag:s16] =	ssyncadd.s32 $0xFFFFFF00  }
0xb2: {  	_ =	swait.ge [sflag:s16], $0x80  }
0xb3: {  	[sflag:s16] =	ssyncset.done $0x0  }
0xb4: {  	s19 =	simm.s32 $0x2C00;
	[sflag:s16] =	ssyncadd.s32 $0xFFFFFF80  }
0xb5: {  	[tilespmem:s19], [sflag:$0x3] =	stream.indirect.gather [hbm4b:s4+s24], $0x40, s15, s24, $0xb8;
	[tilespmem:$0x1F400] =	vst v63  }
0xb6: {  	s12 =	simm.s32 $0x0;
	s23 =	simm.s32 $0x2840;
	s25 =	simm.s32 $0x3C00  }
0xb7: {  	[tilespmem:s25], [sflag:$0x3] =	stream.indirect.gather [hbm4b:s4+s24], $0x40, s23, s24, $0xb8;
	[tilespmem:$0x1F400] =	vst v63  }
.LBB2_4:
0xb8: {  	_ =	swait.ge [sflag:s30], $0x1000  }
0xb9: {  	[sflag:s30] =	ssyncset.done $0x0  }
0xba: {  	[sflag:s30] =	ssyncadd.s32 $0xFFFFF000  }
0xbb: {  	_ =	swait.ge [sflag:s30], $0x1000  }
0xbc: {  	[sflag:s30] =	ssyncset.done $0x0  }
0xbd: {  	[sflag:s30] =	ssyncadd.s32 $0xFFFFF000  }
0xbe: {  	_ =	swait.ge [sflag:s31], $0x100  }
0xbf: {  	[sflag:s31] =	ssyncset.done $0x0  }
0xc0: {  	[sflag:s31] =	ssyncadd.s32 $0xFFFFFF00  }
0xc1: {  	_ =	swait.ge [sflag:s31], $0x80  }
0xc2: {  	[sflag:s31] =	ssyncset.done $0x0  }
0xc3: {  	p0 =	seq.s32 s12, $0x0;
	[sflag:s31] =	ssyncadd.s32 $0xFFFFFF80  }
0xc4: {  	[tilespmem:s0], [sflag:$0x4] =	stream.indirect.gather [hbm4b:s4+s24], $0x40, s21, s24, $0xb8;
	[tilespmem:$0x1F400] =	vst v63  }
0xc5: {  	s15 =	simm.s32 @!p0 $0x5  }
0xc6: {  	[tilespmem:s22], [sflag:$0x4] =	stream.indirect.gather [hbm4b:s4+s24], $0x40, s20, s24, $0xb8;
	[tilespmem:$0x1F400] =	vst v63  }
0xc7: {  	_ =	swait.ge @!p0 [sflag:s15], $0x4000  }
0xc8: {  	[sflag:s15] =	ssyncset.done @!p0 $0x0  }
0xc9: {  	[sflag:s15] =	ssyncadd.s32 @!p0 $0xFFFFC000  }
0xca: {  	v9 =	vld [tilespmem:$0x2880];
	_ =	sdelay $0x7  }
0xcb: {  	v10 =	vld.idx.msk [tilespmem:v9+s2+$0x0], $0xffff;
	_ =	sdelay $0x4  }
0xcc: {  	v10 =	vadd.f32 $1.000000020e-16, v10;
	_ =	sdelay $0x1  }
0xcd: {  	(erf) = vrcp.f32 v10;
	_ =	sdelay $0x3  }
0xce: {  	v11 =	vld [tilespmem:$0x2890]  }
0xcf: {  	v10 =	vld [tilespmem:$0x2A00];
	_ =	sdelay $0x3  }
0xd0: {  	v12 =	vpop (erf)  }
0xd1: {  	v10 =	vmul.f32 v12, v10  }
0xd2: {  	[tilespmem:$0x2B00] =	vst v9  }
0xd3: {  	[tilespmem:$0x2B80] =	vst v10  }
0xd4: {  	v9 =	vld.idx.msk [tilespmem:v11+s2+$0x0], $0xffff;
	_ =	sdelay $0x4  }
0xd5: {  	v9 =	vadd.f32 $1.000000020e-16, v9;
	_ =	sdelay $0x1  }
0xd6: {  	(erf) = vrcp.f32 v9;
	_ =	sdelay $0x3  }
0xd7: {  	v10 =	vld [tilespmem:$0x28A0]  }
0xd8: {  	v9 =	vld [tilespmem:$0x2A10];
	_ =	sdelay $0x3  }
0xd9: {  	v12 =	vpop (erf)  }
0xda: {  	v9 =	vmul.f32 v12, v9  }
0xdb: {  	[tilespmem:$0x2B10] =	vst v11  }
0xdc: {  	[tilespmem:$0x2B90] =	vst v9  }
0xdd: {  	v9 =	vld.idx.msk [tilespmem:v10+s2+$0x0], $0xffff;
	_ =	sdelay $0x4  }
0xde: {  	v9 =	vadd.f32 $1.000000020e-16, v9;
	_ =	sdelay $0x1  }
0xdf: {  	(erf) = vrcp.f32 v9;
	_ =	sdelay $0x3  }
0xe0: {  	v11 =	vld [tilespmem:$0x28B0]  }
0xe1: {  	v9 =	vld [tilespmem:$0x2A20];
	_ =	sdelay $0x3  }
0xe2: {  	v12 =	vpop (erf)  }
0xe3: {  	v9 =	vmul.f32 v12, v9  }
0xe4: {  	[tilespmem:$0x2B20] =	vst v10  }
0xe5: {  	[tilespmem:$0x2BA0] =	vst v9  }
0xe6: {  	v9 =	vld.idx.msk [tilespmem:v11+s2+$0x0], $0xffff;
	_ =	sdelay $0x4  }
0xe7: {  	v9 =	vadd.f32 $1.000000020e-16, v9;
	_ =	sdelay $0x1  }
0xe8: {  	(erf) = vrcp.f32 v9;
	_ =	sdelay $0x3  }
0xe9: {  	v10 =	vld [tilespmem:$0x28C0]  }
0xea: {  	v9 =	vld [tilespmem:$0x2A30];
	_ =	sdelay $0x3  }
0xeb: {  	v12 =	vpop (erf)  }
0xec: {  	v9 =	vmul.f32 v12, v9  }
0xed: {  	[tilespmem:$0x2B30] =	vst v11  }
0xee: {  	[tilespmem:$0x2BB0] =	vst v9  }
0xef: {  	v9 =	vld.idx.msk [tilespmem:v10+s2+$0x0], $0xffff;
	_ =	sdelay $0x4  }
0xf0: {  	v9 =	vadd.f32 $1.000000020e-16, v9;
	_ =	sdelay $0x1  }
0xf1: {  	(erf) = vrcp.f32 v9;
	_ =	sdelay $0x3  }
0xf2: {  	v11 =	vld [tilespmem:$0x28D0]  }
0xf3: {  	v9 =	vld [tilespmem:$0x2A40];
	_ =	sdelay $0x3  }
0xf4: {  	v12 =	vpop (erf)  }
0xf5: {  	v9 =	vmul.f32 v12, v9  }
0xf6: {  	[tilespmem:$0x2B40] =	vst v10  }
0xf7: {  	[tilespmem:$0x2BC0] =	vst v9  }
0xf8: {  	v9 =	vld.idx.msk [tilespmem:v11+s2+$0x0], $0xffff;
	_ =	sdelay $0x4  }
0xf9: {  	v9 =	vadd.f32 $1.000000020e-16, v9;
	_ =	sdelay $0x1  }
0xfa: {  	(erf) = vrcp.f32 v9;
	_ =	sdelay $0x3  }
0xfb: {  	v10 =	vld [tilespmem:$0x28E0]  }
0xfc: {  	v9 =	vld [tilespmem:$0x2A50];
	_ =	sdelay $0x3  }
0xfd: {  	v12 =	vpop (erf)  }
0xfe: {  	v9 =	vmul.f32 v12, v9  }
0xff: {  	[tilespmem:$0x2B50] =	vst v11  }
0x100: {  	[tilespmem:$0x2BD0] =	vst v9  }
0x101: {  	v9 =	vld.idx.msk [tilespmem:v10+s2+$0x0], $0xffff;
	_ =	sdelay $0x4  }
0x102: {  	v9 =	vadd.f32 $1.000000020e-16, v9;
	_ =	sdelay $0x1  }
0x103: {  	(erf) = vrcp.f32 v9;
	_ =	sdelay $0x3  }
0x104: {  	v11 =	vld [tilespmem:$0x28F0]  }
0x105: {  	v9 =	vld [tilespmem:$0x2A60];
	_ =	sdelay $0x3  }
0x106: {  	v12 =	vpop (erf)  }
0x107: {  	v9 =	vmul.f32 v12, v9  }
0x108: {  	[tilespmem:$0x2B60] =	vst v10  }
0x109: {  	[tilespmem:$0x2BE0] =	vst v9  }
0x10a: {  	v9 =	vld.idx.msk [tilespmem:v11+s2+$0x0], $0xffff;
	_ =	sdelay $0x4  }
0x10b: {  	v9 =	vadd.f32 $1.000000020e-16, v9;
	_ =	sdelay $0x1  }
0x10c: {  	(erf) = vrcp.f32 v9;
	_ =	sdelay $0x4  }
0x10d: {  	v9 =	vld [tilespmem:$0x2A70];
	_ =	sdelay $0x3  }
0x10e: {  	s19 =	sshll.u32 s12, $0x1;
	p0 =	seq.s32 s12, $0x4F;
	v10 =	vpop (erf)  }
0x10f: {  	s15 =	sadd.s32 @!p0 s19, s13;
	v9 =	vmul.f32 v10, v9  }
0x110: {  	s25 =	simm.s32 @!p0 $0x0;
	s16 =	sshll.u32 @!p0 s15, $0x5;
	[tilespmem:$0x2B70] =	vst v11  }
0x111: {  	s23 =	simm.s32 @!p0 $0x2800;
	s15 =	sshll.u32 @!p0 s15, $0x4;
	s16 =	sadd.s32 @!p0 s7, s16;
	[tilespmem:$0x2BF0] =	vst v9  }
0x112: {  	v9 =	vmov s11;
	[tilespmem:s23], [sflag:$0x1] =	stream.linear.gather @!p0 [hbm4b:s16+s25], $0x100, $0x38;
	[tilespmem:$0x1F400] =	vst v63  }
0x113: {  	s15 =	sadd.s32 @!p0 s5, s15;
	s16 =	simm.s32 @!p0 $0x2A00  }
0x114: {  	[tilespmem:s16], [sflag:$0x1] =	stream.linear.gather @!p0 [hbm4b:s15+s25], $0x80, $0x38;
	[tilespmem:$0x1F400] =	vst v63  }
0x115: {  	s15 =	simm.s32 $0x2C20  }
0x116: {  	v10 =	vld [tilespmem:s15+$0xFFFFFFE0]  }
0x117: {  	v12 =	vld.idx.msk [tilespmem:v9+s26+$0x0], $0xffff  }
0x118: {  	v9 =	vshll.u32 v9, $0x7  }
0x119: {  	v11 =	vor.u32 v0, v9  }
0x11a: {  	v13 =	vor.u32 v2, v9  }
0x11b: {  	v14 =	vshll.u32 v10, $0x10  }
0x11c: {  	v10 =	vand.u32 $0xFFFF0000, v10;
	v14 =	vmul.f32 v14, v12  }
0x11d: {  	v10 =	vmul.f32 v10, v12  }
0x11e: {  	[tilespmem:v11+s28+$0x0] =	vst.idx.msk $0xffff, v14  }
0x11f: {  	[tilespmem:v13+s28+$0x0] =	vst.idx.msk $0xffff, v10  }
0x120: {  	v10 =	vld [tilespmem:s15+$0xFFFFFFF0];
	_ =	sdelay $0x2  }
0x121: {  	v11 =	vor.u32 v3, v9  }
0x122: {  	v13 =	vor.u32 v4, v9  }
0x123: {  	v14 =	vshll.u32 v10, $0x10  }
0x124: {  	v10 =	vand.u32 $0xFFFF0000, v10;
	v14 =	vmul.f32 v14, v12  }
0x125: {  	v10 =	vmul.f32 v10, v12  }
0x126: {  	[tilespmem:v11+s28+$0x0] =	vst.idx.msk $0xffff, v14  }
0x127: {  	[tilespmem:v13+s28+$0x0] =	vst.idx.msk $0xffff, v10  }
0x128: {  	v10 =	vld [tilespmem:s15+$0x0];
	_ =	sdelay $0x2  }
0x129: {  	v11 =	vor.u32 v5, v9  }
0x12a: {  	v13 =	vor.u32 v6, v9  }
0x12b: {  	v14 =	vshll.u32 v10, $0x10  }
0x12c: {  	v10 =	vand.u32 $0xFFFF0000, v10;
	v14 =	vmul.f32 v14, v12  }
0x12d: {  	v10 =	vmul.f32 v10, v12  }
0x12e: {  	[tilespmem:v11+s28+$0x0] =	vst.idx.msk $0xffff, v14  }
0x12f: {  	[tilespmem:v13+s28+$0x0] =	vst.idx.msk $0xffff, v10  }
0x130: {  	v10 =	vld [tilespmem:s15+$0x10];
	_ =	sdelay $0x3  }
0x131: {  	v13 =	vor.u32 v7, v9  }
0x132: {  	v11 =	vshll.u32 v10, $0x10  }
0x133: {  	v14 =	vmul.f32 v11, v12;
	v11 =	vor.u32 v8, v9  }
0x134: {  	s25 =	simm.s32 $0x1  }
0x135: {  	v15 =	vand.u32 $0xFFFF0000, v10;
	v10 =	vmov s25  }
0x136: {  	s16 =	simm.s32 $0x2;
	v12 =	vmul.f32 v15, v12;
	v9 =	vshll.u32 v10, $0x7;
	[tilespmem:v13+s28+$0x0] =	vst.idx.msk $0xffff, v14  }
.LBB2_5:
0x137: {  	p1 =	sne.s32 s16, $0x7F  }
0x138: {  	[tilespmem:v11+s28+$0x0] =	vst.idx.msk $0xffff, v12;
	s15 =	sadd.s32 $0x40, s15;
	s25 =	smov.u32 s16;
	s16 =	sadd.s32 $0x1, s16  }
0x139: {  	v11 =	vld [tilespmem:s15+$0xFFFFFFE0]  }
0x13a: {  	v12 =	vld.idx.msk [tilespmem:v10+s26+$0x0], $0xffff;
	_ =	sdelay $0x2  }
0x13b: {  	v10 =	vor.u32 v0, v9  }
0x13c: {  	v13 =	vor.u32 v2, v9  }
0x13d: {  	v14 =	vshll.u32 v11, $0x10  }
0x13e: {  	v11 =	vand.u32 $0xFFFF0000, v11;
	v14 =	vmul.f32 v14, v12  }
0x13f: {  	v11 =	vmul.f32 v11, v12  }
0x140: {  	[tilespmem:v10+s28+$0x0] =	vst.idx.msk $0xffff, v14  }
0x141: {  	[tilespmem:v13+s28+$0x0] =	vst.idx.msk $0xffff, v11  }
0x142: {  	v10 =	vld [tilespmem:s15+$0xFFFFFFF0];
	_ =	sdelay $0x2  }
0x143: {  	v11 =	vor.u32 v3, v9  }
0x144: {  	v13 =	vor.u32 v4, v9  }
0x145: {  	v14 =	vshll.u32 v10, $0x10;
	v10 =	vand.u32 $0xFFFF0000, v10  }
0x146: {  	v14 =	vmul.f32 v14, v12;
	v10 =	vmul.f32 v10, v12;
	_ =	sdelay $0x1  }
0x147: {  	[tilespmem:v11+s28+$0x0] =	vst.idx.msk $0xffff, v14  }
0x148: {  	[tilespmem:v13+s28+$0x0] =	vst.idx.msk $0xffff, v10  }
0x149: {  	v10 =	vld [tilespmem:s15+$0x0];
	_ =	sdelay $0x2  }
0x14a: {  	v11 =	vor.u32 v5, v9  }
0x14b: {  	v13 =	vor.u32 v6, v9  }
0x14c: {  	v14 =	vshll.u32 v10, $0x10;
	v10 =	vand.u32 $0xFFFF0000, v10  }
0x14d: {  	v14 =	vmul.f32 v14, v12;
	v10 =	vmul.f32 v10, v12;
	_ =	sdelay $0x1  }
0x14e: {  	[tilespmem:v11+s28+$0x0] =	vst.idx.msk $0xffff, v14  }
0x14f: {  	[tilespmem:v13+s28+$0x0] =	vst.idx.msk $0xffff, v10  }
0x150: {  	v10 =	vld [tilespmem:s15+$0x10];
	_ =	sdelay $0x2  }
0x151: {  	v13 =	vor.u32 v7, v9  }
.Ltmp1:
0x152: {  	v11 =	vor.u32 v8, v9;
	(pc) =	sbr.rel @p1 .LBB2_5-.Ltmp1, $4  }
0x153: {  	v9 =	vshll.u32 v10, $0x10;
	v14 =	vand.u32 $0xFFFF0000, v10  }
0x154: {  	v10 =	vmov s25;
	v15 =	vmul.f32 v9, v12;
	v12 =	vmul.f32 v14, v12  }
0x155: {  	v9 =	vshll.u32 v10, $0x7  }
0x156: {  	[tilespmem:v13+s28+$0x0] =	vst.idx.msk $0xffff, v15  }
0x157: {  	_ =	sdelay $0x3  }
0x158: {  	[tilespmem:v11+s28+$0x0] =	vst.idx.msk $0xffff, v12;
	s15 =	sadd.s32 $0x40, s15  }
0x159: {  	v11 =	vld [tilespmem:s15+$0xFFFFFFE0]  }
0x15a: {  	v10 =	vld.idx.msk [tilespmem:v10+s26+$0x0], $0xffff;
	_ =	sdelay $0x1  }
0x15b: {  	v12 =	vor.u32 v0, v9  }
0x15c: {  	v13 =	vor.u32 v2, v9  }
0x15d: {  	v14 =	vshll.u32 v11, $0x10  }
0x15e: {  	v11 =	vand.u32 $0xFFFF0000, v11;
	v14 =	vmul.f32 v14, v10  }
0x15f: {  	v11 =	vmul.f32 v11, v10  }
0x160: {  	[tilespmem:v12+s28+$0x0] =	vst.idx.msk $0xffff, v14  }
0x161: {  	[tilespmem:v13+s28+$0x0] =	vst.idx.msk $0xffff, v11  }
0x162: {  	v11 =	vld [tilespmem:s15+$0xFFFFFFF0];
	_ =	sdelay $0x2  }
0x163: {  	v12 =	vor.u32 v3, v9  }
0x164: {  	v13 =	vor.u32 v4, v9  }
0x165: {  	v14 =	vshll.u32 v11, $0x10  }
0x166: {  	v11 =	vand.u32 $0xFFFF0000, v11;
	v14 =	vmul.f32 v14, v10  }
0x167: {  	v11 =	vmul.f32 v11, v10  }
0x168: {  	[tilespmem:v12+s28+$0x0] =	vst.idx.msk $0xffff, v14  }
0x169: {  	[tilespmem:v13+s28+$0x0] =	vst.idx.msk $0xffff, v11  }
0x16a: {  	v11 =	vld [tilespmem:s15+$0x0];
	_ =	sdelay $0x2  }
0x16b: {  	v12 =	vor.u32 v5, v9  }
0x16c: {  	v13 =	vor.u32 v6, v9  }
0x16d: {  	v14 =	vshll.u32 v11, $0x10  }
0x16e: {  	v11 =	vand.u32 $0xFFFF0000, v11;
	v14 =	vmul.f32 v14, v10  }
0x16f: {  	v11 =	vmul.f32 v11, v10  }
0x170: {  	[tilespmem:v12+s28+$0x0] =	vst.idx.msk $0xffff, v14  }
0x171: {  	[tilespmem:v13+s28+$0x0] =	vst.idx.msk $0xffff, v11  }
0x172: {  	v11 =	vld [tilespmem:s15+$0x10];
	_ =	sdelay $0x2  }
0x173: {  	v12 =	vor.u32 v7, v9  }
0x174: {  	v9 =	vor.u32 v8, v9  }
0x175: {  	v13 =	vshll.u32 v11, $0x10  }
0x176: {  	v11 =	vand.u32 $0xFFFF0000, v11;
	v13 =	vmul.f32 v13, v10  }
0x177: {  	v10 =	vmul.f32 v11, v10  }
0x178: {  	[tilespmem:v12+s28+$0x0] =	vst.idx.msk $0xffff, v13  }
0x179: {  	[tilespmem:v9+s28+$0x0] =	vst.idx.msk $0xffff, v10  }
0x17a: {  	[spmem:s1] =	stream.indirect.scatter.add.f32 [tilespmem:s28], [sflag:$0x5], $0x80, s3, s29, $0xb8;
	[tilespmem:$0x1F400] =	vst v63  }
0x17b: {  	_ =	swait.ge [sflag:s6], $0x1000  }
0x17c: {  	[sflag:s6] =	ssyncset.done $0x0  }
0x17d: {  	[sflag:s6] =	ssyncadd.s32 $0xFFFFF000  }
0x17e: {  	_ =	swait.ge [sflag:s6], $0x1000  }
0x17f: {  	[sflag:s6] =	ssyncset.done $0x0  }
0x180: {  	s15 =	simm.s32 @!p0 $0x1;
	[sflag:s6] =	ssyncadd.s32 $0xFFFFF000  }
0x181: {  	_ =	swait.ge @!p0 [sflag:s15], $0x100  }
0x182: {  	[sflag:s15] =	ssyncset.done @!p0 $0x0  }
0x183: {  	[sflag:s15] =	ssyncadd.s32 @!p0 $0xFFFFFF00  }
0x184: {  	_ =	swait.ge @!p0 [sflag:s15], $0x80  }
0x185: {  	s16 =	simm.s32 @!p0 $0x2800;
	[sflag:s15] =	ssyncset.done @!p0 $0x0  }
0x186: {  	s23 =	simm.s32 @!p0 $0x2C00;
	[sflag:s15] =	ssyncadd.s32 @!p0 $0xFFFFFF80;
	s15 =	simm.s32 @!p0 $0x40  }
0x187: {  	[tilespmem:s23], [sflag:$0x3] =	stream.indirect.gather @!p0 [hbm4b:s4+s15], $0x40, s16, s15, $0xb8;
	[tilespmem:$0x1F400] =	vst v63  }
0x188: {  	s16 =	simm.s32 @!p0 $0x2840;
	s23 =	simm.s32 @!p0 $0x3C00  }
0x189: {  	[tilespmem:s23], [sflag:$0x3] =	stream.indirect.gather @!p0 [hbm4b:s4+s15], $0x40, s16, s15, $0xb8;
	[tilespmem:$0x1F400] =	vst v63  }
0x18a: {  	_ =	swait.ge [sflag:s9], $0x4000  }
0x18b: {  	[sflag:s9] =	ssyncset.done $0x0  }
0x18c: {  	[sflag:s9] =	ssyncadd.s32 $0xFFFFC000  }
0x18d: {  	v9 =	vld [tilespmem:$0x2980];
	_ =	sdelay $0x7  }
0x18e: {  	v10 =	vld.idx.msk [tilespmem:v9+s2+$0x0], $0xffff;
	_ =	sdelay $0x4  }
0x18f: {  	v10 =	vadd.f32 $1.000000020e-16, v10;
	_ =	sdelay $0x1  }
0x190: {  	(erf) = vrcp.f32 v10;
	_ =	sdelay $0x3  }
0x191: {  	v11 =	vld [tilespmem:$0x2990]  }
0x192: {  	v10 =	vld [tilespmem:$0x2A80];
	_ =	sdelay $0x3  }
0x193: {  	v12 =	vpop (erf)  }
0x194: {  	v10 =	vmul.f32 v12, v10  }
0x195: {  	[tilespmem:$0x2B00] =	vst v9  }
0x196: {  	[tilespmem:$0x2B80] =	vst v10  }
0x197: {  	v9 =	vld.idx.msk [tilespmem:v11+s2+$0x0], $0xffff;
	_ =	sdelay $0x4  }
0x198: {  	v9 =	vadd.f32 $1.000000020e-16, v9;
	_ =	sdelay $0x1  }
0x199: {  	(erf) = vrcp.f32 v9;
	_ =	sdelay $0x3  }
0x19a: {  	v10 =	vld [tilespmem:$0x29A0]  }
0x19b: {  	v9 =	vld [tilespmem:$0x2A90];
	_ =	sdelay $0x3  }
0x19c: {  	v12 =	vpop (erf)  }
0x19d: {  	v9 =	vmul.f32 v12, v9  }
0x19e: {  	[tilespmem:$0x2B10] =	vst v11  }
0x19f: {  	[tilespmem:$0x2B90] =	vst v9  }
0x1a0: {  	v9 =	vld.idx.msk [tilespmem:v10+s2+$0x0], $0xffff;
	_ =	sdelay $0x4  }
0x1a1: {  	v9 =	vadd.f32 $1.000000020e-16, v9;
	_ =	sdelay $0x1  }
0x1a2: {  	(erf) = vrcp.f32 v9;
	_ =	sdelay $0x3  }
0x1a3: {  	v11 =	vld [tilespmem:$0x29B0]  }
0x1a4: {  	v9 =	vld [tilespmem:$0x2AA0];
	_ =	sdelay $0x3  }
0x1a5: {  	v12 =	vpop (erf)  }
0x1a6: {  	v9 =	vmul.f32 v12, v9  }
0x1a7: {  	[tilespmem:$0x2B20] =	vst v10  }
0x1a8: {  	[tilespmem:$0x2BA0] =	vst v9  }
0x1a9: {  	v9 =	vld.idx.msk [tilespmem:v11+s2+$0x0], $0xffff;
	_ =	sdelay $0x4  }
0x1aa: {  	v9 =	vadd.f32 $1.000000020e-16, v9;
	_ =	sdelay $0x1  }
0x1ab: {  	(erf) = vrcp.f32 v9;
	_ =	sdelay $0x3  }
0x1ac: {  	v10 =	vld [tilespmem:$0x29C0]  }
0x1ad: {  	v9 =	vld [tilespmem:$0x2AB0];
	_ =	sdelay $0x3  }
0x1ae: {  	v12 =	vpop (erf)  }
0x1af: {  	v9 =	vmul.f32 v12, v9  }
0x1b0: {  	[tilespmem:$0x2B30] =	vst v11  }
0x1b1: {  	[tilespmem:$0x2BB0] =	vst v9  }
0x1b2: {  	v9 =	vld.idx.msk [tilespmem:v10+s2+$0x0], $0xffff;
	_ =	sdelay $0x4  }
0x1b3: {  	v9 =	vadd.f32 $1.000000020e-16, v9;
	_ =	sdelay $0x1  }
0x1b4: {  	(erf) = vrcp.f32 v9;
	_ =	sdelay $0x3  }
0x1b5: {  	v11 =	vld [tilespmem:$0x29D0]  }
0x1b6: {  	v9 =	vld [tilespmem:$0x2AC0];
	_ =	sdelay $0x3  }
0x1b7: {  	v12 =	vpop (erf)  }
0x1b8: {  	v9 =	vmul.f32 v12, v9  }
0x1b9: {  	[tilespmem:$0x2B40] =	vst v10  }
0x1ba: {  	[tilespmem:$0x2BC0] =	vst v9  }
0x1bb: {  	v9 =	vld.idx.msk [tilespmem:v11+s2+$0x0], $0xffff;
	_ =	sdelay $0x4  }
0x1bc: {  	v9 =	vadd.f32 $1.000000020e-16, v9;
	_ =	sdelay $0x1  }
0x1bd: {  	(erf) = vrcp.f32 v9;
	_ =	sdelay $0x3  }
0x1be: {  	v10 =	vld [tilespmem:$0x29E0]  }
0x1bf: {  	v9 =	vld [tilespmem:$0x2AD0];
	_ =	sdelay $0x3  }
0x1c0: {  	v12 =	vpop (erf)  }
0x1c1: {  	v9 =	vmul.f32 v12, v9  }
0x1c2: {  	[tilespmem:$0x2B50] =	vst v11  }
0x1c3: {  	[tilespmem:$0x2BD0] =	vst v9  }
0x1c4: {  	v9 =	vld.idx.msk [tilespmem:v10+s2+$0x0], $0xffff;
	_ =	sdelay $0x4  }
0x1c5: {  	v9 =	vadd.f32 $1.000000020e-16, v9;
	_ =	sdelay $0x1  }
0x1c6: {  	(erf) = vrcp.f32 v9;
	_ =	sdelay $0x3  }
0x1c7: {  	v11 =	vld [tilespmem:$0x29F0]  }
0x1c8: {  	v9 =	vld [tilespmem:$0x2AE0];
	_ =	sdelay $0x3  }
0x1c9: {  	v12 =	vpop (erf)  }
0x1ca: {  	v9 =	vmul.f32 v12, v9  }
0x1cb: {  	[tilespmem:$0x2B60] =	vst v10  }
0x1cc: {  	[tilespmem:$0x2BE0] =	vst v9  }
0x1cd: {  	v9 =	vld.idx.msk [tilespmem:v11+s2+$0x0], $0xffff;
	_ =	sdelay $0x4  }
0x1ce: {  	v9 =	vadd.f32 $1.000000020e-16, v9;
	_ =	sdelay $0x1  }
0x1cf: {  	(erf) = vrcp.f32 v9;
	_ =	sdelay $0x4  }
0x1d0: {  	v9 =	vld [tilespmem:$0x2AF0];
	_ =	sdelay $0x3  }
0x1d1: {  	v10 =	vpop (erf)  }
0x1d2: {  	s15 =	sadd.s32 @!p0 s19, s14;
	v9 =	vmul.f32 v10, v9  }
0x1d3: {  	s16 =	sshll.u32 @!p0 s15, $0x5;
	[tilespmem:$0x2B70] =	vst v11  }
0x1d4: {  	s19 =	simm.s32 @!p0 $0x0;
	s23 =	simm.s32 @!p0 $0x2900;
	s16 =	sadd.s32 @!p0 s7, s16;
	[tilespmem:$0x2BF0] =	vst v9  }
0x1d5: {  	[tilespmem:s23], [sflag:$0x2] =	stream.linear.gather @!p0 [hbm4b:s16+s19], $0x100, $0x38;
	[tilespmem:$0x1F400] =	vst v63  }
0x1d6: {  	s23 =	simm.s32 $0x0  }
0x1d7: {  	s15 =	sshll.u32 @!p0 s15, $0x4;
	v9 =	vmov s23  }
0x1d8: {  	s15 =	sadd.s32 @!p0 s5, s15;
	s16 =	simm.s32 @!p0 $0x2A80  }
0x1d9: {  	[tilespmem:s16], [sflag:$0x2] =	stream.linear.gather @!p0 [hbm4b:s15+s19], $0x80, $0x38;
	[tilespmem:$0x1F400] =	vst v63  }
0x1da: {  	s15 =	simm.s32 $0x4C30  }
0x1db: {  	v10 =	vld [tilespmem:s15+$0xFFFFFFD0]  }
0x1dc: {  	v12 =	vld.idx.msk [tilespmem:v9+s26+$0x0], $0xffff  }
0x1dd: {  	v9 =	vshll.u32 v9, $0x7  }
0x1de: {  	v11 =	vor.u32 v0, v9  }
0x1df: {  	v13 =	vor.u32 v2, v9  }
0x1e0: {  	v14 =	vshll.u32 v10, $0x10  }
0x1e1: {  	v10 =	vand.u32 $0xFFFF0000, v10;
	v14 =	vmul.f32 v14, v12  }
0x1e2: {  	v10 =	vmul.f32 v10, v12  }
0x1e3: {  	[tilespmem:v11+s28+$0x0] =	vst.idx.msk $0xffff, v14  }
0x1e4: {  	[tilespmem:v13+s28+$0x0] =	vst.idx.msk $0xffff, v10  }
0x1e5: {  	v10 =	vld [tilespmem:s15+$0xFFFFFFE0];
	_ =	sdelay $0x2  }
0x1e6: {  	v11 =	vor.u32 v3, v9  }
0x1e7: {  	v13 =	vor.u32 v4, v9  }
0x1e8: {  	v14 =	vshll.u32 v10, $0x10  }
0x1e9: {  	v10 =	vand.u32 $0xFFFF0000, v10;
	v14 =	vmul.f32 v14, v12  }
0x1ea: {  	v10 =	vmul.f32 v10, v12  }
0x1eb: {  	[tilespmem:v11+s28+$0x0] =	vst.idx.msk $0xffff, v14  }
0x1ec: {  	[tilespmem:v13+s28+$0x0] =	vst.idx.msk $0xffff, v10  }
0x1ed: {  	v10 =	vld [tilespmem:s15+$0xFFFFFFF0];
	_ =	sdelay $0x2  }
0x1ee: {  	v11 =	vor.u32 v5, v9  }
0x1ef: {  	v13 =	vor.u32 v6, v9  }
0x1f0: {  	v14 =	vshll.u32 v10, $0x10  }
0x1f1: {  	v10 =	vand.u32 $0xFFFF0000, v10;
	v14 =	vmul.f32 v14, v12  }
0x1f2: {  	v10 =	vmul.f32 v10, v12  }
0x1f3: {  	[tilespmem:v11+s28+$0x0] =	vst.idx.msk $0xffff, v14  }
0x1f4: {  	[tilespmem:v13+s28+$0x0] =	vst.idx.msk $0xffff, v10  }
0x1f5: {  	v10 =	vld [tilespmem:s15+$0x0];
	_ =	sdelay $0x3  }
0x1f6: {  	v13 =	vor.u32 v7, v9  }
0x1f7: {  	v11 =	vshll.u32 v10, $0x10  }
0x1f8: {  	v14 =	vmul.f32 v11, v12;
	v11 =	vor.u32 v8, v9  }
0x1f9: {  	s25 =	simm.s32 $0x1  }
0x1fa: {  	v15 =	vand.u32 $0xFFFF0000, v10;
	v10 =	vmov s25  }
0x1fb: {  	s16 =	simm.s32 $0x2;
	v12 =	vmul.f32 v15, v12;
	v9 =	vshll.u32 v10, $0x7;
	[tilespmem:v13+s28+$0x0] =	vst.idx.msk $0xffff, v14  }
.LBB2_7:
0x1fc: {  	p0 =	sne.s32 s16, $0x7F  }
0x1fd: {  	[tilespmem:v11+s28+$0x0] =	vst.idx.msk $0xffff, v12;
	s15 =	sadd.s32 $0x40, s15;
	s19 =	smov.u32 s16;
	s16 =	sadd.s32 $0x1, s16  }
0x1fe: {  	v11 =	vld [tilespmem:s15+$0xFFFFFFD0]  }
0x1ff: {  	v12 =	vld.idx.msk [tilespmem:v10+s26+$0x0], $0xffff;
	_ =	sdelay $0x2  }
0x200: {  	v10 =	vor.u32 v0, v9  }
0x201: {  	v13 =	vor.u32 v2, v9  }
0x202: {  	v14 =	vshll.u32 v11, $0x10  }
0x203: {  	v11 =	vand.u32 $0xFFFF0000, v11;
	v14 =	vmul.f32 v14, v12  }
0x204: {  	v11 =	vmul.f32 v11, v12  }
0x205: {  	[tilespmem:v10+s28+$0x0] =	vst.idx.msk $0xffff, v14  }
0x206: {  	[tilespmem:v13+s28+$0x0] =	vst.idx.msk $0xffff, v11  }
0x207: {  	v10 =	vld [tilespmem:s15+$0xFFFFFFE0];
	_ =	sdelay $0x2  }
0x208: {  	v11 =	vor.u32 v3, v9  }
0x209: {  	v13 =	vor.u32 v4, v9  }
0x20a: {  	v14 =	vshll.u32 v10, $0x10;
	v10 =	vand.u32 $0xFFFF0000, v10  }
0x20b: {  	v14 =	vmul.f32 v14, v12;
	v10 =	vmul.f32 v10, v12;
	_ =	sdelay $0x1  }
0x20c: {  	[tilespmem:v11+s28+$0x0] =	vst.idx.msk $0xffff, v14  }
0x20d: {  	[tilespmem:v13+s28+$0x0] =	vst.idx.msk $0xffff, v10  }
0x20e: {  	v10 =	vld [tilespmem:s15+$0xFFFFFFF0];
	_ =	sdelay $0x2  }
0x20f: {  	v11 =	vor.u32 v5, v9  }
0x210: {  	v13 =	vor.u32 v6, v9  }
0x211: {  	v14 =	vshll.u32 v10, $0x10;
	v10 =	vand.u32 $0xFFFF0000, v10  }
0x212: {  	v14 =	vmul.f32 v14, v12;
	v10 =	vmul.f32 v10, v12;
	_ =	sdelay $0x1  }
0x213: {  	[tilespmem:v11+s28+$0x0] =	vst.idx.msk $0xffff, v14  }
0x214: {  	[tilespmem:v13+s28+$0x0] =	vst.idx.msk $0xffff, v10  }
0x215: {  	v10 =	vld [tilespmem:s15+$0x0];
	_ =	sdelay $0x2  }
0x216: {  	v13 =	vor.u32 v7, v9  }
.Ltmp2:
0x217: {  	v11 =	vor.u32 v8, v9;
	(pc) =	sbr.rel @p0 .LBB2_7-.Ltmp2, $4  }
0x218: {  	v9 =	vshll.u32 v10, $0x10;
	v14 =	vand.u32 $0xFFFF0000, v10  }
0x219: {  	v10 =	vmov s19;
	v15 =	vmul.f32 v9, v12;
	v12 =	vmul.f32 v14, v12  }
0x21a: {  	v9 =	vshll.u32 v10, $0x7  }
0x21b: {  	[tilespmem:v13+s28+$0x0] =	vst.idx.msk $0xffff, v15  }
0x21c: {  	_ =	sdelay $0x3  }
0x21d: {  	[tilespmem:v11+s28+$0x0] =	vst.idx.msk $0xffff, v12;
	s15 =	sadd.s32 $0x40, s15  }
0x21e: {  	v11 =	vld [tilespmem:s15+$0xFFFFFFD0]  }
0x21f: {  	v10 =	vld.idx.msk [tilespmem:v10+s26+$0x0], $0xffff;
	_ =	sdelay $0x1  }
0x220: {  	v55 =	vor.u32 v0, v9  }
0x221: {  	v13 =	vor.u32 v2, v9  }
0x222: {  	v14 =	vshll.u32 v11, $0x10  }
0x223: {  	v11 =	vand.u32 $0xFFFF0000, v11;
	v14 =	vmul.f32 v14, v10  }
0x224: {  	v11 =	vmul.f32 v11, v10  }
0x225: {  	[tilespmem:v55+s28+$0x0] =	vst.idx.msk $0xffff, v14  }
0x226: {  	[tilespmem:v13+s28+$0x0] =	vst.idx.msk $0xffff, v11  }
0x227: {  	v11 =	vld [tilespmem:s15+$0xFFFFFFE0];
	_ =	sdelay $0x2  }
0x228: {  	v56 =	vor.u32 v3, v9  }
0x229: {  	v57 =	vor.u32 v4, v9  }
0x22a: {  	v58 =	vshll.u32 v11, $0x10  }
0x22b: {  	v11 =	vand.u32 $0xFFFF0000, v11;
	v14 =	vmul.f32 v58, v10  }
0x22c: {  	v11 =	vmul.f32 v11, v10  }
0x22d: {  	[tilespmem:v56+s28+$0x0] =	vst.idx.msk $0xffff, v14  }
0x22e: {  	[tilespmem:v57+s28+$0x0] =	vst.idx.msk $0xffff, v11  }
0x22f: {  	v11 =	vld [tilespmem:s15+$0xFFFFFFF0];
	_ =	sdelay $0x2  }
0x230: {  	v59 =	vor.u32 v5, v9  }
0x231: {  	v60 =	vor.u32 v6, v9  }
0x232: {  	v61 =	vshll.u32 v11, $0x10  }
0x233: {  	v11 =	vand.u32 $0xFFFF0000, v11;
	v14 =	vmul.f32 v61, v10  }
0x234: {  	v11 =	vmul.f32 v11, v10  }
0x235: {  	[tilespmem:v59+s28+$0x0] =	vst.idx.msk $0xffff, v14  }
0x236: {  	[tilespmem:v60+s28+$0x0] =	vst.idx.msk $0xffff, v11  }
0x237: {  	v11 =	vld [tilespmem:s15+$0x0];
	_ =	sdelay $0x2  }
0x238: {  	v62 =	vor.u32 v7, v9  }
0x239: {  	v9 =	vor.u32 v8, v9;
	s12 =	sadd.s32 $0x1, s12  }
0x23a: {  	p0 =	sne.s32 s12, $0x50;
	v63 =	vshll.u32 v11, $0x10  }
.Ltmp3:
0x23b: {  	v11 =	vand.u32 $0xFFFF0000, v11;
	v13 =	vmul.f32 v63, v10;
	(pc) =	sbr.rel @p0 .LBB2_4-.Ltmp3, $4  }
0x23c: {  	v10 =	vmul.f32 v11, v10  }
0x23d: {  	[tilespmem:v62+s28+$0x0] =	vst.idx.msk $0xffff, v13  }
0x23e: {  	[tilespmem:v9+s28+$0x0] =	vst.idx.msk $0xffff, v10  }
0x23f: {  	[spmem:s1] =	stream.indirect.scatter.add.f32 [tilespmem:s28], [sflag:$0x5], $0x80, s3, s29, $0xb8;
	[tilespmem:$0x1F400] =	vst v63  }
0x240: {  	_ =	swait.ge [sflag:s9], $0x4000  }
0x241: {  	[sflag:s9] =	ssyncset.done $0x0  }
0x242: {  	[sflag:s9] =	ssyncadd.s32 $0xFFFFC000  }
0x243: {  	s11 =	stileid.u32;
	[bflag:$0x0] =	sbarrier.arrive $0xFFFF  }
0x244: {  	s11 =	sshll.u32 s11, $0x6;
	s12 =	rddreg [dreg:$0x9]  }
0x245: {  	s11 =	sor.u32 $0x1C06, s11;
	s15 =	rddreg [dreg:$0xa]  }
0x246: {  	[hbm:s12], [sflag:s11] =	dma.local [spmem:s15], $0x2800  }
0x247: {  	_ =	swait.ge [sflag:s17], $0x2800  }
0x248: {  	s10 =	sadd.s32 $0x1, s10;
	s25 =	rddreg [dreg:$0x8]  }
0x249: {  	p0 =	sne.s32 s10, s25  }
.Ltmp4:
0x24a: {  	_ = 	snop;
	(pc) =	sbr.rel @p0 .LBB2_1-.Ltmp4, $3  }
0x24b: {  	_ =	sdelay $0x1  }
0x24c: {  	[sflag:s17] =	ssyncset.done $0x0  }
0x24d: {  	[sflag:s17] =	ssyncadd.s32 $0xFFFFD800  }
0x24e: {  	_ =	sfence.sel $0x180000  }
0x24f: {  	[bflag:$0x0] =	sbarrier.arrive $0xFFFF  }
0x250: {  	_ =	strace $0x9000004A  }
0x251: {  	s0 =	stileid.u32;
	[bflag:$0x2] =	sbarrier.arrive $0xFFFF  }
0x252: {  	p0 =	sne.s32 s0, $0x0;
	s0 =	rddreg [dreg:$0x2]  }
0x253: {  	s0 =	sadd.s32 @!p0 $0x100000, s0  }
0x254: {  	[sflag:s0] =	ssyncadd.tile.s32 @!p0 $0x1;
	_ =	shalt  }
.Lfunc_end2:
_tile_overlayer_lowered:
.L_overlay_start_2:
0x255: {  	(tag) =	ssettag $0x2  }
0x256: {  	s0 =	rddreg [dreg:$0x0];
	s2 =	stileid.u32  }
0x257: {  	s1 =	rddreg [dreg:$0x1];
	p0 =	sne.s32 s2, $0x0  }
0x258: {  	s3 =	rddreg [dreg:$0x2];
	[bflag:$0x3] =	sbarrier.arrive $0xFFFF;
	s2 =	simm.s32 @!p0 $0x1C06  }
0x259: {  	[timem:s3], [sflag:s2] =	dma.local @!p0 [hbm:s0], s1  }
0x25a: {  	s0 =	simm.s32 @!p0 $0x6  }
0x25b: {  	_ =	swait.ge @!p0 [sflag:s0], s1  }
0x25c: {  	s1 =	ssub.s32 @!p0 $0x0, s1;
	[sflag:s0] =	ssyncset.done @!p0 $0x0  }
0x25d: {  	[sflag:s0] =	ssyncadd.s32 @!p0 s1  }
0x25e: {  	[bflag:$0x3] =	sbarrier.arrive $0xFFFF  }
0x25f: {  	_ =	shalt  }

// kernel: kernel.17.cloned.1.call-start
scs
__scs_entry_jumppad:
0x0: {  	(pc) =	sbr.rel $0x88, $3  }
0x1: {  	(tag) =	ssettag $0x0;
	lr =	simm.s32 $0x1  }
0x2: {  	[smem:$0x3F97] =	sst lr;
	_ =	strace $0xD0000000  }
0x3: {  	_ = 	snop  }
0x4: {  	_ = 	snop  }
0x5: {  	_ = 	snop  }
0x6: {  	_ = 	snop  }
0x7: {  	_ = 	snop  }
__scs_overlays_trampoline_lowered:
0x8: {  	[smem:$0x3FA6] =	sst s0  }
0x9: {  	[smem:$0x3FA7] =	sst s1  }
0xa: {  	[smem:$0x3FA8] =	sst s2  }
0xb: {  	[smem:$0x3FA9] =	sst s3  }
0xc: {  	[smem:$0x3FAA] =	sst s4  }
0xd: {  	[smem:$0x3FAB] =	sst s5  }
0xe: {  	[smem:$0x3FAC] =	sst s6  }
0xf: {  	[smem:$0x3FAD] =	sst s7  }
0x10: {  	[smem:$0x3FAE] =	sst s8  }
0x11: {  	[smem:$0x3FAF] =	sst s9;
	s0 =	simm.s32 @!p0 $0x0  }
0x12: {  	s1 =	sld [smem:$0x3F95];
	s0 =	simm.s32 @p0 $0x1  }
0x13: {  	[smem:$0x3FB0] =	sst s0;
	s0 =	simm.s32 @!p1 $0x0  }
0x14: {  	s2 =	sld [smem:$0x3F94];
	s0 =	simm.s32 @p1 $0x1  }
0x15: {  	[smem:$0x3FB1] =	sst s0;
	s0 =	simm.s32 @!p2 $0x0  }
0x16: {  	s3 =	sld [smem:$0x3FDB];
	s0 =	simm.s32 @p2 $0x1  }
0x17: {  	s4 =	simm.s32 $0x1BF5;
	[smem:$0x3FB3] =	sst s0  }
0x18: {  	s0 =	sld [smem:$0x3F96];
	_ =	swait.ge [sflag:s4], $0x0  }
0x19: {  	s7 =	sld [smem:$0x3F97]  }
0x1a: {  	s8 =	sadd.s32 $0xFFFFE003, lr  }
0x1b: {  	s9 =	sadd.s32 $0xFFFFFEF7, lr;
	s5 =	simm.s32 $0xFFFFFFFF;
	p2 =	slt.u32 s8, $0xFFFFF086  }
0x1c: {  	p1 =	slt.u32 s9, $0xF7A;
	s5 =	simm.s32 @!p2 $0x0  }
0x1d: {  	s5 =	simm.s32 @p1 $0x1;
	p0 =	seq.s32 s7, s2  }
0x1e: {  	s7 =	smul.u32 @!p0 $0xF7A, s2;
	p2 =	seq.s32 @!p0 s5, $0x0  }
0x1f: {  	s9 =	smul.u32 $0xF7A, s1;
	s8 =	simm.s32 @!p0 $0x1BF5;
	p2 =	por !p2, p0  }
0x20: {  	[sflag:s8] =	ssyncset.s32 @!p0 $0xFFFFF086;
	s6 =	sadd.s32 @!p0 s3, s7;
	s7 =	simm.s32 @!p0 $0x108  }
0x21: {  	s3 =	sadd.s32 s3, s9;
	s6 =	sadd.s32 @!p0 $0x88, s6;
	s7 =	simm.s32 @p2 $0x1082  }
0x22: {  	[simem:s7], [sflag:s8] =	dma.local @!p0 [hbm:s6], $0xF7A  }
0x23: {  	s9 =	sor.u32 $0xD0000000, s2;
	s6 =	simm.s32 $0x108;
	_ =	swait.ge @!p0 [sflag:s8], $0x0  }
0x24: {  	s3 =	sadd.s32 $0x88, s3;
	s6 =	simm.s32 @!p1 $0x1082;
	[sflag:s4] =	ssyncset.s32 $0xFFFFF086  }
0x25: {  	[simem:s6], [sflag:s4] =	dma.local [hbm:s3], $0xF7A  }
0x26: {  	[smem:$0x3F97] =	sst s1;
	(tag) =	ssettag s2;
	_ =	strace s9  }
0x27: {  	s1 =	sld [smem:$0x3FA7]  }
0x28: {  	s2 =	sld [smem:$0x3FA8]  }
0x29: {  	s4 =	sld [smem:$0x3FAA]  }
0x2a: {  	p0 =	seq.s32 s5, $0x0;
	s5 =	sld [smem:$0x3FAB]  }
0x2b: {  	s6 =	sld [smem:$0x3FAC]  }
0x2c: {  	s7 =	sld [smem:$0x3FAD]  }
0x2d: {  	s3 =	simm.s32 $0x108;
	s8 =	sld [smem:$0x3FAE]  }
0x2e: {  	s3 =	simm.s32 @!p0 $0x1082;
	s9 =	sld [smem:$0x3FAF]  }
0x2f: {  	lr =	sadd.s32 s0, s3;
	s0 =	sld [smem:$0x3FA6]  }
0x30: {  	s3 =	sld [smem:$0x3FA9]  }
0x31: {  	[smem:$0x3FB2] =	sst s10  }
0x32: {  	s10 =	sld [smem:$0x3FB0];
	_ =	sdelay $0x3  }
0x33: {  	p0 =	seq.s32 s10, $0x1;
	s10 =	sld [smem:$0x3FB2];
	_ =	sdelay $0x3  }
0x34: {  	[smem:$0x3FB2] =	sst s10  }
0x35: {  	s10 =	sld [smem:$0x3FB1];
	_ =	sdelay $0x3  }
0x36: {  	p1 =	seq.s32 s10, $0x1;
	s10 =	sld [smem:$0x3FB2];
	_ =	sdelay $0x3  }
0x37: {  	[smem:$0x3FB2] =	sst s10  }
0x38: {  	s10 =	sld [smem:$0x3FB3]  }
0x39: {  	_ = 	snop;
	(pc) =	sbr.ind lr, $3  }
0x3a: {  	_ = 	snop  }
0x3b: {  	_ = 	snop  }
0x3c: {  	p2 =	seq.s32 s10, $0x1;
	s10 =	sld [smem:$0x3FB2]  }
0x3d: {  	_ =	shalt  }
0x3e: {  	_ =	shalt  }
0x3f: {  	_ =	shalt  }
0x40: {  	_ =	shalt  }
0x41: {  	_ =	shalt  }
0x42: {  	_ =	shalt  }
0x43: {  	_ =	shalt  }
0x44: {  	_ =	shalt  }
0x45: {  	_ =	shalt  }
0x46: {  	_ =	shalt  }
0x47: {  	_ =	shalt  }
0x48: {  	_ =	shalt  }
0x49: {  	_ =	shalt  }
0x4a: {  	_ =	shalt  }
0x4b: {  	_ =	shalt  }
0x4c: {  	_ =	shalt  }
0x4d: {  	_ =	shalt  }
0x4e: {  	_ =	shalt  }
0x4f: {  	_ =	shalt  }
0x50: {  	_ =	shalt  }
0x51: {  	_ =	shalt  }
0x52: {  	_ =	shalt  }
0x53: {  	_ =	shalt  }
0x54: {  	_ =	shalt  }
0x55: {  	_ =	shalt  }
0x56: {  	_ =	shalt  }
0x57: {  	_ =	shalt  }
0x58: {  	_ =	shalt  }
0x59: {  	_ =	shalt  }
0x5a: {  	_ =	shalt  }
0x5b: {  	_ =	shalt  }
0x5c: {  	_ =	shalt  }
0x5d: {  	_ =	shalt  }
0x5e: {  	_ =	shalt  }
0x5f: {  	_ =	shalt  }
0x60: {  	_ =	shalt  }
0x61: {  	_ =	shalt  }
0x62: {  	_ =	shalt  }
0x63: {  	_ =	shalt  }
0x64: {  	_ =	shalt  }
0x65: {  	_ =	shalt  }
0x66: {  	_ =	shalt  }
0x67: {  	_ =	shalt  }
0x68: {  	_ =	shalt  }
0x69: {  	_ =	shalt  }
0x6a: {  	_ =	shalt  }
0x6b: {  	_ =	shalt  }
0x6c: {  	_ =	shalt  }
0x6d: {  	_ =	shalt  }
0x6e: {  	_ =	shalt  }
0x6f: {  	_ =	shalt  }
0x70: {  	_ =	shalt  }
0x71: {  	_ =	shalt  }
0x72: {  	_ =	shalt  }
0x73: {  	_ =	shalt  }
0x74: {  	_ =	shalt  }
0x75: {  	_ =	shalt  }
0x76: {  	_ =	shalt  }
0x77: {  	_ =	shalt  }
0x78: {  	_ =	shalt  }
0x79: {  	_ =	shalt  }
0x7a: {  	_ =	shalt  }
0x7b: {  	_ =	shalt  }
0x7c: {  	_ =	shalt  }
0x7d: {  	_ =	shalt  }
0x7e: {  	_ =	shalt  }
0x7f: {  	_ =	shalt  }
0x80: {  	_ =	shalt  }
0x81: {  	_ =	shalt  }
0x82: {  	_ =	shalt  }
0x83: {  	_ =	shalt  }
0x84: {  	_ =	shalt  }
0x85: {  	_ =	shalt  }
0x86: {  	_ =	shalt  }
0x87: {  	_ =	shalt  }
.Lfunc_end0:
.L_simem_size_0:
called_computation.2_lowered:
.L_overlay_start_0:
0x88: {  	s2 =	sld [smem:$0x3FD9]  }
0x89: {  	s3 =	sld [smem:$0x3FFE];
	_ =	sdelay $0x1  }
0x8a: {  	s1 =	srdreg.scid  }
0x8b: {  	s0 =	sand.u32 $0x1, s1  }
0x8c: {  	s16 =	sshll.u32 s0, $0xA;
	s2 =	sadd.s32 s3, s2  }
0x8d: {  	s2 =	sadd.s32 s2, s16  }
0x8e: {  	[smem:$0x3FBE] =	sst s2  }
0x8f: {  	_ = 	snop  }
0x90: {  	(tm) =	ssettm $0x1  }
0x91: {  	s17 =	sld [smem:$0x3FFB];
	_ =	sdelay $0x3  }
0x92: {  	_ =	strace s17  }
0x93: {  	s2 =	sld [smem:$0x3FFC];
	_ =	sdelay $0x3  }
0x94: {  	_ =	strace s2  }
0x95: {  	s2 =	sld [smem:$0x3FFD];
	_ =	sdelay $0x3  }
0x96: {  	_ =	strace s2  }
0x97: {  	_ =	strace $0x8FFFFFFF  }
0x98: {  	s18 =	sld [smem:$0x3FDB];
	_ =	sdelay $0x1  }
0x99: {  	s19 =	simm.s32 $_scs_section_size  }
0x9a: {  	s4 =	simm.s32 $_size__tile_overlayer_lowered;
	s5 =	simm.s32 $_tile_overlayer_lowered  }
0x9b: {  	s22 =	simm.s32 $0x1BFF;
	s21 =	sshll.u32 s5, $0x1;
	s2 =	sadd.s32 s19, s18  }
0x9c: {  	s6 =	simm.s32 $0x0;
	s20 =	sshll.u32 s4, $0x1;
	s4 =	sadd.s32 s21, s2  }
0x9d: {  	[timem:s6], [sflag:s22] =	dma.local [hbm:s4], s20  }
0x9e: {  	_ =	swait.ge [sflag:s22], s20  }
0x9f: {  	s3 =	ssub.s32 $0x0, s20;
	[sflag:s22] =	ssyncset.done $0x0  }
0xa0: {  	[sflag:s22] =	ssyncadd.s32 s3;
	_ =	sdelay $0x1  }
0xa1: {  	s23 =	simm.s32 $0x1B8B  }
0xa2: {  	_ =	swait.ge [sflag:s23], $0x1  }
0xa3: {  	[sflag:s23] =	ssyncset.done $0x0  }
0xa4: {  	s25 =	simm.s32 $0x1B8E;
	s24 =	sld [smem:$0x3FFE];
	[sflag:s23] =	ssyncadd.s32 $0xFFFFFFFF  }
0xa5: {  	s26 =	simm.s32 $execute0_lowered;
	[smem:$0x3FD2] =	sst s25  }
0xa6: {  	s4 =	sshll.u32 s26, $0x1;
	_ =	strace $0x8000004C;
	[dreg:$0x1] =	wrdreg $0xFFFFFFFF  }
0xa7: {  	s28 =	simm.s32 $_size_execute0_lowered;
	s2 =	sadd.s32 s2, s4;
	[dreg:$0x0] =	wrdreg $0x0  }
0xa8: {  	s4 =	sshll.u32 s28, $0x1;
	[dreg:$0x2] =	wrdreg s2  }
0xa9: {  	[dreg:$0x3] =	wrdreg s4  }
0xaa: {  	[dreg:$0x4] =	wrdreg $0xC0  }
0xab: {  	_ =	task [dreg:s6], $0x5FFFF  }
0xac: {  	[dreg:$0x1] =	wrdreg $0xFFFFFFFF  }
0xad: {  	[dreg:$0x0] =	wrdreg $0x60  }
0xae: {  	[dreg:$0x2] =	wrdreg s24  }
0xaf: {  	[dreg:$0x3] =	wrdreg $0xCB000  }
0xb0: {  	[dreg:$0x4] =	wrdreg $0x9  }
0xb1: {  	_ =	task.clear_ibuf [dreg:s6], $0x5FFFF;
	_ =	strace $0x9000004C  }
0xb2: {  	s29 =	simm.s32 $0x9;
	_ =	strace $0x8000004E  }
0xb3: {  	_ =	swait.ge [sflag:s29], $0x1  }
0xb4: {  	[sflag:s29] =	ssyncadd.s32 $0xFFFFFFFF  }
0xb5: {  	_ =	strace $0x9000004E  }
0xb6: {  	_ =	sfence  }
0xb7: {  	s30 =	sld [smem:$0x0];
	_ =	sdelay $0x2  }
0xb8: {  	s31 =	sshll.u32 s1, $0xD;
	s1 =	sshrl.u32 s1, $0x2  }
0xb9: {  	s3 =	sand.u32 $0x4000, s31;
	s1 =	sadd.s32 s1, s30  }
0xba: {  	s0 =	sor.u32 s3, s0;
	s1 =	sshll.u32 s1, $0x11  }
0xbb: {  	s0 =	sor.u32 s1, s0  }
0xbc: {  	s0 =	sadd.s32 $0x8F2B, s0  }
0xbd: {  	[sflag:s0] =	ssyncadd.remote.s32 $0x1  }
0xbe: {  	_ =	sfence.sel $0xFFFF  }
0xbf: {  	[dreg:$0x0] =	wrdreg $0xFFFFFFFF;
	(pc) =	sbr.abs _section_cstart, $3  }
0xc0: {  	[dreg:$0x1] =	wrdreg $0xFFFFFFFF  }
0xc1: {  	_ =	task.clear_ibuf [dreg:s6], $0x2FFFF;
	_ =	strace $0x9FFFFFFF  }
0xc2: {  	(tm) =	ssettm $0x7FFFFFFF  }
0xc3: {  	_ =	shalt  }
tec
execute0_lowered:
.L_overlay_start_1:
0x0: {  	(tag) =	ssettag $0x1  }
0x1: {  	s6 =	rddreg [dreg:$0x0]  }
0x2: {  	s1 =	rddreg [dreg:$0x1];
	s3 =	srdreg.scid  }
0x3: {  	s0 =	rddreg [dreg:$0x2];
	s2 =	simm.s32 $0x0;
	s19 =	stileid.u32  }
0x4: {  	s15 =	simm.s32 $0x5000;
	s16 =	simm.s32 $0x7800;
	s17 =	simm.s32 $0xC880  }
0x5: {  	s18 =	simm.s32 $0x80;
	s21 =	simm.s32 $0x0;
	s5 =	sand.u32 $0x1, s3  }
0x6: {  	[smem:$0x7FF] =	sst s2;
	s3 =	sadd.s32 $0xE00, s6;
	s4 =	sadd.s32 $0x1400, s6  }
0x7: {  	s11 =	smul.u32 $0xA00, s19;
	p0 =	sne.s32 s19, $0x0;
	s7 =	sshll.u32 s5, $0x4  }
0x8: {  	_ =	strace $0x8000004D;
	s9 =	ssub.s32 $0x2, s5;
	s5 =	sadd.s32 $0x1A00, s6  }
0x9: {  	s20 =	sshrl.u32 @!p0 s1, $0x3;
	s8 =	sor.u32 s19, s7;
	s10 =	sshrl.u32 s9, $0x1  }
0xa: {  	s13 =	sadd.s32 s7, s6;
	s31 =	sshrl.u32 s11, $0x2;
	s8 =	smul.u32 $0x500, s8  }
0xb: {  	s19 =	simm.s32 $0xA000;
	s14 =	ssub.s32 s9, s10;
	s10 =	sadd.s32 $0x15C00, s13  }
0xc: {  	s13 =	simm.s32 $0x2800;
	s11 =	smax.u32 s14, $0x1;
	s12 =	sadd.s32 s8, s6  }
0xd: {  	s14 =	simm.s32 $0xC800;
	s8 =	sadd.s32 s31, s1;
	s6 =	sadd.s32 $0x1C00, s12  }
0xe: {  	v0 =	vimm.f32 $0.0e+00;
	s7 =	sadd.s32 $0xBC00, s12;
	s9 =	sadd.s32 $0x16600, s12;
	s12 =	simm.s32 $0x1  }
.LBB2_1:
0xf: {  	[tilespmem:s2], [sflag:$0x1] =	stream.linear.gather [hbm4b:s3+s2], $0x2800, $0x38;
	[tilespmem:$0xCD80] =	vst v63  }
0x10: {  	_ =	swait.ge [sflag:s12], $0x2800  }
0x11: {  	[sflag:s12] =	ssyncset.done $0x0  }
0x12: {  	[sflag:s12] =	ssyncadd.s32 $0xFFFFD800  }
0x13: {  	[tilespmem:s13], [sflag:$0x1] =	stream.linear.gather [hbm4b:s4+s2], $0x2800, $0x38;
	[tilespmem:$0xCD80] =	vst v63  }
0x14: {  	_ =	swait.ge [sflag:s12], $0x2800  }
0x15: {  	[sflag:s12] =	ssyncset.done $0x0  }
0x16: {  	[sflag:s12] =	ssyncadd.s32 $0xFFFFD800  }
0x17: {  	[tilespmem:s14], [sflag:$0x1] =	stream.linear.gather [hbm4b:s5+s2], $0x80, $0x38;
	[tilespmem:$0xCD80] =	vst v63  }
0x18: {  	_ =	swait.ge [sflag:s12], $0x80  }
0x19: {  	[sflag:s12] =	ssyncset.done $0x0  }
0x1a: {  	[sflag:s12] =	ssyncadd.s32 $0xFFFFFF80  }
0x1b: {  	[tilespmem:s15], [sflag:$0x1] =	stream.linear.gather [hbm4b:s6+s2], $0x2800, $0x38;
	[tilespmem:$0xCD80] =	vst v63  }
0x1c: {  	_ =	swait.ge [sflag:s12], $0x2800  }
0x1d: {  	[sflag:s12] =	ssyncset.done $0x0  }
0x1e: {  	[sflag:s12] =	ssyncadd.s32 $0xFFFFD800  }
0x1f: {  	[tilespmem:s16], [sflag:$0x1] =	stream.linear.gather [hbm4b:s7+s2], $0x2800, $0x38;
	[tilespmem:$0xCD80] =	vst v63  }
0x20: {  	_ =	swait.ge [sflag:s12], $0x2800  }
0x21: {  	[sflag:s12] =	ssyncset.done $0x0  }
0x22: {  	[sflag:s12] =	ssyncadd.s32 $0xFFFFD800  }
0x23: {  	[tilespmem:$0xC880] =	vst v0  }
0x24: {  	[tilespmem:$0xC890] =	vst v0  }
0x25: {  	[tilespmem:$0xC8A0] =	vst v0  }
0x26: {  	[tilespmem:$0xC8B0] =	vst v0  }
0x27: {  	[tilespmem:$0xC8C0] =	vst v0  }
0x28: {  	[tilespmem:$0xC8D0] =	vst v0  }
0x29: {  	[tilespmem:$0xC8E0] =	vst v0  }
0x2a: {  	[tilespmem:$0xC8F0] =	vst v0  }
0x2b: {  	[tilespmem:$0xC900] =	vst v0  }
0x2c: {  	[tilespmem:$0xC910] =	vst v0  }
0x2d: {  	[tilespmem:$0xC920] =	vst v0  }
0x2e: {  	[tilespmem:$0xC930] =	vst v0  }
0x2f: {  	[tilespmem:$0xC940] =	vst v0  }
0x30: {  	[tilespmem:$0xC950] =	vst v0  }
0x31: {  	[tilespmem:$0xC960] =	vst v0  }
0x32: {  	[tilespmem:$0xC970] =	vst v0  }
0x33: {  	[tilespmem:$0xC980] =	vst v0  }
0x34: {  	[tilespmem:$0xC990] =	vst v0  }
0x35: {  	[tilespmem:$0xC9A0] =	vst v0  }
0x36: {  	[tilespmem:$0xC9B0] =	vst v0  }
0x37: {  	[tilespmem:$0xC9C0] =	vst v0  }
0x38: {  	[tilespmem:$0xC9D0] =	vst v0  }
0x39: {  	[tilespmem:$0xC9E0] =	vst v0  }
0x3a: {  	[tilespmem:$0xC9F0] =	vst v0  }
0x3b: {  	[tilespmem:$0xCA00] =	vst v0  }
0x3c: {  	[tilespmem:$0xCA10] =	vst v0  }
0x3d: {  	[tilespmem:$0xCA20] =	vst v0  }
0x3e: {  	[tilespmem:$0xCA30] =	vst v0  }
0x3f: {  	[tilespmem:$0xCA40] =	vst v0  }
0x40: {  	[tilespmem:$0xCA50] =	vst v0  }
0x41: {  	[tilespmem:$0xCA60] =	vst v0  }
0x42: {  	[tilespmem:$0xCA70] =	vst v0  }
0x43: {  	[tilespmem:$0xCA80] =	vst v0  }
0x44: {  	[tilespmem:$0xCA90] =	vst v0  }
0x45: {  	[tilespmem:$0xCAA0] =	vst v0  }
0x46: {  	[tilespmem:$0xCAB0] =	vst v0  }
0x47: {  	[tilespmem:$0xCAC0] =	vst v0  }
0x48: {  	[tilespmem:$0xCAD0] =	vst v0  }
0x49: {  	[tilespmem:$0xCAE0] =	vst v0  }
0x4a: {  	[tilespmem:$0xCAF0] =	vst v0  }
0x4b: {  	[spmem:s8] =	stream.linear.scatter [tilespmem:s17], [sflag:$0x1], $0x280, $0x38;
	[tilespmem:$0xCD80] =	vst v63  }
0x4c: {  	_ =	swait.ge [sflag:s12], $0x280  }
0x4d: {  	[sflag:s12] =	ssyncset.done $0x0  }
0x4e: {  	[sflag:s12] =	ssyncadd.s32 $0xFFFFFD80  }
0x4f: {  	s22 =	simm.s32 $0x0;
	[bflag:$0x0] =	sbarrier.arrive $0xFFFF  }
0x50: {  	v1 =	vld [tilespmem:s22+$0x5000]  }
0x51: {  	v2 =	vld [tilespmem:s22+$0x7800];
	_ =	sdelay $0x6  }
0x52: {  	v3 =	vld.idx.msk [tilespmem:v1+s2+$0x0], $0xffff  }
0x53: {  	v2 =	vld.idx.msk [tilespmem:v2+s13+$0x0], $0xffff;
	_ =	sdelay $0x4  }
0x54: {  	v1 =	vld [tilespmem:$0xC800];
	v2 =	vadd.f32 v2, v3;
	_ =	sdelay $0x1  }
0x55: {  	v3 =	vmul.f32 $2.000000030e-01, v2  }
0x56: {  	vm0 =	vge.f32 v2, $0.0e+00  }
0x57: {  	v2 =	vsel vm0, v2, v3  }
0x58: {  	v2 =	vsub.f32 v2, v1;
	_ =	sdelay $0x1  }
0x59: {  	v2 =	vmul.f32 $1.442695020e+00, v2;
	_ =	sdelay $0x1  }
0x5a: {  	(erf) = vpow2.f32 v2;
	_ =	sdelay $0x2  }
0x5b: {  	v2 =	vld [tilespmem:s22+$0x5010]  }
0x5c: {  	v3 =	vld [tilespmem:s22+$0x7810];
	_ =	sdelay $0x4  }
0x5d: {  	v4 =	vpop (erf)  }
0x5e: {  	[tilespmem:s22+$0xA000] =	vst v4  }
0x5f: {  	v2 =	vld.idx.msk [tilespmem:v2+s2+$0x0], $0xffff  }
0x60: {  	v3 =	vld.idx.msk [tilespmem:v3+s13+$0x0], $0xffff;
	_ =	sdelay $0x4  }
0x61: {  	v2 =	vadd.f32 v3, v2;
	_ =	sdelay $0x1  }
0x62: {  	v3 =	vmul.f32 $2.000000030e-01, v2  }
0x63: {  	vm9 =	vge.f32 v2, $0.0e+00  }
0x64: {  	v2 =	vsel vm9, v2, v3  }
0x65: {  	v2 =	vsub.f32 v2, v1;
	_ =	sdelay $0x1  }
0x66: {  	v2 =	vmul.f32 $1.442695020e+00, v2;
	_ =	sdelay $0x1  }
0x67: {  	(erf) = vpow2.f32 v2;
	_ =	sdelay $0x2  }
0x68: {  	v2 =	vld [tilespmem:s22+$0x5020]  }
0x69: {  	v3 =	vld [tilespmem:s22+$0x7820];
	_ =	sdelay $0x4  }
0x6a: {  	v58 =	vpop (erf)  }
0x6b: {  	[tilespmem:s22+$0xA010] =	vst v58  }
0x6c: {  	v2 =	vld.idx.msk [tilespmem:v2+s2+$0x0], $0xffff  }
0x6d: {  	v3 =	vld.idx.msk [tilespmem:v3+s13+$0x0], $0xffff;
	_ =	sdelay $0x4  }
0x6e: {  	v2 =	vadd.f32 v3, v2;
	_ =	sdelay $0x1  }
0x6f: {  	v3 =	vmul.f32 $2.000000030e-01, v2  }
0x70: {  	vm10 =	vge.f32 v2, $0.0e+00  }
0x71: {  	v2 =	vsel vm10, v2, v3  }
0x72: {  	v2 =	vsub.f32 v2, v1;
	_ =	sdelay $0x1  }
0x73: {  	v2 =	vmul.f32 $1.442695020e+00, v2;
	_ =	sdelay $0x1  }
0x74: {  	(erf) = vpow2.f32 v2;
	_ =	sdelay $0x2  }
0x75: {  	v2 =	vld [tilespmem:s22+$0x5030]  }
0x76: {  	v3 =	vld [tilespmem:s22+$0x7830];
	_ =	sdelay $0x4  }
0x77: {  	v59 =	vpop (erf)  }
0x78: {  	[tilespmem:s22+$0xA020] =	vst v59  }
0x79: {  	v2 =	vld.idx.msk [tilespmem:v2+s2+$0x0], $0xffff  }
0x7a: {  	v3 =	vld.idx.msk [tilespmem:v3+s13+$0x0], $0xffff;
	_ =	sdelay $0x4  }
0x7b: {  	v2 =	vadd.f32 v3, v2;
	_ =	sdelay $0x1  }
0x7c: {  	v3 =	vmul.f32 $2.000000030e-01, v2  }
0x7d: {  	vm11 =	vge.f32 v2, $0.0e+00  }
0x7e: {  	v2 =	vsel vm11, v2, v3  }
0x7f: {  	v2 =	vsub.f32 v2, v1;
	_ =	sdelay $0x1  }
0x80: {  	v2 =	vmul.f32 $1.442695020e+00, v2;
	_ =	sdelay $0x1  }
0x81: {  	(erf) = vpow2.f32 v2;
	_ =	sdelay $0x2  }
0x82: {  	v2 =	vld [tilespmem:s22+$0x5040]  }
0x83: {  	v3 =	vld [tilespmem:s22+$0x7840];
	_ =	sdelay $0x4  }
0x84: {  	v60 =	vpop (erf)  }
0x85: {  	[tilespmem:s22+$0xA030] =	vst v60  }
0x86: {  	v2 =	vld.idx.msk [tilespmem:v2+s2+$0x0], $0xffff  }
0x87: {  	v3 =	vld.idx.msk [tilespmem:v3+s13+$0x0], $0xffff;
	_ =	sdelay $0x4  }
0x88: {  	v2 =	vadd.f32 v3, v2;
	_ =	sdelay $0x1  }
0x89: {  	v3 =	vmul.f32 $2.000000030e-01, v2  }
0x8a: {  	vm12 =	vge.f32 v2, $0.0e+00  }
0x8b: {  	v2 =	vsel vm12, v2, v3  }
0x8c: {  	v2 =	vsub.f32 v2, v1;
	_ =	sdelay $0x1  }
0x8d: {  	v2 =	vmul.f32 $1.442695020e+00, v2;
	_ =	sdelay $0x1  }
0x8e: {  	(erf) = vpow2.f32 v2;
	_ =	sdelay $0x2  }
0x8f: {  	v2 =	vld [tilespmem:s22+$0x5050]  }
0x90: {  	v3 =	vld [tilespmem:s22+$0x7850];
	_ =	sdelay $0x4  }
0x91: {  	v61 =	vpop (erf)  }
0x92: {  	[tilespmem:s22+$0xA040] =	vst v61  }
0x93: {  	v2 =	vld.idx.msk [tilespmem:v2+s2+$0x0], $0xffff  }
0x94: {  	v3 =	vld.idx.msk [tilespmem:v3+s13+$0x0], $0xffff;
	_ =	sdelay $0x4  }
0x95: {  	v2 =	vadd.f32 v3, v2;
	_ =	sdelay $0x1  }
0x96: {  	v3 =	vmul.f32 $2.000000030e-01, v2  }
0x97: {  	vm13 =	vge.f32 v2, $0.0e+00  }
0x98: {  	v2 =	vsel vm13, v2, v3  }
0x99: {  	v2 =	vsub.f32 v2, v1;
	_ =	sdelay $0x1  }
0x9a: {  	v2 =	vmul.f32 $1.442695020e+00, v2;
	_ =	sdelay $0x1  }
0x9b: {  	(erf) = vpow2.f32 v2;
	_ =	sdelay $0x2  }
0x9c: {  	v2 =	vld [tilespmem:s22+$0x5060]  }
0x9d: {  	v3 =	vld [tilespmem:s22+$0x7860];
	_ =	sdelay $0x4  }
0x9e: {  	v62 =	vpop (erf)  }
0x9f: {  	[tilespmem:s22+$0xA050] =	vst v62  }
0xa0: {  	v2 =	vld.idx.msk [tilespmem:v2+s2+$0x0], $0xffff  }
0xa1: {  	v3 =	vld.idx.msk [tilespmem:v3+s13+$0x0], $0xffff;
	_ =	sdelay $0x4  }
0xa2: {  	v2 =	vadd.f32 v3, v2;
	_ =	sdelay $0x1  }
0xa3: {  	v3 =	vmul.f32 $2.000000030e-01, v2  }
0xa4: {  	vm14 =	vge.f32 v2, $0.0e+00  }
0xa5: {  	v2 =	vsel vm14, v2, v3  }
0xa6: {  	v2 =	vsub.f32 v2, v1;
	_ =	sdelay $0x1  }
0xa7: {  	v2 =	vmul.f32 $1.442695020e+00, v2;
	_ =	sdelay $0x1  }
0xa8: {  	(erf) = vpow2.f32 v2;
	_ =	sdelay $0x2  }
0xa9: {  	v2 =	vld [tilespmem:s22+$0x5070]  }
0xaa: {  	v3 =	vld [tilespmem:s22+$0x7870];
	_ =	sdelay $0x4  }
0xab: {  	v63 =	vpop (erf)  }
0xac: {  	[tilespmem:s22+$0xA060] =	vst v63  }
0xad: {  	v2 =	vld.idx.msk [tilespmem:v2+s2+$0x0], $0xffff  }
0xae: {  	v3 =	vld.idx.msk [tilespmem:v3+s13+$0x0], $0xffff;
	_ =	sdelay $0x4  }
0xaf: {  	v2 =	vadd.f32 v3, v2;
	_ =	sdelay $0x1  }
0xb0: {  	v3 =	vmul.f32 $2.000000030e-01, v2  }
0xb1: {  	vm15 =	vge.f32 v2, $0.0e+00  }
0xb2: {  	v2 =	vsel vm15, v2, v3  }
0xb3: {  	v2 =	vsub.f32 v2, v1;
	_ =	sdelay $0x1  }
0xb4: {  	v2 =	vmul.f32 $1.442695020e+00, v2;
	_ =	sdelay $0x1  }
0xb5: {  	(erf) = vpow2.f32 v2;
	_ =	sdelay $0x1  }
0xb6: {  	s23 =	simm.s32 $0x200;
	s24 =	simm.s32 $0x7800;
	s25 =	simm.s32 $0xA000  }
.LBB2_2:
0xb7: {  	_ =	sdelay $0x2  }
0xb8: {  	p1 =	sne.s32 s23, $0x9E00;
	s26 =	smov.u32 s23;
	s23 =	sadd.s32 $0x200, s23  }
0xb9: {  	_ =	sdelay $0x1  }
0xba: {  	v2 =	vpop (erf)  }
0xbb: {  	[tilespmem:s22+$0xA070] =	vst v2  }
0xbc: {  	[spmem:s1] =	stream.indirect.scatter.add.f32 [tilespmem:s25], [sflag:$0x1], $0x1, s24, s18, $0xb8;
	[tilespmem:$0xCD80] =	vst v63  }
0xbd: {  	_ =	swait.ge [sflag:s12], $0x80  }
0xbe: {  	[sflag:s12] =	ssyncset.done $0x0  }
0xbf: {  	s22 =	sshra.s32 s26, $0x2;
	[sflag:s12] =	ssyncadd.s32 $0xFFFFFF80  }
0xc0: {  	v2 =	vld [tilespmem:s22+$0x5000]  }
0xc1: {  	v3 =	vld [tilespmem:s22+$0x7800];
	_ =	sdelay $0x6  }
0xc2: {  	v2 =	vld.idx.msk [tilespmem:v2+s2+$0x0], $0xffff  }
0xc3: {  	v3 =	vld.idx.msk [tilespmem:v3+s13+$0x0], $0xffff;
	_ =	sdelay $0x5  }
0xc4: {  	v2 =	vadd.f32 v3, v2;
	_ =	sdelay $0x1  }
0xc5: {  	vm0 =	vge.f32 v2, $0.0e+00;
	v3 =	vmul.f32 $2.000000030e-01, v2;
	_ =	sdelay $0x1  }
0xc6: {  	v2 =	vsel vm0, v2, v3  }
0xc7: {  	v2 =	vsub.f32 v2, v1;
	_ =	sdelay $0x1  }
0xc8: {  	v2 =	vmul.f32 $1.442695020e+00, v2;
	_ =	sdelay $0x1  }
0xc9: {  	(erf) = vpow2.f32 v2;
	_ =	sdelay $0x1  }
0xca: {  	v2 =	vld [tilespmem:s22+$0x7810]  }
0xcb: {  	v3 =	vld [tilespmem:s22+$0x5010];
	_ =	sdelay $0x5  }
0xcc: {  	v4 =	vpop (erf)  }
0xcd: {  	[tilespmem:s22+$0xA000] =	vst v4  }
0xce: {  	v3 =	vld.idx.msk [tilespmem:v3+s2+$0x0], $0xffff  }
0xcf: {  	v2 =	vld.idx.msk [tilespmem:v2+s13+$0x0], $0xffff;
	_ =	sdelay $0x5  }
0xd0: {  	v2 =	vadd.f32 v2, v3;
	_ =	sdelay $0x1  }
0xd1: {  	vm0 =	vge.f32 v2, $0.0e+00;
	v3 =	vmul.f32 $2.000000030e-01, v2;
	_ =	sdelay $0x1  }
0xd2: {  	v2 =	vsel vm0, v2, v3  }
0xd3: {  	v2 =	vsub.f32 v2, v1;
	_ =	sdelay $0x1  }
0xd4: {  	v2 =	vmul.f32 $1.442695020e+00, v2;
	_ =	sdelay $0x1  }
0xd5: {  	(erf) = vpow2.f32 v2;
	_ =	sdelay $0x1  }
0xd6: {  	v2 =	vld [tilespmem:s22+$0x7820]  }
0xd7: {  	v3 =	vld [tilespmem:s22+$0x5020];
	_ =	sdelay $0x5  }
0xd8: {  	v4 =	vpop (erf)  }
0xd9: {  	[tilespmem:s22+$0xA010] =	vst v4  }
0xda: {  	v3 =	vld.idx.msk [tilespmem:v3+s2+$0x0], $0xffff  }
0xdb: {  	v2 =	vld.idx.msk [tilespmem:v2+s13+$0x0], $0xffff;
	_ =	sdelay $0x5  }
0xdc: {  	v2 =	vadd.f32 v2, v3;
	_ =	sdelay $0x1  }
0xdd: {  	vm0 =	vge.f32 v2, $0.0e+00;
	v3 =	vmul.f32 $2.000000030e-01, v2;
	_ =	sdelay $0x1  }
0xde: {  	v2 =	vsel vm0, v2, v3  }
0xdf: {  	v2 =	vsub.f32 v2, v1;
	_ =	sdelay $0x1  }
0xe0: {  	v2 =	vmul.f32 $1.442695020e+00, v2;
	_ =	sdelay $0x1  }
0xe1: {  	(erf) = vpow2.f32 v2;
	_ =	sdelay $0x1  }
0xe2: {  	v2 =	vld [tilespmem:s22+$0x7830]  }
0xe3: {  	v3 =	vld [tilespmem:s22+$0x5030];
	_ =	sdelay $0x5  }
0xe4: {  	v4 =	vpop (erf)  }
0xe5: {  	[tilespmem:s22+$0xA020] =	vst v4  }
0xe6: {  	v3 =	vld.idx.msk [tilespmem:v3+s2+$0x0], $0xffff  }
0xe7: {  	v2 =	vld.idx.msk [tilespmem:v2+s13+$0x0], $0xffff;
	_ =	sdelay $0x5  }
0xe8: {  	v2 =	vadd.f32 v2, v3;
	_ =	sdelay $0x1  }
0xe9: {  	vm0 =	vge.f32 v2, $0.0e+00;
	v3 =	vmul.f32 $2.000000030e-01, v2;
	_ =	sdelay $0x1  }
0xea: {  	v2 =	vsel vm0, v2, v3  }
0xeb: {  	v2 =	vsub.f32 v2, v1;
	_ =	sdelay $0x1  }
0xec: {  	v2 =	vmul.f32 $1.442695020e+00, v2;
	_ =	sdelay $0x1  }
0xed: {  	(erf) = vpow2.f32 v2;
	_ =	sdelay $0x1  }
0xee: {  	v2 =	vld [tilespmem:s22+$0x7840]  }
0xef: {  	v3 =	vld [tilespmem:s22+$0x5040];
	_ =	sdelay $0x5  }
0xf0: {  	v4 =	vpop (erf)  }
0xf1: {  	[tilespmem:s22+$0xA030] =	vst v4  }
0xf2: {  	v3 =	vld.idx.msk [tilespmem:v3+s2+$0x0], $0xffff  }
0xf3: {  	v2 =	vld.idx.msk [tilespmem:v2+s13+$0x0], $0xffff;
	_ =	sdelay $0x5  }
0xf4: {  	v2 =	vadd.f32 v2, v3;
	_ =	sdelay $0x1  }
0xf5: {  	vm0 =	vge.f32 v2, $0.0e+00;
	v3 =	vmul.f32 $2.000000030e-01, v2;
	_ =	sdelay $0x1  }
0xf6: {  	v2 =	vsel vm0, v2, v3  }
0xf7: {  	v2 =	vsub.f32 v2, v1;
	_ =	sdelay $0x1  }
0xf8: {  	v2 =	vmul.f32 $1.442695020e+00, v2;
	_ =	sdelay $0x1  }
0xf9: {  	(erf) = vpow2.f32 v2;
	_ =	sdelay $0x1  }
0xfa: {  	v2 =	vld [tilespmem:s22+$0x7850]  }
0xfb: {  	v3 =	vld [tilespmem:s22+$0x5050];
	_ =	sdelay $0x5  }
0xfc: {  	v4 =	vpop (erf)  }
0xfd: {  	[tilespmem:s22+$0xA040] =	vst v4  }
0xfe: {  	v3 =	vld.idx.msk [tilespmem:v3+s2+$0x0], $0xffff  }
0xff: {  	v2 =	vld.idx.msk [tilespmem:v2+s13+$0x0], $0xffff;
	_ =	sdelay $0x5  }
0x100: {  	v2 =	vadd.f32 v2, v3;
	_ =	sdelay $0x1  }
0x101: {  	vm0 =	vge.f32 v2, $0.0e+00;
	v3 =	vmul.f32 $2.000000030e-01, v2;
	_ =	sdelay $0x1  }
0x102: {  	v2 =	vsel vm0, v2, v3  }
0x103: {  	v2 =	vsub.f32 v2, v1;
	_ =	sdelay $0x1  }
0x104: {  	v2 =	vmul.f32 $1.442695020e+00, v2;
	_ =	sdelay $0x1  }
0x105: {  	(erf) = vpow2.f32 v2;
	_ =	sdelay $0x1  }
0x106: {  	v2 =	vld [tilespmem:s22+$0x7860]  }
0x107: {  	v3 =	vld [tilespmem:s22+$0x5060];
	_ =	sdelay $0x5  }
0x108: {  	v4 =	vpop (erf)  }
0x109: {  	[tilespmem:s22+$0xA050] =	vst v4  }
0x10a: {  	v3 =	vld.idx.msk [tilespmem:v3+s2+$0x0], $0xffff  }
0x10b: {  	v2 =	vld.idx.msk [tilespmem:v2+s13+$0x0], $0xffff;
	_ =	sdelay $0x5  }
0x10c: {  	v2 =	vadd.f32 v2, v3;
	_ =	sdelay $0x1  }
0x10d: {  	vm0 =	vge.f32 v2, $0.0e+00;
	v3 =	vmul.f32 $2.000000030e-01, v2;
	_ =	sdelay $0x1  }
0x10e: {  	v2 =	vsel vm0, v2, v3  }
0x10f: {  	v2 =	vsub.f32 v2, v1;
	_ =	sdelay $0x1  }
0x110: {  	v2 =	vmul.f32 $1.442695020e+00, v2;
	_ =	sdelay $0x1  }
0x111: {  	(erf) = vpow2.f32 v2;
	_ =	sdelay $0x1  }
0x112: {  	v2 =	vld [tilespmem:s22+$0x7870]  }
0x113: {  	v3 =	vld [tilespmem:s22+$0x5070];
	_ =	sdelay $0x5  }
0x114: {  	v4 =	vpop (erf)  }
0x115: {  	[tilespmem:s22+$0xA060] =	vst v4  }
0x116: {  	v3 =	vld.idx.msk [tilespmem:v3+s2+$0x0], $0xffff  }
0x117: {  	v2 =	vld.idx.msk [tilespmem:v2+s13+$0x0], $0xffff;
	_ =	sdelay $0x5  }
0x118: {  	v2 =	vadd.f32 v2, v3;
	_ =	sdelay $0x1  }
0x119: {  	vm0 =	vge.f32 v2, $0.0e+00;
	v3 =	vmul.f32 $2.000000030e-01, v2;
	_ =	sdelay $0x1  }
0x11a: {  	v2 =	vsel vm0, v2, v3  }
0x11b: {  	v2 =	vsub.f32 v2, v1;
	_ =	sdelay $0x1  }
.Ltmp0:
0x11c: {  	v2 =	vmul.f32 $1.442695020e+00, v2;
	(pc) =	sbr.rel @p1 .LBB2_2-.Ltmp0, $3  }
0x11d: {  	_ = 	snop  }
0x11e: {  	(erf) = vpow2.f32 v2;
	_ =	sdelay $0x1  }
0x11f: {  	s24 =	sadd.s32 $0x7800, s22;
	s25 =	sadd.s32 $0xA000, s22  }
0x120: {  	_ =	sdelay $0x5  }
0x121: {  	v1 =	vpop (erf)  }
0x122: {  	[tilespmem:s22+$0xA070] =	vst v1  }
0x123: {  	[spmem:s1] =	stream.indirect.scatter.add.f32 [tilespmem:s25], [sflag:$0x1], $0x1, s24, s18, $0xb8;
	[tilespmem:$0xCD80] =	vst v63  }
0x124: {  	_ =	swait.ge [sflag:s12], $0x80  }
0x125: {  	[sflag:s12] =	ssyncset.done $0x0  }
0x126: {  	[sflag:s12] =	ssyncadd.s32 $0xFFFFFF80  }
0x127: {  	[hbm4b:s9+s2] =	stream.linear.scatter [tilespmem:s19], [sflag:$0x1], $0x2800, $0x38;
	[tilespmem:$0xCD80] =	vst v63  }
0x128: {  	s21 =	sadd.s32 $0x1, s21;
	_ =	swait.ge [sflag:s12], $0x2800  }
0x129: {  	s23 =	simm.s32 @!p0 $0x20;
	p1 =	sne.s32 s21, s11;
	[sflag:s12] =	ssyncset.done $0x0  }
0x12a: {  	s22 =	simm.s32 @!p0 $0x1;
	s24 =	simm.s32 @!p0 $0x10;
	[sflag:s12] =	ssyncadd.s32 $0xFFFFD800  }
.Ltmp1:
0x12b: {  	s25 =	simm.s32 @!p0 $0x1C01;
	[bflag:$0x0] =	sbarrier.arrive $0xFFFF;
	(pc) =	sbr.rel @p1 .LBB2_1-.Ltmp1, $4  }
0x12c: {  	[hbm:s10@s23], [sflag:s25] =	dma.strided @!p0 [spmem:s20@s24], $0x500, s22, $0x10   }
0x12d: {  	_ =	swait.ge @!p0 [sflag:s22], $0x500  }
0x12e: {  	[sflag:s22] =	ssyncset.done @!p0 $0x0  }
0x12f: {  	[sflag:s22] =	ssyncadd.s32 @!p0 $0xFFFFFB00  }
0x130: {  	_ =	sfence.sel $0x180000  }
0x131: {  	[bflag:$0x0] =	sbarrier.arrive $0xFFFF  }
0x132: {  	_ =	strace $0x9000004D  }
0x133: {  	s0 =	sadd.s32 @!p0 $0x100000, s0;
	[bflag:$0x2] =	sbarrier.arrive $0xFFFF  }
0x134: {  	[sflag:s0] =	ssyncadd.tile.s32 @!p0 $0x1;
	_ =	shalt  }
.Lfunc_end2:
_tile_overlayer_lowered:
.L_overlay_start_2:
0x135: {  	(tag) =	ssettag $0x2  }
0x136: {  	s0 =	rddreg [dreg:$0x0];
	s2 =	stileid.u32  }
0x137: {  	s1 =	rddreg [dreg:$0x1];
	p0 =	sne.s32 s2, $0x0  }
0x138: {  	s3 =	rddreg [dreg:$0x2];
	[bflag:$0x3] =	sbarrier.arrive $0xFFFF;
	s2 =	simm.s32 @!p0 $0x1C01  }
0x139: {  	[timem:s3], [sflag:s2] =	dma.local @!p0 [hbm:s0], s1  }
0x13a: {  	s0 =	simm.s32 @!p0 $0x1  }
0x13b: {  	_ =	swait.ge @!p0 [sflag:s0], s1  }
0x13c: {  	s1 =	ssub.s32 @!p0 $0x0, s1;
	[sflag:s0] =	ssyncset.done @!p0 $0x0  }
0x13d: {  	[sflag:s0] =	ssyncadd.s32 @!p0 s1  }
0x13e: {  	[bflag:$0x3] =	sbarrier.arrive $0xFFFF  }
0x13f: {  	_ =	shalt  }

// kernel: kernel.20.cloned.1.call-start
scs
__scs_entry_jumppad:
0x0: {  	(pc) =	sbr.rel $0x88, $3  }
0x1: {  	(tag) =	ssettag $0x0;
	lr =	simm.s32 $0x1  }
0x2: {  	[smem:$0x3F97] =	sst lr;
	_ =	strace $0xD0000000  }
0x3: {  	_ = 	snop  }
0x4: {  	_ = 	snop  }
0x5: {  	_ = 	snop  }
0x6: {  	_ = 	snop  }
0x7: {  	_ = 	snop  }
__scs_overlays_trampoline_lowered:
0x8: {  	[smem:$0x3FA6] =	sst s0  }
0x9: {  	[smem:$0x3FA7] =	sst s1  }
0xa: {  	[smem:$0x3FA8] =	sst s2  }
0xb: {  	[smem:$0x3FA9] =	sst s3  }
0xc: {  	[smem:$0x3FAA] =	sst s4  }
0xd: {  	[smem:$0x3FAB] =	sst s5  }
0xe: {  	[smem:$0x3FAC] =	sst s6  }
0xf: {  	[smem:$0x3FAD] =	sst s7  }
0x10: {  	[smem:$0x3FAE] =	sst s8  }
0x11: {  	[smem:$0x3FAF] =	sst s9;
	s0 =	simm.s32 @!p0 $0x0  }
0x12: {  	s1 =	sld [smem:$0x3F95];
	s0 =	simm.s32 @p0 $0x1  }
0x13: {  	[smem:$0x3FB0] =	sst s0;
	s0 =	simm.s32 @!p1 $0x0  }
0x14: {  	s2 =	sld [smem:$0x3F94];
	s0 =	simm.s32 @p1 $0x1  }
0x15: {  	[smem:$0x3FB1] =	sst s0;
	s0 =	simm.s32 @!p2 $0x0  }
0x16: {  	s3 =	sld [smem:$0x3FDB];
	s0 =	simm.s32 @p2 $0x1  }
0x17: {  	s4 =	simm.s32 $0x1BF5;
	[smem:$0x3FB3] =	sst s0  }
0x18: {  	s0 =	sld [smem:$0x3F96];
	_ =	swait.ge [sflag:s4], $0x0  }
0x19: {  	s7 =	sld [smem:$0x3F97]  }
0x1a: {  	s8 =	sadd.s32 $0xFFFFE003, lr  }
0x1b: {  	s9 =	sadd.s32 $0xFFFFFEF7, lr;
	s5 =	simm.s32 $0xFFFFFFFF;
	p2 =	slt.u32 s8, $0xFFFFF086  }
0x1c: {  	p1 =	slt.u32 s9, $0xF7A;
	s5 =	simm.s32 @!p2 $0x0  }
0x1d: {  	s5 =	simm.s32 @p1 $0x1;
	p0 =	seq.s32 s7, s2  }
0x1e: {  	s7 =	smul.u32 @!p0 $0xF7A, s2;
	p2 =	seq.s32 @!p0 s5, $0x0  }
0x1f: {  	s9 =	smul.u32 $0xF7A, s1;
	s8 =	simm.s32 @!p0 $0x1BF5;
	p2 =	por !p2, p0  }
0x20: {  	[sflag:s8] =	ssyncset.s32 @!p0 $0xFFFFF086;
	s6 =	sadd.s32 @!p0 s3, s7;
	s7 =	simm.s32 @!p0 $0x108  }
0x21: {  	s3 =	sadd.s32 s3, s9;
	s6 =	sadd.s32 @!p0 $0x88, s6;
	s7 =	simm.s32 @p2 $0x1082  }
0x22: {  	[simem:s7], [sflag:s8] =	dma.local @!p0 [hbm:s6], $0xF7A  }
0x23: {  	s9 =	sor.u32 $0xD0000000, s2;
	s6 =	simm.s32 $0x108;
	_ =	swait.ge @!p0 [sflag:s8], $0x0  }
0x24: {  	s3 =	sadd.s32 $0x88, s3;
	s6 =	simm.s32 @!p1 $0x1082;
	[sflag:s4] =	ssyncset.s32 $0xFFFFF086  }
0x25: {  	[simem:s6], [sflag:s4] =	dma.local [hbm:s3], $0xF7A  }
0x26: {  	[smem:$0x3F97] =	sst s1;
	(tag) =	ssettag s2;
	_ =	strace s9  }
0x27: {  	s1 =	sld [smem:$0x3FA7]  }
0x28: {  	s2 =	sld [smem:$0x3FA8]  }
0x29: {  	s4 =	sld [smem:$0x3FAA]  }
0x2a: {  	p0 =	seq.s32 s5, $0x0;
	s5 =	sld [smem:$0x3FAB]  }
0x2b: {  	s6 =	sld [smem:$0x3FAC]  }
0x2c: {  	s7 =	sld [smem:$0x3FAD]  }
0x2d: {  	s3 =	simm.s32 $0x108;
	s8 =	sld [smem:$0x3FAE]  }
0x2e: {  	s3 =	simm.s32 @!p0 $0x1082;
	s9 =	sld [smem:$0x3FAF]  }
0x2f: {  	lr =	sadd.s32 s0, s3;
	s0 =	sld [smem:$0x3FA6]  }
0x30: {  	s3 =	sld [smem:$0x3FA9]  }
0x31: {  	[smem:$0x3FB2] =	sst s10  }
0x32: {  	s10 =	sld [smem:$0x3FB0];
	_ =	sdelay $0x3  }
0x33: {  	p0 =	seq.s32 s10, $0x1;
	s10 =	sld [smem:$0x3FB2];
	_ =	sdelay $0x3  }
0x34: {  	[smem:$0x3FB2] =	sst s10  }
0x35: {  	s10 =	sld [smem:$0x3FB1];
	_ =	sdelay $0x3  }
0x36: {  	p1 =	seq.s32 s10, $0x1;
	s10 =	sld [smem:$0x3FB2];
	_ =	sdelay $0x3  }
0x37: {  	[smem:$0x3FB2] =	sst s10  }
0x38: {  	s10 =	sld [smem:$0x3FB3]  }
0x39: {  	_ = 	snop;
	(pc) =	sbr.ind lr, $3  }
0x3a: {  	_ = 	snop  }
0x3b: {  	_ = 	snop  }
0x3c: {  	p2 =	seq.s32 s10, $0x1;
	s10 =	sld [smem:$0x3FB2]  }
0x3d: {  	_ =	shalt  }
0x3e: {  	_ =	shalt  }
0x3f: {  	_ =	shalt  }
0x40: {  	_ =	shalt  }
0x41: {  	_ =	shalt  }
0x42: {  	_ =	shalt  }
0x43: {  	_ =	shalt  }
0x44: {  	_ =	shalt  }
0x45: {  	_ =	shalt  }
0x46: {  	_ =	shalt  }
0x47: {  	_ =	shalt  }
0x48: {  	_ =	shalt  }
0x49: {  	_ =	shalt  }
0x4a: {  	_ =	shalt  }
0x4b: {  	_ =	shalt  }
0x4c: {  	_ =	shalt  }
0x4d: {  	_ =	shalt  }
0x4e: {  	_ =	shalt  }
0x4f: {  	_ =	shalt  }
0x50: {  	_ =	shalt  }
0x51: {  	_ =	shalt  }
0x52: {  	_ =	shalt  }
0x53: {  	_ =	shalt  }
0x54: {  	_ =	shalt  }
0x55: {  	_ =	shalt  }
0x56: {  	_ =	shalt  }
0x57: {  	_ =	shalt  }
0x58: {  	_ =	shalt  }
0x59: {  	_ =	shalt  }
0x5a: {  	_ =	shalt  }
0x5b: {  	_ =	shalt  }
0x5c: {  	_ =	shalt  }
0x5d: {  	_ =	shalt  }
0x5e: {  	_ =	shalt  }
0x5f: {  	_ =	shalt  }
0x60: {  	_ =	shalt  }
0x61: {  	_ =	shalt  }
0x62: {  	_ =	shalt  }
0x63: {  	_ =	shalt  }
0x64: {  	_ =	shalt  }
0x65: {  	_ =	shalt  }
0x66: {  	_ =	shalt  }
0x67: {  	_ =	shalt  }
0x68: {  	_ =	shalt  }
0x69: {  	_ =	shalt  }
0x6a: {  	_ =	shalt  }
0x6b: {  	_ =	shalt  }
0x6c: {  	_ =	shalt  }
0x6d: {  	_ =	shalt  }
0x6e: {  	_ =	shalt  }
0x6f: {  	_ =	shalt  }
0x70: {  	_ =	shalt  }
0x71: {  	_ =	shalt  }
0x72: {  	_ =	shalt  }
0x73: {  	_ =	shalt  }
0x74: {  	_ =	shalt  }
0x75: {  	_ =	shalt  }
0x76: {  	_ =	shalt  }
0x77: {  	_ =	shalt  }
0x78: {  	_ =	shalt  }
0x79: {  	_ =	shalt  }
0x7a: {  	_ =	shalt  }
0x7b: {  	_ =	shalt  }
0x7c: {  	_ =	shalt  }
0x7d: {  	_ =	shalt  }
0x7e: {  	_ =	shalt  }
0x7f: {  	_ =	shalt  }
0x80: {  	_ =	shalt  }
0x81: {  	_ =	shalt  }
0x82: {  	_ =	shalt  }
0x83: {  	_ =	shalt  }
0x84: {  	_ =	shalt  }
0x85: {  	_ =	shalt  }
0x86: {  	_ =	shalt  }
0x87: {  	_ =	shalt  }
.Lfunc_end0:
.L_simem_size_0:
called_computation.3_lowered:
.L_overlay_start_0:
0x88: {  	s2 =	sld [smem:$0x3FD9]  }
0x89: {  	s3 =	sld [smem:$0x3FFE];
	_ =	sdelay $0x1  }
0x8a: {  	s1 =	srdreg.scid  }
0x8b: {  	s0 =	sand.u32 $0x1, s1  }
0x8c: {  	s16 =	sshll.u32 s0, $0xA;
	s2 =	sadd.s32 s3, s2  }
0x8d: {  	s2 =	sadd.s32 s2, s16  }
0x8e: {  	[smem:$0x3FBE] =	sst s2  }
0x8f: {  	_ = 	snop  }
0x90: {  	(tm) =	ssettm $0x1  }
0x91: {  	s17 =	sld [smem:$0x3FFB];
	_ =	sdelay $0x3  }
0x92: {  	_ =	strace s17  }
0x93: {  	s2 =	sld [smem:$0x3FFC];
	_ =	sdelay $0x3  }
0x94: {  	_ =	strace s2  }
0x95: {  	s2 =	sld [smem:$0x3FFD];
	_ =	sdelay $0x3  }
0x96: {  	_ =	strace s2  }
0x97: {  	_ =	strace $0x8FFFFFFF  }
0x98: {  	s18 =	sld [smem:$0x3FDB];
	_ =	sdelay $0x1  }
0x99: {  	s19 =	simm.s32 $_scs_section_size  }
0x9a: {  	s4 =	simm.s32 $_size__tile_overlayer_lowered;
	s5 =	simm.s32 $_tile_overlayer_lowered  }
0x9b: {  	s22 =	simm.s32 $0x1BFF;
	s21 =	sshll.u32 s5, $0x1;
	s2 =	sadd.s32 s19, s18  }
0x9c: {  	s6 =	simm.s32 $0x0;
	s20 =	sshll.u32 s4, $0x1;
	s4 =	sadd.s32 s21, s2  }
0x9d: {  	[timem:s6], [sflag:s22] =	dma.local [hbm:s4], s20  }
0x9e: {  	_ =	swait.ge [sflag:s22], s20  }
0x9f: {  	s3 =	ssub.s32 $0x0, s20;
	[sflag:s22] =	ssyncset.done $0x0  }
0xa0: {  	[sflag:s22] =	ssyncadd.s32 s3;
	_ =	sdelay $0x1  }
0xa1: {  	s23 =	simm.s32 $0x1B8B  }
0xa2: {  	_ =	swait.ge [sflag:s23], $0x1  }
0xa3: {  	[sflag:s23] =	ssyncset.done $0x0  }
0xa4: {  	s25 =	simm.s32 $0x1B8E;
	s24 =	sld [smem:$0x3FFE];
	[sflag:s23] =	ssyncadd.s32 $0xFFFFFFFF  }
0xa5: {  	s26 =	simm.s32 $execute0_lowered;
	[smem:$0x3FD2] =	sst s25  }
0xa6: {  	s4 =	sshll.u32 s26, $0x1;
	_ =	strace $0x8000004F;
	[dreg:$0x1] =	wrdreg $0xFFFFFFFF  }
0xa7: {  	s28 =	simm.s32 $_size_execute0_lowered;
	s2 =	sadd.s32 s2, s4;
	[dreg:$0x0] =	wrdreg $0x0  }
0xa8: {  	s4 =	sshll.u32 s28, $0x1;
	[dreg:$0x2] =	wrdreg s2  }
0xa9: {  	[dreg:$0x3] =	wrdreg s4  }
0xaa: {  	[dreg:$0x4] =	wrdreg $0xC0  }
0xab: {  	_ =	task [dreg:s6], $0x5FFFF  }
0xac: {  	[dreg:$0x1] =	wrdreg $0xFFFFFFFF  }
0xad: {  	[dreg:$0x0] =	wrdreg $0x60  }
0xae: {  	[dreg:$0x2] =	wrdreg s24  }
0xaf: {  	[dreg:$0x3] =	wrdreg $0xCA800  }
0xb0: {  	[dreg:$0x4] =	wrdreg $0x9  }
0xb1: {  	_ =	task.clear_ibuf [dreg:s6], $0x5FFFF;
	_ =	strace $0x9000004F  }
0xb2: {  	s29 =	simm.s32 $0x9;
	_ =	strace $0x80000051  }
0xb3: {  	_ =	swait.ge [sflag:s29], $0x1  }
0xb4: {  	[sflag:s29] =	ssyncadd.s32 $0xFFFFFFFF  }
0xb5: {  	_ =	strace $0x90000051  }
0xb6: {  	_ =	sfence  }
0xb7: {  	s30 =	sld [smem:$0x0];
	_ =	sdelay $0x2  }
0xb8: {  	s31 =	sshll.u32 s1, $0xD;
	s1 =	sshrl.u32 s1, $0x2  }
0xb9: {  	s3 =	sand.u32 $0x4000, s31;
	s1 =	sadd.s32 s1, s30  }
0xba: {  	s0 =	sor.u32 s3, s0;
	s1 =	sshll.u32 s1, $0x11  }
0xbb: {  	s0 =	sor.u32 s1, s0  }
0xbc: {  	s0 =	sadd.s32 $0x8F2B, s0  }
0xbd: {  	[sflag:s0] =	ssyncadd.remote.s32 $0x1  }
0xbe: {  	_ =	sfence.sel $0xFFFF  }
0xbf: {  	[dreg:$0x0] =	wrdreg $0xFFFFFFFF;
	(pc) =	sbr.abs _section_cstart, $3  }
0xc0: {  	[dreg:$0x1] =	wrdreg $0xFFFFFFFF  }
0xc1: {  	_ =	task.clear_ibuf [dreg:s6], $0x2FFFF;
	_ =	strace $0x9FFFFFFF  }
0xc2: {  	(tm) =	ssettm $0x7FFFFFFF  }
0xc3: {  	_ =	shalt  }
tec
execute0_lowered:
.L_overlay_start_1:
0x0: {  	(tag) =	ssettag $0x1  }
0x1: {  	s4 =	rddreg [dreg:$0x0]  }
0x2: {  	s0 =	srdreg.scid;
	s1 =	rddreg [dreg:$0x1]  }
0x3: {  	s16 =	stileid.u32;
	s2 =	simm.s32 $0x0;
	s11 =	simm.s32 $0x1  }
0x4: {  	s12 =	simm.s32 $0x2800;
	s13 =	simm.s32 $0x5000;
	s14 =	simm.s32 $0xA000  }
0x5: {  	s15 =	simm.s32 $0xC800;
	s3 =	sand.u32 $0x1, s0;
	s0 =	rddreg [dreg:$0x2]  }
0x6: {  	s18 =	simm.s32 $0x0;
	[smem:$0x7FF] =	sst s2;
	s8 =	smul.u32 $0xA00, s16  }
0x7: {  	p0 =	sne.s32 s16, $0x0;
	s5 =	sshll.u32 s3, $0x4;
	_ =	strace $0x80000050  }
0x8: {  	s7 =	ssub.s32 $0x2, s3;
	s3 =	sadd.s32 $0x15C00, s4;
	s17 =	sshrl.u32 @!p0 s1, $0x3  }
0x9: {  	s6 =	sor.u32 s16, s5;
	s9 =	sadd.s32 s5, s4;
	s30 =	sshrl.u32 s7, $0x1  }
0xa: {  	s31 =	sshrl.u32 s8, $0x2;
	s8 =	sadd.s32 $0x2710, s1;
	s6 =	smul.u32 $0x500, s6  }
0xb: {  	s16 =	simm.s32 $0x80;
	s10 =	ssub.s32 s7, s30;
	s7 =	sadd.s32 s31, s1  }
0xc: {  	s9 =	sadd.s32 $0xE00, s9;
	s10 =	smax.u32 s10, $0x1;
	s6 =	sadd.s32 s6, s4  }
0xd: {  	v0 =	vimm.f32 $0.0e+00;
	s4 =	sadd.s32 $0x1C00, s6;
	s5 =	sadd.s32 $0xBC00, s6;
	s6 =	sadd.s32 $0x16600, s6  }
.LBB2_1:
0xe: {  	[tilespmem:s2], [sflag:$0x1] =	stream.linear.gather [hbm4b:s4+s2], $0x2800, $0x38;
	[tilespmem:$0xCD00] =	vst v63  }
0xf: {  	_ =	swait.ge [sflag:s11], $0x2800  }
0x10: {  	[sflag:s11] =	ssyncset.done $0x0  }
0x11: {  	[sflag:s11] =	ssyncadd.s32 $0xFFFFD800  }
0x12: {  	[tilespmem:s12], [sflag:$0x1] =	stream.linear.gather [hbm4b:s5+s2], $0x2800, $0x38;
	[tilespmem:$0xCD00] =	vst v63  }
0x13: {  	_ =	swait.ge [sflag:s11], $0x2800  }
0x14: {  	[sflag:s11] =	ssyncset.done $0x0  }
0x15: {  	[sflag:s11] =	ssyncadd.s32 $0xFFFFD800  }
0x16: {  	[tilespmem:s13], [sflag:$0x1] =	stream.linear.gather [hbm4b:s6+s2], $0x2800, $0x38;
	[tilespmem:$0xCD00] =	vst v63  }
0x17: {  	_ =	swait.ge [sflag:s11], $0x2800  }
0x18: {  	[sflag:s11] =	ssyncset.done $0x0  }
0x19: {  	[sflag:s11] =	ssyncadd.s32 $0xFFFFD800  }
0x1a: {  	[tilespmem:s14], [sflag:$0x1] =	stream.linear.gather [hbm4b:s3+s2], $0x2800, $0x38;
	[tilespmem:$0xCD00] =	vst v63  }
0x1b: {  	_ =	swait.ge [sflag:s11], $0x2800  }
0x1c: {  	[sflag:s11] =	ssyncset.done $0x0  }
0x1d: {  	[sflag:s11] =	ssyncadd.s32 $0xFFFFD800  }
0x1e: {  	[tilespmem:$0xC800] =	vst v0  }
0x1f: {  	[tilespmem:$0xC810] =	vst v0  }
0x20: {  	[tilespmem:$0xC820] =	vst v0  }
0x21: {  	[tilespmem:$0xC830] =	vst v0  }
0x22: {  	[tilespmem:$0xC840] =	vst v0  }
0x23: {  	[tilespmem:$0xC850] =	vst v0  }
0x24: {  	[tilespmem:$0xC860] =	vst v0  }
0x25: {  	[tilespmem:$0xC870] =	vst v0  }
0x26: {  	[tilespmem:$0xC880] =	vst v0  }
0x27: {  	[tilespmem:$0xC890] =	vst v0  }
0x28: {  	[tilespmem:$0xC8A0] =	vst v0  }
0x29: {  	[tilespmem:$0xC8B0] =	vst v0  }
0x2a: {  	[tilespmem:$0xC8C0] =	vst v0  }
0x2b: {  	[tilespmem:$0xC8D0] =	vst v0  }
0x2c: {  	[tilespmem:$0xC8E0] =	vst v0  }
0x2d: {  	[tilespmem:$0xC8F0] =	vst v0  }
0x2e: {  	[tilespmem:$0xC900] =	vst v0  }
0x2f: {  	[tilespmem:$0xC910] =	vst v0  }
0x30: {  	[tilespmem:$0xC920] =	vst v0  }
0x31: {  	[tilespmem:$0xC930] =	vst v0  }
0x32: {  	[tilespmem:$0xC940] =	vst v0  }
0x33: {  	[tilespmem:$0xC950] =	vst v0  }
0x34: {  	[tilespmem:$0xC960] =	vst v0  }
0x35: {  	[tilespmem:$0xC970] =	vst v0  }
0x36: {  	[tilespmem:$0xC980] =	vst v0  }
0x37: {  	[tilespmem:$0xC990] =	vst v0  }
0x38: {  	[tilespmem:$0xC9A0] =	vst v0  }
0x39: {  	[tilespmem:$0xC9B0] =	vst v0  }
0x3a: {  	[tilespmem:$0xC9C0] =	vst v0  }
0x3b: {  	[tilespmem:$0xC9D0] =	vst v0  }
0x3c: {  	[tilespmem:$0xC9E0] =	vst v0  }
0x3d: {  	[tilespmem:$0xC9F0] =	vst v0  }
0x3e: {  	[tilespmem:$0xCA00] =	vst v0  }
0x3f: {  	[tilespmem:$0xCA10] =	vst v0  }
0x40: {  	[tilespmem:$0xCA20] =	vst v0  }
0x41: {  	[tilespmem:$0xCA30] =	vst v0  }
0x42: {  	[tilespmem:$0xCA40] =	vst v0  }
0x43: {  	[tilespmem:$0xCA50] =	vst v0  }
0x44: {  	[tilespmem:$0xCA60] =	vst v0  }
0x45: {  	[tilespmem:$0xCA70] =	vst v0  }
0x46: {  	[spmem:s7] =	stream.linear.scatter [tilespmem:s15], [sflag:$0x1], $0x280, $0x38;
	[tilespmem:$0xCD00] =	vst v63  }
0x47: {  	_ =	swait.ge [sflag:s11], $0x280  }
0x48: {  	[sflag:s11] =	ssyncset.done $0x0  }
0x49: {  	[sflag:s11] =	ssyncadd.s32 $0xFFFFFD80  }
0x4a: {  	s19 =	simm.s32 $0x0;
	[bflag:$0x0] =	sbarrier.arrive $0xFFFF  }
0x4b: {  	v1 =	vld [tilespmem:s19+$0x2800];
	_ =	sdelay $0x7  }
0x4c: {  	v1 =	vld.idx.msk [tilespmem:v1+s14+$0x0], $0xffff;
	_ =	sdelay $0x4  }
0x4d: {  	v1 =	vadd.f32 $1.000000020e-16, v1;
	_ =	sdelay $0x1  }
0x4e: {  	(erf) = vrcp.f32 v1;
	_ =	sdelay $0x3  }
0x4f: {  	v2 =	vld [tilespmem:s19+$0x5000]  }
0x50: {  	v1 =	vld [tilespmem:s19+$0x2810];
	_ =	sdelay $0x3  }
0x51: {  	v3 =	vpop (erf)  }
0x52: {  	v2 =	vmul.f32 v3, v2;
	_ =	sdelay $0x1  }
0x53: {  	[tilespmem:s19+$0x7800] =	vst v2  }
0x54: {  	v1 =	vld.idx.msk [tilespmem:v1+s14+$0x0], $0xffff;
	_ =	sdelay $0x4  }
0x55: {  	v1 =	vadd.f32 $1.000000020e-16, v1;
	_ =	sdelay $0x1  }
0x56: {  	(erf) = vrcp.f32 v1;
	_ =	sdelay $0x3  }
0x57: {  	v2 =	vld [tilespmem:s19+$0x5010]  }
0x58: {  	v1 =	vld [tilespmem:s19+$0x2820];
	_ =	sdelay $0x3  }
0x59: {  	v3 =	vpop (erf)  }
0x5a: {  	v2 =	vmul.f32 v3, v2;
	_ =	sdelay $0x1  }
0x5b: {  	[tilespmem:s19+$0x7810] =	vst v2  }
0x5c: {  	v1 =	vld.idx.msk [tilespmem:v1+s14+$0x0], $0xffff;
	_ =	sdelay $0x4  }
0x5d: {  	v1 =	vadd.f32 $1.000000020e-16, v1;
	_ =	sdelay $0x1  }
0x5e: {  	(erf) = vrcp.f32 v1;
	_ =	sdelay $0x3  }
0x5f: {  	v2 =	vld [tilespmem:s19+$0x5020]  }
0x60: {  	v1 =	vld [tilespmem:s19+$0x2830];
	_ =	sdelay $0x3  }
0x61: {  	v3 =	vpop (erf)  }
0x62: {  	v2 =	vmul.f32 v3, v2;
	_ =	sdelay $0x1  }
0x63: {  	[tilespmem:s19+$0x7820] =	vst v2  }
0x64: {  	v1 =	vld.idx.msk [tilespmem:v1+s14+$0x0], $0xffff;
	_ =	sdelay $0x4  }
0x65: {  	v1 =	vadd.f32 $1.000000020e-16, v1;
	_ =	sdelay $0x1  }
0x66: {  	(erf) = vrcp.f32 v1;
	_ =	sdelay $0x3  }
0x67: {  	v2 =	vld [tilespmem:s19+$0x5030]  }
0x68: {  	v1 =	vld [tilespmem:s19+$0x2840];
	_ =	sdelay $0x3  }
0x69: {  	v3 =	vpop (erf)  }
0x6a: {  	v2 =	vmul.f32 v3, v2;
	_ =	sdelay $0x1  }
0x6b: {  	[tilespmem:s19+$0x7830] =	vst v2  }
0x6c: {  	v1 =	vld.idx.msk [tilespmem:v1+s14+$0x0], $0xffff;
	_ =	sdelay $0x4  }
0x6d: {  	v1 =	vadd.f32 $1.000000020e-16, v1;
	_ =	sdelay $0x1  }
0x6e: {  	(erf) = vrcp.f32 v1;
	_ =	sdelay $0x3  }
0x6f: {  	v2 =	vld [tilespmem:s19+$0x5040]  }
0x70: {  	v1 =	vld [tilespmem:s19+$0x2850];
	_ =	sdelay $0x3  }
0x71: {  	v3 =	vpop (erf)  }
0x72: {  	v2 =	vmul.f32 v3, v2;
	_ =	sdelay $0x1  }
0x73: {  	[tilespmem:s19+$0x7840] =	vst v2  }
0x74: {  	v1 =	vld.idx.msk [tilespmem:v1+s14+$0x0], $0xffff;
	_ =	sdelay $0x4  }
0x75: {  	v1 =	vadd.f32 $1.000000020e-16, v1;
	_ =	sdelay $0x1  }
0x76: {  	(erf) = vrcp.f32 v1;
	_ =	sdelay $0x3  }
0x77: {  	v2 =	vld [tilespmem:s19+$0x5050]  }
0x78: {  	v1 =	vld [tilespmem:s19+$0x2860];
	_ =	sdelay $0x3  }
0x79: {  	v3 =	vpop (erf)  }
0x7a: {  	v2 =	vmul.f32 v3, v2;
	_ =	sdelay $0x1  }
0x7b: {  	[tilespmem:s19+$0x7850] =	vst v2  }
0x7c: {  	v1 =	vld.idx.msk [tilespmem:v1+s14+$0x0], $0xffff;
	_ =	sdelay $0x4  }
0x7d: {  	v1 =	vadd.f32 $1.000000020e-16, v1;
	_ =	sdelay $0x1  }
0x7e: {  	(erf) = vrcp.f32 v1;
	_ =	sdelay $0x3  }
0x7f: {  	v2 =	vld [tilespmem:s19+$0x5060]  }
0x80: {  	v1 =	vld [tilespmem:s19+$0x2870];
	_ =	sdelay $0x3  }
0x81: {  	v3 =	vpop (erf)  }
0x82: {  	v2 =	vmul.f32 v3, v2;
	_ =	sdelay $0x1  }
0x83: {  	[tilespmem:s19+$0x7860] =	vst v2  }
0x84: {  	v1 =	vld.idx.msk [tilespmem:v1+s14+$0x0], $0xffff;
	_ =	sdelay $0x4  }
0x85: {  	v1 =	vadd.f32 $1.000000020e-16, v1;
	_ =	sdelay $0x1  }
0x86: {  	(erf) = vrcp.f32 v1;
	_ =	sdelay $0x4  }
0x87: {  	v1 =	vld [tilespmem:s19+$0x5070];
	_ =	sdelay $0x3  }
0x88: {  	v2 =	vpop (erf)  }
0x89: {  	v1 =	vmul.f32 v2, v1;
	_ =	sdelay $0x1  }
0x8a: {  	s20 =	simm.s32 $0x7800;
	[tilespmem:s19+$0x7870] =	vst v1  }
0x8b: {  	[spmem:s1] =	stream.indirect.scatter.add.f32 [tilespmem:s20], [sflag:$0x1], $0x1, s19, s16, $0xb8;
	[tilespmem:$0xCD00] =	vst v63  }
0x8c: {  	_ =	swait.ge [sflag:s11], $0x80  }
0x8d: {  	s22 =	simm.s32 $0x400;
	s19 =	simm.s32 $0x200;
	[sflag:s11] =	ssyncset.done $0x0  }
.LBB2_2:
0x8e: {  	s21 =	sshra.s32 s19, $0x2  }
0x8f: {  	[sflag:s11] =	ssyncadd.s32 $0xFFFFFF80;
	s19 =	smov.u32 s22;
	s20 =	sadd.s32 $0x200, s22  }
0x90: {  	p1 =	sne.s32 s22, $0x9E00;
	v1 =	vld [tilespmem:s21+$0x2800];
	_ =	sdelay $0x7  }
0x91: {  	v1 =	vld.idx.msk [tilespmem:v1+s14+$0x0], $0xffff;
	_ =	sdelay $0x5  }
0x92: {  	v1 =	vadd.f32 $1.000000020e-16, v1;
	_ =	sdelay $0x1  }
0x93: {  	(erf) = vrcp.f32 v1;
	_ =	sdelay $0x3  }
0x94: {  	v1 =	vld [tilespmem:s21+$0x2810]  }
0x95: {  	v2 =	vld [tilespmem:s21+$0x5000];
	_ =	sdelay $0x3  }
0x96: {  	v3 =	vpop (erf)  }
0x97: {  	v2 =	vmul.f32 v3, v2;
	_ =	sdelay $0x1  }
0x98: {  	[tilespmem:s21+$0x7800] =	vst v2  }
0x99: {  	v1 =	vld.idx.msk [tilespmem:v1+s14+$0x0], $0xffff;
	_ =	sdelay $0x5  }
0x9a: {  	v1 =	vadd.f32 $1.000000020e-16, v1;
	_ =	sdelay $0x1  }
0x9b: {  	(erf) = vrcp.f32 v1;
	_ =	sdelay $0x3  }
0x9c: {  	v1 =	vld [tilespmem:s21+$0x2820]  }
0x9d: {  	v2 =	vld [tilespmem:s21+$0x5010];
	_ =	sdelay $0x3  }
0x9e: {  	v3 =	vpop (erf)  }
0x9f: {  	v2 =	vmul.f32 v3, v2;
	_ =	sdelay $0x1  }
0xa0: {  	[tilespmem:s21+$0x7810] =	vst v2  }
0xa1: {  	v1 =	vld.idx.msk [tilespmem:v1+s14+$0x0], $0xffff;
	_ =	sdelay $0x5  }
0xa2: {  	v1 =	vadd.f32 $1.000000020e-16, v1;
	_ =	sdelay $0x1  }
0xa3: {  	(erf) = vrcp.f32 v1;
	_ =	sdelay $0x3  }
0xa4: {  	v1 =	vld [tilespmem:s21+$0x2830]  }
0xa5: {  	v2 =	vld [tilespmem:s21+$0x5020];
	_ =	sdelay $0x3  }
0xa6: {  	v3 =	vpop (erf)  }
0xa7: {  	v2 =	vmul.f32 v3, v2;
	_ =	sdelay $0x1  }
0xa8: {  	[tilespmem:s21+$0x7820] =	vst v2  }
0xa9: {  	v1 =	vld.idx.msk [tilespmem:v1+s14+$0x0], $0xffff;
	_ =	sdelay $0x5  }
0xaa: {  	v1 =	vadd.f32 $1.000000020e-16, v1;
	_ =	sdelay $0x1  }
0xab: {  	(erf) = vrcp.f32 v1;
	_ =	sdelay $0x3  }
0xac: {  	v1 =	vld [tilespmem:s21+$0x2840]  }
0xad: {  	v2 =	vld [tilespmem:s21+$0x5030];
	_ =	sdelay $0x3  }
0xae: {  	v3 =	vpop (erf)  }
0xaf: {  	v2 =	vmul.f32 v3, v2;
	_ =	sdelay $0x1  }
0xb0: {  	[tilespmem:s21+$0x7830] =	vst v2  }
0xb1: {  	v1 =	vld.idx.msk [tilespmem:v1+s14+$0x0], $0xffff;
	_ =	sdelay $0x5  }
0xb2: {  	v1 =	vadd.f32 $1.000000020e-16, v1;
	_ =	sdelay $0x1  }
0xb3: {  	(erf) = vrcp.f32 v1;
	_ =	sdelay $0x3  }
0xb4: {  	v1 =	vld [tilespmem:s21+$0x2850]  }
0xb5: {  	v2 =	vld [tilespmem:s21+$0x5040];
	_ =	sdelay $0x3  }
0xb6: {  	v3 =	vpop (erf)  }
0xb7: {  	v2 =	vmul.f32 v3, v2;
	_ =	sdelay $0x1  }
0xb8: {  	[tilespmem:s21+$0x7840] =	vst v2  }
0xb9: {  	v1 =	vld.idx.msk [tilespmem:v1+s14+$0x0], $0xffff;
	_ =	sdelay $0x5  }
0xba: {  	v1 =	vadd.f32 $1.000000020e-16, v1;
	_ =	sdelay $0x1  }
0xbb: {  	(erf) = vrcp.f32 v1;
	_ =	sdelay $0x3  }
0xbc: {  	v1 =	vld [tilespmem:s21+$0x2860]  }
0xbd: {  	v2 =	vld [tilespmem:s21+$0x5050];
	_ =	sdelay $0x3  }
0xbe: {  	v3 =	vpop (erf)  }
0xbf: {  	v2 =	vmul.f32 v3, v2;
	_ =	sdelay $0x1  }
0xc0: {  	[tilespmem:s21+$0x7850] =	vst v2  }
0xc1: {  	v1 =	vld.idx.msk [tilespmem:v1+s14+$0x0], $0xffff;
	_ =	sdelay $0x5  }
0xc2: {  	v1 =	vadd.f32 $1.000000020e-16, v1;
	_ =	sdelay $0x1  }
0xc3: {  	(erf) = vrcp.f32 v1;
	_ =	sdelay $0x3  }
0xc4: {  	v1 =	vld [tilespmem:s21+$0x2870]  }
0xc5: {  	v2 =	vld [tilespmem:s21+$0x5060];
	_ =	sdelay $0x3  }
0xc6: {  	v3 =	vpop (erf)  }
0xc7: {  	v2 =	vmul.f32 v3, v2;
	_ =	sdelay $0x1  }
0xc8: {  	[tilespmem:s21+$0x7860] =	vst v2  }
0xc9: {  	v1 =	vld.idx.msk [tilespmem:v1+s14+$0x0], $0xffff;
	_ =	sdelay $0x5  }
0xca: {  	v1 =	vadd.f32 $1.000000020e-16, v1;
	_ =	sdelay $0x1  }
0xcb: {  	(erf) = vrcp.f32 v1;
	_ =	sdelay $0x4  }
0xcc: {  	v1 =	vld [tilespmem:s21+$0x5070];
	_ =	sdelay $0x3  }
0xcd: {  	v2 =	vpop (erf)  }
0xce: {  	v1 =	vmul.f32 v2, v1  }
.Ltmp0:
0xcf: {  	(pc) =	sbr.rel @p1 .LBB2_2-.Ltmp0, $4  }
0xd0: {  	s22 =	sadd.s32 $0x7800, s21;
	[tilespmem:s21+$0x7870] =	vst v1  }
0xd1: {  	[spmem:s1] =	stream.indirect.scatter.add.f32 [tilespmem:s22], [sflag:$0x1], $0x1, s21, s16, $0xb8;
	[tilespmem:$0xCD00] =	vst v63  }
0xd2: {  	_ =	swait.ge [sflag:s11], $0x80  }
0xd3: {  	s22 =	smov.u32 s20;
	[sflag:s11] =	ssyncset.done $0x0  }
0xd4: {  	s19 =	sshra.s32 s19, $0x2;
	[sflag:s11] =	ssyncadd.s32 $0xFFFFFF80  }
0xd5: {  	v1 =	vld [tilespmem:s19+$0x2800];
	_ =	sdelay $0x7  }
0xd6: {  	v1 =	vld.idx.msk [tilespmem:v1+s14+$0x0], $0xffff;
	_ =	sdelay $0x4  }
0xd7: {  	v1 =	vadd.f32 $1.000000020e-16, v1;
	_ =	sdelay $0x1  }
0xd8: {  	(erf) = vrcp.f32 v1;
	_ =	sdelay $0x3  }
0xd9: {  	v2 =	vld [tilespmem:s19+$0x5000]  }
0xda: {  	v1 =	vld [tilespmem:s19+$0x2810];
	_ =	sdelay $0x3  }
0xdb: {  	v3 =	vpop (erf)  }
0xdc: {  	v2 =	vmul.f32 v3, v2;
	_ =	sdelay $0x1  }
0xdd: {  	[tilespmem:s19+$0x7800] =	vst v2  }
0xde: {  	v1 =	vld.idx.msk [tilespmem:v1+s14+$0x0], $0xffff;
	_ =	sdelay $0x4  }
0xdf: {  	v1 =	vadd.f32 $1.000000020e-16, v1;
	_ =	sdelay $0x1  }
0xe0: {  	(erf) = vrcp.f32 v1;
	_ =	sdelay $0x3  }
0xe1: {  	v2 =	vld [tilespmem:s19+$0x5010]  }
0xe2: {  	v1 =	vld [tilespmem:s19+$0x2820];
	_ =	sdelay $0x3  }
0xe3: {  	v3 =	vpop (erf)  }
0xe4: {  	v2 =	vmul.f32 v3, v2;
	_ =	sdelay $0x1  }
0xe5: {  	[tilespmem:s19+$0x7810] =	vst v2  }
0xe6: {  	v1 =	vld.idx.msk [tilespmem:v1+s14+$0x0], $0xffff;
	_ =	sdelay $0x4  }
0xe7: {  	v1 =	vadd.f32 $1.000000020e-16, v1;
	_ =	sdelay $0x1  }
0xe8: {  	(erf) = vrcp.f32 v1;
	_ =	sdelay $0x3  }
0xe9: {  	v2 =	vld [tilespmem:s19+$0x5020]  }
0xea: {  	v1 =	vld [tilespmem:s19+$0x2830];
	_ =	sdelay $0x3  }
0xeb: {  	v3 =	vpop (erf)  }
0xec: {  	v2 =	vmul.f32 v3, v2;
	_ =	sdelay $0x1  }
0xed: {  	[tilespmem:s19+$0x7820] =	vst v2  }
0xee: {  	v1 =	vld.idx.msk [tilespmem:v1+s14+$0x0], $0xffff;
	_ =	sdelay $0x4  }
0xef: {  	v1 =	vadd.f32 $1.000000020e-16, v1;
	_ =	sdelay $0x1  }
0xf0: {  	(erf) = vrcp.f32 v1;
	_ =	sdelay $0x3  }
0xf1: {  	v2 =	vld [tilespmem:s19+$0x5030]  }
0xf2: {  	v1 =	vld [tilespmem:s19+$0x2840];
	_ =	sdelay $0x3  }
0xf3: {  	v3 =	vpop (erf)  }
0xf4: {  	v2 =	vmul.f32 v3, v2;
	_ =	sdelay $0x1  }
0xf5: {  	[tilespmem:s19+$0x7830] =	vst v2  }
0xf6: {  	v1 =	vld.idx.msk [tilespmem:v1+s14+$0x0], $0xffff;
	_ =	sdelay $0x4  }
0xf7: {  	v1 =	vadd.f32 $1.000000020e-16, v1;
	_ =	sdelay $0x1  }
0xf8: {  	(erf) = vrcp.f32 v1;
	_ =	sdelay $0x3  }
0xf9: {  	v2 =	vld [tilespmem:s19+$0x5040]  }
0xfa: {  	v1 =	vld [tilespmem:s19+$0x2850];
	_ =	sdelay $0x3  }
0xfb: {  	v3 =	vpop (erf)  }
0xfc: {  	v2 =	vmul.f32 v3, v2;
	_ =	sdelay $0x1  }
0xfd: {  	[tilespmem:s19+$0x7840] =	vst v2  }
0xfe: {  	v1 =	vld.idx.msk [tilespmem:v1+s14+$0x0], $0xffff;
	_ =	sdelay $0x4  }
0xff: {  	v1 =	vadd.f32 $1.000000020e-16, v1;
	_ =	sdelay $0x1  }
0x100: {  	(erf) = vrcp.f32 v1;
	_ =	sdelay $0x3  }
0x101: {  	v2 =	vld [tilespmem:s19+$0x5050]  }
0x102: {  	v1 =	vld [tilespmem:s19+$0x2860];
	_ =	sdelay $0x3  }
0x103: {  	v3 =	vpop (erf)  }
0x104: {  	v2 =	vmul.f32 v3, v2;
	_ =	sdelay $0x1  }
0x105: {  	[tilespmem:s19+$0x7850] =	vst v2  }
0x106: {  	v1 =	vld.idx.msk [tilespmem:v1+s14+$0x0], $0xffff;
	_ =	sdelay $0x4  }
0x107: {  	v1 =	vadd.f32 $1.000000020e-16, v1;
	_ =	sdelay $0x1  }
0x108: {  	(erf) = vrcp.f32 v1;
	_ =	sdelay $0x3  }
0x109: {  	v2 =	vld [tilespmem:s19+$0x5060]  }
0x10a: {  	v1 =	vld [tilespmem:s19+$0x2870];
	_ =	sdelay $0x3  }
0x10b: {  	v3 =	vpop (erf)  }
0x10c: {  	v2 =	vmul.f32 v3, v2;
	_ =	sdelay $0x1  }
0x10d: {  	[tilespmem:s19+$0x7860] =	vst v2  }
0x10e: {  	v1 =	vld.idx.msk [tilespmem:v1+s14+$0x0], $0xffff;
	_ =	sdelay $0x4  }
0x10f: {  	v1 =	vadd.f32 $1.000000020e-16, v1;
	_ =	sdelay $0x1  }
0x110: {  	(erf) = vrcp.f32 v1;
	_ =	sdelay $0x4  }
0x111: {  	v1 =	vld [tilespmem:s19+$0x5070];
	_ =	sdelay $0x3  }
0x112: {  	v2 =	vpop (erf)  }
0x113: {  	v1 =	vmul.f32 v2, v1;
	_ =	sdelay $0x1  }
0x114: {  	s20 =	sadd.s32 $0x7800, s19;
	[tilespmem:s19+$0x7870] =	vst v1  }
0x115: {  	[spmem:s1] =	stream.indirect.scatter.add.f32 [tilespmem:s20], [sflag:$0x1], $0x1, s19, s16, $0xb8;
	[tilespmem:$0xCD00] =	vst v63  }
0x116: {  	_ =	swait.ge [sflag:s11], $0x80  }
0x117: {  	[sflag:s11] =	ssyncset.done $0x0  }
0x118: {  	[sflag:s11] =	ssyncadd.s32 $0xFFFFFF80  }
0x119: {  	s19 =	simm.s32 @!p0 $0xC800;
	[bflag:$0x0] =	sbarrier.arrive $0xFFFF  }
0x11a: {  	[spmem:s8] =	stream.linear.scatter @!p0 [tilespmem:s19], [sflag:$0x1], $0xF0, $0x38;
	[tilespmem:$0xCD00] =	vst v63  }
0x11b: {  	s19 =	simm.s32 @!p0 $0x1  }
0x11c: {  	s21 =	simm.s32 @!p0 $0x10;
	s18 =	sadd.s32 $0x1, s18;
	_ =	swait.ge @!p0 [sflag:s19], $0xF0  }
0x11d: {  	s22 =	simm.s32 @!p0 $0x1C01;
	p1 =	sne.s32 s18, s10;
	[sflag:s19] =	ssyncset.done @!p0 $0x0  }
.Ltmp1:
0x11e: {  	s20 =	simm.s32 @!p0 $0x20;
	[sflag:s19] =	ssyncadd.s32 @!p0 $0xFFFFFF10;
	(pc) =	sbr.rel @p1 .LBB2_1-.Ltmp1, $4  }
0x11f: {  	[hbm:s9@s20], [sflag:s22] =	dma.strided @!p0 [spmem:s17@s21], $0x500, s19, $0x10   }
0x120: {  	_ =	swait.ge @!p0 [sflag:s19], $0x500  }
0x121: {  	[sflag:s19] =	ssyncset.done @!p0 $0x0  }
0x122: {  	[sflag:s19] =	ssyncadd.s32 @!p0 $0xFFFFFB00  }
0x123: {  	_ =	sfence.sel $0x180000  }
0x124: {  	[bflag:$0x0] =	sbarrier.arrive $0xFFFF  }
0x125: {  	_ =	strace $0x90000050  }
0x126: {  	s0 =	sadd.s32 @!p0 $0x100000, s0;
	[bflag:$0x2] =	sbarrier.arrive $0xFFFF  }
0x127: {  	[sflag:s0] =	ssyncadd.tile.s32 @!p0 $0x1;
	_ =	shalt  }
.Lfunc_end2:
_tile_overlayer_lowered:
.L_overlay_start_2:
0x128: {  	(tag) =	ssettag $0x2  }
0x129: {  	s0 =	rddreg [dreg:$0x0];
	s2 =	stileid.u32  }
0x12a: {  	s1 =	rddreg [dreg:$0x1];
	p0 =	sne.s32 s2, $0x0  }
0x12b: {  	s3 =	rddreg [dreg:$0x2];
	[bflag:$0x3] =	sbarrier.arrive $0xFFFF;
	s2 =	simm.s32 @!p0 $0x1C01  }
0x12c: {  	[timem:s3], [sflag:s2] =	dma.local @!p0 [hbm:s0], s1  }
0x12d: {  	s0 =	simm.s32 @!p0 $0x1  }
0x12e: {  	_ =	swait.ge @!p0 [sflag:s0], s1  }
0x12f: {  	s1 =	ssub.s32 @!p0 $0x0, s1;
	[sflag:s0] =	ssyncset.done @!p0 $0x0  }
0x130: {  	[sflag:s0] =	ssyncadd.s32 @!p0 s1  }
0x131: {  	[bflag:$0x3] =	sbarrier.arrive $0xFFFF  }
0x132: {  	_ =	shalt  }

</sc_bundles>
